<compile_context>
chip_gen: v7x
topology: tpu7x:2x2x1
jax: 0.10.2.dev20260603
libtpu: 0.0.44.dev20260713+nightly
codegen_flags: <defaults>
</compile_context>

<pallas_src>
import functools

import jax
import jax.numpy as jnp
from jax import lax
from jax.experimental import pallas as pl
from jax.experimental.pallas import tpu as pltpu
from jax.experimental.pallas import tpu_sc as plsc

N = 10000
E = 320000
D = 128
H = D // 2
NREL = 460
RRELU_SLOPE = (1.0 / 8.0 + 1.0 / 3.0) / 2.0

NP = 10240
NC = 2
NS = 16
NW = NC * NS
EW = E // NW
B = 80
CHUNKS = EW // B
RPT = NP // NS
ZR = 128
NRP = 464


def _fill_f32_1d(ref, nwords, value):
    v = jnp.full((16,), value, jnp.float32)

    def body(i, _):
        ref[pl.ds(i * 16, 16)] = v
        return 0

    lax.fori_loop(0, nwords // 16, body, 0)


def _fill_f32_2d(ref, nrows, ncols, value):
    v = jnp.full((16,), value, jnp.float32)

    def body(i, _):
        for k in range(ncols // 16):
            ref[i, pl.ds(k * 16, 16)] = v
        return 0

    lax.fori_loop(0, nrows, body, 0)


@functools.partial(
    pl.kernel,
    out_type=(
        jax.ShapeDtypeStruct((2 * NP, H), jnp.float32),
        jax.ShapeDtypeStruct((2 * NP, H), jnp.float32),
        jax.ShapeDtypeStruct((2, NP), jnp.float32),
    ),
    mesh=plsc.VectorSubcoreMesh(core_axis_name="c", subcore_axis_name="s"),
    scratch_types=[
        pltpu.VMEM((CHUNKS, B), jnp.int32),
        pltpu.VMEM((CHUNKS, B), jnp.int32),
        pltpu.VMEM((CHUNKS, B), jnp.int32),
        pltpu.VMEM((B, H), jnp.float32),
        pltpu.VMEM((B, H), jnp.float32),
        pltpu.VMEM((B, H), jnp.float32),
        pltpu.VMEM((B, H), jnp.float32),
        pltpu.VMEM_SHARED((NRP, H), jnp.float32),
        pltpu.VMEM((B,), jnp.float32),
        pltpu.VMEM((ZR, H), jnp.float32),
        pltpu.VMEM((NP,), jnp.float32),
        pltpu.VMEM_SHARED((NP, H), jnp.float32),
        pltpu.VMEM_SHARED((NP,), jnp.float32),
        pltpu.SemaphoreType.DMA,
        pltpu.SemaphoreType.DMA,
        pltpu.SemaphoreType.DMA,
        pltpu.SemaphoreType.DMA,
        pltpu.SemaphoreType.DMA,
        pltpu.SemaphoreType.DMA,
        pltpu.SemaphoreType.DMA,
        pltpu.SemaphoreType.DMA,
        pltpu.SemaphoreType.DMA,
    ],
    compiler_params=pltpu.CompilerParams(use_tc_tiling_on_sc=False),
)
def _edge_agg(hw_hbm, rwa_hbm, rwb_hbm, srca_hbm, srcb_hbm, et_hbm, dst_hbm,
              agg_a_out, agg_b_out, deg_out,
              src_v, dst_v, et_v, rows0, rows1, rwb0, rwb1, rwloc, ones, stg,
              dstg, agg_sh, deg_sh, sh0, sh1, sh2, sh3, ss0, ss1, ss2, ss3,
              sd):
    cid = lax.axis_index("c")
    sid = lax.axis_index("s")
    wid = sid * NC + cid
    base = sid * RPT

    _fill_f32_1d(ones, B, 1.0)
    pltpu.sync_copy(dst_hbm.at[wid], dst_v)
    pltpu.sync_copy(et_hbm.at[wid], et_v)

    @pl.when(sid == 0)
    def _():
        _fill_f32_1d(dstg, NP, 0.0)
        pltpu.sync_copy(dstg, deg_sh)

    def one_pass(src_hbm, rw_hbm, agg_out, with_deg):
        _fill_f32_2d(stg, ZR, H, 0.0)
        for k in range(RPT // ZR):
            pltpu.sync_copy(stg, agg_sh.at[pl.ds(base + k * ZR, ZR)])
        pltpu.sync_copy(src_hbm.at[wid], src_v)

        @pl.when(sid == 0)
        def _():
            pltpu.sync_copy(rw_hbm, rwloc)

        plsc.subcore_barrier()

        bufs = ((rows0, rwb0, sh0, sh2, ss0, ss2),
                (rows1, rwb1, sh1, sh3, ss1, ss3))

        def start(j, buf):
            rows, rwb, sh, sh_r, s_h, s_r = buf

            @pl.when(j >= 2)
            def _():
                pltpu.make_async_copy(
                    rows, agg_sh.at[dst_v.at[j - 2]], s_h).wait()
                pltpu.make_async_copy(
                    rwb, agg_sh.at[dst_v.at[j - 2]], s_r).wait()

            pltpu.async_copy(hw_hbm.at[src_v.at[j]], rows, sh)
            pltpu.async_copy(rwloc.at[et_v.at[j]], rwb, sh_r)

        def finish(j, buf):
            rows, rwb, sh, sh_r, s_h, s_r = buf
            pltpu.make_async_copy(hw_hbm.at[src_v.at[j]], rows, sh).wait()
            pltpu.make_async_copy(rwloc.at[et_v.at[j]], rwb, sh_r).wait()
            pltpu.async_copy(rows, agg_sh.at[dst_v.at[j]], add=True, sem=s_h)
            pltpu.async_copy(rwb, agg_sh.at[dst_v.at[j]], add=True, sem=s_r)
            if with_deg:
                @pl.when(j >= 1)
                def _():
                    pltpu.make_async_copy(
                        ones, deg_sh.at[dst_v.at[j - 1]], sd).wait()

                pltpu.async_copy(ones, deg_sh.at[dst_v.at[j]], add=True,
                                 sem=sd)

        start(0, bufs[0])

        def body(i, _):
            j0 = 2 * i
            for (j, buf, nbuf) in ((j0, bufs[0], bufs[1]),
                                   (j0 + 1, bufs[1], bufs[0])):
                @pl.when(j + 1 < CHUNKS)
                def _(j=j, nbuf=nbuf):
                    start(j + 1, nbuf)

                @pl.when(j < CHUNKS)
                def _(j=j, buf=buf):
                    finish(j, buf)
            return 0

        lax.fori_loop(0, (CHUNKS + 1) // 2, body, 0)

        for (j, buf) in ((CHUNKS - 2, bufs[(CHUNKS - 2) % 2]),
                         (CHUNKS - 1, bufs[(CHUNKS - 1) % 2])):
            rows, rwb, sh, sh_r, s_h, s_r = buf
            pltpu.make_async_copy(rows, agg_sh.at[dst_v.at[j]], s_h).wait()
            pltpu.make_async_copy(rwb, agg_sh.at[dst_v.at[j]], s_r).wait()
        if with_deg:
            pltpu.make_async_copy(
                ones, deg_sh.at[dst_v.at[CHUNKS - 1]], sd).wait()
        plsc.subcore_barrier()

        for k in range(RPT // ZR):
            r0 = base + k * ZR
            pltpu.sync_copy(agg_sh.at[pl.ds(r0, ZR)], stg)
            pltpu.sync_copy(stg, agg_out.at[pl.ds(cid * NP + r0, ZR)])
        plsc.subcore_barrier()

    one_pass(srca_hbm, rwa_hbm, agg_a_out, True)
    one_pass(srcb_hbm, rwb_hbm, agg_b_out, False)

    @pl.when(sid == 0)
    def _():
        pltpu.sync_copy(deg_sh, dstg)
        pltpu.sync_copy(dstg, deg_out.at[cid])


def _mm2_kernel(x_ref, wa_ref, wb_ref, oa_ref, ob_ref):
    x = x_ref[...]
    oa_ref[...] = jnp.dot(x, wa_ref[...], preferred_element_type=jnp.float32)
    ob_ref[...] = jnp.dot(x, wb_ref[...], preferred_element_type=jnp.float32)


def _mm2(x, wa, wb, br):
    n = x.shape[0]
    grid = n // br
    return pl.pallas_call(
        _mm2_kernel,
        grid=(grid,),
        in_specs=[
            pl.BlockSpec((br, D), lambda i: (i, 0)),
            pl.BlockSpec((D, D), lambda i: (0, 0)),
            pl.BlockSpec((D, D), lambda i: (0, 0)),
        ],
        out_specs=[
            pl.BlockSpec((br, D), lambda i: (i, 0)),
            pl.BlockSpec((br, D), lambda i: (i, 0)),
        ],
        out_shape=[
            jax.ShapeDtypeStruct((n, D), jnp.float32),
            jax.ShapeDtypeStruct((n, D), jnp.float32),
        ],
    )(x, wa, wb)


def _rrelu(x):
    return jnp.where(x >= 0, x, RRELU_SLOPE * x)


def _agg_specs(br, nblk):
    half = pl.BlockSpec((br, H), lambda i: (i, 0))
    halfp = pl.BlockSpec((br, H), lambda i, n=nblk: (i + n, 0))
    one = pl.BlockSpec((br, 1), lambda i: (i, 0))
    onep = pl.BlockSpec((br, 1), lambda i, n=nblk: (i + n, 0))
    return [half, halfp, half, halfp, one, onep]


def _halves(p0a_ref, p1a_ref, p0b_ref, p1b_ref, d0_ref, d1_ref, hla_ref,
            hlb_ref):
    norm = 1.0 / jnp.maximum(d0_ref[...] + d1_ref[...], 1.0)
    ha = _rrelu((p0a_ref[...] + p1a_ref[...]) * norm + hla_ref[...])
    hb = _rrelu((p0b_ref[...] + p1b_ref[...]) * norm + hlb_ref[...])
    return ha, hb


def _combine_mm_kernel(p0a_ref, p1a_ref, p0b_ref, p1b_ref, d0_ref, d1_ref,
                       hla_ref, hlb_ref, wa_ref, wb_ref, oa_ref, ob_ref):
    ha, hb = _halves(p0a_ref, p1a_ref, p0b_ref, p1b_ref, d0_ref, d1_ref,
                     hla_ref, hlb_ref)
    wa = wa_ref[...]
    wb = wb_ref[...]
    oa_ref[...] = (jnp.dot(ha, wa[:H], preferred_element_type=jnp.float32)
                   + jnp.dot(hb, wa[H:], preferred_element_type=jnp.float32))
    ob_ref[...] = (jnp.dot(ha, wb[:H], preferred_element_type=jnp.float32)
                   + jnp.dot(hb, wb[H:], preferred_element_type=jnp.float32))


def _combine_mm(agg_a, agg_b, deg2, hla, hlb, wa, wb, br):
    grid = NP // br
    row = pl.BlockSpec((br, D), lambda i: (i, 0))
    half = pl.BlockSpec((br, H), lambda i: (i, 0))
    wspec = pl.BlockSpec((D, D), lambda i: (0, 0))
    return pl.pallas_call(
        _combine_mm_kernel,
        grid=(grid,),
        in_specs=_agg_specs(br, grid) + [half, half, wspec, wspec],
        out_specs=[row, row],
        out_shape=[
            jax.ShapeDtypeStruct((NP, D), jnp.float32),
            jax.ShapeDtypeStruct((NP, D), jnp.float32),
        ],
    )(agg_a, agg_a, agg_b, agg_b, deg2, deg2, hla, hlb, wa, wb)


def _combine_final_kernel(p0a_ref, p1a_ref, p0b_ref, p1b_ref, d0_ref, d1_ref,
                          hla_ref, hlb_ref, oa_ref, ob_ref):
    ha, hb = _halves(p0a_ref, p1a_ref, p0b_ref, p1b_ref, d0_ref, d1_ref,
                     hla_ref, hlb_ref)
    oa_ref[...] = ha
    ob_ref[...] = hb


def _combine_final(agg_a, agg_b, deg2, hla, hlb, br):
    grid = NP // br
    half = pl.BlockSpec((br, H), lambda i: (i, 0))
    return pl.pallas_call(
        _combine_final_kernel,
        grid=(grid,),
        in_specs=_agg_specs(br, grid) + [half, half],
        out_specs=[half, half],
        out_shape=[
            jax.ShapeDtypeStruct((NP, H), jnp.float32),
            jax.ShapeDtypeStruct((NP, H), jnp.float32),
        ],
    )(agg_a, agg_a, agg_b, agg_b, deg2, deg2, hla, hlb)


def kernel(emb_ent, emb_rel, Wn0, Wl0, Wn1, Wl1, edge_index, edge_type):
    src = edge_index[0]
    dst = edge_index[1].reshape(NW, CHUNKS, B)
    et = edge_type.reshape(NW, CHUNKS, B)
    srca = (src * 2).reshape(NW, CHUNKS, B)
    srcb = (src * 2 + 1).reshape(NW, CHUNKS, B)

    emb_p = jnp.pad(emb_ent, ((0, NP - N), (0, 0)))
    hw0, hl0 = _mm2(emb_p, Wn0, Wl0, br=1280)
    rel_p = jnp.pad(emb_rel, ((0, NRP - NREL), (0, 0)))
    rw0, rw1 = _mm2(rel_p, Wn0, Wn1, br=NRP)

    agg0a, agg0b, deg = _edge_agg(hw0.reshape(2 * NP, H),
                                  rw0[:, :H], rw0[:, H:],
                                  srca, srcb, et, dst)
    deg2 = deg.reshape(2 * NP, 1)

    hla0, hlb0 = hl0[:, :H], hl0[:, H:]
    hw1, hl1 = _combine_mm(agg0a, agg0b, deg2, hla0, hlb0, Wn1, Wl1, br=1280)

    agg1a, agg1b, _ = _edge_agg(hw1.reshape(2 * NP, H),
                                rw1[:, :H], rw1[:, H:],
                                srca, srcb, et, dst)

    ha, hb = _combine_final(agg1a, agg1b, deg2, hl1[:, :H], hl1[:, H:],
                            br=1280)
    return jnp.concatenate([ha[:N], hb[:N]], axis=1)

# --- scband reference (transcript-rebuilt; emitter-appended) ---
"""Pipeline reference for scband-recurrent-rgcn-19696720020162 (READ-ONLY COPY).

The authoritative reference and input builder live on the scoring server;
editing this copy changes nothing except your own understanding.
"""

import jax, jax.numpy as jnp
import numpy as np

N = 10000
E = 320000
D = 128
NREL = 460  # num_rels * 2
RRELU_SLOPE = (1.0/8.0 + 1.0/3.0) / 2.0  # F.rrelu eval-mode negative slope


def setup_inputs(seed: int = 0) -> dict:
    key = jax.random.key(seed)
    ks = jax.random.split(key, 8)
    edge_index = jax.random.randint(ks[0], (2, E), 0, N, dtype=jnp.int32)
    edge_type = jax.random.randint(ks[1], (E,), 0, NREL, dtype=jnp.int32)
    # learned parameters per init: emb_ent (normal init), emb_rel (xavier_normal)
    emb_ent = jax.random.normal(ks[2], (N, D), dtype=jnp.float32)
    xs = float(np.sqrt(2.0 / (NREL + D)))
    emb_rel = jax.random.normal(ks[3], (NREL, D), dtype=jnp.float32) * xs
    # UnionRGCNLayer params for 2 hidden layers: neighbor weight + self-loop weight
    wsc = float(np.sqrt(1.0 / D))
    Wn0 = jax.random.normal(ks[4], (D, D), dtype=jnp.float32) * wsc
    Wl0 = jax.random.normal(ks[5], (D, D), dtype=jnp.float32) * wsc
    Wn1 = jax.random.normal(ks[6], (D, D), dtype=jnp.float32) * wsc
    Wl1 = jax.random.normal(ks[7], (D, D), dtype=jnp.float32) * wsc
    return {"emb_ent": emb_ent, "emb_rel": emb_rel, "Wn0": Wn0, "Wl0": Wl0,
            "Wn1": Wn1, "Wl1": Wl1, "edge_index": edge_index, "edge_type": edge_type}


def _rrelu_eval(x):
    return jnp.where(x >= 0, x, RRELU_SLOPE * x)


def _union_rgcn_layer(h, r, src, dst, etype, Wn, Wl):
    # message: h_src + rel_emb[etype], transformed by neighbor weight (RE-GCN UnionRGCNLayer)
    msg = (h[src] + r[etype]) @ Wn
    agg = jax.ops.segment_sum(msg, dst, num_segments=N)
    deg = jax.ops.segment_sum(jnp.ones((msg.shape[0],), dtype=msg.dtype), dst, num_segments=N)
    norm = 1.0 / jnp.clip(deg, 1.0, None)
    agg = agg * norm[:, None]
    # self loop
    h_new = agg + h @ Wl
    return _rrelu_eval(h_new)


def reference(emb_ent, emb_rel, Wn0, Wl0, Wn1, Wl1, edge_index, edge_type):
    # class_g is None -> current_ent_emb = emb_ent; node_id = arange(N) so
    # g.ndata['h'] = emb_ent[node_id] = emb_ent. Two uvrgcn hidden layers.
    src = edge_index[0]
    dst = edge_index[1]
    h = emb_ent
    h = _union_rgcn_layer(h, emb_rel, src, dst, edge_type, Wn0, Wl0)
    h = _union_rgcn_layer(h, emb_rel, src, dst, edge_type, Wn1, Wl1)
    return h

if __name__ == "__main__":
    import jax
    _d = setup_inputs()
    print(jax.jit(kernel)(*tuple(_d.values())))

</pallas_src>

<mosaic_0001>
#map = affine_map<(d0, d1) -> (0, 0)>
#map1 = affine_map<(d0, d1) -> (0, 0, 0)>
module attributes {stable_mosaic.version = 14 : i64} {
  func.func @_edge_agg(%arg0: i32, %arg1: i32, %arg2: memref<20480x64xf32, #tpu.memory_space<hbm>>, %arg3: memref<464x64xf32, #tpu.memory_space<hbm>>, %arg4: memref<464x64xf32, #tpu.memory_space<hbm>>, %arg5: memref<32x125x80xi32, #tpu.memory_space<hbm>>, %arg6: memref<32x125x80xi32, #tpu.memory_space<hbm>>, %arg7: memref<32x125x80xi32, #tpu.memory_space<hbm>>, %arg8: memref<32x125x80xi32, #tpu.memory_space<hbm>>, %arg9: memref<20480x64xf32, #tpu.memory_space<hbm>>, %arg10: memref<20480x64xf32, #tpu.memory_space<hbm>>, %arg11: memref<2x10240xf32, #tpu.memory_space<hbm>>, %arg12: memref<125x80xi32, #tpu.memory_space<vmem>>, %arg13: memref<125x80xi32, #tpu.memory_space<vmem>>, %arg14: memref<125x80xi32, #tpu.memory_space<vmem>>, %arg15: memref<80x64xf32, #tpu.memory_space<vmem>>, %arg16: memref<80x64xf32, #tpu.memory_space<vmem>>, %arg17: memref<80x64xf32, #tpu.memory_space<vmem>>, %arg18: memref<80x64xf32, #tpu.memory_space<vmem>>, %arg19: memref<464x64xf32, #tpu.memory_space<vmem_shared>>, %arg20: memref<80xf32, #tpu.memory_space<vmem>>, %arg21: memref<128x64xf32, #tpu.memory_space<vmem>>, %arg22: memref<10240xf32, #tpu.memory_space<vmem>>, %arg23: memref<10240x64xf32, #tpu.memory_space<vmem_shared>>, %arg24: memref<10240xf32, #tpu.memory_space<vmem_shared>>, %arg25: memref<!tpu.dma_semaphore, #tpu.memory_space<semaphore_mem>>, %arg26: memref<!tpu.dma_semaphore, #tpu.memory_space<semaphore_mem>>, %arg27: memref<!tpu.dma_semaphore, #tpu.memory_space<semaphore_mem>>, %arg28: memref<!tpu.dma_semaphore, #tpu.memory_space<semaphore_mem>>, %arg29: memref<!tpu.dma_semaphore, #tpu.memory_space<semaphore_mem>>, %arg30: memref<!tpu.dma_semaphore, #tpu.memory_space<semaphore_mem>>, %arg31: memref<!tpu.dma_semaphore, #tpu.memory_space<semaphore_mem>>, %arg32: memref<!tpu.dma_semaphore, #tpu.memory_space<semaphore_mem>>, %arg33: memref<!tpu.dma_semaphore, #tpu.memory_space<semaphore_mem>>) attributes {dimension_semantics = [#tpu.dimension_semantics<core_parallel>, #tpu.dimension_semantics<subcore_parallel>], iteration_bounds = array<i64: 2, 16>, scalar_prefetch = 0 : i64, scratch_operands = 22 : i64, tpu.core_type = #tpu.core_type<sc_vector_subcore>, window_params = [{transform_indices = #map}, {transform_indices = #map}, {transform_indices = #map}, {transform_indices = #map1}, {transform_indices = #map1}, {transform_indices = #map1}, {transform_indices = #map1}, {transform_indices = #map}, {transform_indices = #map}, {transform_indices = #map}]} {
    %mul3A = arith.constant 2 : i32
    %mul3A_0 = arith.muli %arg1, %mul3A : i32
    %add3A = arith.addi %mul3A_0, %arg0 : i32
    %mul3A_1 = arith.constant 640 : i32
    %mul3A_2 = arith.muli %arg1, %mul3A_1 : i32
    %broadcast_in_dim3A = arith.constant 1.000000e+00 : f32
    %broadcast_in_dim3A_3 = vector.broadcast %broadcast_in_dim3A : f32 to vector<16xf32>
    %scan3A = arith.constant 0 : i32
    %scan3A_4 = arith.constant 0 : i32
    %scan3A_5 = arith.constant 5 : i32
    %scan3A_6 = arith.addi %scan3A_4, %scan3A_5 : i32
    %scan3A_7 = arith.constant 1 : i32
    %scan3A_8 = scf.for %scan3A_222 = %scan3A_4 to %scan3A_6 step %scan3A_7 iter_args(%scan3A_223 = %scan3A) -> (i32)  : i32 {
      %mul3A_224 = arith.constant 16 : i32
      %mul3A_225 = arith.muli %scan3A_222, %mul3A_224 : i32
      %swap3A = arith.index_cast %mul3A_225 : i32 to index
      %swap3A_226 = tpu.vector_load %arg20[%swap3A] {strides = array<i32>} : memref<80xf32, #tpu.memory_space<vmem>>, vector<16xf32>,
      %swap3A_227 = vector.shape_cast %swap3A_226 : vector<16xf32> to vector<16xf32>
      %swap3A_228 = vector.shape_cast %broadcast_in_dim3A_3 : vector<16xf32> to vector<16xf32>
      tpu.vector_store %arg20[%swap3A], %swap3A_228 {strides = array<i32>} : memref<80xf32, #tpu.memory_space<vmem>>, vector<16xf32>,
      %scan3A_229 = arith.constant 0 : i32
      scf.yield %scan3A_229 : i32
    }
    %scan3A_9 = arith.constant 5 : i32
    "tpu.region"() ({
      %run_scoped3A = tpu.sem_alloc : memref<!tpu.dma_semaphore, #tpu.memory_space<semaphore_mem>>
      %dma_start3A_222 = arith.constant 0 : i32
      %dma_start3A_223 = arith.constant 0 : i32
      %dma_start3A_224 = tpu.memref_slice %arg8[%add3A, %dma_start3A_222, %dma_start3A_223] : memref<32x125x80xi32, #tpu.memory_space<hbm>> -> memref<1x125x80xi32, #tpu.memory_space<hbm>>
      %dma_start3A_225 = tpu.memref_squeeze %dma_start3A_224 : memref<1x125x80xi32, #tpu.memory_space<hbm>> -> memref<125x80xi32, #tpu.memory_space<hbm>>
      %dma_start3A_226 = arith.constant 0 : i32
      %dma_start3A_227 = arith.constant 0 : i32
      %dma_start3A_228 = tpu.memref_slice %arg8[%add3A, %dma_start3A_226, %dma_start3A_227] : memref<32x125x80xi32, #tpu.memory_space<hbm>> -> memref<1x125x80xi32, #tpu.memory_space<hbm>>
      %dma_start3A_229 = tpu.memref_squeeze %dma_start3A_228 : memref<1x125x80xi32, #tpu.memory_space<hbm>> -> memref<125x80xi32, #tpu.memory_space<hbm>>
      tpu.enqueue_dma source(%dma_start3A_229 : memref<125x80xi32, #tpu.memory_space<hbm>>) target(%arg13 : memref<125x80xi32, #tpu.memory_space<vmem>>) target_semaphore(%run_scoped3A : memref<!tpu.dma_semaphore, #tpu.memory_space<semaphore_mem>>)
      %dma_wait3A_230 = arith.constant 0 : i32
      %dma_wait3A_231 = arith.constant 0 : i32
      %dma_wait3A_232 = tpu.memref_slice %arg8[%add3A, %dma_wait3A_230, %dma_wait3A_231] : memref<32x125x80xi32, #tpu.memory_space<hbm>> -> memref<1x125x80xi32, #tpu.memory_space<hbm>>
      %dma_wait3A_233 = tpu.memref_squeeze %dma_wait3A_232 : memref<1x125x80xi32, #tpu.memory_space<hbm>> -> memref<125x80xi32, #tpu.memory_space<hbm>>
      %dma_wait3A_234 = arith.constant 0 : i32
      %dma_wait3A_235 = arith.constant 0 : i32
      %dma_wait3A_236 = tpu.memref_slice %arg8[%add3A, %dma_wait3A_234, %dma_wait3A_235] : memref<32x125x80xi32, #tpu.memory_space<hbm>> -> memref<1x125x80xi32, #tpu.memory_space<hbm>>
      %dma_wait3A_237 = tpu.memref_squeeze %dma_wait3A_236 : memref<1x125x80xi32, #tpu.memory_space<hbm>> -> memref<125x80xi32, #tpu.memory_space<hbm>>
      tpu.wait_dma2 semaphore(%run_scoped3A : memref<!tpu.dma_semaphore, #tpu.memory_space<semaphore_mem>>) src(%dma_wait3A_237 : memref<125x80xi32, #tpu.memory_space<hbm>>) dst(%arg13 : memref<125x80xi32, #tpu.memory_space<vmem>>)
      tpu.yield
    }) : () -> ()
    "tpu.region"() ({
      %run_scoped3A = tpu.sem_alloc : memref<!tpu.dma_semaphore, #tpu.memory_space<semaphore_mem>>
      %dma_start3A_222 = arith.constant 0 : i32
      %dma_start3A_223 = arith.constant 0 : i32
      %dma_start3A_224 = tpu.memref_slice %arg7[%add3A, %dma_start3A_222, %dma_start3A_223] : memref<32x125x80xi32, #tpu.memory_space<hbm>> -> memref<1x125x80xi32, #tpu.memory_space<hbm>>
      %dma_start3A_225 = tpu.memref_squeeze %dma_start3A_224 : memref<1x125x80xi32, #tpu.memory_space<hbm>> -> memref<125x80xi32, #tpu.memory_space<hbm>>
      %dma_start3A_226 = arith.constant 0 : i32
      %dma_start3A_227 = arith.constant 0 : i32
      %dma_start3A_228 = tpu.memref_slice %arg7[%add3A, %dma_start3A_226, %dma_start3A_227] : memref<32x125x80xi32, #tpu.memory_space<hbm>> -> memref<1x125x80xi32, #tpu.memory_space<hbm>>
      %dma_start3A_229 = tpu.memref_squeeze %dma_start3A_228 : memref<1x125x80xi32, #tpu.memory_space<hbm>> -> memref<125x80xi32, #tpu.memory_space<hbm>>
      tpu.enqueue_dma source(%dma_start3A_229 : memref<125x80xi32, #tpu.memory_space<hbm>>) target(%arg14 : memref<125x80xi32, #tpu.memory_space<vmem>>) target_semaphore(%run_scoped3A : memref<!tpu.dma_semaphore, #tpu.memory_space<semaphore_mem>>)
      %dma_wait3A_230 = arith.constant 0 : i32
      %dma_wait3A_231 = arith.constant 0 : i32
      %dma_wait3A_232 = tpu.memref_slice %arg7[%add3A, %dma_wait3A_230, %dma_wait3A_231] : memref<32x125x80xi32, #tpu.memory_space<hbm>> -> memref<1x125x80xi32, #tpu.memory_space<hbm>>
      %dma_wait3A_233 = tpu.memref_squeeze %dma_wait3A_232 : memref<1x125x80xi32, #tpu.memory_space<hbm>> -> memref<125x80xi32, #tpu.memory_space<hbm>>
      %dma_wait3A_234 = arith.constant 0 : i32
      %dma_wait3A_235 = arith.constant 0 : i32
      %dma_wait3A_236 = tpu.memref_slice %arg7[%add3A, %dma_wait3A_234, %dma_wait3A_235] : memref<32x125x80xi32, #tpu.memory_space<hbm>> -> memref<1x125x80xi32, #tpu.memory_space<hbm>>
      %dma_wait3A_237 = tpu.memref_squeeze %dma_wait3A_236 : memref<1x125x80xi32, #tpu.memory_space<hbm>> -> memref<125x80xi32, #tpu.memory_space<hbm>>
      tpu.wait_dma2 semaphore(%run_scoped3A : memref<!tpu.dma_semaphore, #tpu.memory_space<semaphore_mem>>) src(%dma_wait3A_237 : memref<125x80xi32, #tpu.memory_space<hbm>>) dst(%arg14 : memref<125x80xi32, #tpu.memory_space<vmem>>)
      tpu.yield
    }) : () -> ()
    %eq3A = arith.constant 0 : i32
    %eq3A_10 = arith.cmpi eq, %arg1, %eq3A : i32
    %convert_element_type3A = arith.extui %eq3A_10 : i1 to i32
    %cond3A = arith.constant 0 : i32
    %cond3A_11 = arith.cmpi ne, %convert_element_type3A, %cond3A : i32
    scf.if %cond3A_11 {
      %broadcast_in_dim3A_222 = arith.constant 0.000000e+00 : f32
      %broadcast_in_dim3A_223 = vector.broadcast %broadcast_in_dim3A_222 : f32 to vector<16xf32>
      %scan3A_224 = arith.constant 0 : i32
      %scan3A_225 = arith.constant 0 : i32
      %scan3A_226 = arith.constant 640 : i32
      %scan3A_227 = arith.addi %scan3A_225, %scan3A_226 : i32
      %scan3A_228 = arith.constant 1 : i32
      %scan3A_229 = scf.for %scan3A_231 = %scan3A_225 to %scan3A_227 step %scan3A_228 iter_args(%scan3A_232 = %scan3A_224) -> (i32)  : i32 {
        %mul3A_233 = arith.constant 16 : i32
        %mul3A_234 = arith.muli %scan3A_231, %mul3A_233 : i32
        %swap3A = arith.index_cast %mul3A_234 : i32 to index
        %swap3A_235 = tpu.vector_load %arg22[%swap3A] {strides = array<i32>} : memref<10240xf32, #tpu.memory_space<vmem>>, vector<16xf32>,
        %swap3A_236 = vector.shape_cast %swap3A_235 : vector<16xf32> to vector<16xf32>
        %swap3A_237 = vector.shape_cast %broadcast_in_dim3A_223 : vector<16xf32> to vector<16xf32>
        tpu.vector_store %arg22[%swap3A], %swap3A_237 {strides = array<i32>} : memref<10240xf32, #tpu.memory_space<vmem>>, vector<16xf32>,
        %scan3A_238 = arith.constant 0 : i32
        scf.yield %scan3A_238 : i32
      }
      %scan3A_230 = arith.constant 640 : i32
      "tpu.region"() ({
        %run_scoped3A = tpu.sem_alloc : memref<!tpu.dma_semaphore, #tpu.memory_space<semaphore_mem>>
        tpu.enqueue_dma source(%arg22 : memref<10240xf32, #tpu.memory_space<vmem>>) target(%arg24 : memref<10240xf32, #tpu.memory_space<vmem_shared>>) target_semaphore(%run_scoped3A : memref<!tpu.dma_semaphore, #tpu.memory_space<semaphore_mem>>)
        tpu.wait_dma2 semaphore(%run_scoped3A : memref<!tpu.dma_semaphore, #tpu.memory_space<semaphore_mem>>) src(%arg22 : memref<10240xf32, #tpu.memory_space<vmem>>) dst(%arg24 : memref<10240xf32, #tpu.memory_space<vmem_shared>>)
        tpu.yield
      }) : () -> ()
    } else {
    }
    %broadcast_in_dim3A_12 = arith.constant 0.000000e+00 : f32
    %broadcast_in_dim3A_13 = vector.broadcast %broadcast_in_dim3A_12 : f32 to vector<16xf32>
    %scan3A_14 = arith.constant 0 : i32
    %scan3A_15 = arith.constant 0 : i32
    %scan3A_16 = arith.constant 128 : i32
    %scan3A_17 = arith.addi %scan3A_15, %scan3A_16 : i32
    %scan3A_18 = arith.constant 1 : i32
    %scan3A_19 = scf.for %scan3A_222 = %scan3A_15 to %scan3A_17 step %scan3A_18 iter_args(%scan3A_223 = %scan3A_14) -> (i32)  : i32 {
      %swap3A = arith.index_cast %scan3A_222 : i32 to index
      %swap3A_224 = arith.constant 0 : index
      %swap3A_225 = tpu.vector_load %arg21[%swap3A, %swap3A_224] {strides = array<i32>} : memref<128x64xf32, #tpu.memory_space<vmem>>, vector<1x16xf32>,
      %swap3A_226 = vector.shape_cast %swap3A_225 : vector<1x16xf32> to vector<16xf32>
      %swap3A_227 = vector.shape_cast %broadcast_in_dim3A_13 : vector<16xf32> to vector<1x16xf32>
      tpu.vector_store %arg21[%swap3A, %swap3A_224], %swap3A_227 {strides = array<i32>} : memref<128x64xf32, #tpu.memory_space<vmem>>, vector<1x16xf32>,
      %swap3A_228 = arith.index_cast %scan3A_222 : i32 to index
      %swap3A_229 = arith.constant 16 : index
      %swap3A_230 = tpu.vector_load %arg21[%swap3A_228, %swap3A_229] {strides = array<i32>} : memref<128x64xf32, #tpu.memory_space<vmem>>, vector<1x16xf32>,
      %swap3A_231 = vector.shape_cast %swap3A_230 : vector<1x16xf32> to vector<16xf32>
      %swap3A_232 = vector.shape_cast %broadcast_in_dim3A_13 : vector<16xf32> to vector<1x16xf32>
      tpu.vector_store %arg21[%swap3A_228, %swap3A_229], %swap3A_232 {strides = array<i32>} : memref<128x64xf32, #tpu.memory_space<vmem>>, vector<1x16xf32>,
      %swap3A_233 = arith.index_cast %scan3A_222 : i32 to index
      %swap3A_234 = arith.constant 32 : index
      %swap3A_235 = tpu.vector_load %arg21[%swap3A_233, %swap3A_234] {strides = array<i32>} : memref<128x64xf32, #tpu.memory_space<vmem>>, vector<1x16xf32>,
      %swap3A_236 = vector.shape_cast %swap3A_235 : vector<1x16xf32> to vector<16xf32>
      %swap3A_237 = vector.shape_cast %broadcast_in_dim3A_13 : vector<16xf32> to vector<1x16xf32>
      tpu.vector_store %arg21[%swap3A_233, %swap3A_234], %swap3A_237 {strides = array<i32>} : memref<128x64xf32, #tpu.memory_space<vmem>>, vector<1x16xf32>,
      %swap3A_238 = arith.index_cast %scan3A_222 : i32 to index
      %swap3A_239 = arith.constant 48 : index
      %swap3A_240 = tpu.vector_load %arg21[%swap3A_238, %swap3A_239] {strides = array<i32>} : memref<128x64xf32, #tpu.memory_space<vmem>>, vector<1x16xf32>,
      %swap3A_241 = vector.shape_cast %swap3A_240 : vector<1x16xf32> to vector<16xf32>
      %swap3A_242 = vector.shape_cast %broadcast_in_dim3A_13 : vector<16xf32> to vector<1x16xf32>
      tpu.vector_store %arg21[%swap3A_238, %swap3A_239], %swap3A_242 {strides = array<i32>} : memref<128x64xf32, #tpu.memory_space<vmem>>, vector<1x16xf32>,
      %scan3A_243 = arith.constant 0 : i32
      scf.yield %scan3A_243 : i32
    }
    %scan3A_20 = arith.constant 128 : i32
    %add3A_21 = arith.constant 0 : i32
    %add3A_22 = arith.addi %mul3A_2, %add3A_21 : i32
    "tpu.region"() ({
      %run_scoped3A = tpu.sem_alloc : memref<!tpu.dma_semaphore, #tpu.memory_space<semaphore_mem>>
      %dma_start3A_222 = arith.constant 0 : i32
      %dma_start3A_223 = tpu.memref_slice %arg23[%add3A_22, %dma_start3A_222] : memref<10240x64xf32, #tpu.memory_space<vmem_shared>> -> memref<128x64xf32, #tpu.memory_space<vmem_shared>>
      %dma_start3A_224 = arith.constant 0 : i32
      %dma_start3A_225 = tpu.memref_slice %arg23[%add3A_22, %dma_start3A_224] : memref<10240x64xf32, #tpu.memory_space<vmem_shared>> -> memref<128x64xf32, #tpu.memory_space<vmem_shared>>
      tpu.enqueue_dma source(%arg21 : memref<128x64xf32, #tpu.memory_space<vmem>>) target(%dma_start3A_225 : memref<128x64xf32, #tpu.memory_space<vmem_shared>>) target_semaphore(%run_scoped3A : memref<!tpu.dma_semaphore, #tpu.memory_space<semaphore_mem>>)
      %dma_wait3A_226 = arith.constant 0 : i32
      %dma_wait3A_227 = tpu.memref_slice %arg23[%add3A_22, %dma_wait3A_226] : memref<10240x64xf32, #tpu.memory_space<vmem_shared>> -> memref<128x64xf32, #tpu.memory_space<vmem_shared>>
      %dma_wait3A_228 = arith.constant 0 : i32
      %dma_wait3A_229 = tpu.memref_slice %arg23[%add3A_22, %dma_wait3A_228] : memref<10240x64xf32, #tpu.memory_space<vmem_shared>> -> memref<128x64xf32, #tpu.memory_space<vmem_shared>>
      tpu.wait_dma2 semaphore(%run_scoped3A : memref<!tpu.dma_semaphore, #tpu.memory_space<semaphore_mem>>) src(%arg21 : memref<128x64xf32, #tpu.memory_space<vmem>>) dst(%dma_wait3A_229 : memref<128x64xf32, #tpu.memory_space<vmem_shared>>)
      tpu.yield
    }) : () -> ()
    %add3A_23 = arith.constant 128 : i32
    %add3A_24 = arith.addi %mul3A_2, %add3A_23 : i32
    "tpu.region"() ({
      %run_scoped3A = tpu.sem_alloc : memref<!tpu.dma_semaphore, #tpu.memory_space<semaphore_mem>>
      %dma_start3A_222 = arith.constant 0 : i32
      %dma_start3A_223 = tpu.memref_slice %arg23[%add3A_24, %dma_start3A_222] : memref<10240x64xf32, #tpu.memory_space<vmem_shared>> -> memref<128x64xf32, #tpu.memory_space<vmem_shared>>
      %dma_start3A_224 = arith.constant 0 : i32
      %dma_start3A_225 = tpu.memref_slice %arg23[%add3A_24, %dma_start3A_224] : memref<10240x64xf32, #tpu.memory_space<vmem_shared>> -> memref<128x64xf32, #tpu.memory_space<vmem_shared>>
      tpu.enqueue_dma source(%arg21 : memref<128x64xf32, #tpu.memory_space<vmem>>) target(%dma_start3A_225 : memref<128x64xf32, #tpu.memory_space<vmem_shared>>) target_semaphore(%run_scoped3A : memref<!tpu.dma_semaphore, #tpu.memory_space<semaphore_mem>>)
      %dma_wait3A_226 = arith.constant 0 : i32
      %dma_wait3A_227 = tpu.memref_slice %arg23[%add3A_24, %dma_wait3A_226] : memref<10240x64xf32, #tpu.memory_space<vmem_shared>> -> memref<128x64xf32, #tpu.memory_space<vmem_shared>>
      %dma_wait3A_228 = arith.constant 0 : i32
      %dma_wait3A_229 = tpu.memref_slice %arg23[%add3A_24, %dma_wait3A_228] : memref<10240x64xf32, #tpu.memory_space<vmem_shared>> -> memref<128x64xf32, #tpu.memory_space<vmem_shared>>
      tpu.wait_dma2 semaphore(%run_scoped3A : memref<!tpu.dma_semaphore, #tpu.memory_space<semaphore_mem>>) src(%arg21 : memref<128x64xf32, #tpu.memory_space<vmem>>) dst(%dma_wait3A_229 : memref<128x64xf32, #tpu.memory_space<vmem_shared>>)
      tpu.yield
    }) : () -> ()
    %add3A_25 = arith.constant 256 : i32
    %add3A_26 = arith.addi %mul3A_2, %add3A_25 : i32
    "tpu.region"() ({
      %run_scoped3A = tpu.sem_alloc : memref<!tpu.dma_semaphore, #tpu.memory_space<semaphore_mem>>
      %dma_start3A_222 = arith.constant 0 : i32
      %dma_start3A_223 = tpu.memref_slice %arg23[%add3A_26, %dma_start3A_222] : memref<10240x64xf32, #tpu.memory_space<vmem_shared>> -> memref<128x64xf32, #tpu.memory_space<vmem_shared>>
      %dma_start3A_224 = arith.constant 0 : i32
      %dma_start3A_225 = tpu.memref_slice %arg23[%add3A_26, %dma_start3A_224] : memref<10240x64xf32, #tpu.memory_space<vmem_shared>> -> memref<128x64xf32, #tpu.memory_space<vmem_shared>>
      tpu.enqueue_dma source(%arg21 : memref<128x64xf32, #tpu.memory_space<vmem>>) target(%dma_start3A_225 : memref<128x64xf32, #tpu.memory_space<vmem_shared>>) target_semaphore(%run_scoped3A : memref<!tpu.dma_semaphore, #tpu.memory_space<semaphore_mem>>)
      %dma_wait3A_226 = arith.constant 0 : i32
      %dma_wait3A_227 = tpu.memref_slice %arg23[%add3A_26, %dma_wait3A_226] : memref<10240x64xf32, #tpu.memory_space<vmem_shared>> -> memref<128x64xf32, #tpu.memory_space<vmem_shared>>
      %dma_wait3A_228 = arith.constant 0 : i32
      %dma_wait3A_229 = tpu.memref_slice %arg23[%add3A_26, %dma_wait3A_228] : memref<10240x64xf32, #tpu.memory_space<vmem_shared>> -> memref<128x64xf32, #tpu.memory_space<vmem_shared>>
      tpu.wait_dma2 semaphore(%run_scoped3A : memref<!tpu.dma_semaphore, #tpu.memory_space<semaphore_mem>>) src(%arg21 : memref<128x64xf32, #tpu.memory_space<vmem>>) dst(%dma_wait3A_229 : memref<128x64xf32, #tpu.memory_space<vmem_shared>>)
      tpu.yield
    }) : () -> ()
    %add3A_27 = arith.constant 384 : i32
    %add3A_28 = arith.addi %mul3A_2, %add3A_27 : i32
    "tpu.region"() ({
      %run_scoped3A = tpu.sem_alloc : memref<!tpu.dma_semaphore, #tpu.memory_space<semaphore_mem>>
      %dma_start3A_222 = arith.constant 0 : i32
      %dma_start3A_223 = tpu.memref_slice %arg23[%add3A_28, %dma_start3A_222] : memref<10240x64xf32, #tpu.memory_space<vmem_shared>> -> memref<128x64xf32, #tpu.memory_space<vmem_shared>>
      %dma_start3A_224 = arith.constant 0 : i32
      %dma_start3A_225 = tpu.memref_slice %arg23[%add3A_28, %dma_start3A_224] : memref<10240x64xf32, #tpu.memory_space<vmem_shared>> -> memref<128x64xf32, #tpu.memory_space<vmem_shared>>
      tpu.enqueue_dma source(%arg21 : memref<128x64xf32, #tpu.memory_space<vmem>>) target(%dma_start3A_225 : memref<128x64xf32, #tpu.memory_space<vmem_shared>>) target_semaphore(%run_scoped3A : memref<!tpu.dma_semaphore, #tpu.memory_space<semaphore_mem>>)
      %dma_wait3A_226 = arith.constant 0 : i32
      %dma_wait3A_227 = tpu.memref_slice %arg23[%add3A_28, %dma_wait3A_226] : memref<10240x64xf32, #tpu.memory_space<vmem_shared>> -> memref<128x64xf32, #tpu.memory_space<vmem_shared>>
      %dma_wait3A_228 = arith.constant 0 : i32
      %dma_wait3A_229 = tpu.memref_slice %arg23[%add3A_28, %dma_wait3A_228] : memref<10240x64xf32, #tpu.memory_space<vmem_shared>> -> memref<128x64xf32, #tpu.memory_space<vmem_shared>>
      tpu.wait_dma2 semaphore(%run_scoped3A : memref<!tpu.dma_semaphore, #tpu.memory_space<semaphore_mem>>) src(%arg21 : memref<128x64xf32, #tpu.memory_space<vmem>>) dst(%dma_wait3A_229 : memref<128x64xf32, #tpu.memory_space<vmem_shared>>)
      tpu.yield
    }) : () -> ()
    %add3A_29 = arith.constant 512 : i32
    %add3A_30 = arith.addi %mul3A_2, %add3A_29 : i32
    "tpu.region"() ({
      %run_scoped3A = tpu.sem_alloc : memref<!tpu.dma_semaphore, #tpu.memory_space<semaphore_mem>>
      %dma_start3A_222 = arith.constant 0 : i32
      %dma_start3A_223 = tpu.memref_slice %arg23[%add3A_30, %dma_start3A_222] : memref<10240x64xf32, #tpu.memory_space<vmem_shared>> -> memref<128x64xf32, #tpu.memory_space<vmem_shared>>
      %dma_start3A_224 = arith.constant 0 : i32
      %dma_start3A_225 = tpu.memref_slice %arg23[%add3A_30, %dma_start3A_224] : memref<10240x64xf32, #tpu.memory_space<vmem_shared>> -> memref<128x64xf32, #tpu.memory_space<vmem_shared>>
      tpu.enqueue_dma source(%arg21 : memref<128x64xf32, #tpu.memory_space<vmem>>) target(%dma_start3A_225 : memref<128x64xf32, #tpu.memory_space<vmem_shared>>) target_semaphore(%run_scoped3A : memref<!tpu.dma_semaphore, #tpu.memory_space<semaphore_mem>>)
      %dma_wait3A_226 = arith.constant 0 : i32
      %dma_wait3A_227 = tpu.memref_slice %arg23[%add3A_30, %dma_wait3A_226] : memref<10240x64xf32, #tpu.memory_space<vmem_shared>> -> memref<128x64xf32, #tpu.memory_space<vmem_shared>>
      %dma_wait3A_228 = arith.constant 0 : i32
      %dma_wait3A_229 = tpu.memref_slice %arg23[%add3A_30, %dma_wait3A_228] : memref<10240x64xf32, #tpu.memory_space<vmem_shared>> -> memref<128x64xf32, #tpu.memory_space<vmem_shared>>
      tpu.wait_dma2 semaphore(%run_scoped3A : memref<!tpu.dma_semaphore, #tpu.memory_space<semaphore_mem>>) src(%arg21 : memref<128x64xf32, #tpu.memory_space<vmem>>) dst(%dma_wait3A_229 : memref<128x64xf32, #tpu.memory_space<vmem_shared>>)
      tpu.yield
    }) : () -> ()
    "tpu.region"() ({
      %run_scoped3A = tpu.sem_alloc : memref<!tpu.dma_semaphore, #tpu.memory_space<semaphore_mem>>
      %dma_start3A_222 = arith.constant 0 : i32
      %dma_start3A_223 = arith.constant 0 : i32
      %dma_start3A_224 = tpu.memref_slice %arg5[%add3A, %dma_start3A_222, %dma_start3A_223] : memref<32x125x80xi32, #tpu.memory_space<hbm>> -> memref<1x125x80xi32, #tpu.memory_space<hbm>>
      %dma_start3A_225 = tpu.memref_squeeze %dma_start3A_224 : memref<1x125x80xi32, #tpu.memory_space<hbm>> -> memref<125x80xi32, #tpu.memory_space<hbm>>
      %dma_start3A_226 = arith.constant 0 : i32
      %dma_start3A_227 = arith.constant 0 : i32
      %dma_start3A_228 = tpu.memref_slice %arg5[%add3A, %dma_start3A_226, %dma_start3A_227] : memref<32x125x80xi32, #tpu.memory_space<hbm>> -> memref<1x125x80xi32, #tpu.memory_space<hbm>>
      %dma_start3A_229 = tpu.memref_squeeze %dma_start3A_228 : memref<1x125x80xi32, #tpu.memory_space<hbm>> -> memref<125x80xi32, #tpu.memory_space<hbm>>
      tpu.enqueue_dma source(%dma_start3A_229 : memref<125x80xi32, #tpu.memory_space<hbm>>) target(%arg12 : memref<125x80xi32, #tpu.memory_space<vmem>>) target_semaphore(%run_scoped3A : memref<!tpu.dma_semaphore, #tpu.memory_space<semaphore_mem>>)
      %dma_wait3A_230 = arith.constant 0 : i32
      %dma_wait3A_231 = arith.constant 0 : i32
      %dma_wait3A_232 = tpu.memref_slice %arg5[%add3A, %dma_wait3A_230, %dma_wait3A_231] : memref<32x125x80xi32, #tpu.memory_space<hbm>> -> memref<1x125x80xi32, #tpu.memory_space<hbm>>
      %dma_wait3A_233 = tpu.memref_squeeze %dma_wait3A_232 : memref<1x125x80xi32, #tpu.memory_space<hbm>> -> memref<125x80xi32, #tpu.memory_space<hbm>>
      %dma_wait3A_234 = arith.constant 0 : i32
      %dma_wait3A_235 = arith.constant 0 : i32
      %dma_wait3A_236 = tpu.memref_slice %arg5[%add3A, %dma_wait3A_234, %dma_wait3A_235] : memref<32x125x80xi32, #tpu.memory_space<hbm>> -> memref<1x125x80xi32, #tpu.memory_space<hbm>>
      %dma_wait3A_237 = tpu.memref_squeeze %dma_wait3A_236 : memref<1x125x80xi32, #tpu.memory_space<hbm>> -> memref<125x80xi32, #tpu.memory_space<hbm>>
      tpu.wait_dma2 semaphore(%run_scoped3A : memref<!tpu.dma_semaphore, #tpu.memory_space<semaphore_mem>>) src(%dma_wait3A_237 : memref<125x80xi32, #tpu.memory_space<hbm>>) dst(%arg12 : memref<125x80xi32, #tpu.memory_space<vmem>>)
      tpu.yield
    }) : () -> ()
    %eq3A_31 = arith.constant 0 : i32
    %eq3A_32 = arith.cmpi eq, %arg1, %eq3A_31 : i32
    %convert_element_type3A_33 = arith.extui %eq3A_32 : i1 to i32
    %cond3A_34 = arith.constant 0 : i32
    %cond3A_35 = arith.cmpi ne, %convert_element_type3A_33, %cond3A_34 : i32
    scf.if %cond3A_35 {
      "tpu.region"() ({
        %run_scoped3A = tpu.sem_alloc : memref<!tpu.dma_semaphore, #tpu.memory_space<semaphore_mem>>
        tpu.enqueue_dma source(%arg3 : memref<464x64xf32, #tpu.memory_space<hbm>>) target(%arg19 : memref<464x64xf32, #tpu.memory_space<vmem_shared>>) target_semaphore(%run_scoped3A : memref<!tpu.dma_semaphore, #tpu.memory_space<semaphore_mem>>)
        tpu.wait_dma2 semaphore(%run_scoped3A : memref<!tpu.dma_semaphore, #tpu.memory_space<semaphore_mem>>) src(%arg3 : memref<464x64xf32, #tpu.memory_space<hbm>>) dst(%arg19 : memref<464x64xf32, #tpu.memory_space<vmem_shared>>)
        tpu.yield
      }) : () -> ()
    } else {
    }
    %barrier3A = arith.constant 0 : index
    tpu.barrier barrier_id(%barrier3A)
    %dma_start3A = arith.constant 0 : i32
    %dma_start3A_36 = arith.constant 0 : i32
    %dma_start3A_37 = tpu.memref_slice %arg12[%dma_start3A, %dma_start3A_36] : memref<125x80xi32, #tpu.memory_space<vmem>> -> memref<1x80xi32, #tpu.memory_space<vmem>>
    %dma_start3A_38 = tpu.memref_squeeze %dma_start3A_37 : memref<1x80xi32, #tpu.memory_space<vmem>> -> memref<80xi32, #tpu.memory_space<vmem>>
    %dma_start3A_39 = arith.constant 0 : i32
    %dma_start3A_40 = arith.constant 0 : i32
    %dma_start3A_41 = tpu.memref_slice %arg2[%dma_start3A_39, %dma_start3A_40] : memref<20480x64xf32, #tpu.memory_space<hbm>> -> memref<20480x64xf32, #tpu.memory_space<hbm>>
    tpu.enqueue_indirect_dma source(%dma_start3A_41 : memref<20480x64xf32, #tpu.memory_space<hbm>>) target(%arg15 : memref<80x64xf32, #tpu.memory_space<vmem>>) offsets(%dma_start3A_38 : memref<80xi32, #tpu.memory_space<vmem>>) semaphore(%arg25 : memref<!tpu.dma_semaphore, #tpu.memory_space<semaphore_mem>>)
    %dma_start3A_42 = arith.constant 0 : i32
    %dma_start3A_43 = arith.constant 0 : i32
    %dma_start3A_44 = tpu.memref_slice %arg14[%dma_start3A_42, %dma_start3A_43] : memref<125x80xi32, #tpu.memory_space<vmem>> -> memref<1x80xi32, #tpu.memory_space<vmem>>
    %dma_start3A_45 = tpu.memref_squeeze %dma_start3A_44 : memref<1x80xi32, #tpu.memory_space<vmem>> -> memref<80xi32, #tpu.memory_space<vmem>>
    %dma_start3A_46 = arith.constant 0 : i32
    %dma_start3A_47 = arith.constant 0 : i32
    %dma_start3A_48 = tpu.memref_slice %arg19[%dma_start3A_46, %dma_start3A_47] : memref<464x64xf32, #tpu.memory_space<vmem_shared>> -> memref<464x64xf32, #tpu.memory_space<vmem_shared>>
    tpu.enqueue_indirect_dma source(%dma_start3A_48 : memref<464x64xf32, #tpu.memory_space<vmem_shared>>) target(%arg17 : memref<80x64xf32, #tpu.memory_space<vmem>>) offsets(%dma_start3A_45 : memref<80xi32, #tpu.memory_space<vmem>>) semaphore(%arg27 : memref<!tpu.dma_semaphore, #tpu.memory_space<semaphore_mem>>)
    %scan3A_49 = arith.constant 0 : i32
    %scan3A_50 = arith.constant 0 : i32
    %scan3A_51 = arith.constant 63 : i32
    %scan3A_52 = arith.addi %scan3A_50, %scan3A_51 : i32
    %scan3A_53 = arith.constant 1 : i32
    %scan3A_54 = scf.for %scan3A_222 = %scan3A_50 to %scan3A_52 step %scan3A_53 iter_args(%scan3A_223 = %scan3A_49) -> (i32)  : i32 {
      %mul3A_224 = arith.constant 2 : i32
      %mul3A_225 = arith.muli %mul3A_224, %scan3A_222 : i32
      %add3A_226 = arith.constant 1 : i32
      %add3A_227 = arith.addi %mul3A_225, %add3A_226 : i32
      %add3A_228 = arith.constant 1 : i32
      %add3A_229 = arith.addi %mul3A_225, %add3A_228 : i32
      %lt3A = arith.constant 125 : i32
      %lt3A_230 = arith.cmpi slt, %add3A_229, %lt3A : i32
      %convert_element_type3A_231 = arith.extui %lt3A_230 : i1 to i32
      %cond3A_232 = arith.constant 0 : i32
      %cond3A_233 = arith.cmpi ne, %convert_element_type3A_231, %cond3A_232 : i32
      scf.if %cond3A_233 {
        %add3A_252 = arith.constant 1 : i32
        %add3A_253 = arith.addi %mul3A_225, %add3A_252 : i32
        %ge3A = arith.constant 2 : i32
        %ge3A_254 = arith.cmpi sge, %add3A_253, %ge3A : i32
        %convert_element_type3A_255 = arith.extui %ge3A_254 : i1 to i32
        %cond3A_256 = arith.constant 0 : i32
        %cond3A_257 = arith.cmpi ne, %convert_element_type3A_255, %cond3A_256 : i32
        scf.if %cond3A_257 {
          %sub3A = arith.constant 2 : i32
          %sub3A_270 = arith.subi %add3A_253, %sub3A : i32
          %dma_wait3A_271 = arith.constant 0 : i32
          %dma_wait3A_272 = tpu.memref_slice %arg13[%sub3A_270, %dma_wait3A_271] : memref<125x80xi32, #tpu.memory_space<vmem>> -> memref<1x80xi32, #tpu.memory_space<vmem>>
          %dma_wait3A_273 = tpu.memref_squeeze %dma_wait3A_272 : memref<1x80xi32, #tpu.memory_space<vmem>> -> memref<80xi32, #tpu.memory_space<vmem>>
          %dma_wait3A_274 = arith.constant 0 : i32
          %dma_wait3A_275 = arith.constant 0 : i32
          %dma_wait3A_276 = tpu.memref_slice %arg23[%dma_wait3A_274, %dma_wait3A_275] : memref<10240x64xf32, #tpu.memory_space<vmem_shared>> -> memref<10240x64xf32, #tpu.memory_space<vmem_shared>>
          tpu.wait_indirect_dma semaphore(%arg30 : memref<!tpu.dma_semaphore, #tpu.memory_space<semaphore_mem>>) src(%arg16 : memref<80x64xf32, #tpu.memory_space<vmem>>) dst(%dma_wait3A_276 : memref<10240x64xf32, #tpu.memory_space<vmem_shared>>)
          %sub3A_277 = arith.constant 2 : i32
          %sub3A_278 = arith.subi %add3A_253, %sub3A_277 : i32
          %dma_wait3A_279 = arith.constant 0 : i32
          %dma_wait3A_280 = tpu.memref_slice %arg13[%sub3A_278, %dma_wait3A_279] : memref<125x80xi32, #tpu.memory_space<vmem>> -> memref<1x80xi32, #tpu.memory_space<vmem>>
          %dma_wait3A_281 = tpu.memref_squeeze %dma_wait3A_280 : memref<1x80xi32, #tpu.memory_space<vmem>> -> memref<80xi32, #tpu.memory_space<vmem>>
          %dma_wait3A_282 = arith.constant 0 : i32
          %dma_wait3A_283 = arith.constant 0 : i32
          %dma_wait3A_284 = tpu.memref_slice %arg23[%dma_wait3A_282, %dma_wait3A_283] : memref<10240x64xf32, #tpu.memory_space<vmem_shared>> -> memref<10240x64xf32, #tpu.memory_space<vmem_shared>>
          tpu.wait_indirect_dma semaphore(%arg32 : memref<!tpu.dma_semaphore, #tpu.memory_space<semaphore_mem>>) src(%arg18 : memref<80x64xf32, #tpu.memory_space<vmem>>) dst(%dma_wait3A_284 : memref<10240x64xf32, #tpu.memory_space<vmem_shared>>)
        } else {
        }
        %dma_start3A_258 = arith.constant 0 : i32
        %dma_start3A_259 = tpu.memref_slice %arg12[%add3A_253, %dma_start3A_258] : memref<125x80xi32, #tpu.memory_space<vmem>> -> memref<1x80xi32, #tpu.memory_space<vmem>>
        %dma_start3A_260 = tpu.memref_squeeze %dma_start3A_259 : memref<1x80xi32, #tpu.memory_space<vmem>> -> memref<80xi32, #tpu.memory_space<vmem>>
        %dma_start3A_261 = arith.constant 0 : i32
        %dma_start3A_262 = arith.constant 0 : i32
        %dma_start3A_263 = tpu.memref_slice %arg2[%dma_start3A_261, %dma_start3A_262] : memref<20480x64xf32, #tpu.memory_space<hbm>> -> memref<20480x64xf32, #tpu.memory_space<hbm>>
        tpu.enqueue_indirect_dma source(%dma_start3A_263 : memref<20480x64xf32, #tpu.memory_space<hbm>>) target(%arg16 : memref<80x64xf32, #tpu.memory_space<vmem>>) offsets(%dma_start3A_260 : memref<80xi32, #tpu.memory_space<vmem>>) semaphore(%arg26 : memref<!tpu.dma_semaphore, #tpu.memory_space<semaphore_mem>>)
        %dma_start3A_264 = arith.constant 0 : i32
        %dma_start3A_265 = tpu.memref_slice %arg14[%add3A_253, %dma_start3A_264] : memref<125x80xi32, #tpu.memory_space<vmem>> -> memref<1x80xi32, #tpu.memory_space<vmem>>
        %dma_start3A_266 = tpu.memref_squeeze %dma_start3A_265 : memref<1x80xi32, #tpu.memory_space<vmem>> -> memref<80xi32, #tpu.memory_space<vmem>>
        %dma_start3A_267 = arith.constant 0 : i32
        %dma_start3A_268 = arith.constant 0 : i32
        %dma_start3A_269 = tpu.memref_slice %arg19[%dma_start3A_267, %dma_start3A_268] : memref<464x64xf32, #tpu.memory_space<vmem_shared>> -> memref<464x64xf32, #tpu.memory_space<vmem_shared>>
        tpu.enqueue_indirect_dma source(%dma_start3A_269 : memref<464x64xf32, #tpu.memory_space<vmem_shared>>) target(%arg18 : memref<80x64xf32, #tpu.memory_space<vmem>>) offsets(%dma_start3A_266 : memref<80xi32, #tpu.memory_space<vmem>>) semaphore(%arg28 : memref<!tpu.dma_semaphore, #tpu.memory_space<semaphore_mem>>)
      } else {
      }
      %lt3A_234 = arith.constant 125 : i32
      %lt3A_235 = arith.cmpi slt, %mul3A_225, %lt3A_234 : i32
      %convert_element_type3A_236 = arith.extui %lt3A_235 : i1 to i32
      %cond3A_237 = arith.constant 0 : i32
      %cond3A_238 = arith.cmpi ne, %convert_element_type3A_236, %cond3A_237 : i32
      scf.if %cond3A_238 {
        %dma_wait3A_252 = arith.constant 0 : i32
        %dma_wait3A_253 = tpu.memref_slice %arg12[%mul3A_225, %dma_wait3A_252] : memref<125x80xi32, #tpu.memory_space<vmem>> -> memref<1x80xi32, #tpu.memory_space<vmem>>
        %dma_wait3A_254 = tpu.memref_squeeze %dma_wait3A_253 : memref<1x80xi32, #tpu.memory_space<vmem>> -> memref<80xi32, #tpu.memory_space<vmem>>
        %dma_wait3A_255 = arith.constant 0 : i32
        %dma_wait3A_256 = arith.constant 0 : i32
        %dma_wait3A_257 = tpu.memref_slice %arg2[%dma_wait3A_255, %dma_wait3A_256] : memref<20480x64xf32, #tpu.memory_space<hbm>> -> memref<20480x64xf32, #tpu.memory_space<hbm>>
        tpu.wait_indirect_dma semaphore(%arg25 : memref<!tpu.dma_semaphore, #tpu.memory_space<semaphore_mem>>) src(%dma_wait3A_257 : memref<20480x64xf32, #tpu.memory_space<hbm>>) dst(%arg15 : memref<80x64xf32, #tpu.memory_space<vmem>>)
        %dma_wait3A_258 = arith.constant 0 : i32
        %dma_wait3A_259 = tpu.memref_slice %arg14[%mul3A_225, %dma_wait3A_258] : memref<125x80xi32, #tpu.memory_space<vmem>> -> memref<1x80xi32, #tpu.memory_space<vmem>>
        %dma_wait3A_260 = tpu.memref_squeeze %dma_wait3A_259 : memref<1x80xi32, #tpu.memory_space<vmem>> -> memref<80xi32, #tpu.memory_space<vmem>>
        %dma_wait3A_261 = arith.constant 0 : i32
        %dma_wait3A_262 = arith.constant 0 : i32
        %dma_wait3A_263 = tpu.memref_slice %arg19[%dma_wait3A_261, %dma_wait3A_262] : memref<464x64xf32, #tpu.memory_space<vmem_shared>> -> memref<464x64xf32, #tpu.memory_space<vmem_shared>>
        tpu.wait_indirect_dma semaphore(%arg27 : memref<!tpu.dma_semaphore, #tpu.memory_space<semaphore_mem>>) src(%dma_wait3A_263 : memref<464x64xf32, #tpu.memory_space<vmem_shared>>) dst(%arg17 : memref<80x64xf32, #tpu.memory_space<vmem>>)
        %dma_start3A_264 = arith.constant 0 : i32
        %dma_start3A_265 = tpu.memref_slice %arg13[%mul3A_225, %dma_start3A_264] : memref<125x80xi32, #tpu.memory_space<vmem>> -> memref<1x80xi32, #tpu.memory_space<vmem>>
        %dma_start3A_266 = tpu.memref_squeeze %dma_start3A_265 : memref<1x80xi32, #tpu.memory_space<vmem>> -> memref<80xi32, #tpu.memory_space<vmem>>
        %dma_start3A_267 = arith.constant 0 : i32
        %dma_start3A_268 = arith.constant 0 : i32
        %dma_start3A_269 = tpu.memref_slice %arg23[%dma_start3A_267, %dma_start3A_268] : memref<10240x64xf32, #tpu.memory_space<vmem_shared>> -> memref<10240x64xf32, #tpu.memory_space<vmem_shared>>
        tpu.enqueue_indirect_dma source(%arg15 : memref<80x64xf32, #tpu.memory_space<vmem>>) target(%dma_start3A_269 : memref<10240x64xf32, #tpu.memory_space<vmem_shared>>) offsets(%dma_start3A_266 : memref<80xi32, #tpu.memory_space<vmem>>) semaphore(%arg29 : memref<!tpu.dma_semaphore, #tpu.memory_space<semaphore_mem>>) {add = true}
        %dma_start3A_270 = arith.constant 0 : i32
        %dma_start3A_271 = tpu.memref_slice %arg13[%mul3A_225, %dma_start3A_270] : memref<125x80xi32, #tpu.memory_space<vmem>> -> memref<1x80xi32, #tpu.memory_space<vmem>>
        %dma_start3A_272 = tpu.memref_squeeze %dma_start3A_271 : memref<1x80xi32, #tpu.memory_space<vmem>> -> memref<80xi32, #tpu.memory_space<vmem>>
        %dma_start3A_273 = arith.constant 0 : i32
        %dma_start3A_274 = arith.constant 0 : i32
        %dma_start3A_275 = tpu.memref_slice %arg23[%dma_start3A_273, %dma_start3A_274] : memref<10240x64xf32, #tpu.memory_space<vmem_shared>> -> memref<10240x64xf32, #tpu.memory_space<vmem_shared>>
        tpu.enqueue_indirect_dma source(%arg17 : memref<80x64xf32, #tpu.memory_space<vmem>>) target(%dma_start3A_275 : memref<10240x64xf32, #tpu.memory_space<vmem_shared>>) offsets(%dma_start3A_272 : memref<80xi32, #tpu.memory_space<vmem>>) semaphore(%arg31 : memref<!tpu.dma_semaphore, #tpu.memory_space<semaphore_mem>>) {add = true}
        %ge3A = arith.constant 1 : i32
        %ge3A_276 = arith.cmpi sge, %mul3A_225, %ge3A : i32
        %convert_element_type3A_277 = arith.extui %ge3A_276 : i1 to i32
        %cond3A_278 = arith.constant 0 : i32
        %cond3A_279 = arith.cmpi ne, %convert_element_type3A_277, %cond3A_278 : i32
        scf.if %cond3A_279 {
          %sub3A = arith.constant 1 : i32
          %sub3A_285 = arith.subi %mul3A_225, %sub3A : i32
          %dma_wait3A_286 = arith.constant 0 : i32
          %dma_wait3A_287 = tpu.memref_slice %arg13[%sub3A_285, %dma_wait3A_286] : memref<125x80xi32, #tpu.memory_space<vmem>> -> memref<1x80xi32, #tpu.memory_space<vmem>>
          %dma_wait3A_288 = tpu.memref_squeeze %dma_wait3A_287 : memref<1x80xi32, #tpu.memory_space<vmem>> -> memref<80xi32, #tpu.memory_space<vmem>>
          %dma_wait3A_289 = arith.constant 0 : i32
          %dma_wait3A_290 = tpu.memref_slice %arg24[%dma_wait3A_289] : memref<10240xf32, #tpu.memory_space<vmem_shared>> -> memref<10240xf32, #tpu.memory_space<vmem_shared>>
          tpu.wait_indirect_dma semaphore(%arg33 : memref<!tpu.dma_semaphore, #tpu.memory_space<semaphore_mem>>) src(%arg20 : memref<80xf32, #tpu.memory_space<vmem>>) dst(%dma_wait3A_290 : memref<10240xf32, #tpu.memory_space<vmem_shared>>)
        } else {
        }
        %dma_start3A_280 = arith.constant 0 : i32
        %dma_start3A_281 = tpu.memref_slice %arg13[%mul3A_225, %dma_start3A_280] : memref<125x80xi32, #tpu.memory_space<vmem>> -> memref<1x80xi32, #tpu.memory_space<vmem>>
        %dma_start3A_282 = tpu.memref_squeeze %dma_start3A_281 : memref<1x80xi32, #tpu.memory_space<vmem>> -> memref<80xi32, #tpu.memory_space<vmem>>
        %dma_start3A_283 = arith.constant 0 : i32
        %dma_start3A_284 = tpu.memref_slice %arg24[%dma_start3A_283] : memref<10240xf32, #tpu.memory_space<vmem_shared>> -> memref<10240xf32, #tpu.memory_space<vmem_shared>>
        tpu.enqueue_indirect_dma source(%arg20 : memref<80xf32, #tpu.memory_space<vmem>>) target(%dma_start3A_284 : memref<10240xf32, #tpu.memory_space<vmem_shared>>) offsets(%dma_start3A_282 : memref<80xi32, #tpu.memory_space<vmem>>) semaphore(%arg33 : memref<!tpu.dma_semaphore, #tpu.memory_space<semaphore_mem>>) {add = true}
      } else {
      }
      %add3A_239 = arith.constant 1 : i32
      %add3A_240 = arith.addi %add3A_227, %add3A_239 : i32
      %lt3A_241 = arith.constant 125 : i32
      %lt3A_242 = arith.cmpi slt, %add3A_240, %lt3A_241 : i32
      %convert_element_type3A_243 = arith.extui %lt3A_242 : i1 to i32
      %cond3A_244 = arith.constant 0 : i32
      %cond3A_245 = arith.cmpi ne, %convert_element_type3A_243, %cond3A_244 : i32
      scf.if %cond3A_245 {
        %add3A_252 = arith.constant 1 : i32
        %add3A_253 = arith.addi %add3A_227, %add3A_252 : i32
        %ge3A = arith.constant 2 : i32
        %ge3A_254 = arith.cmpi sge, %add3A_253, %ge3A : i32
        %convert_element_type3A_255 = arith.extui %ge3A_254 : i1 to i32
        %cond3A_256 = arith.constant 0 : i32
        %cond3A_257 = arith.cmpi ne, %convert_element_type3A_255, %cond3A_256 : i32
        scf.if %cond3A_257 {
          %sub3A = arith.constant 2 : i32
          %sub3A_270 = arith.subi %add3A_253, %sub3A : i32
          %dma_wait3A_271 = arith.constant 0 : i32
          %dma_wait3A_272 = tpu.memref_slice %arg13[%sub3A_270, %dma_wait3A_271] : memref<125x80xi32, #tpu.memory_space<vmem>> -> memref<1x80xi32, #tpu.memory_space<vmem>>
          %dma_wait3A_273 = tpu.memref_squeeze %dma_wait3A_272 : memref<1x80xi32, #tpu.memory_space<vmem>> -> memref<80xi32, #tpu.memory_space<vmem>>
          %dma_wait3A_274 = arith.constant 0 : i32
          %dma_wait3A_275 = arith.constant 0 : i32
          %dma_wait3A_276 = tpu.memref_slice %arg23[%dma_wait3A_274, %dma_wait3A_275] : memref<10240x64xf32, #tpu.memory_space<vmem_shared>> -> memref<10240x64xf32, #tpu.memory_space<vmem_shared>>
          tpu.wait_indirect_dma semaphore(%arg29 : memref<!tpu.dma_semaphore, #tpu.memory_space<semaphore_mem>>) src(%arg15 : memref<80x64xf32, #tpu.memory_space<vmem>>) dst(%dma_wait3A_276 : memref<10240x64xf32, #tpu.memory_space<vmem_shared>>)
          %sub3A_277 = arith.constant 2 : i32
          %sub3A_278 = arith.subi %add3A_253, %sub3A_277 : i32
          %dma_wait3A_279 = arith.constant 0 : i32
          %dma_wait3A_280 = tpu.memref_slice %arg13[%sub3A_278, %dma_wait3A_279] : memref<125x80xi32, #tpu.memory_space<vmem>> -> memref<1x80xi32, #tpu.memory_space<vmem>>
          %dma_wait3A_281 = tpu.memref_squeeze %dma_wait3A_280 : memref<1x80xi32, #tpu.memory_space<vmem>> -> memref<80xi32, #tpu.memory_space<vmem>>
          %dma_wait3A_282 = arith.constant 0 : i32
          %dma_wait3A_283 = arith.constant 0 : i32
          %dma_wait3A_284 = tpu.memref_slice %arg23[%dma_wait3A_282, %dma_wait3A_283] : memref<10240x64xf32, #tpu.memory_space<vmem_shared>> -> memref<10240x64xf32, #tpu.memory_space<vmem_shared>>
          tpu.wait_indirect_dma semaphore(%arg31 : memref<!tpu.dma_semaphore, #tpu.memory_space<semaphore_mem>>) src(%arg17 : memref<80x64xf32, #tpu.memory_space<vmem>>) dst(%dma_wait3A_284 : memref<10240x64xf32, #tpu.memory_space<vmem_shared>>)
        } else {
        }
        %dma_start3A_258 = arith.constant 0 : i32
        %dma_start3A_259 = tpu.memref_slice %arg12[%add3A_253, %dma_start3A_258] : memref<125x80xi32, #tpu.memory_space<vmem>> -> memref<1x80xi32, #tpu.memory_space<vmem>>
        %dma_start3A_260 = tpu.memref_squeeze %dma_start3A_259 : memref<1x80xi32, #tpu.memory_space<vmem>> -> memref<80xi32, #tpu.memory_space<vmem>>
        %dma_start3A_261 = arith.constant 0 : i32
        %dma_start3A_262 = arith.constant 0 : i32
        %dma_start3A_263 = tpu.memref_slice %arg2[%dma_start3A_261, %dma_start3A_262] : memref<20480x64xf32, #tpu.memory_space<hbm>> -> memref<20480x64xf32, #tpu.memory_space<hbm>>
        tpu.enqueue_indirect_dma source(%dma_start3A_263 : memref<20480x64xf32, #tpu.memory_space<hbm>>) target(%arg15 : memref<80x64xf32, #tpu.memory_space<vmem>>) offsets(%dma_start3A_260 : memref<80xi32, #tpu.memory_space<vmem>>) semaphore(%arg25 : memref<!tpu.dma_semaphore, #tpu.memory_space<semaphore_mem>>)
        %dma_start3A_264 = arith.constant 0 : i32
        %dma_start3A_265 = tpu.memref_slice %arg14[%add3A_253, %dma_start3A_264] : memref<125x80xi32, #tpu.memory_space<vmem>> -> memref<1x80xi32, #tpu.memory_space<vmem>>
        %dma_start3A_266 = tpu.memref_squeeze %dma_start3A_265 : memref<1x80xi32, #tpu.memory_space<vmem>> -> memref<80xi32, #tpu.memory_space<vmem>>
        %dma_start3A_267 = arith.constant 0 : i32
        %dma_start3A_268 = arith.constant 0 : i32
        %dma_start3A_269 = tpu.memref_slice %arg19[%dma_start3A_267, %dma_start3A_268] : memref<464x64xf32, #tpu.memory_space<vmem_shared>> -> memref<464x64xf32, #tpu.memory_space<vmem_shared>>
        tpu.enqueue_indirect_dma source(%dma_start3A_269 : memref<464x64xf32, #tpu.memory_space<vmem_shared>>) target(%arg17 : memref<80x64xf32, #tpu.memory_space<vmem>>) offsets(%dma_start3A_266 : memref<80xi32, #tpu.memory_space<vmem>>) semaphore(%arg27 : memref<!tpu.dma_semaphore, #tpu.memory_space<semaphore_mem>>)
      } else {
      }
      %lt3A_246 = arith.constant 125 : i32
      %lt3A_247 = arith.cmpi slt, %add3A_227, %lt3A_246 : i32
      %convert_element_type3A_248 = arith.extui %lt3A_247 : i1 to i32
      %cond3A_249 = arith.constant 0 : i32
      %cond3A_250 = arith.cmpi ne, %convert_element_type3A_248, %cond3A_249 : i32
      scf.if %cond3A_250 {
        %dma_wait3A_252 = arith.constant 0 : i32
        %dma_wait3A_253 = tpu.memref_slice %arg12[%add3A_227, %dma_wait3A_252] : memref<125x80xi32, #tpu.memory_space<vmem>> -> memref<1x80xi32, #tpu.memory_space<vmem>>
        %dma_wait3A_254 = tpu.memref_squeeze %dma_wait3A_253 : memref<1x80xi32, #tpu.memory_space<vmem>> -> memref<80xi32, #tpu.memory_space<vmem>>
        %dma_wait3A_255 = arith.constant 0 : i32
        %dma_wait3A_256 = arith.constant 0 : i32
        %dma_wait3A_257 = tpu.memref_slice %arg2[%dma_wait3A_255, %dma_wait3A_256] : memref<20480x64xf32, #tpu.memory_space<hbm>> -> memref<20480x64xf32, #tpu.memory_space<hbm>>
        tpu.wait_indirect_dma semaphore(%arg26 : memref<!tpu.dma_semaphore, #tpu.memory_space<semaphore_mem>>) src(%dma_wait3A_257 : memref<20480x64xf32, #tpu.memory_space<hbm>>) dst(%arg16 : memref<80x64xf32, #tpu.memory_space<vmem>>)
        %dma_wait3A_258 = arith.constant 0 : i32
        %dma_wait3A_259 = tpu.memref_slice %arg14[%add3A_227, %dma_wait3A_258] : memref<125x80xi32, #tpu.memory_space<vmem>> -> memref<1x80xi32, #tpu.memory_space<vmem>>
        %dma_wait3A_260 = tpu.memref_squeeze %dma_wait3A_259 : memref<1x80xi32, #tpu.memory_space<vmem>> -> memref<80xi32, #tpu.memory_space<vmem>>
        %dma_wait3A_261 = arith.constant 0 : i32
        %dma_wait3A_262 = arith.constant 0 : i32
        %dma_wait3A_263 = tpu.memref_slice %arg19[%dma_wait3A_261, %dma_wait3A_262] : memref<464x64xf32, #tpu.memory_space<vmem_shared>> -> memref<464x64xf32, #tpu.memory_space<vmem_shared>>
        tpu.wait_indirect_dma semaphore(%arg28 : memref<!tpu.dma_semaphore, #tpu.memory_space<semaphore_mem>>) src(%dma_wait3A_263 : memref<464x64xf32, #tpu.memory_space<vmem_shared>>) dst(%arg18 : memref<80x64xf32, #tpu.memory_space<vmem>>)
        %dma_start3A_264 = arith.constant 0 : i32
        %dma_start3A_265 = tpu.memref_slice %arg13[%add3A_227, %dma_start3A_264] : memref<125x80xi32, #tpu.memory_space<vmem>> -> memref<1x80xi32, #tpu.memory_space<vmem>>
        %dma_start3A_266 = tpu.memref_squeeze %dma_start3A_265 : memref<1x80xi32, #tpu.memory_space<vmem>> -> memref<80xi32, #tpu.memory_space<vmem>>
        %dma_start3A_267 = arith.constant 0 : i32
        %dma_start3A_268 = arith.constant 0 : i32
        %dma_start3A_269 = tpu.memref_slice %arg23[%dma_start3A_267, %dma_start3A_268] : memref<10240x64xf32, #tpu.memory_space<vmem_shared>> -> memref<10240x64xf32, #tpu.memory_space<vmem_shared>>
        tpu.enqueue_indirect_dma source(%arg16 : memref<80x64xf32, #tpu.memory_space<vmem>>) target(%dma_start3A_269 : memref<10240x64xf32, #tpu.memory_space<vmem_shared>>) offsets(%dma_start3A_266 : memref<80xi32, #tpu.memory_space<vmem>>) semaphore(%arg30 : memref<!tpu.dma_semaphore, #tpu.memory_space<semaphore_mem>>) {add = true}
        %dma_start3A_270 = arith.constant 0 : i32
        %dma_start3A_271 = tpu.memref_slice %arg13[%add3A_227, %dma_start3A_270] : memref<125x80xi32, #tpu.memory_space<vmem>> -> memref<1x80xi32, #tpu.memory_space<vmem>>
        %dma_start3A_272 = tpu.memref_squeeze %dma_start3A_271 : memref<1x80xi32, #tpu.memory_space<vmem>> -> memref<80xi32, #tpu.memory_space<vmem>>
        %dma_start3A_273 = arith.constant 0 : i32
        %dma_start3A_274 = arith.constant 0 : i32
        %dma_start3A_275 = tpu.memref_slice %arg23[%dma_start3A_273, %dma_start3A_274] : memref<10240x64xf32, #tpu.memory_space<vmem_shared>> -> memref<10240x64xf32, #tpu.memory_space<vmem_shared>>
        tpu.enqueue_indirect_dma source(%arg18 : memref<80x64xf32, #tpu.memory_space<vmem>>) target(%dma_start3A_275 : memref<10240x64xf32, #tpu.memory_space<vmem_shared>>) offsets(%dma_start3A_272 : memref<80xi32, #tpu.memory_space<vmem>>) semaphore(%arg32 : memref<!tpu.dma_semaphore, #tpu.memory_space<semaphore_mem>>) {add = true}
        %ge3A = arith.constant 1 : i32
        %ge3A_276 = arith.cmpi sge, %add3A_227, %ge3A : i32
        %convert_element_type3A_277 = arith.extui %ge3A_276 : i1 to i32
        %cond3A_278 = arith.constant 0 : i32
        %cond3A_279 = arith.cmpi ne, %convert_element_type3A_277, %cond3A_278 : i32
        scf.if %cond3A_279 {
          %sub3A = arith.constant 1 : i32
          %sub3A_285 = arith.subi %add3A_227, %sub3A : i32
          %dma_wait3A_286 = arith.constant 0 : i32
          %dma_wait3A_287 = tpu.memref_slice %arg13[%sub3A_285, %dma_wait3A_286] : memref<125x80xi32, #tpu.memory_space<vmem>> -> memref<1x80xi32, #tpu.memory_space<vmem>>
          %dma_wait3A_288 = tpu.memref_squeeze %dma_wait3A_287 : memref<1x80xi32, #tpu.memory_space<vmem>> -> memref<80xi32, #tpu.memory_space<vmem>>
          %dma_wait3A_289 = arith.constant 0 : i32
          %dma_wait3A_290 = tpu.memref_slice %arg24[%dma_wait3A_289] : memref<10240xf32, #tpu.memory_space<vmem_shared>> -> memref<10240xf32, #tpu.memory_space<vmem_shared>>
          tpu.wait_indirect_dma semaphore(%arg33 : memref<!tpu.dma_semaphore, #tpu.memory_space<semaphore_mem>>) src(%arg20 : memref<80xf32, #tpu.memory_space<vmem>>) dst(%dma_wait3A_290 : memref<10240xf32, #tpu.memory_space<vmem_shared>>)
        } else {
        }
        %dma_start3A_280 = arith.constant 0 : i32
        %dma_start3A_281 = tpu.memref_slice %arg13[%add3A_227, %dma_start3A_280] : memref<125x80xi32, #tpu.memory_space<vmem>> -> memref<1x80xi32, #tpu.memory_space<vmem>>
        %dma_start3A_282 = tpu.memref_squeeze %dma_start3A_281 : memref<1x80xi32, #tpu.memory_space<vmem>> -> memref<80xi32, #tpu.memory_space<vmem>>
        %dma_start3A_283 = arith.constant 0 : i32
        %dma_start3A_284 = tpu.memref_slice %arg24[%dma_start3A_283] : memref<10240xf32, #tpu.memory_space<vmem_shared>> -> memref<10240xf32, #tpu.memory_space<vmem_shared>>
        tpu.enqueue_indirect_dma source(%arg20 : memref<80xf32, #tpu.memory_space<vmem>>) target(%dma_start3A_284 : memref<10240xf32, #tpu.memory_space<vmem_shared>>) offsets(%dma_start3A_282 : memref<80xi32, #tpu.memory_space<vmem>>) semaphore(%arg33 : memref<!tpu.dma_semaphore, #tpu.memory_space<semaphore_mem>>) {add = true}
      } else {
      }
      %scan3A_251 = arith.constant 0 : i32
      scf.yield %scan3A_251 : i32
    }
    %scan3A_55 = arith.constant 63 : i32
    %dma_wait3A = arith.constant 123 : i32
    %dma_wait3A_56 = arith.constant 0 : i32
    %dma_wait3A_57 = tpu.memref_slice %arg13[%dma_wait3A, %dma_wait3A_56] : memref<125x80xi32, #tpu.memory_space<vmem>> -> memref<1x80xi32, #tpu.memory_space<vmem>>
    %dma_wait3A_58 = tpu.memref_squeeze %dma_wait3A_57 : memref<1x80xi32, #tpu.memory_space<vmem>> -> memref<80xi32, #tpu.memory_space<vmem>>
    %dma_wait3A_59 = arith.constant 0 : i32
    %dma_wait3A_60 = arith.constant 0 : i32
    %dma_wait3A_61 = tpu.memref_slice %arg23[%dma_wait3A_59, %dma_wait3A_60] : memref<10240x64xf32, #tpu.memory_space<vmem_shared>> -> memref<10240x64xf32, #tpu.memory_space<vmem_shared>>
    tpu.wait_indirect_dma semaphore(%arg30 : memref<!tpu.dma_semaphore, #tpu.memory_space<semaphore_mem>>) src(%arg16 : memref<80x64xf32, #tpu.memory_space<vmem>>) dst(%dma_wait3A_61 : memref<10240x64xf32, #tpu.memory_space<vmem_shared>>)
    %dma_wait3A_62 = arith.constant 123 : i32
    %dma_wait3A_63 = arith.constant 0 : i32
    %dma_wait3A_64 = tpu.memref_slice %arg13[%dma_wait3A_62, %dma_wait3A_63] : memref<125x80xi32, #tpu.memory_space<vmem>> -> memref<1x80xi32, #tpu.memory_space<vmem>>
    %dma_wait3A_65 = tpu.memref_squeeze %dma_wait3A_64 : memref<1x80xi32, #tpu.memory_space<vmem>> -> memref<80xi32, #tpu.memory_space<vmem>>
    %dma_wait3A_66 = arith.constant 0 : i32
    %dma_wait3A_67 = arith.constant 0 : i32
    %dma_wait3A_68 = tpu.memref_slice %arg23[%dma_wait3A_66, %dma_wait3A_67] : memref<10240x64xf32, #tpu.memory_space<vmem_shared>> -> memref<10240x64xf32, #tpu.memory_space<vmem_shared>>
    tpu.wait_indirect_dma semaphore(%arg32 : memref<!tpu.dma_semaphore, #tpu.memory_space<semaphore_mem>>) src(%arg18 : memref<80x64xf32, #tpu.memory_space<vmem>>) dst(%dma_wait3A_68 : memref<10240x64xf32, #tpu.memory_space<vmem_shared>>)
    %dma_wait3A_69 = arith.constant 124 : i32
    %dma_wait3A_70 = arith.constant 0 : i32
    %dma_wait3A_71 = tpu.memref_slice %arg13[%dma_wait3A_69, %dma_wait3A_70] : memref<125x80xi32, #tpu.memory_space<vmem>> -> memref<1x80xi32, #tpu.memory_space<vmem>>
    %dma_wait3A_72 = tpu.memref_squeeze %dma_wait3A_71 : memref<1x80xi32, #tpu.memory_space<vmem>> -> memref<80xi32, #tpu.memory_space<vmem>>
    %dma_wait3A_73 = arith.constant 0 : i32
    %dma_wait3A_74 = arith.constant 0 : i32
    %dma_wait3A_75 = tpu.memref_slice %arg23[%dma_wait3A_73, %dma_wait3A_74] : memref<10240x64xf32, #tpu.memory_space<vmem_shared>> -> memref<10240x64xf32, #tpu.memory_space<vmem_shared>>
    tpu.wait_indirect_dma semaphore(%arg29 : memref<!tpu.dma_semaphore, #tpu.memory_space<semaphore_mem>>) src(%arg15 : memref<80x64xf32, #tpu.memory_space<vmem>>) dst(%dma_wait3A_75 : memref<10240x64xf32, #tpu.memory_space<vmem_shared>>)
    %dma_wait3A_76 = arith.constant 124 : i32
    %dma_wait3A_77 = arith.constant 0 : i32
    %dma_wait3A_78 = tpu.memref_slice %arg13[%dma_wait3A_76, %dma_wait3A_77] : memref<125x80xi32, #tpu.memory_space<vmem>> -> memref<1x80xi32, #tpu.memory_space<vmem>>
    %dma_wait3A_79 = tpu.memref_squeeze %dma_wait3A_78 : memref<1x80xi32, #tpu.memory_space<vmem>> -> memref<80xi32, #tpu.memory_space<vmem>>
    %dma_wait3A_80 = arith.constant 0 : i32
    %dma_wait3A_81 = arith.constant 0 : i32
    %dma_wait3A_82 = tpu.memref_slice %arg23[%dma_wait3A_80, %dma_wait3A_81] : memref<10240x64xf32, #tpu.memory_space<vmem_shared>> -> memref<10240x64xf32, #tpu.memory_space<vmem_shared>>
    tpu.wait_indirect_dma semaphore(%arg31 : memref<!tpu.dma_semaphore, #tpu.memory_space<semaphore_mem>>) src(%arg17 : memref<80x64xf32, #tpu.memory_space<vmem>>) dst(%dma_wait3A_82 : memref<10240x64xf32, #tpu.memory_space<vmem_shared>>)
    %dma_wait3A_83 = arith.constant 124 : i32
    %dma_wait3A_84 = arith.constant 0 : i32
    %dma_wait3A_85 = tpu.memref_slice %arg13[%dma_wait3A_83, %dma_wait3A_84] : memref<125x80xi32, #tpu.memory_space<vmem>> -> memref<1x80xi32, #tpu.memory_space<vmem>>
    %dma_wait3A_86 = tpu.memref_squeeze %dma_wait3A_85 : memref<1x80xi32, #tpu.memory_space<vmem>> -> memref<80xi32, #tpu.memory_space<vmem>>
    %dma_wait3A_87 = arith.constant 0 : i32
    %dma_wait3A_88 = tpu.memref_slice %arg24[%dma_wait3A_87] : memref<10240xf32, #tpu.memory_space<vmem_shared>> -> memref<10240xf32, #tpu.memory_space<vmem_shared>>
    tpu.wait_indirect_dma semaphore(%arg33 : memref<!tpu.dma_semaphore, #tpu.memory_space<semaphore_mem>>) src(%arg20 : memref<80xf32, #tpu.memory_space<vmem>>) dst(%dma_wait3A_88 : memref<10240xf32, #tpu.memory_space<vmem_shared>>)
    %barrier3A_89 = arith.constant 0 : index
    tpu.barrier barrier_id(%barrier3A_89)
    %add3A_90 = arith.constant 0 : i32
    %add3A_91 = arith.addi %mul3A_2, %add3A_90 : i32
    "tpu.region"() ({
      %run_scoped3A = tpu.sem_alloc : memref<!tpu.dma_semaphore, #tpu.memory_space<semaphore_mem>>
      %dma_start3A_222 = arith.constant 0 : i32
      %dma_start3A_223 = tpu.memref_slice %arg23[%add3A_91, %dma_start3A_222] : memref<10240x64xf32, #tpu.memory_space<vmem_shared>> -> memref<128x64xf32, #tpu.memory_space<vmem_shared>>
      %dma_start3A_224 = arith.constant 0 : i32
      %dma_start3A_225 = tpu.memref_slice %arg23[%add3A_91, %dma_start3A_224] : memref<10240x64xf32, #tpu.memory_space<vmem_shared>> -> memref<128x64xf32, #tpu.memory_space<vmem_shared>>
      tpu.enqueue_dma source(%dma_start3A_225 : memref<128x64xf32, #tpu.memory_space<vmem_shared>>) target(%arg21 : memref<128x64xf32, #tpu.memory_space<vmem>>) target_semaphore(%run_scoped3A : memref<!tpu.dma_semaphore, #tpu.memory_space<semaphore_mem>>)
      %dma_wait3A_226 = arith.constant 0 : i32
      %dma_wait3A_227 = tpu.memref_slice %arg23[%add3A_91, %dma_wait3A_226] : memref<10240x64xf32, #tpu.memory_space<vmem_shared>> -> memref<128x64xf32, #tpu.memory_space<vmem_shared>>
      %dma_wait3A_228 = arith.constant 0 : i32
      %dma_wait3A_229 = tpu.memref_slice %arg23[%add3A_91, %dma_wait3A_228] : memref<10240x64xf32, #tpu.memory_space<vmem_shared>> -> memref<128x64xf32, #tpu.memory_space<vmem_shared>>
      tpu.wait_dma2 semaphore(%run_scoped3A : memref<!tpu.dma_semaphore, #tpu.memory_space<semaphore_mem>>) src(%dma_wait3A_229 : memref<128x64xf32, #tpu.memory_space<vmem_shared>>) dst(%arg21 : memref<128x64xf32, #tpu.memory_space<vmem>>)
      tpu.yield
    }) : () -> ()
    %mul3A_92 = arith.constant 10240 : i32
    %mul3A_93 = arith.muli %arg0, %mul3A_92 : i32
    %add3A_94 = arith.addi %mul3A_93, %add3A_91 : i32
    "tpu.region"() ({
      %run_scoped3A = tpu.sem_alloc : memref<!tpu.dma_semaphore, #tpu.memory_space<semaphore_mem>>
      %dma_start3A_222 = arith.constant 0 : i32
      %dma_start3A_223 = tpu.memref_slice %arg9[%add3A_94, %dma_start3A_222] : memref<20480x64xf32, #tpu.memory_space<hbm>> -> memref<128x64xf32, #tpu.memory_space<hbm>>
      %dma_start3A_224 = arith.constant 0 : i32
      %dma_start3A_225 = tpu.memref_slice %arg9[%add3A_94, %dma_start3A_224] : memref<20480x64xf32, #tpu.memory_space<hbm>> -> memref<128x64xf32, #tpu.memory_space<hbm>>
      tpu.enqueue_dma source(%arg21 : memref<128x64xf32, #tpu.memory_space<vmem>>) target(%dma_start3A_225 : memref<128x64xf32, #tpu.memory_space<hbm>>) target_semaphore(%run_scoped3A : memref<!tpu.dma_semaphore, #tpu.memory_space<semaphore_mem>>)
      %dma_wait3A_226 = arith.constant 0 : i32
      %dma_wait3A_227 = tpu.memref_slice %arg9[%add3A_94, %dma_wait3A_226] : memref<20480x64xf32, #tpu.memory_space<hbm>> -> memref<128x64xf32, #tpu.memory_space<hbm>>
      %dma_wait3A_228 = arith.constant 0 : i32
      %dma_wait3A_229 = tpu.memref_slice %arg9[%add3A_94, %dma_wait3A_228] : memref<20480x64xf32, #tpu.memory_space<hbm>> -> memref<128x64xf32, #tpu.memory_space<hbm>>
      tpu.wait_dma2 semaphore(%run_scoped3A : memref<!tpu.dma_semaphore, #tpu.memory_space<semaphore_mem>>) src(%arg21 : memref<128x64xf32, #tpu.memory_space<vmem>>) dst(%dma_wait3A_229 : memref<128x64xf32, #tpu.memory_space<hbm>>)
      tpu.yield
    }) : () -> ()
    %add3A_95 = arith.constant 128 : i32
    %add3A_96 = arith.addi %mul3A_2, %add3A_95 : i32
    "tpu.region"() ({
      %run_scoped3A = tpu.sem_alloc : memref<!tpu.dma_semaphore, #tpu.memory_space<semaphore_mem>>
      %dma_start3A_222 = arith.constant 0 : i32
      %dma_start3A_223 = tpu.memref_slice %arg23[%add3A_96, %dma_start3A_222] : memref<10240x64xf32, #tpu.memory_space<vmem_shared>> -> memref<128x64xf32, #tpu.memory_space<vmem_shared>>
      %dma_start3A_224 = arith.constant 0 : i32
      %dma_start3A_225 = tpu.memref_slice %arg23[%add3A_96, %dma_start3A_224] : memref<10240x64xf32, #tpu.memory_space<vmem_shared>> -> memref<128x64xf32, #tpu.memory_space<vmem_shared>>
      tpu.enqueue_dma source(%dma_start3A_225 : memref<128x64xf32, #tpu.memory_space<vmem_shared>>) target(%arg21 : memref<128x64xf32, #tpu.memory_space<vmem>>) target_semaphore(%run_scoped3A : memref<!tpu.dma_semaphore, #tpu.memory_space<semaphore_mem>>)
      %dma_wait3A_226 = arith.constant 0 : i32
      %dma_wait3A_227 = tpu.memref_slice %arg23[%add3A_96, %dma_wait3A_226] : memref<10240x64xf32, #tpu.memory_space<vmem_shared>> -> memref<128x64xf32, #tpu.memory_space<vmem_shared>>
      %dma_wait3A_228 = arith.constant 0 : i32
      %dma_wait3A_229 = tpu.memref_slice %arg23[%add3A_96, %dma_wait3A_228] : memref<10240x64xf32, #tpu.memory_space<vmem_shared>> -> memref<128x64xf32, #tpu.memory_space<vmem_shared>>
      tpu.wait_dma2 semaphore(%run_scoped3A : memref<!tpu.dma_semaphore, #tpu.memory_space<semaphore_mem>>) src(%dma_wait3A_229 : memref<128x64xf32, #tpu.memory_space<vmem_shared>>) dst(%arg21 : memref<128x64xf32, #tpu.memory_space<vmem>>)
      tpu.yield
    }) : () -> ()
    %mul3A_97 = arith.constant 10240 : i32
    %mul3A_98 = arith.muli %arg0, %mul3A_97 : i32
    %add3A_99 = arith.addi %mul3A_98, %add3A_96 : i32
    "tpu.region"() ({
      %run_scoped3A = tpu.sem_alloc : memref<!tpu.dma_semaphore, #tpu.memory_space<semaphore_mem>>
      %dma_start3A_222 = arith.constant 0 : i32
      %dma_start3A_223 = tpu.memref_slice %arg9[%add3A_99, %dma_start3A_222] : memref<20480x64xf32, #tpu.memory_space<hbm>> -> memref<128x64xf32, #tpu.memory_space<hbm>>
      %dma_start3A_224 = arith.constant 0 : i32
      %dma_start3A_225 = tpu.memref_slice %arg9[%add3A_99, %dma_start3A_224] : memref<20480x64xf32, #tpu.memory_space<hbm>> -> memref<128x64xf32, #tpu.memory_space<hbm>>
      tpu.enqueue_dma source(%arg21 : memref<128x64xf32, #tpu.memory_space<vmem>>) target(%dma_start3A_225 : memref<128x64xf32, #tpu.memory_space<hbm>>) target_semaphore(%run_scoped3A : memref<!tpu.dma_semaphore, #tpu.memory_space<semaphore_mem>>)
      %dma_wait3A_226 = arith.constant 0 : i32
      %dma_wait3A_227 = tpu.memref_slice %arg9[%add3A_99, %dma_wait3A_226] : memref<20480x64xf32, #tpu.memory_space<hbm>> -> memref<128x64xf32, #tpu.memory_space<hbm>>
      %dma_wait3A_228 = arith.constant 0 : i32
      %dma_wait3A_229 = tpu.memref_slice %arg9[%add3A_99, %dma_wait3A_228] : memref<20480x64xf32, #tpu.memory_space<hbm>> -> memref<128x64xf32, #tpu.memory_space<hbm>>
      tpu.wait_dma2 semaphore(%run_scoped3A : memref<!tpu.dma_semaphore, #tpu.memory_space<semaphore_mem>>) src(%arg21 : memref<128x64xf32, #tpu.memory_space<vmem>>) dst(%dma_wait3A_229 : memref<128x64xf32, #tpu.memory_space<hbm>>)
      tpu.yield
    }) : () -> ()
    %add3A_100 = arith.constant 256 : i32
    %add3A_101 = arith.addi %mul3A_2, %add3A_100 : i32
    "tpu.region"() ({
      %run_scoped3A = tpu.sem_alloc : memref<!tpu.dma_semaphore, #tpu.memory_space<semaphore_mem>>
      %dma_start3A_222 = arith.constant 0 : i32
      %dma_start3A_223 = tpu.memref_slice %arg23[%add3A_101, %dma_start3A_222] : memref<10240x64xf32, #tpu.memory_space<vmem_shared>> -> memref<128x64xf32, #tpu.memory_space<vmem_shared>>
      %dma_start3A_224 = arith.constant 0 : i32
      %dma_start3A_225 = tpu.memref_slice %arg23[%add3A_101, %dma_start3A_224] : memref<10240x64xf32, #tpu.memory_space<vmem_shared>> -> memref<128x64xf32, #tpu.memory_space<vmem_shared>>
      tpu.enqueue_dma source(%dma_start3A_225 : memref<128x64xf32, #tpu.memory_space<vmem_shared>>) target(%arg21 : memref<128x64xf32, #tpu.memory_space<vmem>>) target_semaphore(%run_scoped3A : memref<!tpu.dma_semaphore, #tpu.memory_space<semaphore_mem>>)
      %dma_wait3A_226 = arith.constant 0 : i32
      %dma_wait3A_227 = tpu.memref_slice %arg23[%add3A_101, %dma_wait3A_226] : memref<10240x64xf32, #tpu.memory_space<vmem_shared>> -> memref<128x64xf32, #tpu.memory_space<vmem_shared>>
      %dma_wait3A_228 = arith.constant 0 : i32
      %dma_wait3A_229 = tpu.memref_slice %arg23[%add3A_101, %dma_wait3A_228] : memref<10240x64xf32, #tpu.memory_space<vmem_shared>> -> memref<128x64xf32, #tpu.memory_space<vmem_shared>>
      tpu.wait_dma2 semaphore(%run_scoped3A : memref<!tpu.dma_semaphore, #tpu.memory_space<semaphore_mem>>) src(%dma_wait3A_229 : memref<128x64xf32, #tpu.memory_space<vmem_shared>>) dst(%arg21 : memref<128x64xf32, #tpu.memory_space<vmem>>)
      tpu.yield
    }) : () -> ()
    %mul3A_102 = arith.constant 10240 : i32
    %mul3A_103 = arith.muli %arg0, %mul3A_102 : i32
    %add3A_104 = arith.addi %mul3A_103, %add3A_101 : i32
    "tpu.region"() ({
      %run_scoped3A = tpu.sem_alloc : memref<!tpu.dma_semaphore, #tpu.memory_space<semaphore_mem>>
      %dma_start3A_222 = arith.constant 0 : i32
      %dma_start3A_223 = tpu.memref_slice %arg9[%add3A_104, %dma_start3A_222] : memref<20480x64xf32, #tpu.memory_space<hbm>> -> memref<128x64xf32, #tpu.memory_space<hbm>>
      %dma_start3A_224 = arith.constant 0 : i32
      %dma_start3A_225 = tpu.memref_slice %arg9[%add3A_104, %dma_start3A_224] : memref<20480x64xf32, #tpu.memory_space<hbm>> -> memref<128x64xf32, #tpu.memory_space<hbm>>
      tpu.enqueue_dma source(%arg21 : memref<128x64xf32, #tpu.memory_space<vmem>>) target(%dma_start3A_225 : memref<128x64xf32, #tpu.memory_space<hbm>>) target_semaphore(%run_scoped3A : memref<!tpu.dma_semaphore, #tpu.memory_space<semaphore_mem>>)
      %dma_wait3A_226 = arith.constant 0 : i32
      %dma_wait3A_227 = tpu.memref_slice %arg9[%add3A_104, %dma_wait3A_226] : memref<20480x64xf32, #tpu.memory_space<hbm>> -> memref<128x64xf32, #tpu.memory_space<hbm>>
      %dma_wait3A_228 = arith.constant 0 : i32
      %dma_wait3A_229 = tpu.memref_slice %arg9[%add3A_104, %dma_wait3A_228] : memref<20480x64xf32, #tpu.memory_space<hbm>> -> memref<128x64xf32, #tpu.memory_space<hbm>>
      tpu.wait_dma2 semaphore(%run_scoped3A : memref<!tpu.dma_semaphore, #tpu.memory_space<semaphore_mem>>) src(%arg21 : memref<128x64xf32, #tpu.memory_space<vmem>>) dst(%dma_wait3A_229 : memref<128x64xf32, #tpu.memory_space<hbm>>)
      tpu.yield
    }) : () -> ()
    %add3A_105 = arith.constant 384 : i32
    %add3A_106 = arith.addi %mul3A_2, %add3A_105 : i32
    "tpu.region"() ({
      %run_scoped3A = tpu.sem_alloc : memref<!tpu.dma_semaphore, #tpu.memory_space<semaphore_mem>>
      %dma_start3A_222 = arith.constant 0 : i32
      %dma_start3A_223 = tpu.memref_slice %arg23[%add3A_106, %dma_start3A_222] : memref<10240x64xf32, #tpu.memory_space<vmem_shared>> -> memref<128x64xf32, #tpu.memory_space<vmem_shared>>
      %dma_start3A_224 = arith.constant 0 : i32
      %dma_start3A_225 = tpu.memref_slice %arg23[%add3A_106, %dma_start3A_224] : memref<10240x64xf32, #tpu.memory_space<vmem_shared>> -> memref<128x64xf32, #tpu.memory_space<vmem_shared>>
      tpu.enqueue_dma source(%dma_start3A_225 : memref<128x64xf32, #tpu.memory_space<vmem_shared>>) target(%arg21 : memref<128x64xf32, #tpu.memory_space<vmem>>) target_semaphore(%run_scoped3A : memref<!tpu.dma_semaphore, #tpu.memory_space<semaphore_mem>>)
      %dma_wait3A_226 = arith.constant 0 : i32
      %dma_wait3A_227 = tpu.memref_slice %arg23[%add3A_106, %dma_wait3A_226] : memref<10240x64xf32, #tpu.memory_space<vmem_shared>> -> memref<128x64xf32, #tpu.memory_space<vmem_shared>>
      %dma_wait3A_228 = arith.constant 0 : i32
      %dma_wait3A_229 = tpu.memref_slice %arg23[%add3A_106, %dma_wait3A_228] : memref<10240x64xf32, #tpu.memory_space<vmem_shared>> -> memref<128x64xf32, #tpu.memory_space<vmem_shared>>
      tpu.wait_dma2 semaphore(%run_scoped3A : memref<!tpu.dma_semaphore, #tpu.memory_space<semaphore_mem>>) src(%dma_wait3A_229 : memref<128x64xf32, #tpu.memory_space<vmem_shared>>) dst(%arg21 : memref<128x64xf32, #tpu.memory_space<vmem>>)
      tpu.yield
    }) : () -> ()
    %mul3A_107 = arith.constant 10240 : i32
    %mul3A_108 = arith.muli %arg0, %mul3A_107 : i32
    %add3A_109 = arith.addi %mul3A_108, %add3A_106 : i32
    "tpu.region"() ({
      %run_scoped3A = tpu.sem_alloc : memref<!tpu.dma_semaphore, #tpu.memory_space<semaphore_mem>>
      %dma_start3A_222 = arith.constant 0 : i32
      %dma_start3A_223 = tpu.memref_slice %arg9[%add3A_109, %dma_start3A_222] : memref<20480x64xf32, #tpu.memory_space<hbm>> -> memref<128x64xf32, #tpu.memory_space<hbm>>
      %dma_start3A_224 = arith.constant 0 : i32
      %dma_start3A_225 = tpu.memref_slice %arg9[%add3A_109, %dma_start3A_224] : memref<20480x64xf32, #tpu.memory_space<hbm>> -> memref<128x64xf32, #tpu.memory_space<hbm>>
      tpu.enqueue_dma source(%arg21 : memref<128x64xf32, #tpu.memory_space<vmem>>) target(%dma_start3A_225 : memref<128x64xf32, #tpu.memory_space<hbm>>) target_semaphore(%run_scoped3A : memref<!tpu.dma_semaphore, #tpu.memory_space<semaphore_mem>>)
      %dma_wait3A_226 = arith.constant 0 : i32
      %dma_wait3A_227 = tpu.memref_slice %arg9[%add3A_109, %dma_wait3A_226] : memref<20480x64xf32, #tpu.memory_space<hbm>> -> memref<128x64xf32, #tpu.memory_space<hbm>>
      %dma_wait3A_228 = arith.constant 0 : i32
      %dma_wait3A_229 = tpu.memref_slice %arg9[%add3A_109, %dma_wait3A_228] : memref<20480x64xf32, #tpu.memory_space<hbm>> -> memref<128x64xf32, #tpu.memory_space<hbm>>
      tpu.wait_dma2 semaphore(%run_scoped3A : memref<!tpu.dma_semaphore, #tpu.memory_space<semaphore_mem>>) src(%arg21 : memref<128x64xf32, #tpu.memory_space<vmem>>) dst(%dma_wait3A_229 : memref<128x64xf32, #tpu.memory_space<hbm>>)
      tpu.yield
    }) : () -> ()
    %add3A_110 = arith.constant 512 : i32
    %add3A_111 = arith.addi %mul3A_2, %add3A_110 : i32
    "tpu.region"() ({
      %run_scoped3A = tpu.sem_alloc : memref<!tpu.dma_semaphore, #tpu.memory_space<semaphore_mem>>
      %dma_start3A_222 = arith.constant 0 : i32
      %dma_start3A_223 = tpu.memref_slice %arg23[%add3A_111, %dma_start3A_222] : memref<10240x64xf32, #tpu.memory_space<vmem_shared>> -> memref<128x64xf32, #tpu.memory_space<vmem_shared>>
      %dma_start3A_224 = arith.constant 0 : i32
      %dma_start3A_225 = tpu.memref_slice %arg23[%add3A_111, %dma_start3A_224] : memref<10240x64xf32, #tpu.memory_space<vmem_shared>> -> memref<128x64xf32, #tpu.memory_space<vmem_shared>>
      tpu.enqueue_dma source(%dma_start3A_225 : memref<128x64xf32, #tpu.memory_space<vmem_shared>>) target(%arg21 : memref<128x64xf32, #tpu.memory_space<vmem>>) target_semaphore(%run_scoped3A : memref<!tpu.dma_semaphore, #tpu.memory_space<semaphore_mem>>)
      %dma_wait3A_226 = arith.constant 0 : i32
      %dma_wait3A_227 = tpu.memref_slice %arg23[%add3A_111, %dma_wait3A_226] : memref<10240x64xf32, #tpu.memory_space<vmem_shared>> -> memref<128x64xf32, #tpu.memory_space<vmem_shared>>
      %dma_wait3A_228 = arith.constant 0 : i32
      %dma_wait3A_229 = tpu.memref_slice %arg23[%add3A_111, %dma_wait3A_228] : memref<10240x64xf32, #tpu.memory_space<vmem_shared>> -> memref<128x64xf32, #tpu.memory_space<vmem_shared>>
      tpu.wait_dma2 semaphore(%run_scoped3A : memref<!tpu.dma_semaphore, #tpu.memory_space<semaphore_mem>>) src(%dma_wait3A_229 : memref<128x64xf32, #tpu.memory_space<vmem_shared>>) dst(%arg21 : memref<128x64xf32, #tpu.memory_space<vmem>>)
      tpu.yield
    }) : () -> ()
    %mul3A_112 = arith.constant 10240 : i32
    %mul3A_113 = arith.muli %arg0, %mul3A_112 : i32
    %add3A_114 = arith.addi %mul3A_113, %add3A_111 : i32
    "tpu.region"() ({
      %run_scoped3A = tpu.sem_alloc : memref<!tpu.dma_semaphore, #tpu.memory_space<semaphore_mem>>
      %dma_start3A_222 = arith.constant 0 : i32
      %dma_start3A_223 = tpu.memref_slice %arg9[%add3A_114, %dma_start3A_222] : memref<20480x64xf32, #tpu.memory_space<hbm>> -> memref<128x64xf32, #tpu.memory_space<hbm>>
      %dma_start3A_224 = arith.constant 0 : i32
      %dma_start3A_225 = tpu.memref_slice %arg9[%add3A_114, %dma_start3A_224] : memref<20480x64xf32, #tpu.memory_space<hbm>> -> memref<128x64xf32, #tpu.memory_space<hbm>>
      tpu.enqueue_dma source(%arg21 : memref<128x64xf32, #tpu.memory_space<vmem>>) target(%dma_start3A_225 : memref<128x64xf32, #tpu.memory_space<hbm>>) target_semaphore(%run_scoped3A : memref<!tpu.dma_semaphore, #tpu.memory_space<semaphore_mem>>)
      %dma_wait3A_226 = arith.constant 0 : i32
      %dma_wait3A_227 = tpu.memref_slice %arg9[%add3A_114, %dma_wait3A_226] : memref<20480x64xf32, #tpu.memory_space<hbm>> -> memref<128x64xf32, #tpu.memory_space<hbm>>
      %dma_wait3A_228 = arith.constant 0 : i32
      %dma_wait3A_229 = tpu.memref_slice %arg9[%add3A_114, %dma_wait3A_228] : memref<20480x64xf32, #tpu.memory_space<hbm>> -> memref<128x64xf32, #tpu.memory_space<hbm>>
      tpu.wait_dma2 semaphore(%run_scoped3A : memref<!tpu.dma_semaphore, #tpu.memory_space<semaphore_mem>>) src(%arg21 : memref<128x64xf32, #tpu.memory_space<vmem>>) dst(%dma_wait3A_229 : memref<128x64xf32, #tpu.memory_space<hbm>>)
      tpu.yield
    }) : () -> ()
    %barrier3A_115 = arith.constant 0 : index
    tpu.barrier barrier_id(%barrier3A_115)
    %broadcast_in_dim3A_116 = arith.constant 0.000000e+00 : f32
    %broadcast_in_dim3A_117 = vector.broadcast %broadcast_in_dim3A_116 : f32 to vector<16xf32>
    %scan3A_118 = arith.constant 0 : i32
    %scan3A_119 = arith.constant 0 : i32
    %scan3A_120 = arith.constant 128 : i32
    %scan3A_121 = arith.addi %scan3A_119, %scan3A_120 : i32
    %scan3A_122 = arith.constant 1 : i32
    %scan3A_123 = scf.for %scan3A_222 = %scan3A_119 to %scan3A_121 step %scan3A_122 iter_args(%scan3A_223 = %scan3A_118) -> (i32)  : i32 {
      %swap3A = arith.index_cast %scan3A_222 : i32 to index
      %swap3A_224 = arith.constant 0 : index
      %swap3A_225 = tpu.vector_load %arg21[%swap3A, %swap3A_224] {strides = array<i32>} : memref<128x64xf32, #tpu.memory_space<vmem>>, vector<1x16xf32>,
      %swap3A_226 = vector.shape_cast %swap3A_225 : vector<1x16xf32> to vector<16xf32>
      %swap3A_227 = vector.shape_cast %broadcast_in_dim3A_117 : vector<16xf32> to vector<1x16xf32>
      tpu.vector_store %arg21[%swap3A, %swap3A_224], %swap3A_227 {strides = array<i32>} : memref<128x64xf32, #tpu.memory_space<vmem>>, vector<1x16xf32>,
      %swap3A_228 = arith.index_cast %scan3A_222 : i32 to index
      %swap3A_229 = arith.constant 16 : index
      %swap3A_230 = tpu.vector_load %arg21[%swap3A_228, %swap3A_229] {strides = array<i32>} : memref<128x64xf32, #tpu.memory_space<vmem>>, vector<1x16xf32>,
      %swap3A_231 = vector.shape_cast %swap3A_230 : vector<1x16xf32> to vector<16xf32>
      %swap3A_232 = vector.shape_cast %broadcast_in_dim3A_117 : vector<16xf32> to vector<1x16xf32>
      tpu.vector_store %arg21[%swap3A_228, %swap3A_229], %swap3A_232 {strides = array<i32>} : memref<128x64xf32, #tpu.memory_space<vmem>>, vector<1x16xf32>,
      %swap3A_233 = arith.index_cast %scan3A_222 : i32 to index
      %swap3A_234 = arith.constant 32 : index
      %swap3A_235 = tpu.vector_load %arg21[%swap3A_233, %swap3A_234] {strides = array<i32>} : memref<128x64xf32, #tpu.memory_space<vmem>>, vector<1x16xf32>,
      %swap3A_236 = vector.shape_cast %swap3A_235 : vector<1x16xf32> to vector<16xf32>
      %swap3A_237 = vector.shape_cast %broadcast_in_dim3A_117 : vector<16xf32> to vector<1x16xf32>
      tpu.vector_store %arg21[%swap3A_233, %swap3A_234], %swap3A_237 {strides = array<i32>} : memref<128x64xf32, #tpu.memory_space<vmem>>, vector<1x16xf32>,
      %swap3A_238 = arith.index_cast %scan3A_222 : i32 to index
      %swap3A_239 = arith.constant 48 : index
      %swap3A_240 = tpu.vector_load %arg21[%swap3A_238, %swap3A_239] {strides = array<i32>} : memref<128x64xf32, #tpu.memory_space<vmem>>, vector<1x16xf32>,
      %swap3A_241 = vector.shape_cast %swap3A_240 : vector<1x16xf32> to vector<16xf32>
      %swap3A_242 = vector.shape_cast %broadcast_in_dim3A_117 : vector<16xf32> to vector<1x16xf32>
      tpu.vector_store %arg21[%swap3A_238, %swap3A_239], %swap3A_242 {strides = array<i32>} : memref<128x64xf32, #tpu.memory_space<vmem>>, vector<1x16xf32>,
      %scan3A_243 = arith.constant 0 : i32
      scf.yield %scan3A_243 : i32
    }
    %scan3A_124 = arith.constant 128 : i32
    %add3A_125 = arith.constant 0 : i32
    %add3A_126 = arith.addi %mul3A_2, %add3A_125 : i32
    "tpu.region"() ({
      %run_scoped3A = tpu.sem_alloc : memref<!tpu.dma_semaphore, #tpu.memory_space<semaphore_mem>>
      %dma_start3A_222 = arith.constant 0 : i32
      %dma_start3A_223 = tpu.memref_slice %arg23[%add3A_126, %dma_start3A_222] : memref<10240x64xf32, #tpu.memory_space<vmem_shared>> -> memref<128x64xf32, #tpu.memory_space<vmem_shared>>
      %dma_start3A_224 = arith.constant 0 : i32
      %dma_start3A_225 = tpu.memref_slice %arg23[%add3A_126, %dma_start3A_224] : memref<10240x64xf32, #tpu.memory_space<vmem_shared>> -> memref<128x64xf32, #tpu.memory_space<vmem_shared>>
      tpu.enqueue_dma source(%arg21 : memref<128x64xf32, #tpu.memory_space<vmem>>) target(%dma_start3A_225 : memref<128x64xf32, #tpu.memory_space<vmem_shared>>) target_semaphore(%run_scoped3A : memref<!tpu.dma_semaphore, #tpu.memory_space<semaphore_mem>>)
      %dma_wait3A_226 = arith.constant 0 : i32
      %dma_wait3A_227 = tpu.memref_slice %arg23[%add3A_126, %dma_wait3A_226] : memref<10240x64xf32, #tpu.memory_space<vmem_shared>> -> memref<128x64xf32, #tpu.memory_space<vmem_shared>>
      %dma_wait3A_228 = arith.constant 0 : i32
      %dma_wait3A_229 = tpu.memref_slice %arg23[%add3A_126, %dma_wait3A_228] : memref<10240x64xf32, #tpu.memory_space<vmem_shared>> -> memref<128x64xf32, #tpu.memory_space<vmem_shared>>
      tpu.wait_dma2 semaphore(%run_scoped3A : memref<!tpu.dma_semaphore, #tpu.memory_space<semaphore_mem>>) src(%arg21 : memref<128x64xf32, #tpu.memory_space<vmem>>) dst(%dma_wait3A_229 : memref<128x64xf32, #tpu.memory_space<vmem_shared>>)
      tpu.yield
    }) : () -> ()
    %add3A_127 = arith.constant 128 : i32
    %add3A_128 = arith.addi %mul3A_2, %add3A_127 : i32
    "tpu.region"() ({
      %run_scoped3A = tpu.sem_alloc : memref<!tpu.dma_semaphore, #tpu.memory_space<semaphore_mem>>
      %dma_start3A_222 = arith.constant 0 : i32
      %dma_start3A_223 = tpu.memref_slice %arg23[%add3A_128, %dma_start3A_222] : memref<10240x64xf32, #tpu.memory_space<vmem_shared>> -> memref<128x64xf32, #tpu.memory_space<vmem_shared>>
      %dma_start3A_224 = arith.constant 0 : i32
      %dma_start3A_225 = tpu.memref_slice %arg23[%add3A_128, %dma_start3A_224] : memref<10240x64xf32, #tpu.memory_space<vmem_shared>> -> memref<128x64xf32, #tpu.memory_space<vmem_shared>>
      tpu.enqueue_dma source(%arg21 : memref<128x64xf32, #tpu.memory_space<vmem>>) target(%dma_start3A_225 : memref<128x64xf32, #tpu.memory_space<vmem_shared>>) target_semaphore(%run_scoped3A : memref<!tpu.dma_semaphore, #tpu.memory_space<semaphore_mem>>)
      %dma_wait3A_226 = arith.constant 0 : i32
      %dma_wait3A_227 = tpu.memref_slice %arg23[%add3A_128, %dma_wait3A_226] : memref<10240x64xf32, #tpu.memory_space<vmem_shared>> -> memref<128x64xf32, #tpu.memory_space<vmem_shared>>
      %dma_wait3A_228 = arith.constant 0 : i32
      %dma_wait3A_229 = tpu.memref_slice %arg23[%add3A_128, %dma_wait3A_228] : memref<10240x64xf32, #tpu.memory_space<vmem_shared>> -> memref<128x64xf32, #tpu.memory_space<vmem_shared>>
      tpu.wait_dma2 semaphore(%run_scoped3A : memref<!tpu.dma_semaphore, #tpu.memory_space<semaphore_mem>>) src(%arg21 : memref<128x64xf32, #tpu.memory_space<vmem>>) dst(%dma_wait3A_229 : memref<128x64xf32, #tpu.memory_space<vmem_shared>>)
      tpu.yield
    }) : () -> ()
    %add3A_129 = arith.constant 256 : i32
    %add3A_130 = arith.addi %mul3A_2, %add3A_129 : i32
    "tpu.region"() ({
      %run_scoped3A = tpu.sem_alloc : memref<!tpu.dma_semaphore, #tpu.memory_space<semaphore_mem>>
      %dma_start3A_222 = arith.constant 0 : i32
      %dma_start3A_223 = tpu.memref_slice %arg23[%add3A_130, %dma_start3A_222] : memref<10240x64xf32, #tpu.memory_space<vmem_shared>> -> memref<128x64xf32, #tpu.memory_space<vmem_shared>>
      %dma_start3A_224 = arith.constant 0 : i32
      %dma_start3A_225 = tpu.memref_slice %arg23[%add3A_130, %dma_start3A_224] : memref<10240x64xf32, #tpu.memory_space<vmem_shared>> -> memref<128x64xf32, #tpu.memory_space<vmem_shared>>
      tpu.enqueue_dma source(%arg21 : memref<128x64xf32, #tpu.memory_space<vmem>>) target(%dma_start3A_225 : memref<128x64xf32, #tpu.memory_space<vmem_shared>>) target_semaphore(%run_scoped3A : memref<!tpu.dma_semaphore, #tpu.memory_space<semaphore_mem>>)
      %dma_wait3A_226 = arith.constant 0 : i32
      %dma_wait3A_227 = tpu.memref_slice %arg23[%add3A_130, %dma_wait3A_226] : memref<10240x64xf32, #tpu.memory_space<vmem_shared>> -> memref<128x64xf32, #tpu.memory_space<vmem_shared>>
      %dma_wait3A_228 = arith.constant 0 : i32
      %dma_wait3A_229 = tpu.memref_slice %arg23[%add3A_130, %dma_wait3A_228] : memref<10240x64xf32, #tpu.memory_space<vmem_shared>> -> memref<128x64xf32, #tpu.memory_space<vmem_shared>>
      tpu.wait_dma2 semaphore(%run_scoped3A : memref<!tpu.dma_semaphore, #tpu.memory_space<semaphore_mem>>) src(%arg21 : memref<128x64xf32, #tpu.memory_space<vmem>>) dst(%dma_wait3A_229 : memref<128x64xf32, #tpu.memory_space<vmem_shared>>)
      tpu.yield
    }) : () -> ()
    %add3A_131 = arith.constant 384 : i32
    %add3A_132 = arith.addi %mul3A_2, %add3A_131 : i32
    "tpu.region"() ({
      %run_scoped3A = tpu.sem_alloc : memref<!tpu.dma_semaphore, #tpu.memory_space<semaphore_mem>>
      %dma_start3A_222 = arith.constant 0 : i32
      %dma_start3A_223 = tpu.memref_slice %arg23[%add3A_132, %dma_start3A_222] : memref<10240x64xf32, #tpu.memory_space<vmem_shared>> -> memref<128x64xf32, #tpu.memory_space<vmem_shared>>
      %dma_start3A_224 = arith.constant 0 : i32
      %dma_start3A_225 = tpu.memref_slice %arg23[%add3A_132, %dma_start3A_224] : memref<10240x64xf32, #tpu.memory_space<vmem_shared>> -> memref<128x64xf32, #tpu.memory_space<vmem_shared>>
      tpu.enqueue_dma source(%arg21 : memref<128x64xf32, #tpu.memory_space<vmem>>) target(%dma_start3A_225 : memref<128x64xf32, #tpu.memory_space<vmem_shared>>) target_semaphore(%run_scoped3A : memref<!tpu.dma_semaphore, #tpu.memory_space<semaphore_mem>>)
      %dma_wait3A_226 = arith.constant 0 : i32
      %dma_wait3A_227 = tpu.memref_slice %arg23[%add3A_132, %dma_wait3A_226] : memref<10240x64xf32, #tpu.memory_space<vmem_shared>> -> memref<128x64xf32, #tpu.memory_space<vmem_shared>>
      %dma_wait3A_228 = arith.constant 0 : i32
      %dma_wait3A_229 = tpu.memref_slice %arg23[%add3A_132, %dma_wait3A_228] : memref<10240x64xf32, #tpu.memory_space<vmem_shared>> -> memref<128x64xf32, #tpu.memory_space<vmem_shared>>
      tpu.wait_dma2 semaphore(%run_scoped3A : memref<!tpu.dma_semaphore, #tpu.memory_space<semaphore_mem>>) src(%arg21 : memref<128x64xf32, #tpu.memory_space<vmem>>) dst(%dma_wait3A_229 : memref<128x64xf32, #tpu.memory_space<vmem_shared>>)
      tpu.yield
    }) : () -> ()
    %add3A_133 = arith.constant 512 : i32
    %add3A_134 = arith.addi %mul3A_2, %add3A_133 : i32
    "tpu.region"() ({
      %run_scoped3A = tpu.sem_alloc : memref<!tpu.dma_semaphore, #tpu.memory_space<semaphore_mem>>
      %dma_start3A_222 = arith.constant 0 : i32
      %dma_start3A_223 = tpu.memref_slice %arg23[%add3A_134, %dma_start3A_222] : memref<10240x64xf32, #tpu.memory_space<vmem_shared>> -> memref<128x64xf32, #tpu.memory_space<vmem_shared>>
      %dma_start3A_224 = arith.constant 0 : i32
      %dma_start3A_225 = tpu.memref_slice %arg23[%add3A_134, %dma_start3A_224] : memref<10240x64xf32, #tpu.memory_space<vmem_shared>> -> memref<128x64xf32, #tpu.memory_space<vmem_shared>>
      tpu.enqueue_dma source(%arg21 : memref<128x64xf32, #tpu.memory_space<vmem>>) target(%dma_start3A_225 : memref<128x64xf32, #tpu.memory_space<vmem_shared>>) target_semaphore(%run_scoped3A : memref<!tpu.dma_semaphore, #tpu.memory_space<semaphore_mem>>)
      %dma_wait3A_226 = arith.constant 0 : i32
      %dma_wait3A_227 = tpu.memref_slice %arg23[%add3A_134, %dma_wait3A_226] : memref<10240x64xf32, #tpu.memory_space<vmem_shared>> -> memref<128x64xf32, #tpu.memory_space<vmem_shared>>
      %dma_wait3A_228 = arith.constant 0 : i32
      %dma_wait3A_229 = tpu.memref_slice %arg23[%add3A_134, %dma_wait3A_228] : memref<10240x64xf32, #tpu.memory_space<vmem_shared>> -> memref<128x64xf32, #tpu.memory_space<vmem_shared>>
      tpu.wait_dma2 semaphore(%run_scoped3A : memref<!tpu.dma_semaphore, #tpu.memory_space<semaphore_mem>>) src(%arg21 : memref<128x64xf32, #tpu.memory_space<vmem>>) dst(%dma_wait3A_229 : memref<128x64xf32, #tpu.memory_space<vmem_shared>>)
      tpu.yield
    }) : () -> ()
    "tpu.region"() ({
      %run_scoped3A = tpu.sem_alloc : memref<!tpu.dma_semaphore, #tpu.memory_space<semaphore_mem>>
      %dma_start3A_222 = arith.constant 0 : i32
      %dma_start3A_223 = arith.constant 0 : i32
      %dma_start3A_224 = tpu.memref_slice %arg6[%add3A, %dma_start3A_222, %dma_start3A_223] : memref<32x125x80xi32, #tpu.memory_space<hbm>> -> memref<1x125x80xi32, #tpu.memory_space<hbm>>
      %dma_start3A_225 = tpu.memref_squeeze %dma_start3A_224 : memref<1x125x80xi32, #tpu.memory_space<hbm>> -> memref<125x80xi32, #tpu.memory_space<hbm>>
      %dma_start3A_226 = arith.constant 0 : i32
      %dma_start3A_227 = arith.constant 0 : i32
      %dma_start3A_228 = tpu.memref_slice %arg6[%add3A, %dma_start3A_226, %dma_start3A_227] : memref<32x125x80xi32, #tpu.memory_space<hbm>> -> memref<1x125x80xi32, #tpu.memory_space<hbm>>
      %dma_start3A_229 = tpu.memref_squeeze %dma_start3A_228 : memref<1x125x80xi32, #tpu.memory_space<hbm>> -> memref<125x80xi32, #tpu.memory_space<hbm>>
      tpu.enqueue_dma source(%dma_start3A_229 : memref<125x80xi32, #tpu.memory_space<hbm>>) target(%arg12 : memref<125x80xi32, #tpu.memory_space<vmem>>) target_semaphore(%run_scoped3A : memref<!tpu.dma_semaphore, #tpu.memory_space<semaphore_mem>>)
      %dma_wait3A_230 = arith.constant 0 : i32
      %dma_wait3A_231 = arith.constant 0 : i32
      %dma_wait3A_232 = tpu.memref_slice %arg6[%add3A, %dma_wait3A_230, %dma_wait3A_231] : memref<32x125x80xi32, #tpu.memory_space<hbm>> -> memref<1x125x80xi32, #tpu.memory_space<hbm>>
      %dma_wait3A_233 = tpu.memref_squeeze %dma_wait3A_232 : memref<1x125x80xi32, #tpu.memory_space<hbm>> -> memref<125x80xi32, #tpu.memory_space<hbm>>
      %dma_wait3A_234 = arith.constant 0 : i32
      %dma_wait3A_235 = arith.constant 0 : i32
      %dma_wait3A_236 = tpu.memref_slice %arg6[%add3A, %dma_wait3A_234, %dma_wait3A_235] : memref<32x125x80xi32, #tpu.memory_space<hbm>> -> memref<1x125x80xi32, #tpu.memory_space<hbm>>
      %dma_wait3A_237 = tpu.memref_squeeze %dma_wait3A_236 : memref<1x125x80xi32, #tpu.memory_space<hbm>> -> memref<125x80xi32, #tpu.memory_space<hbm>>
      tpu.wait_dma2 semaphore(%run_scoped3A : memref<!tpu.dma_semaphore, #tpu.memory_space<semaphore_mem>>) src(%dma_wait3A_237 : memref<125x80xi32, #tpu.memory_space<hbm>>) dst(%arg12 : memref<125x80xi32, #tpu.memory_space<vmem>>)
      tpu.yield
    }) : () -> ()
    %eq3A_135 = arith.constant 0 : i32
    %eq3A_136 = arith.cmpi eq, %arg1, %eq3A_135 : i32
    %convert_element_type3A_137 = arith.extui %eq3A_136 : i1 to i32
    %cond3A_138 = arith.constant 0 : i32
    %cond3A_139 = arith.cmpi ne, %convert_element_type3A_137, %cond3A_138 : i32
    scf.if %cond3A_139 {
      "tpu.region"() ({
        %run_scoped3A = tpu.sem_alloc : memref<!tpu.dma_semaphore, #tpu.memory_space<semaphore_mem>>
        tpu.enqueue_dma source(%arg4 : memref<464x64xf32, #tpu.memory_space<hbm>>) target(%arg19 : memref<464x64xf32, #tpu.memory_space<vmem_shared>>) target_semaphore(%run_scoped3A : memref<!tpu.dma_semaphore, #tpu.memory_space<semaphore_mem>>)
        tpu.wait_dma2 semaphore(%run_scoped3A : memref<!tpu.dma_semaphore, #tpu.memory_space<semaphore_mem>>) src(%arg4 : memref<464x64xf32, #tpu.memory_space<hbm>>) dst(%arg19 : memref<464x64xf32, #tpu.memory_space<vmem_shared>>)
        tpu.yield
      }) : () -> ()
    } else {
    }
    %barrier3A_140 = arith.constant 0 : index
    tpu.barrier barrier_id(%barrier3A_140)
    %dma_start3A_141 = arith.constant 0 : i32
    %dma_start3A_142 = arith.constant 0 : i32
    %dma_start3A_143 = tpu.memref_slice %arg12[%dma_start3A_141, %dma_start3A_142] : memref<125x80xi32, #tpu.memory_space<vmem>> -> memref<1x80xi32, #tpu.memory_space<vmem>>
    %dma_start3A_144 = tpu.memref_squeeze %dma_start3A_143 : memref<1x80xi32, #tpu.memory_space<vmem>> -> memref<80xi32, #tpu.memory_space<vmem>>
    %dma_start3A_145 = arith.constant 0 : i32
    %dma_start3A_146 = arith.constant 0 : i32
    %dma_start3A_147 = tpu.memref_slice %arg2[%dma_start3A_145, %dma_start3A_146] : memref<20480x64xf32, #tpu.memory_space<hbm>> -> memref<20480x64xf32, #tpu.memory_space<hbm>>
    tpu.enqueue_indirect_dma source(%dma_start3A_147 : memref<20480x64xf32, #tpu.memory_space<hbm>>) target(%arg15 : memref<80x64xf32, #tpu.memory_space<vmem>>) offsets(%dma_start3A_144 : memref<80xi32, #tpu.memory_space<vmem>>) semaphore(%arg25 : memref<!tpu.dma_semaphore, #tpu.memory_space<semaphore_mem>>)
    %dma_start3A_148 = arith.constant 0 : i32
    %dma_start3A_149 = arith.constant 0 : i32
    %dma_start3A_150 = tpu.memref_slice %arg14[%dma_start3A_148, %dma_start3A_149] : memref<125x80xi32, #tpu.memory_space<vmem>> -> memref<1x80xi32, #tpu.memory_space<vmem>>
    %dma_start3A_151 = tpu.memref_squeeze %dma_start3A_150 : memref<1x80xi32, #tpu.memory_space<vmem>> -> memref<80xi32, #tpu.memory_space<vmem>>
    %dma_start3A_152 = arith.constant 0 : i32
    %dma_start3A_153 = arith.constant 0 : i32
    %dma_start3A_154 = tpu.memref_slice %arg19[%dma_start3A_152, %dma_start3A_153] : memref<464x64xf32, #tpu.memory_space<vmem_shared>> -> memref<464x64xf32, #tpu.memory_space<vmem_shared>>
    tpu.enqueue_indirect_dma source(%dma_start3A_154 : memref<464x64xf32, #tpu.memory_space<vmem_shared>>) target(%arg17 : memref<80x64xf32, #tpu.memory_space<vmem>>) offsets(%dma_start3A_151 : memref<80xi32, #tpu.memory_space<vmem>>) semaphore(%arg27 : memref<!tpu.dma_semaphore, #tpu.memory_space<semaphore_mem>>)
    %scan3A_155 = arith.constant 0 : i32
    %scan3A_156 = arith.constant 0 : i32
    %scan3A_157 = arith.constant 63 : i32
    %scan3A_158 = arith.addi %scan3A_156, %scan3A_157 : i32
    %scan3A_159 = arith.constant 1 : i32
    %scan3A_160 = scf.for %scan3A_222 = %scan3A_156 to %scan3A_158 step %scan3A_159 iter_args(%scan3A_223 = %scan3A_155) -> (i32)  : i32 {
      %mul3A_224 = arith.constant 2 : i32
      %mul3A_225 = arith.muli %mul3A_224, %scan3A_222 : i32
      %add3A_226 = arith.constant 1 : i32
      %add3A_227 = arith.addi %mul3A_225, %add3A_226 : i32
      %add3A_228 = arith.constant 1 : i32
      %add3A_229 = arith.addi %mul3A_225, %add3A_228 : i32
      %lt3A = arith.constant 125 : i32
      %lt3A_230 = arith.cmpi slt, %add3A_229, %lt3A : i32
      %convert_element_type3A_231 = arith.extui %lt3A_230 : i1 to i32
      %cond3A_232 = arith.constant 0 : i32
      %cond3A_233 = arith.cmpi ne, %convert_element_type3A_231, %cond3A_232 : i32
      scf.if %cond3A_233 {
        %add3A_252 = arith.constant 1 : i32
        %add3A_253 = arith.addi %mul3A_225, %add3A_252 : i32
        %ge3A = arith.constant 2 : i32
        %ge3A_254 = arith.cmpi sge, %add3A_253, %ge3A : i32
        %convert_element_type3A_255 = arith.extui %ge3A_254 : i1 to i32
        %cond3A_256 = arith.constant 0 : i32
        %cond3A_257 = arith.cmpi ne, %convert_element_type3A_255, %cond3A_256 : i32
        scf.if %cond3A_257 {
          %sub3A = arith.constant 2 : i32
          %sub3A_270 = arith.subi %add3A_253, %sub3A : i32
          %dma_wait3A_271 = arith.constant 0 : i32
          %dma_wait3A_272 = tpu.memref_slice %arg13[%sub3A_270, %dma_wait3A_271] : memref<125x80xi32, #tpu.memory_space<vmem>> -> memref<1x80xi32, #tpu.memory_space<vmem>>
          %dma_wait3A_273 = tpu.memref_squeeze %dma_wait3A_272 : memref<1x80xi32, #tpu.memory_space<vmem>> -> memref<80xi32, #tpu.memory_space<vmem>>
          %dma_wait3A_274 = arith.constant 0 : i32
          %dma_wait3A_275 = arith.constant 0 : i32
          %dma_wait3A_276 = tpu.memref_slice %arg23[%dma_wait3A_274, %dma_wait3A_275] : memref<10240x64xf32, #tpu.memory_space<vmem_shared>> -> memref<10240x64xf32, #tpu.memory_space<vmem_shared>>
          tpu.wait_indirect_dma semaphore(%arg30 : memref<!tpu.dma_semaphore, #tpu.memory_space<semaphore_mem>>) src(%arg16 : memref<80x64xf32, #tpu.memory_space<vmem>>) dst(%dma_wait3A_276 : memref<10240x64xf32, #tpu.memory_space<vmem_shared>>)
          %sub3A_277 = arith.constant 2 : i32
          %sub3A_278 = arith.subi %add3A_253, %sub3A_277 : i32
          %dma_wait3A_279 = arith.constant 0 : i32
          %dma_wait3A_280 = tpu.memref_slice %arg13[%sub3A_278, %dma_wait3A_279] : memref<125x80xi32, #tpu.memory_space<vmem>> -> memref<1x80xi32, #tpu.memory_space<vmem>>
          %dma_wait3A_281 = tpu.memref_squeeze %dma_wait3A_280 : memref<1x80xi32, #tpu.memory_space<vmem>> -> memref<80xi32, #tpu.memory_space<vmem>>
          %dma_wait3A_282 = arith.constant 0 : i32
          %dma_wait3A_283 = arith.constant 0 : i32
          %dma_wait3A_284 = tpu.memref_slice %arg23[%dma_wait3A_282, %dma_wait3A_283] : memref<10240x64xf32, #tpu.memory_space<vmem_shared>> -> memref<10240x64xf32, #tpu.memory_space<vmem_shared>>
          tpu.wait_indirect_dma semaphore(%arg32 : memref<!tpu.dma_semaphore, #tpu.memory_space<semaphore_mem>>) src(%arg18 : memref<80x64xf32, #tpu.memory_space<vmem>>) dst(%dma_wait3A_284 : memref<10240x64xf32, #tpu.memory_space<vmem_shared>>)
        } else {
        }
        %dma_start3A_258 = arith.constant 0 : i32
        %dma_start3A_259 = tpu.memref_slice %arg12[%add3A_253, %dma_start3A_258] : memref<125x80xi32, #tpu.memory_space<vmem>> -> memref<1x80xi32, #tpu.memory_space<vmem>>
        %dma_start3A_260 = tpu.memref_squeeze %dma_start3A_259 : memref<1x80xi32, #tpu.memory_space<vmem>> -> memref<80xi32, #tpu.memory_space<vmem>>
        %dma_start3A_261 = arith.constant 0 : i32
        %dma_start3A_262 = arith.constant 0 : i32
        %dma_start3A_263 = tpu.memref_slice %arg2[%dma_start3A_261, %dma_start3A_262] : memref<20480x64xf32, #tpu.memory_space<hbm>> -> memref<20480x64xf32, #tpu.memory_space<hbm>>
        tpu.enqueue_indirect_dma source(%dma_start3A_263 : memref<20480x64xf32, #tpu.memory_space<hbm>>) target(%arg16 : memref<80x64xf32, #tpu.memory_space<vmem>>) offsets(%dma_start3A_260 : memref<80xi32, #tpu.memory_space<vmem>>) semaphore(%arg26 : memref<!tpu.dma_semaphore, #tpu.memory_space<semaphore_mem>>)
        %dma_start3A_264 = arith.constant 0 : i32
        %dma_start3A_265 = tpu.memref_slice %arg14[%add3A_253, %dma_start3A_264] : memref<125x80xi32, #tpu.memory_space<vmem>> -> memref<1x80xi32, #tpu.memory_space<vmem>>
        %dma_start3A_266 = tpu.memref_squeeze %dma_start3A_265 : memref<1x80xi32, #tpu.memory_space<vmem>> -> memref<80xi32, #tpu.memory_space<vmem>>
        %dma_start3A_267 = arith.constant 0 : i32
        %dma_start3A_268 = arith.constant 0 : i32
        %dma_start3A_269 = tpu.memref_slice %arg19[%dma_start3A_267, %dma_start3A_268] : memref<464x64xf32, #tpu.memory_space<vmem_shared>> -> memref<464x64xf32, #tpu.memory_space<vmem_shared>>
        tpu.enqueue_indirect_dma source(%dma_start3A_269 : memref<464x64xf32, #tpu.memory_space<vmem_shared>>) target(%arg18 : memref<80x64xf32, #tpu.memory_space<vmem>>) offsets(%dma_start3A_266 : memref<80xi32, #tpu.memory_space<vmem>>) semaphore(%arg28 : memref<!tpu.dma_semaphore, #tpu.memory_space<semaphore_mem>>)
      } else {
      }
      %lt3A_234 = arith.constant 125 : i32
      %lt3A_235 = arith.cmpi slt, %mul3A_225, %lt3A_234 : i32
      %convert_element_type3A_236 = arith.extui %lt3A_235 : i1 to i32
      %cond3A_237 = arith.constant 0 : i32
      %cond3A_238 = arith.cmpi ne, %convert_element_type3A_236, %cond3A_237 : i32
      scf.if %cond3A_238 {
        %dma_wait3A_252 = arith.constant 0 : i32
        %dma_wait3A_253 = tpu.memref_slice %arg12[%mul3A_225, %dma_wait3A_252] : memref<125x80xi32, #tpu.memory_space<vmem>> -> memref<1x80xi32, #tpu.memory_space<vmem>>
        %dma_wait3A_254 = tpu.memref_squeeze %dma_wait3A_253 : memref<1x80xi32, #tpu.memory_space<vmem>> -> memref<80xi32, #tpu.memory_space<vmem>>
        %dma_wait3A_255 = arith.constant 0 : i32
        %dma_wait3A_256 = arith.constant 0 : i32
        %dma_wait3A_257 = tpu.memref_slice %arg2[%dma_wait3A_255, %dma_wait3A_256] : memref<20480x64xf32, #tpu.memory_space<hbm>> -> memref<20480x64xf32, #tpu.memory_space<hbm>>
        tpu.wait_indirect_dma semaphore(%arg25 : memref<!tpu.dma_semaphore, #tpu.memory_space<semaphore_mem>>) src(%dma_wait3A_257 : memref<20480x64xf32, #tpu.memory_space<hbm>>) dst(%arg15 : memref<80x64xf32, #tpu.memory_space<vmem>>)
        %dma_wait3A_258 = arith.constant 0 : i32
        %dma_wait3A_259 = tpu.memref_slice %arg14[%mul3A_225, %dma_wait3A_258] : memref<125x80xi32, #tpu.memory_space<vmem>> -> memref<1x80xi32, #tpu.memory_space<vmem>>
        %dma_wait3A_260 = tpu.memref_squeeze %dma_wait3A_259 : memref<1x80xi32, #tpu.memory_space<vmem>> -> memref<80xi32, #tpu.memory_space<vmem>>
        %dma_wait3A_261 = arith.constant 0 : i32
        %dma_wait3A_262 = arith.constant 0 : i32
        %dma_wait3A_263 = tpu.memref_slice %arg19[%dma_wait3A_261, %dma_wait3A_262] : memref<464x64xf32, #tpu.memory_space<vmem_shared>> -> memref<464x64xf32, #tpu.memory_space<vmem_shared>>
        tpu.wait_indirect_dma semaphore(%arg27 : memref<!tpu.dma_semaphore, #tpu.memory_space<semaphore_mem>>) src(%dma_wait3A_263 : memref<464x64xf32, #tpu.memory_space<vmem_shared>>) dst(%arg17 : memref<80x64xf32, #tpu.memory_space<vmem>>)
        %dma_start3A_264 = arith.constant 0 : i32
        %dma_start3A_265 = tpu.memref_slice %arg13[%mul3A_225, %dma_start3A_264] : memref<125x80xi32, #tpu.memory_space<vmem>> -> memref<1x80xi32, #tpu.memory_space<vmem>>
        %dma_start3A_266 = tpu.memref_squeeze %dma_start3A_265 : memref<1x80xi32, #tpu.memory_space<vmem>> -> memref<80xi32, #tpu.memory_space<vmem>>
        %dma_start3A_267 = arith.constant 0 : i32
        %dma_start3A_268 = arith.constant 0 : i32
        %dma_start3A_269 = tpu.memref_slice %arg23[%dma_start3A_267, %dma_start3A_268] : memref<10240x64xf32, #tpu.memory_space<vmem_shared>> -> memref<10240x64xf32, #tpu.memory_space<vmem_shared>>
        tpu.enqueue_indirect_dma source(%arg15 : memref<80x64xf32, #tpu.memory_space<vmem>>) target(%dma_start3A_269 : memref<10240x64xf32, #tpu.memory_space<vmem_shared>>) offsets(%dma_start3A_266 : memref<80xi32, #tpu.memory_space<vmem>>) semaphore(%arg29 : memref<!tpu.dma_semaphore, #tpu.memory_space<semaphore_mem>>) {add = true}
        %dma_start3A_270 = arith.constant 0 : i32
        %dma_start3A_271 = tpu.memref_slice %arg13[%mul3A_225, %dma_start3A_270] : memref<125x80xi32, #tpu.memory_space<vmem>> -> memref<1x80xi32, #tpu.memory_space<vmem>>
        %dma_start3A_272 = tpu.memref_squeeze %dma_start3A_271 : memref<1x80xi32, #tpu.memory_space<vmem>> -> memref<80xi32, #tpu.memory_space<vmem>>
        %dma_start3A_273 = arith.constant 0 : i32
        %dma_start3A_274 = arith.constant 0 : i32
        %dma_start3A_275 = tpu.memref_slice %arg23[%dma_start3A_273, %dma_start3A_274] : memref<10240x64xf32, #tpu.memory_space<vmem_shared>> -> memref<10240x64xf32, #tpu.memory_space<vmem_shared>>
        tpu.enqueue_indirect_dma source(%arg17 : memref<80x64xf32, #tpu.memory_space<vmem>>) target(%dma_start3A_275 : memref<10240x64xf32, #tpu.memory_space<vmem_shared>>) offsets(%dma_start3A_272 : memref<80xi32, #tpu.memory_space<vmem>>) semaphore(%arg31 : memref<!tpu.dma_semaphore, #tpu.memory_space<semaphore_mem>>) {add = true}
      } else {
      }
      %add3A_239 = arith.constant 1 : i32
      %add3A_240 = arith.addi %add3A_227, %add3A_239 : i32
      %lt3A_241 = arith.constant 125 : i32
      %lt3A_242 = arith.cmpi slt, %add3A_240, %lt3A_241 : i32
      %convert_element_type3A_243 = arith.extui %lt3A_242 : i1 to i32
      %cond3A_244 = arith.constant 0 : i32
      %cond3A_245 = arith.cmpi ne, %convert_element_type3A_243, %cond3A_244 : i32
      scf.if %cond3A_245 {
        %add3A_252 = arith.constant 1 : i32
        %add3A_253 = arith.addi %add3A_227, %add3A_252 : i32
        %ge3A = arith.constant 2 : i32
        %ge3A_254 = arith.cmpi sge, %add3A_253, %ge3A : i32
        %convert_element_type3A_255 = arith.extui %ge3A_254 : i1 to i32
        %cond3A_256 = arith.constant 0 : i32
        %cond3A_257 = arith.cmpi ne, %convert_element_type3A_255, %cond3A_256 : i32
        scf.if %cond3A_257 {
          %sub3A = arith.constant 2 : i32
          %sub3A_270 = arith.subi %add3A_253, %sub3A : i32
          %dma_wait3A_271 = arith.constant 0 : i32
          %dma_wait3A_272 = tpu.memref_slice %arg13[%sub3A_270, %dma_wait3A_271] : memref<125x80xi32, #tpu.memory_space<vmem>> -> memref<1x80xi32, #tpu.memory_space<vmem>>
          %dma_wait3A_273 = tpu.memref_squeeze %dma_wait3A_272 : memref<1x80xi32, #tpu.memory_space<vmem>> -> memref<80xi32, #tpu.memory_space<vmem>>
          %dma_wait3A_274 = arith.constant 0 : i32
          %dma_wait3A_275 = arith.constant 0 : i32
          %dma_wait3A_276 = tpu.memref_slice %arg23[%dma_wait3A_274, %dma_wait3A_275] : memref<10240x64xf32, #tpu.memory_space<vmem_shared>> -> memref<10240x64xf32, #tpu.memory_space<vmem_shared>>
          tpu.wait_indirect_dma semaphore(%arg29 : memref<!tpu.dma_semaphore, #tpu.memory_space<semaphore_mem>>) src(%arg15 : memref<80x64xf32, #tpu.memory_space<vmem>>) dst(%dma_wait3A_276 : memref<10240x64xf32, #tpu.memory_space<vmem_shared>>)
          %sub3A_277 = arith.constant 2 : i32
          %sub3A_278 = arith.subi %add3A_253, %sub3A_277 : i32
          %dma_wait3A_279 = arith.constant 0 : i32
          %dma_wait3A_280 = tpu.memref_slice %arg13[%sub3A_278, %dma_wait3A_279] : memref<125x80xi32, #tpu.memory_space<vmem>> -> memref<1x80xi32, #tpu.memory_space<vmem>>
          %dma_wait3A_281 = tpu.memref_squeeze %dma_wait3A_280 : memref<1x80xi32, #tpu.memory_space<vmem>> -> memref<80xi32, #tpu.memory_space<vmem>>
          %dma_wait3A_282 = arith.constant 0 : i32
          %dma_wait3A_283 = arith.constant 0 : i32
          %dma_wait3A_284 = tpu.memref_slice %arg23[%dma_wait3A_282, %dma_wait3A_283] : memref<10240x64xf32, #tpu.memory_space<vmem_shared>> -> memref<10240x64xf32, #tpu.memory_space<vmem_shared>>
          tpu.wait_indirect_dma semaphore(%arg31 : memref<!tpu.dma_semaphore, #tpu.memory_space<semaphore_mem>>) src(%arg17 : memref<80x64xf32, #tpu.memory_space<vmem>>) dst(%dma_wait3A_284 : memref<10240x64xf32, #tpu.memory_space<vmem_shared>>)
        } else {
        }
        %dma_start3A_258 = arith.constant 0 : i32
        %dma_start3A_259 = tpu.memref_slice %arg12[%add3A_253, %dma_start3A_258] : memref<125x80xi32, #tpu.memory_space<vmem>> -> memref<1x80xi32, #tpu.memory_space<vmem>>
        %dma_start3A_260 = tpu.memref_squeeze %dma_start3A_259 : memref<1x80xi32, #tpu.memory_space<vmem>> -> memref<80xi32, #tpu.memory_space<vmem>>
        %dma_start3A_261 = arith.constant 0 : i32
        %dma_start3A_262 = arith.constant 0 : i32
        %dma_start3A_263 = tpu.memref_slice %arg2[%dma_start3A_261, %dma_start3A_262] : memref<20480x64xf32, #tpu.memory_space<hbm>> -> memref<20480x64xf32, #tpu.memory_space<hbm>>
        tpu.enqueue_indirect_dma source(%dma_start3A_263 : memref<20480x64xf32, #tpu.memory_space<hbm>>) target(%arg15 : memref<80x64xf32, #tpu.memory_space<vmem>>) offsets(%dma_start3A_260 : memref<80xi32, #tpu.memory_space<vmem>>) semaphore(%arg25 : memref<!tpu.dma_semaphore, #tpu.memory_space<semaphore_mem>>)
        %dma_start3A_264 = arith.constant 0 : i32
        %dma_start3A_265 = tpu.memref_slice %arg14[%add3A_253, %dma_start3A_264] : memref<125x80xi32, #tpu.memory_space<vmem>> -> memref<1x80xi32, #tpu.memory_space<vmem>>
        %dma_start3A_266 = tpu.memref_squeeze %dma_start3A_265 : memref<1x80xi32, #tpu.memory_space<vmem>> -> memref<80xi32, #tpu.memory_space<vmem>>
        %dma_start3A_267 = arith.constant 0 : i32
        %dma_start3A_268 = arith.constant 0 : i32
        %dma_start3A_269 = tpu.memref_slice %arg19[%dma_start3A_267, %dma_start3A_268] : memref<464x64xf32, #tpu.memory_space<vmem_shared>> -> memref<464x64xf32, #tpu.memory_space<vmem_shared>>
        tpu.enqueue_indirect_dma source(%dma_start3A_269 : memref<464x64xf32, #tpu.memory_space<vmem_shared>>) target(%arg17 : memref<80x64xf32, #tpu.memory_space<vmem>>) offsets(%dma_start3A_266 : memref<80xi32, #tpu.memory_space<vmem>>) semaphore(%arg27 : memref<!tpu.dma_semaphore, #tpu.memory_space<semaphore_mem>>)
      } else {
      }
      %lt3A_246 = arith.constant 125 : i32
      %lt3A_247 = arith.cmpi slt, %add3A_227, %lt3A_246 : i32
      %convert_element_type3A_248 = arith.extui %lt3A_247 : i1 to i32
      %cond3A_249 = arith.constant 0 : i32
      %cond3A_250 = arith.cmpi ne, %convert_element_type3A_248, %cond3A_249 : i32
      scf.if %cond3A_250 {
        %dma_wait3A_252 = arith.constant 0 : i32
        %dma_wait3A_253 = tpu.memref_slice %arg12[%add3A_227, %dma_wait3A_252] : memref<125x80xi32, #tpu.memory_space<vmem>> -> memref<1x80xi32, #tpu.memory_space<vmem>>
        %dma_wait3A_254 = tpu.memref_squeeze %dma_wait3A_253 : memref<1x80xi32, #tpu.memory_space<vmem>> -> memref<80xi32, #tpu.memory_space<vmem>>
        %dma_wait3A_255 = arith.constant 0 : i32
        %dma_wait3A_256 = arith.constant 0 : i32
        %dma_wait3A_257 = tpu.memref_slice %arg2[%dma_wait3A_255, %dma_wait3A_256] : memref<20480x64xf32, #tpu.memory_space<hbm>> -> memref<20480x64xf32, #tpu.memory_space<hbm>>
        tpu.wait_indirect_dma semaphore(%arg26 : memref<!tpu.dma_semaphore, #tpu.memory_space<semaphore_mem>>) src(%dma_wait3A_257 : memref<20480x64xf32, #tpu.memory_space<hbm>>) dst(%arg16 : memref<80x64xf32, #tpu.memory_space<vmem>>)
        %dma_wait3A_258 = arith.constant 0 : i32
        %dma_wait3A_259 = tpu.memref_slice %arg14[%add3A_227, %dma_wait3A_258] : memref<125x80xi32, #tpu.memory_space<vmem>> -> memref<1x80xi32, #tpu.memory_space<vmem>>
        %dma_wait3A_260 = tpu.memref_squeeze %dma_wait3A_259 : memref<1x80xi32, #tpu.memory_space<vmem>> -> memref<80xi32, #tpu.memory_space<vmem>>
        %dma_wait3A_261 = arith.constant 0 : i32
        %dma_wait3A_262 = arith.constant 0 : i32
        %dma_wait3A_263 = tpu.memref_slice %arg19[%dma_wait3A_261, %dma_wait3A_262] : memref<464x64xf32, #tpu.memory_space<vmem_shared>> -> memref<464x64xf32, #tpu.memory_space<vmem_shared>>
        tpu.wait_indirect_dma semaphore(%arg28 : memref<!tpu.dma_semaphore, #tpu.memory_space<semaphore_mem>>) src(%dma_wait3A_263 : memref<464x64xf32, #tpu.memory_space<vmem_shared>>) dst(%arg18 : memref<80x64xf32, #tpu.memory_space<vmem>>)
        %dma_start3A_264 = arith.constant 0 : i32
        %dma_start3A_265 = tpu.memref_slice %arg13[%add3A_227, %dma_start3A_264] : memref<125x80xi32, #tpu.memory_space<vmem>> -> memref<1x80xi32, #tpu.memory_space<vmem>>
        %dma_start3A_266 = tpu.memref_squeeze %dma_start3A_265 : memref<1x80xi32, #tpu.memory_space<vmem>> -> memref<80xi32, #tpu.memory_space<vmem>>
        %dma_start3A_267 = arith.constant 0 : i32
        %dma_start3A_268 = arith.constant 0 : i32
        %dma_start3A_269 = tpu.memref_slice %arg23[%dma_start3A_267, %dma_start3A_268] : memref<10240x64xf32, #tpu.memory_space<vmem_shared>> -> memref<10240x64xf32, #tpu.memory_space<vmem_shared>>
        tpu.enqueue_indirect_dma source(%arg16 : memref<80x64xf32, #tpu.memory_space<vmem>>) target(%dma_start3A_269 : memref<10240x64xf32, #tpu.memory_space<vmem_shared>>) offsets(%dma_start3A_266 : memref<80xi32, #tpu.memory_space<vmem>>) semaphore(%arg30 : memref<!tpu.dma_semaphore, #tpu.memory_space<semaphore_mem>>) {add = true}
        %dma_start3A_270 = arith.constant 0 : i32
        %dma_start3A_271 = tpu.memref_slice %arg13[%add3A_227, %dma_start3A_270] : memref<125x80xi32, #tpu.memory_space<vmem>> -> memref<1x80xi32, #tpu.memory_space<vmem>>
        %dma_start3A_272 = tpu.memref_squeeze %dma_start3A_271 : memref<1x80xi32, #tpu.memory_space<vmem>> -> memref<80xi32, #tpu.memory_space<vmem>>
        %dma_start3A_273 = arith.constant 0 : i32
        %dma_start3A_274 = arith.constant 0 : i32
        %dma_start3A_275 = tpu.memref_slice %arg23[%dma_start3A_273, %dma_start3A_274] : memref<10240x64xf32, #tpu.memory_space<vmem_shared>> -> memref<10240x64xf32, #tpu.memory_space<vmem_shared>>
        tpu.enqueue_indirect_dma source(%arg18 : memref<80x64xf32, #tpu.memory_space<vmem>>) target(%dma_start3A_275 : memref<10240x64xf32, #tpu.memory_space<vmem_shared>>) offsets(%dma_start3A_272 : memref<80xi32, #tpu.memory_space<vmem>>) semaphore(%arg32 : memref<!tpu.dma_semaphore, #tpu.memory_space<semaphore_mem>>) {add = true}
      } else {
      }
      %scan3A_251 = arith.constant 0 : i32
      scf.yield %scan3A_251 : i32
    }
    %scan3A_161 = arith.constant 63 : i32
    %dma_wait3A_162 = arith.constant 123 : i32
    %dma_wait3A_163 = arith.constant 0 : i32
    %dma_wait3A_164 = tpu.memref_slice %arg13[%dma_wait3A_162, %dma_wait3A_163] : memref<125x80xi32, #tpu.memory_space<vmem>> -> memref<1x80xi32, #tpu.memory_space<vmem>>
    %dma_wait3A_165 = tpu.memref_squeeze %dma_wait3A_164 : memref<1x80xi32, #tpu.memory_space<vmem>> -> memref<80xi32, #tpu.memory_space<vmem>>
    %dma_wait3A_166 = arith.constant 0 : i32
    %dma_wait3A_167 = arith.constant 0 : i32
    %dma_wait3A_168 = tpu.memref_slice %arg23[%dma_wait3A_166, %dma_wait3A_167] : memref<10240x64xf32, #tpu.memory_space<vmem_shared>> -> memref<10240x64xf32, #tpu.memory_space<vmem_shared>>
    tpu.wait_indirect_dma semaphore(%arg30 : memref<!tpu.dma_semaphore, #tpu.memory_space<semaphore_mem>>) src(%arg16 : memref<80x64xf32, #tpu.memory_space<vmem>>) dst(%dma_wait3A_168 : memref<10240x64xf32, #tpu.memory_space<vmem_shared>>)
    %dma_wait3A_169 = arith.constant 123 : i32
    %dma_wait3A_170 = arith.constant 0 : i32
    %dma_wait3A_171 = tpu.memref_slice %arg13[%dma_wait3A_169, %dma_wait3A_170] : memref<125x80xi32, #tpu.memory_space<vmem>> -> memref<1x80xi32, #tpu.memory_space<vmem>>
    %dma_wait3A_172 = tpu.memref_squeeze %dma_wait3A_171 : memref<1x80xi32, #tpu.memory_space<vmem>> -> memref<80xi32, #tpu.memory_space<vmem>>
    %dma_wait3A_173 = arith.constant 0 : i32
    %dma_wait3A_174 = arith.constant 0 : i32
    %dma_wait3A_175 = tpu.memref_slice %arg23[%dma_wait3A_173, %dma_wait3A_174] : memref<10240x64xf32, #tpu.memory_space<vmem_shared>> -> memref<10240x64xf32, #tpu.memory_space<vmem_shared>>
    tpu.wait_indirect_dma semaphore(%arg32 : memref<!tpu.dma_semaphore, #tpu.memory_space<semaphore_mem>>) src(%arg18 : memref<80x64xf32, #tpu.memory_space<vmem>>) dst(%dma_wait3A_175 : memref<10240x64xf32, #tpu.memory_space<vmem_shared>>)
    %dma_wait3A_176 = arith.constant 124 : i32
    %dma_wait3A_177 = arith.constant 0 : i32
    %dma_wait3A_178 = tpu.memref_slice %arg13[%dma_wait3A_176, %dma_wait3A_177] : memref<125x80xi32, #tpu.memory_space<vmem>> -> memref<1x80xi32, #tpu.memory_space<vmem>>
    %dma_wait3A_179 = tpu.memref_squeeze %dma_wait3A_178 : memref<1x80xi32, #tpu.memory_space<vmem>> -> memref<80xi32, #tpu.memory_space<vmem>>
    %dma_wait3A_180 = arith.constant 0 : i32
    %dma_wait3A_181 = arith.constant 0 : i32
    %dma_wait3A_182 = tpu.memref_slice %arg23[%dma_wait3A_180, %dma_wait3A_181] : memref<10240x64xf32, #tpu.memory_space<vmem_shared>> -> memref<10240x64xf32, #tpu.memory_space<vmem_shared>>
    tpu.wait_indirect_dma semaphore(%arg29 : memref<!tpu.dma_semaphore, #tpu.memory_space<semaphore_mem>>) src(%arg15 : memref<80x64xf32, #tpu.memory_space<vmem>>) dst(%dma_wait3A_182 : memref<10240x64xf32, #tpu.memory_space<vmem_shared>>)
    %dma_wait3A_183 = arith.constant 124 : i32
    %dma_wait3A_184 = arith.constant 0 : i32
    %dma_wait3A_185 = tpu.memref_slice %arg13[%dma_wait3A_183, %dma_wait3A_184] : memref<125x80xi32, #tpu.memory_space<vmem>> -> memref<1x80xi32, #tpu.memory_space<vmem>>
    %dma_wait3A_186 = tpu.memref_squeeze %dma_wait3A_185 : memref<1x80xi32, #tpu.memory_space<vmem>> -> memref<80xi32, #tpu.memory_space<vmem>>
    %dma_wait3A_187 = arith.constant 0 : i32
    %dma_wait3A_188 = arith.constant 0 : i32
    %dma_wait3A_189 = tpu.memref_slice %arg23[%dma_wait3A_187, %dma_wait3A_188] : memref<10240x64xf32, #tpu.memory_space<vmem_shared>> -> memref<10240x64xf32, #tpu.memory_space<vmem_shared>>
    tpu.wait_indirect_dma semaphore(%arg31 : memref<!tpu.dma_semaphore, #tpu.memory_space<semaphore_mem>>) src(%arg17 : memref<80x64xf32, #tpu.memory_space<vmem>>) dst(%dma_wait3A_189 : memref<10240x64xf32, #tpu.memory_space<vmem_shared>>)
    %barrier3A_190 = arith.constant 0 : index
    tpu.barrier barrier_id(%barrier3A_190)
    %add3A_191 = arith.constant 0 : i32
    %add3A_192 = arith.addi %mul3A_2, %add3A_191 : i32
    "tpu.region"() ({
      %run_scoped3A = tpu.sem_alloc : memref<!tpu.dma_semaphore, #tpu.memory_space<semaphore_mem>>
      %dma_start3A_222 = arith.constant 0 : i32
      %dma_start3A_223 = tpu.memref_slice %arg23[%add3A_192, %dma_start3A_222] : memref<10240x64xf32, #tpu.memory_space<vmem_shared>> -> memref<128x64xf32, #tpu.memory_space<vmem_shared>>
      %dma_start3A_224 = arith.constant 0 : i32
      %dma_start3A_225 = tpu.memref_slice %arg23[%add3A_192, %dma_start3A_224] : memref<10240x64xf32, #tpu.memory_space<vmem_shared>> -> memref<128x64xf32, #tpu.memory_space<vmem_shared>>
      tpu.enqueue_dma source(%dma_start3A_225 : memref<128x64xf32, #tpu.memory_space<vmem_shared>>) target(%arg21 : memref<128x64xf32, #tpu.memory_space<vmem>>) target_semaphore(%run_scoped3A : memref<!tpu.dma_semaphore, #tpu.memory_space<semaphore_mem>>)
      %dma_wait3A_226 = arith.constant 0 : i32
      %dma_wait3A_227 = tpu.memref_slice %arg23[%add3A_192, %dma_wait3A_226] : memref<10240x64xf32, #tpu.memory_space<vmem_shared>> -> memref<128x64xf32, #tpu.memory_space<vmem_shared>>
      %dma_wait3A_228 = arith.constant 0 : i32
      %dma_wait3A_229 = tpu.memref_slice %arg23[%add3A_192, %dma_wait3A_228] : memref<10240x64xf32, #tpu.memory_space<vmem_shared>> -> memref<128x64xf32, #tpu.memory_space<vmem_shared>>
      tpu.wait_dma2 semaphore(%run_scoped3A : memref<!tpu.dma_semaphore, #tpu.memory_space<semaphore_mem>>) src(%dma_wait3A_229 : memref<128x64xf32, #tpu.memory_space<vmem_shared>>) dst(%arg21 : memref<128x64xf32, #tpu.memory_space<vmem>>)
      tpu.yield
    }) : () -> ()
    %mul3A_193 = arith.constant 10240 : i32
    %mul3A_194 = arith.muli %arg0, %mul3A_193 : i32
    %add3A_195 = arith.addi %mul3A_194, %add3A_192 : i32
    "tpu.region"() ({
      %run_scoped3A = tpu.sem_alloc : memref<!tpu.dma_semaphore, #tpu.memory_space<semaphore_mem>>
      %dma_start3A_222 = arith.constant 0 : i32
      %dma_start3A_223 = tpu.memref_slice %arg10[%add3A_195, %dma_start3A_222] : memref<20480x64xf32, #tpu.memory_space<hbm>> -> memref<128x64xf32, #tpu.memory_space<hbm>>
      %dma_start3A_224 = arith.constant 0 : i32
      %dma_start3A_225 = tpu.memref_slice %arg10[%add3A_195, %dma_start3A_224] : memref<20480x64xf32, #tpu.memory_space<hbm>> -> memref<128x64xf32, #tpu.memory_space<hbm>>
      tpu.enqueue_dma source(%arg21 : memref<128x64xf32, #tpu.memory_space<vmem>>) target(%dma_start3A_225 : memref<128x64xf32, #tpu.memory_space<hbm>>) target_semaphore(%run_scoped3A : memref<!tpu.dma_semaphore, #tpu.memory_space<semaphore_mem>>)
      %dma_wait3A_226 = arith.constant 0 : i32
      %dma_wait3A_227 = tpu.memref_slice %arg10[%add3A_195, %dma_wait3A_226] : memref<20480x64xf32, #tpu.memory_space<hbm>> -> memref<128x64xf32, #tpu.memory_space<hbm>>
      %dma_wait3A_228 = arith.constant 0 : i32
      %dma_wait3A_229 = tpu.memref_slice %arg10[%add3A_195, %dma_wait3A_228] : memref<20480x64xf32, #tpu.memory_space<hbm>> -> memref<128x64xf32, #tpu.memory_space<hbm>>
      tpu.wait_dma2 semaphore(%run_scoped3A : memref<!tpu.dma_semaphore, #tpu.memory_space<semaphore_mem>>) src(%arg21 : memref<128x64xf32, #tpu.memory_space<vmem>>) dst(%dma_wait3A_229 : memref<128x64xf32, #tpu.memory_space<hbm>>)
      tpu.yield
    }) : () -> ()
    %add3A_196 = arith.constant 128 : i32
    %add3A_197 = arith.addi %mul3A_2, %add3A_196 : i32
    "tpu.region"() ({
      %run_scoped3A = tpu.sem_alloc : memref<!tpu.dma_semaphore, #tpu.memory_space<semaphore_mem>>
      %dma_start3A_222 = arith.constant 0 : i32
      %dma_start3A_223 = tpu.memref_slice %arg23[%add3A_197, %dma_start3A_222] : memref<10240x64xf32, #tpu.memory_space<vmem_shared>> -> memref<128x64xf32, #tpu.memory_space<vmem_shared>>
      %dma_start3A_224 = arith.constant 0 : i32
      %dma_start3A_225 = tpu.memref_slice %arg23[%add3A_197, %dma_start3A_224] : memref<10240x64xf32, #tpu.memory_space<vmem_shared>> -> memref<128x64xf32, #tpu.memory_space<vmem_shared>>
      tpu.enqueue_dma source(%dma_start3A_225 : memref<128x64xf32, #tpu.memory_space<vmem_shared>>) target(%arg21 : memref<128x64xf32, #tpu.memory_space<vmem>>) target_semaphore(%run_scoped3A : memref<!tpu.dma_semaphore, #tpu.memory_space<semaphore_mem>>)
      %dma_wait3A_226 = arith.constant 0 : i32
      %dma_wait3A_227 = tpu.memref_slice %arg23[%add3A_197, %dma_wait3A_226] : memref<10240x64xf32, #tpu.memory_space<vmem_shared>> -> memref<128x64xf32, #tpu.memory_space<vmem_shared>>
      %dma_wait3A_228 = arith.constant 0 : i32
      %dma_wait3A_229 = tpu.memref_slice %arg23[%add3A_197, %dma_wait3A_228] : memref<10240x64xf32, #tpu.memory_space<vmem_shared>> -> memref<128x64xf32, #tpu.memory_space<vmem_shared>>
      tpu.wait_dma2 semaphore(%run_scoped3A : memref<!tpu.dma_semaphore, #tpu.memory_space<semaphore_mem>>) src(%dma_wait3A_229 : memref<128x64xf32, #tpu.memory_space<vmem_shared>>) dst(%arg21 : memref<128x64xf32, #tpu.memory_space<vmem>>)
      tpu.yield
    }) : () -> ()
    %mul3A_198 = arith.constant 10240 : i32
    %mul3A_199 = arith.muli %arg0, %mul3A_198 : i32
    %add3A_200 = arith.addi %mul3A_199, %add3A_197 : i32
    "tpu.region"() ({
      %run_scoped3A = tpu.sem_alloc : memref<!tpu.dma_semaphore, #tpu.memory_space<semaphore_mem>>
      %dma_start3A_222 = arith.constant 0 : i32
      %dma_start3A_223 = tpu.memref_slice %arg10[%add3A_200, %dma_start3A_222] : memref<20480x64xf32, #tpu.memory_space<hbm>> -> memref<128x64xf32, #tpu.memory_space<hbm>>
      %dma_start3A_224 = arith.constant 0 : i32
      %dma_start3A_225 = tpu.memref_slice %arg10[%add3A_200, %dma_start3A_224] : memref<20480x64xf32, #tpu.memory_space<hbm>> -> memref<128x64xf32, #tpu.memory_space<hbm>>
      tpu.enqueue_dma source(%arg21 : memref<128x64xf32, #tpu.memory_space<vmem>>) target(%dma_start3A_225 : memref<128x64xf32, #tpu.memory_space<hbm>>) target_semaphore(%run_scoped3A : memref<!tpu.dma_semaphore, #tpu.memory_space<semaphore_mem>>)
      %dma_wait3A_226 = arith.constant 0 : i32
      %dma_wait3A_227 = tpu.memref_slice %arg10[%add3A_200, %dma_wait3A_226] : memref<20480x64xf32, #tpu.memory_space<hbm>> -> memref<128x64xf32, #tpu.memory_space<hbm>>
      %dma_wait3A_228 = arith.constant 0 : i32
      %dma_wait3A_229 = tpu.memref_slice %arg10[%add3A_200, %dma_wait3A_228] : memref<20480x64xf32, #tpu.memory_space<hbm>> -> memref<128x64xf32, #tpu.memory_space<hbm>>
      tpu.wait_dma2 semaphore(%run_scoped3A : memref<!tpu.dma_semaphore, #tpu.memory_space<semaphore_mem>>) src(%arg21 : memref<128x64xf32, #tpu.memory_space<vmem>>) dst(%dma_wait3A_229 : memref<128x64xf32, #tpu.memory_space<hbm>>)
      tpu.yield
    }) : () -> ()
    %add3A_201 = arith.constant 256 : i32
    %add3A_202 = arith.addi %mul3A_2, %add3A_201 : i32
    "tpu.region"() ({
      %run_scoped3A = tpu.sem_alloc : memref<!tpu.dma_semaphore, #tpu.memory_space<semaphore_mem>>
      %dma_start3A_222 = arith.constant 0 : i32
      %dma_start3A_223 = tpu.memref_slice %arg23[%add3A_202, %dma_start3A_222] : memref<10240x64xf32, #tpu.memory_space<vmem_shared>> -> memref<128x64xf32, #tpu.memory_space<vmem_shared>>
      %dma_start3A_224 = arith.constant 0 : i32
      %dma_start3A_225 = tpu.memref_slice %arg23[%add3A_202, %dma_start3A_224] : memref<10240x64xf32, #tpu.memory_space<vmem_shared>> -> memref<128x64xf32, #tpu.memory_space<vmem_shared>>
      tpu.enqueue_dma source(%dma_start3A_225 : memref<128x64xf32, #tpu.memory_space<vmem_shared>>) target(%arg21 : memref<128x64xf32, #tpu.memory_space<vmem>>) target_semaphore(%run_scoped3A : memref<!tpu.dma_semaphore, #tpu.memory_space<semaphore_mem>>)
      %dma_wait3A_226 = arith.constant 0 : i32
      %dma_wait3A_227 = tpu.memref_slice %arg23[%add3A_202, %dma_wait3A_226] : memref<10240x64xf32, #tpu.memory_space<vmem_shared>> -> memref<128x64xf32, #tpu.memory_space<vmem_shared>>
      %dma_wait3A_228 = arith.constant 0 : i32
      %dma_wait3A_229 = tpu.memref_slice %arg23[%add3A_202, %dma_wait3A_228] : memref<10240x64xf32, #tpu.memory_space<vmem_shared>> -> memref<128x64xf32, #tpu.memory_space<vmem_shared>>
      tpu.wait_dma2 semaphore(%run_scoped3A : memref<!tpu.dma_semaphore, #tpu.memory_space<semaphore_mem>>) src(%dma_wait3A_229 : memref<128x64xf32, #tpu.memory_space<vmem_shared>>) dst(%arg21 : memref<128x64xf32, #tpu.memory_space<vmem>>)
      tpu.yield
    }) : () -> ()
    %mul3A_203 = arith.constant 10240 : i32
    %mul3A_204 = arith.muli %arg0, %mul3A_203 : i32
    %add3A_205 = arith.addi %mul3A_204, %add3A_202 : i32
    "tpu.region"() ({
      %run_scoped3A = tpu.sem_alloc : memref<!tpu.dma_semaphore, #tpu.memory_space<semaphore_mem>>
      %dma_start3A_222 = arith.constant 0 : i32
      %dma_start3A_223 = tpu.memref_slice %arg10[%add3A_205, %dma_start3A_222] : memref<20480x64xf32, #tpu.memory_space<hbm>> -> memref<128x64xf32, #tpu.memory_space<hbm>>
      %dma_start3A_224 = arith.constant 0 : i32
      %dma_start3A_225 = tpu.memref_slice %arg10[%add3A_205, %dma_start3A_224] : memref<20480x64xf32, #tpu.memory_space<hbm>> -> memref<128x64xf32, #tpu.memory_space<hbm>>
      tpu.enqueue_dma source(%arg21 : memref<128x64xf32, #tpu.memory_space<vmem>>) target(%dma_start3A_225 : memref<128x64xf32, #tpu.memory_space<hbm>>) target_semaphore(%run_scoped3A : memref<!tpu.dma_semaphore, #tpu.memory_space<semaphore_mem>>)
      %dma_wait3A_226 = arith.constant 0 : i32
      %dma_wait3A_227 = tpu.memref_slice %arg10[%add3A_205, %dma_wait3A_226] : memref<20480x64xf32, #tpu.memory_space<hbm>> -> memref<128x64xf32, #tpu.memory_space<hbm>>
      %dma_wait3A_228 = arith.constant 0 : i32
      %dma_wait3A_229 = tpu.memref_slice %arg10[%add3A_205, %dma_wait3A_228] : memref<20480x64xf32, #tpu.memory_space<hbm>> -> memref<128x64xf32, #tpu.memory_space<hbm>>
      tpu.wait_dma2 semaphore(%run_scoped3A : memref<!tpu.dma_semaphore, #tpu.memory_space<semaphore_mem>>) src(%arg21 : memref<128x64xf32, #tpu.memory_space<vmem>>) dst(%dma_wait3A_229 : memref<128x64xf32, #tpu.memory_space<hbm>>)
      tpu.yield
    }) : () -> ()
    %add3A_206 = arith.constant 384 : i32
    %add3A_207 = arith.addi %mul3A_2, %add3A_206 : i32
    "tpu.region"() ({
      %run_scoped3A = tpu.sem_alloc : memref<!tpu.dma_semaphore, #tpu.memory_space<semaphore_mem>>
      %dma_start3A_222 = arith.constant 0 : i32
      %dma_start3A_223 = tpu.memref_slice %arg23[%add3A_207, %dma_start3A_222] : memref<10240x64xf32, #tpu.memory_space<vmem_shared>> -> memref<128x64xf32, #tpu.memory_space<vmem_shared>>
      %dma_start3A_224 = arith.constant 0 : i32
      %dma_start3A_225 = tpu.memref_slice %arg23[%add3A_207, %dma_start3A_224] : memref<10240x64xf32, #tpu.memory_space<vmem_shared>> -> memref<128x64xf32, #tpu.memory_space<vmem_shared>>
      tpu.enqueue_dma source(%dma_start3A_225 : memref<128x64xf32, #tpu.memory_space<vmem_shared>>) target(%arg21 : memref<128x64xf32, #tpu.memory_space<vmem>>) target_semaphore(%run_scoped3A : memref<!tpu.dma_semaphore, #tpu.memory_space<semaphore_mem>>)
      %dma_wait3A_226 = arith.constant 0 : i32
      %dma_wait3A_227 = tpu.memref_slice %arg23[%add3A_207, %dma_wait3A_226] : memref<10240x64xf32, #tpu.memory_space<vmem_shared>> -> memref<128x64xf32, #tpu.memory_space<vmem_shared>>
      %dma_wait3A_228 = arith.constant 0 : i32
      %dma_wait3A_229 = tpu.memref_slice %arg23[%add3A_207, %dma_wait3A_228] : memref<10240x64xf32, #tpu.memory_space<vmem_shared>> -> memref<128x64xf32, #tpu.memory_space<vmem_shared>>
      tpu.wait_dma2 semaphore(%run_scoped3A : memref<!tpu.dma_semaphore, #tpu.memory_space<semaphore_mem>>) src(%dma_wait3A_229 : memref<128x64xf32, #tpu.memory_space<vmem_shared>>) dst(%arg21 : memref<128x64xf32, #tpu.memory_space<vmem>>)
      tpu.yield
    }) : () -> ()
    %mul3A_208 = arith.constant 10240 : i32
    %mul3A_209 = arith.muli %arg0, %mul3A_208 : i32
    %add3A_210 = arith.addi %mul3A_209, %add3A_207 : i32
    "tpu.region"() ({
      %run_scoped3A = tpu.sem_alloc : memref<!tpu.dma_semaphore, #tpu.memory_space<semaphore_mem>>
      %dma_start3A_222 = arith.constant 0 : i32
      %dma_start3A_223 = tpu.memref_slice %arg10[%add3A_210, %dma_start3A_222] : memref<20480x64xf32, #tpu.memory_space<hbm>> -> memref<128x64xf32, #tpu.memory_space<hbm>>
      %dma_start3A_224 = arith.constant 0 : i32
      %dma_start3A_225 = tpu.memref_slice %arg10[%add3A_210, %dma_start3A_224] : memref<20480x64xf32, #tpu.memory_space<hbm>> -> memref<128x64xf32, #tpu.memory_space<hbm>>
      tpu.enqueue_dma source(%arg21 : memref<128x64xf32, #tpu.memory_space<vmem>>) target(%dma_start3A_225 : memref<128x64xf32, #tpu.memory_space<hbm>>) target_semaphore(%run_scoped3A : memref<!tpu.dma_semaphore, #tpu.memory_space<semaphore_mem>>)
      %dma_wait3A_226 = arith.constant 0 : i32
      %dma_wait3A_227 = tpu.memref_slice %arg10[%add3A_210, %dma_wait3A_226] : memref<20480x64xf32, #tpu.memory_space<hbm>> -> memref<128x64xf32, #tpu.memory_space<hbm>>
      %dma_wait3A_228 = arith.constant 0 : i32
      %dma_wait3A_229 = tpu.memref_slice %arg10[%add3A_210, %dma_wait3A_228] : memref<20480x64xf32, #tpu.memory_space<hbm>> -> memref<128x64xf32, #tpu.memory_space<hbm>>
      tpu.wait_dma2 semaphore(%run_scoped3A : memref<!tpu.dma_semaphore, #tpu.memory_space<semaphore_mem>>) src(%arg21 : memref<128x64xf32, #tpu.memory_space<vmem>>) dst(%dma_wait3A_229 : memref<128x64xf32, #tpu.memory_space<hbm>>)
      tpu.yield
    }) : () -> ()
    %add3A_211 = arith.constant 512 : i32
    %add3A_212 = arith.addi %mul3A_2, %add3A_211 : i32
    "tpu.region"() ({
      %run_scoped3A = tpu.sem_alloc : memref<!tpu.dma_semaphore, #tpu.memory_space<semaphore_mem>>
      %dma_start3A_222 = arith.constant 0 : i32
      %dma_start3A_223 = tpu.memref_slice %arg23[%add3A_212, %dma_start3A_222] : memref<10240x64xf32, #tpu.memory_space<vmem_shared>> -> memref<128x64xf32, #tpu.memory_space<vmem_shared>>
      %dma_start3A_224 = arith.constant 0 : i32
      %dma_start3A_225 = tpu.memref_slice %arg23[%add3A_212, %dma_start3A_224] : memref<10240x64xf32, #tpu.memory_space<vmem_shared>> -> memref<128x64xf32, #tpu.memory_space<vmem_shared>>
      tpu.enqueue_dma source(%dma_start3A_225 : memref<128x64xf32, #tpu.memory_space<vmem_shared>>) target(%arg21 : memref<128x64xf32, #tpu.memory_space<vmem>>) target_semaphore(%run_scoped3A : memref<!tpu.dma_semaphore, #tpu.memory_space<semaphore_mem>>)
      %dma_wait3A_226 = arith.constant 0 : i32
      %dma_wait3A_227 = tpu.memref_slice %arg23[%add3A_212, %dma_wait3A_226] : memref<10240x64xf32, #tpu.memory_space<vmem_shared>> -> memref<128x64xf32, #tpu.memory_space<vmem_shared>>
      %dma_wait3A_228 = arith.constant 0 : i32
      %dma_wait3A_229 = tpu.memref_slice %arg23[%add3A_212, %dma_wait3A_228] : memref<10240x64xf32, #tpu.memory_space<vmem_shared>> -> memref<128x64xf32, #tpu.memory_space<vmem_shared>>
      tpu.wait_dma2 semaphore(%run_scoped3A : memref<!tpu.dma_semaphore, #tpu.memory_space<semaphore_mem>>) src(%dma_wait3A_229 : memref<128x64xf32, #tpu.memory_space<vmem_shared>>) dst(%arg21 : memref<128x64xf32, #tpu.memory_space<vmem>>)
      tpu.yield
    }) : () -> ()
    %mul3A_213 = arith.constant 10240 : i32
    %mul3A_214 = arith.muli %arg0, %mul3A_213 : i32
    %add3A_215 = arith.addi %mul3A_214, %add3A_212 : i32
    "tpu.region"() ({
      %run_scoped3A = tpu.sem_alloc : memref<!tpu.dma_semaphore, #tpu.memory_space<semaphore_mem>>
      %dma_start3A_222 = arith.constant 0 : i32
      %dma_start3A_223 = tpu.memref_slice %arg10[%add3A_215, %dma_start3A_222] : memref<20480x64xf32, #tpu.memory_space<hbm>> -> memref<128x64xf32, #tpu.memory_space<hbm>>
      %dma_start3A_224 = arith.constant 0 : i32
      %dma_start3A_225 = tpu.memref_slice %arg10[%add3A_215, %dma_start3A_224] : memref<20480x64xf32, #tpu.memory_space<hbm>> -> memref<128x64xf32, #tpu.memory_space<hbm>>
      tpu.enqueue_dma source(%arg21 : memref<128x64xf32, #tpu.memory_space<vmem>>) target(%dma_start3A_225 : memref<128x64xf32, #tpu.memory_space<hbm>>) target_semaphore(%run_scoped3A : memref<!tpu.dma_semaphore, #tpu.memory_space<semaphore_mem>>)
      %dma_wait3A_226 = arith.constant 0 : i32
      %dma_wait3A_227 = tpu.memref_slice %arg10[%add3A_215, %dma_wait3A_226] : memref<20480x64xf32, #tpu.memory_space<hbm>> -> memref<128x64xf32, #tpu.memory_space<hbm>>
      %dma_wait3A_228 = arith.constant 0 : i32
      %dma_wait3A_229 = tpu.memref_slice %arg10[%add3A_215, %dma_wait3A_228] : memref<20480x64xf32, #tpu.memory_space<hbm>> -> memref<128x64xf32, #tpu.memory_space<hbm>>
      tpu.wait_dma2 semaphore(%run_scoped3A : memref<!tpu.dma_semaphore, #tpu.memory_space<semaphore_mem>>) src(%arg21 : memref<128x64xf32, #tpu.memory_space<vmem>>) dst(%dma_wait3A_229 : memref<128x64xf32, #tpu.memory_space<hbm>>)
      tpu.yield
    }) : () -> ()
    %barrier3A_216 = arith.constant 0 : index
    tpu.barrier barrier_id(%barrier3A_216)
    %eq3A_217 = arith.constant 0 : i32
    %eq3A_218 = arith.cmpi eq, %arg1, %eq3A_217 : i32
    %convert_element_type3A_219 = arith.extui %eq3A_218 : i1 to i32
    %cond3A_220 = arith.constant 0 : i32
    %cond3A_221 = arith.cmpi ne, %convert_element_type3A_219, %cond3A_220 : i32
    scf.if %cond3A_221 {
      "tpu.region"() ({
        %run_scoped3A = tpu.sem_alloc : memref<!tpu.dma_semaphore, #tpu.memory_space<semaphore_mem>>
        tpu.enqueue_dma source(%arg24 : memref<10240xf32, #tpu.memory_space<vmem_shared>>) target(%arg22 : memref<10240xf32, #tpu.memory_space<vmem>>) target_semaphore(%run_scoped3A : memref<!tpu.dma_semaphore, #tpu.memory_space<semaphore_mem>>)
        tpu.wait_dma2 semaphore(%run_scoped3A : memref<!tpu.dma_semaphore, #tpu.memory_space<semaphore_mem>>) src(%arg24 : memref<10240xf32, #tpu.memory_space<vmem_shared>>) dst(%arg22 : memref<10240xf32, #tpu.memory_space<vmem>>)
        tpu.yield
      }) : () -> ()
      "tpu.region"() ({
        %run_scoped3A = tpu.sem_alloc : memref<!tpu.dma_semaphore, #tpu.memory_space<semaphore_mem>>
        %dma_start3A_222 = arith.constant 0 : i32
        %dma_start3A_223 = tpu.memref_slice %arg11[%arg0, %dma_start3A_222] : memref<2x10240xf32, #tpu.memory_space<hbm>> -> memref<1x10240xf32, #tpu.memory_space<hbm>>
        %dma_start3A_224 = tpu.memref_squeeze %dma_start3A_223 : memref<1x10240xf32, #tpu.memory_space<hbm>> -> memref<10240xf32, #tpu.memory_space<hbm>>
        %dma_start3A_225 = arith.constant 0 : i32
        %dma_start3A_226 = tpu.memref_slice %arg11[%arg0, %dma_start3A_225] : memref<2x10240xf32, #tpu.memory_space<hbm>> -> memref<1x10240xf32, #tpu.memory_space<hbm>>
        %dma_start3A_227 = tpu.memref_squeeze %dma_start3A_226 : memref<1x10240xf32, #tpu.memory_space<hbm>> -> memref<10240xf32, #tpu.memory_space<hbm>>
        tpu.enqueue_dma source(%arg22 : memref<10240xf32, #tpu.memory_space<vmem>>) target(%dma_start3A_227 : memref<10240xf32, #tpu.memory_space<hbm>>) target_semaphore(%run_scoped3A : memref<!tpu.dma_semaphore, #tpu.memory_space<semaphore_mem>>)
        %dma_wait3A_228 = arith.constant 0 : i32
        %dma_wait3A_229 = tpu.memref_slice %arg11[%arg0, %dma_wait3A_228] : memref<2x10240xf32, #tpu.memory_space<hbm>> -> memref<1x10240xf32, #tpu.memory_space<hbm>>
        %dma_wait3A_230 = tpu.memref_squeeze %dma_wait3A_229 : memref<1x10240xf32, #tpu.memory_space<hbm>> -> memref<10240xf32, #tpu.memory_space<hbm>>
        %dma_wait3A_231 = arith.constant 0 : i32
        %dma_wait3A_232 = tpu.memref_slice %arg11[%arg0, %dma_wait3A_231] : memref<2x10240xf32, #tpu.memory_space<hbm>> -> memref<1x10240xf32, #tpu.memory_space<hbm>>
        %dma_wait3A_233 = tpu.memref_squeeze %dma_wait3A_232 : memref<1x10240xf32, #tpu.memory_space<hbm>> -> memref<10240xf32, #tpu.memory_space<hbm>>
        tpu.wait_dma2 semaphore(%run_scoped3A : memref<!tpu.dma_semaphore, #tpu.memory_space<semaphore_mem>>) src(%arg22 : memref<10240xf32, #tpu.memory_space<vmem>>) dst(%dma_wait3A_233 : memref<10240xf32, #tpu.memory_space<hbm>>)
        tpu.yield
      }) : () -> ()
    } else {
    }
    return
  }
}

#map = affine_map<(d0, d1) -> (0, 0)>
#map1 = affine_map<(d0, d1) -> (0, 0, 0)>
module attributes {stable_mosaic.version = 14 : i64} {
  func.func @_edge_agg(%arg0: i32, %arg1: i32, %arg2: memref<20480x64xf32, #tpu.memory_space<hbm>>, %arg3: memref<464x64xf32, #tpu.memory_space<hbm>>, %arg4: memref<464x64xf32, #tpu.memory_space<hbm>>, %arg5: memref<32x125x80xi32, #tpu.memory_space<hbm>>, %arg6: memref<32x125x80xi32, #tpu.memory_space<hbm>>, %arg7: memref<32x125x80xi32, #tpu.memory_space<hbm>>, %arg8: memref<32x125x80xi32, #tpu.memory_space<hbm>>, %arg9: memref<20480x64xf32, #tpu.memory_space<hbm>>, %arg10: memref<20480x64xf32, #tpu.memory_space<hbm>>, %arg11: memref<2x10240xf32, #tpu.memory_space<hbm>>, %arg12: memref<125x80xi32, #tpu.memory_space<vmem>>, %arg13: memref<125x80xi32, #tpu.memory_space<vmem>>, %arg14: memref<125x80xi32, #tpu.memory_space<vmem>>, %arg15: memref<80x64xf32, #tpu.memory_space<vmem>>, %arg16: memref<80x64xf32, #tpu.memory_space<vmem>>, %arg17: memref<80x64xf32, #tpu.memory_space<vmem>>, %arg18: memref<80x64xf32, #tpu.memory_space<vmem>>, %arg19: memref<464x64xf32, #tpu.memory_space<vmem_shared>>, %arg20: memref<80xf32, #tpu.memory_space<vmem>>, %arg21: memref<128x64xf32, #tpu.memory_space<vmem>>, %arg22: memref<10240xf32, #tpu.memory_space<vmem>>, %arg23: memref<10240x64xf32, #tpu.memory_space<vmem_shared>>, %arg24: memref<10240xf32, #tpu.memory_space<vmem_shared>>, %arg25: memref<!tpu.dma_semaphore, #tpu.memory_space<semaphore_mem>>, %arg26: memref<!tpu.dma_semaphore, #tpu.memory_space<semaphore_mem>>, %arg27: memref<!tpu.dma_semaphore, #tpu.memory_space<semaphore_mem>>, %arg28: memref<!tpu.dma_semaphore, #tpu.memory_space<semaphore_mem>>, %arg29: memref<!tpu.dma_semaphore, #tpu.memory_space<semaphore_mem>>, %arg30: memref<!tpu.dma_semaphore, #tpu.memory_space<semaphore_mem>>, %arg31: memref<!tpu.dma_semaphore, #tpu.memory_space<semaphore_mem>>, %arg32: memref<!tpu.dma_semaphore, #tpu.memory_space<semaphore_mem>>, %arg33: memref<!tpu.dma_semaphore, #tpu.memory_space<semaphore_mem>>) attributes {dimension_semantics = [#tpu.dimension_semantics<core_parallel>, #tpu.dimension_semantics<subcore_parallel>], iteration_bounds = array<i64: 2, 16>, scalar_prefetch = 0 : i64, scratch_operands = 22 : i64, tpu.core_type = #tpu.core_type<sc_vector_subcore>, window_params = [{transform_indices = #map}, {transform_indices = #map}, {transform_indices = #map}, {transform_indices = #map1}, {transform_indices = #map1}, {transform_indices = #map1}, {transform_indices = #map1}, {transform_indices = #map}, {transform_indices = #map}, {transform_indices = #map}]} {
    %mul3A = arith.constant 2 : i32
    %mul3A_0 = arith.muli %arg1, %mul3A : i32
    %add3A = arith.addi %mul3A_0, %arg0 : i32
    %mul3A_1 = arith.constant 640 : i32
    %mul3A_2 = arith.muli %arg1, %mul3A_1 : i32
    %broadcast_in_dim3A = arith.constant 1.000000e+00 : f32
    %broadcast_in_dim3A_3 = vector.broadcast %broadcast_in_dim3A : f32 to vector<16xf32>
    %scan3A = arith.constant 0 : i32
    %scan3A_4 = arith.constant 0 : i32
    %scan3A_5 = arith.constant 5 : i32
    %scan3A_6 = arith.addi %scan3A_4, %scan3A_5 : i32
    %scan3A_7 = arith.constant 1 : i32
    %scan3A_8 = scf.for %scan3A_222 = %scan3A_4 to %scan3A_6 step %scan3A_7 iter_args(%scan3A_223 = %scan3A) -> (i32)  : i32 {
      %mul3A_224 = arith.constant 16 : i32
      %mul3A_225 = arith.muli %scan3A_222, %mul3A_224 : i32
      %swap3A = arith.index_cast %mul3A_225 : i32 to index
      %swap3A_226 = tpu.vector_load %arg20[%swap3A] {strides = array<i32>} : memref<80xf32, #tpu.memory_space<vmem>>, vector<16xf32>,
      %swap3A_227 = vector.shape_cast %swap3A_226 : vector<16xf32> to vector<16xf32>
      %swap3A_228 = vector.shape_cast %broadcast_in_dim3A_3 : vector<16xf32> to vector<16xf32>
      tpu.vector_store %arg20[%swap3A], %swap3A_228 {strides = array<i32>} : memref<80xf32, #tpu.memory_space<vmem>>, vector<16xf32>,
      %scan3A_229 = arith.constant 0 : i32
      scf.yield %scan3A_229 : i32
    }
    %scan3A_9 = arith.constant 5 : i32
    "tpu.region"() ({
      %run_scoped3A = tpu.sem_alloc : memref<!tpu.dma_semaphore, #tpu.memory_space<semaphore_mem>>
      %dma_start3A_222 = arith.constant 0 : i32
      %dma_start3A_223 = arith.constant 0 : i32
      %dma_start3A_224 = tpu.memref_slice %arg8[%add3A, %dma_start3A_222, %dma_start3A_223] : memref<32x125x80xi32, #tpu.memory_space<hbm>> -> memref<1x125x80xi32, #tpu.memory_space<hbm>>
      %dma_start3A_225 = tpu.memref_squeeze %dma_start3A_224 : memref<1x125x80xi32, #tpu.memory_space<hbm>> -> memref<125x80xi32, #tpu.memory_space<hbm>>
      %dma_start3A_226 = arith.constant 0 : i32
      %dma_start3A_227 = arith.constant 0 : i32
      %dma_start3A_228 = tpu.memref_slice %arg8[%add3A, %dma_start3A_226, %dma_start3A_227] : memref<32x125x80xi32, #tpu.memory_space<hbm>> -> memref<1x125x80xi32, #tpu.memory_space<hbm>>
      %dma_start3A_229 = tpu.memref_squeeze %dma_start3A_228 : memref<1x125x80xi32, #tpu.memory_space<hbm>> -> memref<125x80xi32, #tpu.memory_space<hbm>>
      tpu.enqueue_dma source(%dma_start3A_229 : memref<125x80xi32, #tpu.memory_space<hbm>>) target(%arg13 : memref<125x80xi32, #tpu.memory_space<vmem>>) target_semaphore(%run_scoped3A : memref<!tpu.dma_semaphore, #tpu.memory_space<semaphore_mem>>)
      %dma_wait3A_230 = arith.constant 0 : i32
      %dma_wait3A_231 = arith.constant 0 : i32
      %dma_wait3A_232 = tpu.memref_slice %arg8[%add3A, %dma_wait3A_230, %dma_wait3A_231] : memref<32x125x80xi32, #tpu.memory_space<hbm>> -> memref<1x125x80xi32, #tpu.memory_space<hbm>>
      %dma_wait3A_233 = tpu.memref_squeeze %dma_wait3A_232 : memref<1x125x80xi32, #tpu.memory_space<hbm>> -> memref<125x80xi32, #tpu.memory_space<hbm>>
      %dma_wait3A_234 = arith.constant 0 : i32
      %dma_wait3A_235 = arith.constant 0 : i32
      %dma_wait3A_236 = tpu.memref_slice %arg8[%add3A, %dma_wait3A_234, %dma_wait3A_235] : memref<32x125x80xi32, #tpu.memory_space<hbm>> -> memref<1x125x80xi32, #tpu.memory_space<hbm>>
      %dma_wait3A_237 = tpu.memref_squeeze %dma_wait3A_236 : memref<1x125x80xi32, #tpu.memory_space<hbm>> -> memref<125x80xi32, #tpu.memory_space<hbm>>
      tpu.wait_dma2 semaphore(%run_scoped3A : memref<!tpu.dma_semaphore, #tpu.memory_space<semaphore_mem>>) src(%dma_wait3A_237 : memref<125x80xi32, #tpu.memory_space<hbm>>) dst(%arg13 : memref<125x80xi32, #tpu.memory_space<vmem>>)
      tpu.yield
    }) : () -> ()
    "tpu.region"() ({
      %run_scoped3A = tpu.sem_alloc : memref<!tpu.dma_semaphore, #tpu.memory_space<semaphore_mem>>
      %dma_start3A_222 = arith.constant 0 : i32
      %dma_start3A_223 = arith.constant 0 : i32
      %dma_start3A_224 = tpu.memref_slice %arg7[%add3A, %dma_start3A_222, %dma_start3A_223] : memref<32x125x80xi32, #tpu.memory_space<hbm>> -> memref<1x125x80xi32, #tpu.memory_space<hbm>>
      %dma_start3A_225 = tpu.memref_squeeze %dma_start3A_224 : memref<1x125x80xi32, #tpu.memory_space<hbm>> -> memref<125x80xi32, #tpu.memory_space<hbm>>
      %dma_start3A_226 = arith.constant 0 : i32
      %dma_start3A_227 = arith.constant 0 : i32
      %dma_start3A_228 = tpu.memref_slice %arg7[%add3A, %dma_start3A_226, %dma_start3A_227] : memref<32x125x80xi32, #tpu.memory_space<hbm>> -> memref<1x125x80xi32, #tpu.memory_space<hbm>>
      %dma_start3A_229 = tpu.memref_squeeze %dma_start3A_228 : memref<1x125x80xi32, #tpu.memory_space<hbm>> -> memref<125x80xi32, #tpu.memory_space<hbm>>
      tpu.enqueue_dma source(%dma_start3A_229 : memref<125x80xi32, #tpu.memory_space<hbm>>) target(%arg14 : memref<125x80xi32, #tpu.memory_space<vmem>>) target_semaphore(%run_scoped3A : memref<!tpu.dma_semaphore, #tpu.memory_space<semaphore_mem>>)
      %dma_wait3A_230 = arith.constant 0 : i32
      %dma_wait3A_231 = arith.constant 0 : i32
      %dma_wait3A_232 = tpu.memref_slice %arg7[%add3A, %dma_wait3A_230, %dma_wait3A_231] : memref<32x125x80xi32, #tpu.memory_space<hbm>> -> memref<1x125x80xi32, #tpu.memory_space<hbm>>
      %dma_wait3A_233 = tpu.memref_squeeze %dma_wait3A_232 : memref<1x125x80xi32, #tpu.memory_space<hbm>> -> memref<125x80xi32, #tpu.memory_space<hbm>>
      %dma_wait3A_234 = arith.constant 0 : i32
      %dma_wait3A_235 = arith.constant 0 : i32
      %dma_wait3A_236 = tpu.memref_slice %arg7[%add3A, %dma_wait3A_234, %dma_wait3A_235] : memref<32x125x80xi32, #tpu.memory_space<hbm>> -> memref<1x125x80xi32, #tpu.memory_space<hbm>>
      %dma_wait3A_237 = tpu.memref_squeeze %dma_wait3A_236 : memref<1x125x80xi32, #tpu.memory_space<hbm>> -> memref<125x80xi32, #tpu.memory_space<hbm>>
      tpu.wait_dma2 semaphore(%run_scoped3A : memref<!tpu.dma_semaphore, #tpu.memory_space<semaphore_mem>>) src(%dma_wait3A_237 : memref<125x80xi32, #tpu.memory_space<hbm>>) dst(%arg14 : memref<125x80xi32, #tpu.memory_space<vmem>>)
      tpu.yield
    }) : () -> ()
    %eq3A = arith.constant 0 : i32
    %eq3A_10 = arith.cmpi eq, %arg1, %eq3A : i32
    %convert_element_type3A = arith.extui %eq3A_10 : i1 to i32
    %cond3A = arith.constant 0 : i32
    %cond3A_11 = arith.cmpi ne, %convert_element_type3A, %cond3A : i32
    scf.if %cond3A_11 {
      %broadcast_in_dim3A_222 = arith.constant 0.000000e+00 : f32
      %broadcast_in_dim3A_223 = vector.broadcast %broadcast_in_dim3A_222 : f32 to vector<16xf32>
      %scan3A_224 = arith.constant 0 : i32
      %scan3A_225 = arith.constant 0 : i32
      %scan3A_226 = arith.constant 640 : i32
      %scan3A_227 = arith.addi %scan3A_225, %scan3A_226 : i32
      %scan3A_228 = arith.constant 1 : i32
      %scan3A_229 = scf.for %scan3A_231 = %scan3A_225 to %scan3A_227 step %scan3A_228 iter_args(%scan3A_232 = %scan3A_224) -> (i32)  : i32 {
        %mul3A_233 = arith.constant 16 : i32
        %mul3A_234 = arith.muli %scan3A_231, %mul3A_233 : i32
        %swap3A = arith.index_cast %mul3A_234 : i32 to index
        %swap3A_235 = tpu.vector_load %arg22[%swap3A] {strides = array<i32>} : memref<10240xf32, #tpu.memory_space<vmem>>, vector<16xf32>,
        %swap3A_236 = vector.shape_cast %swap3A_235 : vector<16xf32> to vector<16xf32>
        %swap3A_237 = vector.shape_cast %broadcast_in_dim3A_223 : vector<16xf32> to vector<16xf32>
        tpu.vector_store %arg22[%swap3A], %swap3A_237 {strides = array<i32>} : memref<10240xf32, #tpu.memory_space<vmem>>, vector<16xf32>,
        %scan3A_238 = arith.constant 0 : i32
        scf.yield %scan3A_238 : i32
      }
      %scan3A_230 = arith.constant 640 : i32
      "tpu.region"() ({
        %run_scoped3A = tpu.sem_alloc : memref<!tpu.dma_semaphore, #tpu.memory_space<semaphore_mem>>
        tpu.enqueue_dma source(%arg22 : memref<10240xf32, #tpu.memory_space<vmem>>) target(%arg24 : memref<10240xf32, #tpu.memory_space<vmem_shared>>) target_semaphore(%run_scoped3A : memref<!tpu.dma_semaphore, #tpu.memory_space<semaphore_mem>>)
        tpu.wait_dma2 semaphore(%run_scoped3A : memref<!tpu.dma_semaphore, #tpu.memory_space<semaphore_mem>>) src(%arg22 : memref<10240xf32, #tpu.memory_space<vmem>>) dst(%arg24 : memref<10240xf32, #tpu.memory_space<vmem_shared>>)
        tpu.yield
      }) : () -> ()
    } else {
    }
    %broadcast_in_dim3A_12 = arith.constant 0.000000e+00 : f32
    %broadcast_in_dim3A_13 = vector.broadcast %broadcast_in_dim3A_12 : f32 to vector<16xf32>
    %scan3A_14 = arith.constant 0 : i32
    %scan3A_15 = arith.constant 0 : i32
    %scan3A_16 = arith.constant 128 : i32
    %scan3A_17 = arith.addi %scan3A_15, %scan3A_16 : i32
    %scan3A_18 = arith.constant 1 : i32
    %scan3A_19 = scf.for %scan3A_222 = %scan3A_15 to %scan3A_17 step %scan3A_18 iter_args(%scan3A_223 = %scan3A_14) -> (i32)  : i32 {
      %swap3A = arith.index_cast %scan3A_222 : i32 to index
      %swap3A_224 = arith.constant 0 : index
      %swap3A_225 = tpu.vector_load %arg21[%swap3A, %swap3A_224] {strides = array<i32>} : memref<128x64xf32, #tpu.memory_space<vmem>>, vector<1x16xf32>,
      %swap3A_226 = vector.shape_cast %swap3A_225 : vector<1x16xf32> to vector<16xf32>
      %swap3A_227 = vector.shape_cast %broadcast_in_dim3A_13 : vector<16xf32> to vector<1x16xf32>
      tpu.vector_store %arg21[%swap3A, %swap3A_224], %swap3A_227 {strides = array<i32>} : memref<128x64xf32, #tpu.memory_space<vmem>>, vector<1x16xf32>,
      %swap3A_228 = arith.index_cast %scan3A_222 : i32 to index
      %swap3A_229 = arith.constant 16 : index
      %swap3A_230 = tpu.vector_load %arg21[%swap3A_228, %swap3A_229] {strides = array<i32>} : memref<128x64xf32, #tpu.memory_space<vmem>>, vector<1x16xf32>,
      %swap3A_231 = vector.shape_cast %swap3A_230 : vector<1x16xf32> to vector<16xf32>
      %swap3A_232 = vector.shape_cast %broadcast_in_dim3A_13 : vector<16xf32> to vector<1x16xf32>
      tpu.vector_store %arg21[%swap3A_228, %swap3A_229], %swap3A_232 {strides = array<i32>} : memref<128x64xf32, #tpu.memory_space<vmem>>, vector<1x16xf32>,
      %swap3A_233 = arith.index_cast %scan3A_222 : i32 to index
      %swap3A_234 = arith.constant 32 : index
      %swap3A_235 = tpu.vector_load %arg21[%swap3A_233, %swap3A_234] {strides = array<i32>} : memref<128x64xf32, #tpu.memory_space<vmem>>, vector<1x16xf32>,
      %swap3A_236 = vector.shape_cast %swap3A_235 : vector<1x16xf32> to vector<16xf32>
      %swap3A_237 = vector.shape_cast %broadcast_in_dim3A_13 : vector<16xf32> to vector<1x16xf32>
      tpu.vector_store %arg21[%swap3A_233, %swap3A_234], %swap3A_237 {strides = array<i32>} : memref<128x64xf32, #tpu.memory_space<vmem>>, vector<1x16xf32>,
      %swap3A_238 = arith.index_cast %scan3A_222 : i32 to index
      %swap3A_239 = arith.constant 48 : index
      %swap3A_240 = tpu.vector_load %arg21[%swap3A_238, %swap3A_239] {strides = array<i32>} : memref<128x64xf32, #tpu.memory_space<vmem>>, vector<1x16xf32>,
      %swap3A_241 = vector.shape_cast %swap3A_240 : vector<1x16xf32> to vector<16xf32>
      %swap3A_242 = vector.shape_cast %broadcast_in_dim3A_13 : vector<16xf32> to vector<1x16xf32>
      tpu.vector_store %arg21[%swap3A_238, %swap3A_239], %swap3A_242 {strides = array<i32>} : memref<128x64xf32, #tpu.memory_space<vmem>>, vector<1x16xf32>,
      %scan3A_243 = arith.constant 0 : i32
      scf.yield %scan3A_243 : i32
    }
    %scan3A_20 = arith.constant 128 : i32
    %add3A_21 = arith.constant 0 : i32
    %add3A_22 = arith.addi %mul3A_2, %add3A_21 : i32
    "tpu.region"() ({
      %run_scoped3A = tpu.sem_alloc : memref<!tpu.dma_semaphore, #tpu.memory_space<semaphore_mem>>
      %dma_start3A_222 = arith.constant 0 : i32
      %dma_start3A_223 = tpu.memref_slice %arg23[%add3A_22, %dma_start3A_222] : memref<10240x64xf32, #tpu.memory_space<vmem_shared>> -> memref<128x64xf32, #tpu.memory_space<vmem_shared>>
      %dma_start3A_224 = arith.constant 0 : i32
      %dma_start3A_225 = tpu.memref_slice %arg23[%add3A_22, %dma_start3A_224] : memref<10240x64xf32, #tpu.memory_space<vmem_shared>> -> memref<128x64xf32, #tpu.memory_space<vmem_shared>>
      tpu.enqueue_dma source(%arg21 : memref<128x64xf32, #tpu.memory_space<vmem>>) target(%dma_start3A_225 : memref<128x64xf32, #tpu.memory_space<vmem_shared>>) target_semaphore(%run_scoped3A : memref<!tpu.dma_semaphore, #tpu.memory_space<semaphore_mem>>)
      %dma_wait3A_226 = arith.constant 0 : i32
      %dma_wait3A_227 = tpu.memref_slice %arg23[%add3A_22, %dma_wait3A_226] : memref<10240x64xf32, #tpu.memory_space<vmem_shared>> -> memref<128x64xf32, #tpu.memory_space<vmem_shared>>
      %dma_wait3A_228 = arith.constant 0 : i32
      %dma_wait3A_229 = tpu.memref_slice %arg23[%add3A_22, %dma_wait3A_228] : memref<10240x64xf32, #tpu.memory_space<vmem_shared>> -> memref<128x64xf32, #tpu.memory_space<vmem_shared>>
      tpu.wait_dma2 semaphore(%run_scoped3A : memref<!tpu.dma_semaphore, #tpu.memory_space<semaphore_mem>>) src(%arg21 : memref<128x64xf32, #tpu.memory_space<vmem>>) dst(%dma_wait3A_229 : memref<128x64xf32, #tpu.memory_space<vmem_shared>>)
      tpu.yield
    }) : () -> ()
    %add3A_23 = arith.constant 128 : i32
    %add3A_24 = arith.addi %mul3A_2, %add3A_23 : i32
    "tpu.region"() ({
      %run_scoped3A = tpu.sem_alloc : memref<!tpu.dma_semaphore, #tpu.memory_space<semaphore_mem>>
      %dma_start3A_222 = arith.constant 0 : i32
      %dma_start3A_223 = tpu.memref_slice %arg23[%add3A_24, %dma_start3A_222] : memref<10240x64xf32, #tpu.memory_space<vmem_shared>> -> memref<128x64xf32, #tpu.memory_space<vmem_shared>>
      %dma_start3A_224 = arith.constant 0 : i32
      %dma_start3A_225 = tpu.memref_slice %arg23[%add3A_24, %dma_start3A_224] : memref<10240x64xf32, #tpu.memory_space<vmem_shared>> -> memref<128x64xf32, #tpu.memory_space<vmem_shared>>
      tpu.enqueue_dma source(%arg21 : memref<128x64xf32, #tpu.memory_space<vmem>>) target(%dma_start3A_225 : memref<128x64xf32, #tpu.memory_space<vmem_shared>>) target_semaphore(%run_scoped3A : memref<!tpu.dma_semaphore, #tpu.memory_space<semaphore_mem>>)
      %dma_wait3A_226 = arith.constant 0 : i32
      %dma_wait3A_227 = tpu.memref_slice %arg23[%add3A_24, %dma_wait3A_226] : memref<10240x64xf32, #tpu.memory_space<vmem_shared>> -> memref<128x64xf32, #tpu.memory_space<vmem_shared>>
      %dma_wait3A_228 = arith.constant 0 : i32
      %dma_wait3A_229 = tpu.memref_slice %arg23[%add3A_24, %dma_wait3A_228] : memref<10240x64xf32, #tpu.memory_space<vmem_shared>> -> memref<128x64xf32, #tpu.memory_space<vmem_shared>>
      tpu.wait_dma2 semaphore(%run_scoped3A : memref<!tpu.dma_semaphore, #tpu.memory_space<semaphore_mem>>) src(%arg21 : memref<128x64xf32, #tpu.memory_space<vmem>>) dst(%dma_wait3A_229 : memref<128x64xf32, #tpu.memory_space<vmem_shared>>)
      tpu.yield
    }) : () -> ()
    %add3A_25 = arith.constant 256 : i32
    %add3A_26 = arith.addi %mul3A_2, %add3A_25 : i32
    "tpu.region"() ({
      %run_scoped3A = tpu.sem_alloc : memref<!tpu.dma_semaphore, #tpu.memory_space<semaphore_mem>>
      %dma_start3A_222 = arith.constant 0 : i32
      %dma_start3A_223 = tpu.memref_slice %arg23[%add3A_26, %dma_start3A_222] : memref<10240x64xf32, #tpu.memory_space<vmem_shared>> -> memref<128x64xf32, #tpu.memory_space<vmem_shared>>
      %dma_start3A_224 = arith.constant 0 : i32
      %dma_start3A_225 = tpu.memref_slice %arg23[%add3A_26, %dma_start3A_224] : memref<10240x64xf32, #tpu.memory_space<vmem_shared>> -> memref<128x64xf32, #tpu.memory_space<vmem_shared>>
      tpu.enqueue_dma source(%arg21 : memref<128x64xf32, #tpu.memory_space<vmem>>) target(%dma_start3A_225 : memref<128x64xf32, #tpu.memory_space<vmem_shared>>) target_semaphore(%run_scoped3A : memref<!tpu.dma_semaphore, #tpu.memory_space<semaphore_mem>>)
      %dma_wait3A_226 = arith.constant 0 : i32
      %dma_wait3A_227 = tpu.memref_slice %arg23[%add3A_26, %dma_wait3A_226] : memref<10240x64xf32, #tpu.memory_space<vmem_shared>> -> memref<128x64xf32, #tpu.memory_space<vmem_shared>>
      %dma_wait3A_228 = arith.constant 0 : i32
      %dma_wait3A_229 = tpu.memref_slice %arg23[%add3A_26, %dma_wait3A_228] : memref<10240x64xf32, #tpu.memory_space<vmem_shared>> -> memref<128x64xf32, #tpu.memory_space<vmem_shared>>
      tpu.wait_dma2 semaphore(%run_scoped3A : memref<!tpu.dma_semaphore, #tpu.memory_space<semaphore_mem>>) src(%arg21 : memref<128x64xf32, #tpu.memory_space<vmem>>) dst(%dma_wait3A_229 : memref<128x64xf32, #tpu.memory_space<vmem_shared>>)
      tpu.yield
    }) : () -> ()
    %add3A_27 = arith.constant 384 : i32
    %add3A_28 = arith.addi %mul3A_2, %add3A_27 : i32
    "tpu.region"() ({
      %run_scoped3A = tpu.sem_alloc : memref<!tpu.dma_semaphore, #tpu.memory_space<semaphore_mem>>
      %dma_start3A_222 = arith.constant 0 : i32
      %dma_start3A_223 = tpu.memref_slice %arg23[%add3A_28, %dma_start3A_222] : memref<10240x64xf32, #tpu.memory_space<vmem_shared>> -> memref<128x64xf32, #tpu.memory_space<vmem_shared>>
      %dma_start3A_224 = arith.constant 0 : i32
      %dma_start3A_225 = tpu.memref_slice %arg23[%add3A_28, %dma_start3A_224] : memref<10240x64xf32, #tpu.memory_space<vmem_shared>> -> memref<128x64xf32, #tpu.memory_space<vmem_shared>>
      tpu.enqueue_dma source(%arg21 : memref<128x64xf32, #tpu.memory_space<vmem>>) target(%dma_start3A_225 : memref<128x64xf32, #tpu.memory_space<vmem_shared>>) target_semaphore(%run_scoped3A : memref<!tpu.dma_semaphore, #tpu.memory_space<semaphore_mem>>)
      %dma_wait3A_226 = arith.constant 0 : i32
      %dma_wait3A_227 = tpu.memref_slice %arg23[%add3A_28, %dma_wait3A_226] : memref<10240x64xf32, #tpu.memory_space<vmem_shared>> -> memref<128x64xf32, #tpu.memory_space<vmem_shared>>
      %dma_wait3A_228 = arith.constant 0 : i32
      %dma_wait3A_229 = tpu.memref_slice %arg23[%add3A_28, %dma_wait3A_228] : memref<10240x64xf32, #tpu.memory_space<vmem_shared>> -> memref<128x64xf32, #tpu.memory_space<vmem_shared>>
      tpu.wait_dma2 semaphore(%run_scoped3A : memref<!tpu.dma_semaphore, #tpu.memory_space<semaphore_mem>>) src(%arg21 : memref<128x64xf32, #tpu.memory_space<vmem>>) dst(%dma_wait3A_229 : memref<128x64xf32, #tpu.memory_space<vmem_shared>>)
      tpu.yield
    }) : () -> ()
    %add3A_29 = arith.constant 512 : i32
    %add3A_30 = arith.addi %mul3A_2, %add3A_29 : i32
    "tpu.region"() ({
      %run_scoped3A = tpu.sem_alloc : memref<!tpu.dma_semaphore, #tpu.memory_space<semaphore_mem>>
      %dma_start3A_222 = arith.constant 0 : i32
      %dma_start3A_223 = tpu.memref_slice %arg23[%add3A_30, %dma_start3A_222] : memref<10240x64xf32, #tpu.memory_space<vmem_shared>> -> memref<128x64xf32, #tpu.memory_space<vmem_shared>>
      %dma_start3A_224 = arith.constant 0 : i32
      %dma_start3A_225 = tpu.memref_slice %arg23[%add3A_30, %dma_start3A_224] : memref<10240x64xf32, #tpu.memory_space<vmem_shared>> -> memref<128x64xf32, #tpu.memory_space<vmem_shared>>
      tpu.enqueue_dma source(%arg21 : memref<128x64xf32, #tpu.memory_space<vmem>>) target(%dma_start3A_225 : memref<128x64xf32, #tpu.memory_space<vmem_shared>>) target_semaphore(%run_scoped3A : memref<!tpu.dma_semaphore, #tpu.memory_space<semaphore_mem>>)
      %dma_wait3A_226 = arith.constant 0 : i32
      %dma_wait3A_227 = tpu.memref_slice %arg23[%add3A_30, %dma_wait3A_226] : memref<10240x64xf32, #tpu.memory_space<vmem_shared>> -> memref<128x64xf32, #tpu.memory_space<vmem_shared>>
      %dma_wait3A_228 = arith.constant 0 : i32
      %dma_wait3A_229 = tpu.memref_slice %arg23[%add3A_30, %dma_wait3A_228] : memref<10240x64xf32, #tpu.memory_space<vmem_shared>> -> memref<128x64xf32, #tpu.memory_space<vmem_shared>>
      tpu.wait_dma2 semaphore(%run_scoped3A : memref<!tpu.dma_semaphore, #tpu.memory_space<semaphore_mem>>) src(%arg21 : memref<128x64xf32, #tpu.memory_space<vmem>>) dst(%dma_wait3A_229 : memref<128x64xf32, #tpu.memory_space<vmem_shared>>)
      tpu.yield
    }) : () -> ()
    "tpu.region"() ({
      %run_scoped3A = tpu.sem_alloc : memref<!tpu.dma_semaphore, #tpu.memory_space<semaphore_mem>>
      %dma_start3A_222 = arith.constant 0 : i32
      %dma_start3A_223 = arith.constant 0 : i32
      %dma_start3A_224 = tpu.memref_slice %arg5[%add3A, %dma_start3A_222, %dma_start3A_223] : memref<32x125x80xi32, #tpu.memory_space<hbm>> -> memref<1x125x80xi32, #tpu.memory_space<hbm>>
      %dma_start3A_225 = tpu.memref_squeeze %dma_start3A_224 : memref<1x125x80xi32, #tpu.memory_space<hbm>> -> memref<125x80xi32, #tpu.memory_space<hbm>>
      %dma_start3A_226 = arith.constant 0 : i32
      %dma_start3A_227 = arith.constant 0 : i32
      %dma_start3A_228 = tpu.memref_slice %arg5[%add3A, %dma_start3A_226, %dma_start3A_227] : memref<32x125x80xi32, #tpu.memory_space<hbm>> -> memref<1x125x80xi32, #tpu.memory_space<hbm>>
      %dma_start3A_229 = tpu.memref_squeeze %dma_start3A_228 : memref<1x125x80xi32, #tpu.memory_space<hbm>> -> memref<125x80xi32, #tpu.memory_space<hbm>>
      tpu.enqueue_dma source(%dma_start3A_229 : memref<125x80xi32, #tpu.memory_space<hbm>>) target(%arg12 : memref<125x80xi32, #tpu.memory_space<vmem>>) target_semaphore(%run_scoped3A : memref<!tpu.dma_semaphore, #tpu.memory_space<semaphore_mem>>)
      %dma_wait3A_230 = arith.constant 0 : i32
      %dma_wait3A_231 = arith.constant 0 : i32
      %dma_wait3A_232 = tpu.memref_slice %arg5[%add3A, %dma_wait3A_230, %dma_wait3A_231] : memref<32x125x80xi32, #tpu.memory_space<hbm>> -> memref<1x125x80xi32, #tpu.memory_space<hbm>>
      %dma_wait3A_233 = tpu.memref_squeeze %dma_wait3A_232 : memref<1x125x80xi32, #tpu.memory_space<hbm>> -> memref<125x80xi32, #tpu.memory_space<hbm>>
      %dma_wait3A_234 = arith.constant 0 : i32
      %dma_wait3A_235 = arith.constant 0 : i32
      %dma_wait3A_236 = tpu.memref_slice %arg5[%add3A, %dma_wait3A_234, %dma_wait3A_235] : memref<32x125x80xi32, #tpu.memory_space<hbm>> -> memref<1x125x80xi32, #tpu.memory_space<hbm>>
      %dma_wait3A_237 = tpu.memref_squeeze %dma_wait3A_236 : memref<1x125x80xi32, #tpu.memory_space<hbm>> -> memref<125x80xi32, #tpu.memory_space<hbm>>
      tpu.wait_dma2 semaphore(%run_scoped3A : memref<!tpu.dma_semaphore, #tpu.memory_space<semaphore_mem>>) src(%dma_wait3A_237 : memref<125x80xi32, #tpu.memory_space<hbm>>) dst(%arg12 : memref<125x80xi32, #tpu.memory_space<vmem>>)
      tpu.yield
    }) : () -> ()
    %eq3A_31 = arith.constant 0 : i32
    %eq3A_32 = arith.cmpi eq, %arg1, %eq3A_31 : i32
    %convert_element_type3A_33 = arith.extui %eq3A_32 : i1 to i32
    %cond3A_34 = arith.constant 0 : i32
    %cond3A_35 = arith.cmpi ne, %convert_element_type3A_33, %cond3A_34 : i32
    scf.if %cond3A_35 {
      "tpu.region"() ({
        %run_scoped3A = tpu.sem_alloc : memref<!tpu.dma_semaphore, #tpu.memory_space<semaphore_mem>>
        tpu.enqueue_dma source(%arg3 : memref<464x64xf32, #tpu.memory_space<hbm>>) target(%arg19 : memref<464x64xf32, #tpu.memory_space<vmem_shared>>) target_semaphore(%run_scoped3A : memref<!tpu.dma_semaphore, #tpu.memory_space<semaphore_mem>>)
        tpu.wait_dma2 semaphore(%run_scoped3A : memref<!tpu.dma_semaphore, #tpu.memory_space<semaphore_mem>>) src(%arg3 : memref<464x64xf32, #tpu.memory_space<hbm>>) dst(%arg19 : memref<464x64xf32, #tpu.memory_space<vmem_shared>>)
        tpu.yield
      }) : () -> ()
    } else {
    }
    %barrier3A = arith.constant 0 : index
    tpu.barrier barrier_id(%barrier3A)
    %dma_start3A = arith.constant 0 : i32
    %dma_start3A_36 = arith.constant 0 : i32
    %dma_start3A_37 = tpu.memref_slice %arg12[%dma_start3A, %dma_start3A_36] : memref<125x80xi32, #tpu.memory_space<vmem>> -> memref<1x80xi32, #tpu.memory_space<vmem>>
    %dma_start3A_38 = tpu.memref_squeeze %dma_start3A_37 : memref<1x80xi32, #tpu.memory_space<vmem>> -> memref<80xi32, #tpu.memory_space<vmem>>
    %dma_start3A_39 = arith.constant 0 : i32
    %dma_start3A_40 = arith.constant 0 : i32
    %dma_start3A_41 = tpu.memref_slice %arg2[%dma_start3A_39, %dma_start3A_40] : memref<20480x64xf32, #tpu.memory_space<hbm>> -> memref<20480x64xf32, #tpu.memory_space<hbm>>
    tpu.enqueue_indirect_dma source(%dma_start3A_41 : memref<20480x64xf32, #tpu.memory_space<hbm>>) target(%arg15 : memref<80x64xf32, #tpu.memory_space<vmem>>) offsets(%dma_start3A_38 : memref<80xi32, #tpu.memory_space<vmem>>) semaphore(%arg25 : memref<!tpu.dma_semaphore, #tpu.memory_space<semaphore_mem>>)
    %dma_start3A_42 = arith.constant 0 : i32
    %dma_start3A_43 = arith.constant 0 : i32
    %dma_start3A_44 = tpu.memref_slice %arg14[%dma_start3A_42, %dma_start3A_43] : memref<125x80xi32, #tpu.memory_space<vmem>> -> memref<1x80xi32, #tpu.memory_space<vmem>>
    %dma_start3A_45 = tpu.memref_squeeze %dma_start3A_44 : memref<1x80xi32, #tpu.memory_space<vmem>> -> memref<80xi32, #tpu.memory_space<vmem>>
    %dma_start3A_46 = arith.constant 0 : i32
    %dma_start3A_47 = arith.constant 0 : i32
    %dma_start3A_48 = tpu.memref_slice %arg19[%dma_start3A_46, %dma_start3A_47] : memref<464x64xf32, #tpu.memory_space<vmem_shared>> -> memref<464x64xf32, #tpu.memory_space<vmem_shared>>
    tpu.enqueue_indirect_dma source(%dma_start3A_48 : memref<464x64xf32, #tpu.memory_space<vmem_shared>>) target(%arg17 : memref<80x64xf32, #tpu.memory_space<vmem>>) offsets(%dma_start3A_45 : memref<80xi32, #tpu.memory_space<vmem>>) semaphore(%arg27 : memref<!tpu.dma_semaphore, #tpu.memory_space<semaphore_mem>>)
    %scan3A_49 = arith.constant 0 : i32
    %scan3A_50 = arith.constant 0 : i32
    %scan3A_51 = arith.constant 63 : i32
    %scan3A_52 = arith.addi %scan3A_50, %scan3A_51 : i32
    %scan3A_53 = arith.constant 1 : i32
    %scan3A_54 = scf.for %scan3A_222 = %scan3A_50 to %scan3A_52 step %scan3A_53 iter_args(%scan3A_223 = %scan3A_49) -> (i32)  : i32 {
      %mul3A_224 = arith.constant 2 : i32
      %mul3A_225 = arith.muli %mul3A_224, %scan3A_222 : i32
      %add3A_226 = arith.constant 1 : i32
      %add3A_227 = arith.addi %mul3A_225, %add3A_226 : i32
      %add3A_228 = arith.constant 1 : i32
      %add3A_229 = arith.addi %mul3A_225, %add3A_228 : i32
      %lt3A = arith.constant 125 : i32
      %lt3A_230 = arith.cmpi slt, %add3A_229, %lt3A : i32
      %convert_element_type3A_231 = arith.extui %lt3A_230 : i1 to i32
      %cond3A_232 = arith.constant 0 : i32
      %cond3A_233 = arith.cmpi ne, %convert_element_type3A_231, %cond3A_232 : i32
      scf.if %cond3A_233 {
        %add3A_252 = arith.constant 1 : i32
        %add3A_253 = arith.addi %mul3A_225, %add3A_252 : i32
        %ge3A = arith.constant 2 : i32
        %ge3A_254 = arith.cmpi sge, %add3A_253, %ge3A : i32
        %convert_element_type3A_255 = arith.extui %ge3A_254 : i1 to i32
        %cond3A_256 = arith.constant 0 : i32
        %cond3A_257 = arith.cmpi ne, %convert_element_type3A_255, %cond3A_256 : i32
        scf.if %cond3A_257 {
          %sub3A = arith.constant 2 : i32
          %sub3A_270 = arith.subi %add3A_253, %sub3A : i32
          %dma_wait3A_271 = arith.constant 0 : i32
          %dma_wait3A_272 = tpu.memref_slice %arg13[%sub3A_270, %dma_wait3A_271] : memref<125x80xi32, #tpu.memory_space<vmem>> -> memref<1x80xi32, #tpu.memory_space<vmem>>
          %dma_wait3A_273 = tpu.memref_squeeze %dma_wait3A_272 : memref<1x80xi32, #tpu.memory_space<vmem>> -> memref<80xi32, #tpu.memory_space<vmem>>
          %dma_wait3A_274 = arith.constant 0 : i32
          %dma_wait3A_275 = arith.constant 0 : i32
          %dma_wait3A_276 = tpu.memref_slice %arg23[%dma_wait3A_274, %dma_wait3A_275] : memref<10240x64xf32, #tpu.memory_space<vmem_shared>> -> memref<10240x64xf32, #tpu.memory_space<vmem_shared>>
          tpu.wait_indirect_dma semaphore(%arg30 : memref<!tpu.dma_semaphore, #tpu.memory_space<semaphore_mem>>) src(%arg16 : memref<80x64xf32, #tpu.memory_space<vmem>>) dst(%dma_wait3A_276 : memref<10240x64xf32, #tpu.memory_space<vmem_shared>>)
          %sub3A_277 = arith.constant 2 : i32
          %sub3A_278 = arith.subi %add3A_253, %sub3A_277 : i32
          %dma_wait3A_279 = arith.constant 0 : i32
          %dma_wait3A_280 = tpu.memref_slice %arg13[%sub3A_278, %dma_wait3A_279] : memref<125x80xi32, #tpu.memory_space<vmem>> -> memref<1x80xi32, #tpu.memory_space<vmem>>
          %dma_wait3A_281 = tpu.memref_squeeze %dma_wait3A_280 : memref<1x80xi32, #tpu.memory_space<vmem>> -> memref<80xi32, #tpu.memory_space<vmem>>
          %dma_wait3A_282 = arith.constant 0 : i32
          %dma_wait3A_283 = arith.constant 0 : i32
          %dma_wait3A_284 = tpu.memref_slice %arg23[%dma_wait3A_282, %dma_wait3A_283] : memref<10240x64xf32, #tpu.memory_space<vmem_shared>> -> memref<10240x64xf32, #tpu.memory_space<vmem_shared>>
          tpu.wait_indirect_dma semaphore(%arg32 : memref<!tpu.dma_semaphore, #tpu.memory_space<semaphore_mem>>) src(%arg18 : memref<80x64xf32, #tpu.memory_space<vmem>>) dst(%dma_wait3A_284 : memref<10240x64xf32, #tpu.memory_space<vmem_shared>>)
        } else {
        }
        %dma_start3A_258 = arith.constant 0 : i32
        %dma_start3A_259 = tpu.memref_slice %arg12[%add3A_253, %dma_start3A_258] : memref<125x80xi32, #tpu.memory_space<vmem>> -> memref<1x80xi32, #tpu.memory_space<vmem>>
        %dma_start3A_260 = tpu.memref_squeeze %dma_start3A_259 : memref<1x80xi32, #tpu.memory_space<vmem>> -> memref<80xi32, #tpu.memory_space<vmem>>
        %dma_start3A_261 = arith.constant 0 : i32
        %dma_start3A_262 = arith.constant 0 : i32
        %dma_start3A_263 = tpu.memref_slice %arg2[%dma_start3A_261, %dma_start3A_262] : memref<20480x64xf32, #tpu.memory_space<hbm>> -> memref<20480x64xf32, #tpu.memory_space<hbm>>
        tpu.enqueue_indirect_dma source(%dma_start3A_263 : memref<20480x64xf32, #tpu.memory_space<hbm>>) target(%arg16 : memref<80x64xf32, #tpu.memory_space<vmem>>) offsets(%dma_start3A_260 : memref<80xi32, #tpu.memory_space<vmem>>) semaphore(%arg26 : memref<!tpu.dma_semaphore, #tpu.memory_space<semaphore_mem>>)
        %dma_start3A_264 = arith.constant 0 : i32
        %dma_start3A_265 = tpu.memref_slice %arg14[%add3A_253, %dma_start3A_264] : memref<125x80xi32, #tpu.memory_space<vmem>> -> memref<1x80xi32, #tpu.memory_space<vmem>>
        %dma_start3A_266 = tpu.memref_squeeze %dma_start3A_265 : memref<1x80xi32, #tpu.memory_space<vmem>> -> memref<80xi32, #tpu.memory_space<vmem>>
        %dma_start3A_267 = arith.constant 0 : i32
        %dma_start3A_268 = arith.constant 0 : i32
        %dma_start3A_269 = tpu.memref_slice %arg19[%dma_start3A_267, %dma_start3A_268] : memref<464x64xf32, #tpu.memory_space<vmem_shared>> -> memref<464x64xf32, #tpu.memory_space<vmem_shared>>
        tpu.enqueue_indirect_dma source(%dma_start3A_269 : memref<464x64xf32, #tpu.memory_space<vmem_shared>>) target(%arg18 : memref<80x64xf32, #tpu.memory_space<vmem>>) offsets(%dma_start3A_266 : memref<80xi32, #tpu.memory_space<vmem>>) semaphore(%arg28 : memref<!tpu.dma_semaphore, #tpu.memory_space<semaphore_mem>>)
      } else {
      }
      %lt3A_234 = arith.constant 125 : i32
      %lt3A_235 = arith.cmpi slt, %mul3A_225, %lt3A_234 : i32
      %convert_element_type3A_236 = arith.extui %lt3A_235 : i1 to i32
      %cond3A_237 = arith.constant 0 : i32
      %cond3A_238 = arith.cmpi ne, %convert_element_type3A_236, %cond3A_237 : i32
      scf.if %cond3A_238 {
        %dma_wait3A_252 = arith.constant 0 : i32
        %dma_wait3A_253 = tpu.memref_slice %arg12[%mul3A_225, %dma_wait3A_252] : memref<125x80xi32, #tpu.memory_space<vmem>> -> memref<1x80xi32, #tpu.memory_space<vmem>>
        %dma_wait3A_254 = tpu.memref_squeeze %dma_wait3A_253 : memref<1x80xi32, #tpu.memory_space<vmem>> -> memref<80xi32, #tpu.memory_space<vmem>>
        %dma_wait3A_255 = arith.constant 0 : i32
        %dma_wait3A_256 = arith.constant 0 : i32
        %dma_wait3A_257 = tpu.memref_slice %arg2[%dma_wait3A_255, %dma_wait3A_256] : memref<20480x64xf32, #tpu.memory_space<hbm>> -> memref<20480x64xf32, #tpu.memory_space<hbm>>
        tpu.wait_indirect_dma semaphore(%arg25 : memref<!tpu.dma_semaphore, #tpu.memory_space<semaphore_mem>>) src(%dma_wait3A_257 : memref<20480x64xf32, #tpu.memory_space<hbm>>) dst(%arg15 : memref<80x64xf32, #tpu.memory_space<vmem>>)
        %dma_wait3A_258 = arith.constant 0 : i32
        %dma_wait3A_259 = tpu.memref_slice %arg14[%mul3A_225, %dma_wait3A_258] : memref<125x80xi32, #tpu.memory_space<vmem>> -> memref<1x80xi32, #tpu.memory_space<vmem>>
        %dma_wait3A_260 = tpu.memref_squeeze %dma_wait3A_259 : memref<1x80xi32, #tpu.memory_space<vmem>> -> memref<80xi32, #tpu.memory_space<vmem>>
        %dma_wait3A_261 = arith.constant 0 : i32
        %dma_wait3A_262 = arith.constant 0 : i32
        %dma_wait3A_263 = tpu.memref_slice %arg19[%dma_wait3A_261, %dma_wait3A_262] : memref<464x64xf32, #tpu.memory_space<vmem_shared>> -> memref<464x64xf32, #tpu.memory_space<vmem_shared>>
        tpu.wait_indirect_dma semaphore(%arg27 : memref<!tpu.dma_semaphore, #tpu.memory_space<semaphore_mem>>) src(%dma_wait3A_263 : memref<464x64xf32, #tpu.memory_space<vmem_shared>>) dst(%arg17 : memref<80x64xf32, #tpu.memory_space<vmem>>)
        %dma_start3A_264 = arith.constant 0 : i32
        %dma_start3A_265 = tpu.memref_slice %arg13[%mul3A_225, %dma_start3A_264] : memref<125x80xi32, #tpu.memory_space<vmem>> -> memref<1x80xi32, #tpu.memory_space<vmem>>
        %dma_start3A_266 = tpu.memref_squeeze %dma_start3A_265 : memref<1x80xi32, #tpu.memory_space<vmem>> -> memref<80xi32, #tpu.memory_space<vmem>>
        %dma_start3A_267 = arith.constant 0 : i32
        %dma_start3A_268 = arith.constant 0 : i32
        %dma_start3A_269 = tpu.memref_slice %arg23[%dma_start3A_267, %dma_start3A_268] : memref<10240x64xf32, #tpu.memory_space<vmem_shared>> -> memref<10240x64xf32, #tpu.memory_space<vmem_shared>>
        tpu.enqueue_indirect_dma source(%arg15 : memref<80x64xf32, #tpu.memory_space<vmem>>) target(%dma_start3A_269 : memref<10240x64xf32, #tpu.memory_space<vmem_shared>>) offsets(%dma_start3A_266 : memref<80xi32, #tpu.memory_space<vmem>>) semaphore(%arg29 : memref<!tpu.dma_semaphore, #tpu.memory_space<semaphore_mem>>) {add = true}
        %dma_start3A_270 = arith.constant 0 : i32
        %dma_start3A_271 = tpu.memref_slice %arg13[%mul3A_225, %dma_start3A_270] : memref<125x80xi32, #tpu.memory_space<vmem>> -> memref<1x80xi32, #tpu.memory_space<vmem>>
        %dma_start3A_272 = tpu.memref_squeeze %dma_start3A_271 : memref<1x80xi32, #tpu.memory_space<vmem>> -> memref<80xi32, #tpu.memory_space<vmem>>
        %dma_start3A_273 = arith.constant 0 : i32
        %dma_start3A_274 = arith.constant 0 : i32
        %dma_start3A_275 = tpu.memref_slice %arg23[%dma_start3A_273, %dma_start3A_274] : memref<10240x64xf32, #tpu.memory_space<vmem_shared>> -> memref<10240x64xf32, #tpu.memory_space<vmem_shared>>
        tpu.enqueue_indirect_dma source(%arg17 : memref<80x64xf32, #tpu.memory_space<vmem>>) target(%dma_start3A_275 : memref<10240x64xf32, #tpu.memory_space<vmem_shared>>) offsets(%dma_start3A_272 : memref<80xi32, #tpu.memory_space<vmem>>) semaphore(%arg31 : memref<!tpu.dma_semaphore, #tpu.memory_space<semaphore_mem>>) {add = true}
        %ge3A = arith.constant 1 : i32
        %ge3A_276 = arith.cmpi sge, %mul3A_225, %ge3A : i32
        %convert_element_type3A_277 = arith.extui %ge3A_276 : i1 to i32
        %cond3A_278 = arith.constant 0 : i32
        %cond3A_279 = arith.cmpi ne, %convert_element_type3A_277, %cond3A_278 : i32
        scf.if %cond3A_279 {
          %sub3A = arith.constant 1 : i32
          %sub3A_285 = arith.subi %mul3A_225, %sub3A : i32
          %dma_wait3A_286 = arith.constant 0 : i32
          %dma_wait3A_287 = tpu.memref_slice %arg13[%sub3A_285, %dma_wait3A_286] : memref<125x80xi32, #tpu.memory_space<vmem>> -> memref<1x80xi32, #tpu.memory_space<vmem>>
          %dma_wait3A_288 = tpu.memref_squeeze %dma_wait3A_287 : memref<1x80xi32, #tpu.memory_space<vmem>> -> memref<80xi32, #tpu.memory_space<vmem>>
          %dma_wait3A_289 = arith.constant 0 : i32
          %dma_wait3A_290 = tpu.memref_slice %arg24[%dma_wait3A_289] : memref<10240xf32, #tpu.memory_space<vmem_shared>> -> memref<10240xf32, #tpu.memory_space<vmem_shared>>
          tpu.wait_indirect_dma semaphore(%arg33 : memref<!tpu.dma_semaphore, #tpu.memory_space<semaphore_mem>>) src(%arg20 : memref<80xf32, #tpu.memory_space<vmem>>) dst(%dma_wait3A_290 : memref<10240xf32, #tpu.memory_space<vmem_shared>>)
        } else {
        }
        %dma_start3A_280 = arith.constant 0 : i32
        %dma_start3A_281 = tpu.memref_slice %arg13[%mul3A_225, %dma_start3A_280] : memref<125x80xi32, #tpu.memory_space<vmem>> -> memref<1x80xi32, #tpu.memory_space<vmem>>
        %dma_start3A_282 = tpu.memref_squeeze %dma_start3A_281 : memref<1x80xi32, #tpu.memory_space<vmem>> -> memref<80xi32, #tpu.memory_space<vmem>>
        %dma_start3A_283 = arith.constant 0 : i32
        %dma_start3A_284 = tpu.memref_slice %arg24[%dma_start3A_283] : memref<10240xf32, #tpu.memory_space<vmem_shared>> -> memref<10240xf32, #tpu.memory_space<vmem_shared>>
        tpu.enqueue_indirect_dma source(%arg20 : memref<80xf32, #tpu.memory_space<vmem>>) target(%dma_start3A_284 : memref<10240xf32, #tpu.memory_space<vmem_shared>>) offsets(%dma_start3A_282 : memref<80xi32, #tpu.memory_space<vmem>>) semaphore(%arg33 : memref<!tpu.dma_semaphore, #tpu.memory_space<semaphore_mem>>) {add = true}
      } else {
      }
      %add3A_239 = arith.constant 1 : i32
      %add3A_240 = arith.addi %add3A_227, %add3A_239 : i32
      %lt3A_241 = arith.constant 125 : i32
      %lt3A_242 = arith.cmpi slt, %add3A_240, %lt3A_241 : i32
      %convert_element_type3A_243 = arith.extui %lt3A_242 : i1 to i32
      %cond3A_244 = arith.constant 0 : i32
      %cond3A_245 = arith.cmpi ne, %convert_element_type3A_243, %cond3A_244 : i32
      scf.if %cond3A_245 {
        %add3A_252 = arith.constant 1 : i32
        %add3A_253 = arith.addi %add3A_227, %add3A_252 : i32
        %ge3A = arith.constant 2 : i32
        %ge3A_254 = arith.cmpi sge, %add3A_253, %ge3A : i32
        %convert_element_type3A_255 = arith.extui %ge3A_254 : i1 to i32
        %cond3A_256 = arith.constant 0 : i32
        %cond3A_257 = arith.cmpi ne, %convert_element_type3A_255, %cond3A_256 : i32
        scf.if %cond3A_257 {
          %sub3A = arith.constant 2 : i32
          %sub3A_270 = arith.subi %add3A_253, %sub3A : i32
          %dma_wait3A_271 = arith.constant 0 : i32
          %dma_wait3A_272 = tpu.memref_slice %arg13[%sub3A_270, %dma_wait3A_271] : memref<125x80xi32, #tpu.memory_space<vmem>> -> memref<1x80xi32, #tpu.memory_space<vmem>>
          %dma_wait3A_273 = tpu.memref_squeeze %dma_wait3A_272 : memref<1x80xi32, #tpu.memory_space<vmem>> -> memref<80xi32, #tpu.memory_space<vmem>>
          %dma_wait3A_274 = arith.constant 0 : i32
          %dma_wait3A_275 = arith.constant 0 : i32
          %dma_wait3A_276 = tpu.memref_slice %arg23[%dma_wait3A_274, %dma_wait3A_275] : memref<10240x64xf32, #tpu.memory_space<vmem_shared>> -> memref<10240x64xf32, #tpu.memory_space<vmem_shared>>
          tpu.wait_indirect_dma semaphore(%arg29 : memref<!tpu.dma_semaphore, #tpu.memory_space<semaphore_mem>>) src(%arg15 : memref<80x64xf32, #tpu.memory_space<vmem>>) dst(%dma_wait3A_276 : memref<10240x64xf32, #tpu.memory_space<vmem_shared>>)
          %sub3A_277 = arith.constant 2 : i32
          %sub3A_278 = arith.subi %add3A_253, %sub3A_277 : i32
          %dma_wait3A_279 = arith.constant 0 : i32
          %dma_wait3A_280 = tpu.memref_slice %arg13[%sub3A_278, %dma_wait3A_279] : memref<125x80xi32, #tpu.memory_space<vmem>> -> memref<1x80xi32, #tpu.memory_space<vmem>>
          %dma_wait3A_281 = tpu.memref_squeeze %dma_wait3A_280 : memref<1x80xi32, #tpu.memory_space<vmem>> -> memref<80xi32, #tpu.memory_space<vmem>>
          %dma_wait3A_282 = arith.constant 0 : i32
          %dma_wait3A_283 = arith.constant 0 : i32
          %dma_wait3A_284 = tpu.memref_slice %arg23[%dma_wait3A_282, %dma_wait3A_283] : memref<10240x64xf32, #tpu.memory_space<vmem_shared>> -> memref<10240x64xf32, #tpu.memory_space<vmem_shared>>
          tpu.wait_indirect_dma semaphore(%arg31 : memref<!tpu.dma_semaphore, #tpu.memory_space<semaphore_mem>>) src(%arg17 : memref<80x64xf32, #tpu.memory_space<vmem>>) dst(%dma_wait3A_284 : memref<10240x64xf32, #tpu.memory_space<vmem_shared>>)
        } else {
        }
        %dma_start3A_258 = arith.constant 0 : i32
        %dma_start3A_259 = tpu.memref_slice %arg12[%add3A_253, %dma_start3A_258] : memref<125x80xi32, #tpu.memory_space<vmem>> -> memref<1x80xi32, #tpu.memory_space<vmem>>
        %dma_start3A_260 = tpu.memref_squeeze %dma_start3A_259 : memref<1x80xi32, #tpu.memory_space<vmem>> -> memref<80xi32, #tpu.memory_space<vmem>>
        %dma_start3A_261 = arith.constant 0 : i32
        %dma_start3A_262 = arith.constant 0 : i32
        %dma_start3A_263 = tpu.memref_slice %arg2[%dma_start3A_261, %dma_start3A_262] : memref<20480x64xf32, #tpu.memory_space<hbm>> -> memref<20480x64xf32, #tpu.memory_space<hbm>>
        tpu.enqueue_indirect_dma source(%dma_start3A_263 : memref<20480x64xf32, #tpu.memory_space<hbm>>) target(%arg15 : memref<80x64xf32, #tpu.memory_space<vmem>>) offsets(%dma_start3A_260 : memref<80xi32, #tpu.memory_space<vmem>>) semaphore(%arg25 : memref<!tpu.dma_semaphore, #tpu.memory_space<semaphore_mem>>)
        %dma_start3A_264 = arith.constant 0 : i32
        %dma_start3A_265 = tpu.memref_slice %arg14[%add3A_253, %dma_start3A_264] : memref<125x80xi32, #tpu.memory_space<vmem>> -> memref<1x80xi32, #tpu.memory_space<vmem>>
        %dma_start3A_266 = tpu.memref_squeeze %dma_start3A_265 : memref<1x80xi32, #tpu.memory_space<vmem>> -> memref<80xi32, #tpu.memory_space<vmem>>
        %dma_start3A_267 = arith.constant 0 : i32
        %dma_start3A_268 = arith.constant 0 : i32
        %dma_start3A_269 = tpu.memref_slice %arg19[%dma_start3A_267, %dma_start3A_268] : memref<464x64xf32, #tpu.memory_space<vmem_shared>> -> memref<464x64xf32, #tpu.memory_space<vmem_shared>>
        tpu.enqueue_indirect_dma source(%dma_start3A_269 : memref<464x64xf32, #tpu.memory_space<vmem_shared>>) target(%arg17 : memref<80x64xf32, #tpu.memory_space<vmem>>) offsets(%dma_start3A_266 : memref<80xi32, #tpu.memory_space<vmem>>) semaphore(%arg27 : memref<!tpu.dma_semaphore, #tpu.memory_space<semaphore_mem>>)
      } else {
      }
      %lt3A_246 = arith.constant 125 : i32
      %lt3A_247 = arith.cmpi slt, %add3A_227, %lt3A_246 : i32
      %convert_element_type3A_248 = arith.extui %lt3A_247 : i1 to i32
      %cond3A_249 = arith.constant 0 : i32
      %cond3A_250 = arith.cmpi ne, %convert_element_type3A_248, %cond3A_249 : i32
      scf.if %cond3A_250 {
        %dma_wait3A_252 = arith.constant 0 : i32
        %dma_wait3A_253 = tpu.memref_slice %arg12[%add3A_227, %dma_wait3A_252] : memref<125x80xi32, #tpu.memory_space<vmem>> -> memref<1x80xi32, #tpu.memory_space<vmem>>
        %dma_wait3A_254 = tpu.memref_squeeze %dma_wait3A_253 : memref<1x80xi32, #tpu.memory_space<vmem>> -> memref<80xi32, #tpu.memory_space<vmem>>
        %dma_wait3A_255 = arith.constant 0 : i32
        %dma_wait3A_256 = arith.constant 0 : i32
        %dma_wait3A_257 = tpu.memref_slice %arg2[%dma_wait3A_255, %dma_wait3A_256] : memref<20480x64xf32, #tpu.memory_space<hbm>> -> memref<20480x64xf32, #tpu.memory_space<hbm>>
        tpu.wait_indirect_dma semaphore(%arg26 : memref<!tpu.dma_semaphore, #tpu.memory_space<semaphore_mem>>) src(%dma_wait3A_257 : memref<20480x64xf32, #tpu.memory_space<hbm>>) dst(%arg16 : memref<80x64xf32, #tpu.memory_space<vmem>>)
        %dma_wait3A_258 = arith.constant 0 : i32
        %dma_wait3A_259 = tpu.memref_slice %arg14[%add3A_227, %dma_wait3A_258] : memref<125x80xi32, #tpu.memory_space<vmem>> -> memref<1x80xi32, #tpu.memory_space<vmem>>
        %dma_wait3A_260 = tpu.memref_squeeze %dma_wait3A_259 : memref<1x80xi32, #tpu.memory_space<vmem>> -> memref<80xi32, #tpu.memory_space<vmem>>
        %dma_wait3A_261 = arith.constant 0 : i32
        %dma_wait3A_262 = arith.constant 0 : i32
        %dma_wait3A_263 = tpu.memref_slice %arg19[%dma_wait3A_261, %dma_wait3A_262] : memref<464x64xf32, #tpu.memory_space<vmem_shared>> -> memref<464x64xf32, #tpu.memory_space<vmem_shared>>
        tpu.wait_indirect_dma semaphore(%arg28 : memref<!tpu.dma_semaphore, #tpu.memory_space<semaphore_mem>>) src(%dma_wait3A_263 : memref<464x64xf32, #tpu.memory_space<vmem_shared>>) dst(%arg18 : memref<80x64xf32, #tpu.memory_space<vmem>>)
        %dma_start3A_264 = arith.constant 0 : i32
        %dma_start3A_265 = tpu.memref_slice %arg13[%add3A_227, %dma_start3A_264] : memref<125x80xi32, #tpu.memory_space<vmem>> -> memref<1x80xi32, #tpu.memory_space<vmem>>
        %dma_start3A_266 = tpu.memref_squeeze %dma_start3A_265 : memref<1x80xi32, #tpu.memory_space<vmem>> -> memref<80xi32, #tpu.memory_space<vmem>>
        %dma_start3A_267 = arith.constant 0 : i32
        %dma_start3A_268 = arith.constant 0 : i32
        %dma_start3A_269 = tpu.memref_slice %arg23[%dma_start3A_267, %dma_start3A_268] : memref<10240x64xf32, #tpu.memory_space<vmem_shared>> -> memref<10240x64xf32, #tpu.memory_space<vmem_shared>>
        tpu.enqueue_indirect_dma source(%arg16 : memref<80x64xf32, #tpu.memory_space<vmem>>) target(%dma_start3A_269 : memref<10240x64xf32, #tpu.memory_space<vmem_shared>>) offsets(%dma_start3A_266 : memref<80xi32, #tpu.memory_space<vmem>>) semaphore(%arg30 : memref<!tpu.dma_semaphore, #tpu.memory_space<semaphore_mem>>) {add = true}
        %dma_start3A_270 = arith.constant 0 : i32
        %dma_start3A_271 = tpu.memref_slice %arg13[%add3A_227, %dma_start3A_270] : memref<125x80xi32, #tpu.memory_space<vmem>> -> memref<1x80xi32, #tpu.memory_space<vmem>>
        %dma_start3A_272 = tpu.memref_squeeze %dma_start3A_271 : memref<1x80xi32, #tpu.memory_space<vmem>> -> memref<80xi32, #tpu.memory_space<vmem>>
        %dma_start3A_273 = arith.constant 0 : i32
        %dma_start3A_274 = arith.constant 0 : i32
        %dma_start3A_275 = tpu.memref_slice %arg23[%dma_start3A_273, %dma_start3A_274] : memref<10240x64xf32, #tpu.memory_space<vmem_shared>> -> memref<10240x64xf32, #tpu.memory_space<vmem_shared>>
        tpu.enqueue_indirect_dma source(%arg18 : memref<80x64xf32, #tpu.memory_space<vmem>>) target(%dma_start3A_275 : memref<10240x64xf32, #tpu.memory_space<vmem_shared>>) offsets(%dma_start3A_272 : memref<80xi32, #tpu.memory_space<vmem>>) semaphore(%arg32 : memref<!tpu.dma_semaphore, #tpu.memory_space<semaphore_mem>>) {add = true}
        %ge3A = arith.constant 1 : i32
        %ge3A_276 = arith.cmpi sge, %add3A_227, %ge3A : i32
        %convert_element_type3A_277 = arith.extui %ge3A_276 : i1 to i32
        %cond3A_278 = arith.constant 0 : i32
        %cond3A_279 = arith.cmpi ne, %convert_element_type3A_277, %cond3A_278 : i32
        scf.if %cond3A_279 {
          %sub3A = arith.constant 1 : i32
          %sub3A_285 = arith.subi %add3A_227, %sub3A : i32
          %dma_wait3A_286 = arith.constant 0 : i32
          %dma_wait3A_287 = tpu.memref_slice %arg13[%sub3A_285, %dma_wait3A_286] : memref<125x80xi32, #tpu.memory_space<vmem>> -> memref<1x80xi32, #tpu.memory_space<vmem>>
          %dma_wait3A_288 = tpu.memref_squeeze %dma_wait3A_287 : memref<1x80xi32, #tpu.memory_space<vmem>> -> memref<80xi32, #tpu.memory_space<vmem>>
          %dma_wait3A_289 = arith.constant 0 : i32
          %dma_wait3A_290 = tpu.memref_slice %arg24[%dma_wait3A_289] : memref<10240xf32, #tpu.memory_space<vmem_shared>> -> memref<10240xf32, #tpu.memory_space<vmem_shared>>
          tpu.wait_indirect_dma semaphore(%arg33 : memref<!tpu.dma_semaphore, #tpu.memory_space<semaphore_mem>>) src(%arg20 : memref<80xf32, #tpu.memory_space<vmem>>) dst(%dma_wait3A_290 : memref<10240xf32, #tpu.memory_space<vmem_shared>>)
        } else {
        }
        %dma_start3A_280 = arith.constant 0 : i32
        %dma_start3A_281 = tpu.memref_slice %arg13[%add3A_227, %dma_start3A_280] : memref<125x80xi32, #tpu.memory_space<vmem>> -> memref<1x80xi32, #tpu.memory_space<vmem>>
        %dma_start3A_282 = tpu.memref_squeeze %dma_start3A_281 : memref<1x80xi32, #tpu.memory_space<vmem>> -> memref<80xi32, #tpu.memory_space<vmem>>
        %dma_start3A_283 = arith.constant 0 : i32
        %dma_start3A_284 = tpu.memref_slice %arg24[%dma_start3A_283] : memref<10240xf32, #tpu.memory_space<vmem_shared>> -> memref<10240xf32, #tpu.memory_space<vmem_shared>>
        tpu.enqueue_indirect_dma source(%arg20 : memref<80xf32, #tpu.memory_space<vmem>>) target(%dma_start3A_284 : memref<10240xf32, #tpu.memory_space<vmem_shared>>) offsets(%dma_start3A_282 : memref<80xi32, #tpu.memory_space<vmem>>) semaphore(%arg33 : memref<!tpu.dma_semaphore, #tpu.memory_space<semaphore_mem>>) {add = true}
      } else {
      }
      %scan3A_251 = arith.constant 0 : i32
      scf.yield %scan3A_251 : i32
    }
    %scan3A_55 = arith.constant 63 : i32
    %dma_wait3A = arith.constant 123 : i32
    %dma_wait3A_56 = arith.constant 0 : i32
    %dma_wait3A_57 = tpu.memref_slice %arg13[%dma_wait3A, %dma_wait3A_56] : memref<125x80xi32, #tpu.memory_space<vmem>> -> memref<1x80xi32, #tpu.memory_space<vmem>>
    %dma_wait3A_58 = tpu.memref_squeeze %dma_wait3A_57 : memref<1x80xi32, #tpu.memory_space<vmem>> -> memref<80xi32, #tpu.memory_space<vmem>>
    %dma_wait3A_59 = arith.constant 0 : i32
    %dma_wait3A_60 = arith.constant 0 : i32
    %dma_wait3A_61 = tpu.memref_slice %arg23[%dma_wait3A_59, %dma_wait3A_60] : memref<10240x64xf32, #tpu.memory_space<vmem_shared>> -> memref<10240x64xf32, #tpu.memory_space<vmem_shared>>
    tpu.wait_indirect_dma semaphore(%arg30 : memref<!tpu.dma_semaphore, #tpu.memory_space<semaphore_mem>>) src(%arg16 : memref<80x64xf32, #tpu.memory_space<vmem>>) dst(%dma_wait3A_61 : memref<10240x64xf32, #tpu.memory_space<vmem_shared>>)
    %dma_wait3A_62 = arith.constant 123 : i32
    %dma_wait3A_63 = arith.constant 0 : i32
    %dma_wait3A_64 = tpu.memref_slice %arg13[%dma_wait3A_62, %dma_wait3A_63] : memref<125x80xi32, #tpu.memory_space<vmem>> -> memref<1x80xi32, #tpu.memory_space<vmem>>
    %dma_wait3A_65 = tpu.memref_squeeze %dma_wait3A_64 : memref<1x80xi32, #tpu.memory_space<vmem>> -> memref<80xi32, #tpu.memory_space<vmem>>
    %dma_wait3A_66 = arith.constant 0 : i32
    %dma_wait3A_67 = arith.constant 0 : i32
    %dma_wait3A_68 = tpu.memref_slice %arg23[%dma_wait3A_66, %dma_wait3A_67] : memref<10240x64xf32, #tpu.memory_space<vmem_shared>> -> memref<10240x64xf32, #tpu.memory_space<vmem_shared>>
    tpu.wait_indirect_dma semaphore(%arg32 : memref<!tpu.dma_semaphore, #tpu.memory_space<semaphore_mem>>) src(%arg18 : memref<80x64xf32, #tpu.memory_space<vmem>>) dst(%dma_wait3A_68 : memref<10240x64xf32, #tpu.memory_space<vmem_shared>>)
    %dma_wait3A_69 = arith.constant 124 : i32
    %dma_wait3A_70 = arith.constant 0 : i32
    %dma_wait3A_71 = tpu.memref_slice %arg13[%dma_wait3A_69, %dma_wait3A_70] : memref<125x80xi32, #tpu.memory_space<vmem>> -> memref<1x80xi32, #tpu.memory_space<vmem>>
    %dma_wait3A_72 = tpu.memref_squeeze %dma_wait3A_71 : memref<1x80xi32, #tpu.memory_space<vmem>> -> memref<80xi32, #tpu.memory_space<vmem>>
    %dma_wait3A_73 = arith.constant 0 : i32
    %dma_wait3A_74 = arith.constant 0 : i32
    %dma_wait3A_75 = tpu.memref_slice %arg23[%dma_wait3A_73, %dma_wait3A_74] : memref<10240x64xf32, #tpu.memory_space<vmem_shared>> -> memref<10240x64xf32, #tpu.memory_space<vmem_shared>>
    tpu.wait_indirect_dma semaphore(%arg29 : memref<!tpu.dma_semaphore, #tpu.memory_space<semaphore_mem>>) src(%arg15 : memref<80x64xf32, #tpu.memory_space<vmem>>) dst(%dma_wait3A_75 : memref<10240x64xf32, #tpu.memory_space<vmem_shared>>)
    %dma_wait3A_76 = arith.constant 124 : i32
    %dma_wait3A_77 = arith.constant 0 : i32
    %dma_wait3A_78 = tpu.memref_slice %arg13[%dma_wait3A_76, %dma_wait3A_77] : memref<125x80xi32, #tpu.memory_space<vmem>> -> memref<1x80xi32, #tpu.memory_space<vmem>>
    %dma_wait3A_79 = tpu.memref_squeeze %dma_wait3A_78 : memref<1x80xi32, #tpu.memory_space<vmem>> -> memref<80xi32, #tpu.memory_space<vmem>>
    %dma_wait3A_80 = arith.constant 0 : i32
    %dma_wait3A_81 = arith.constant 0 : i32
    %dma_wait3A_82 = tpu.memref_slice %arg23[%dma_wait3A_80, %dma_wait3A_81] : memref<10240x64xf32, #tpu.memory_space<vmem_shared>> -> memref<10240x64xf32, #tpu.memory_space<vmem_shared>>
    tpu.wait_indirect_dma semaphore(%arg31 : memref<!tpu.dma_semaphore, #tpu.memory_space<semaphore_mem>>) src(%arg17 : memref<80x64xf32, #tpu.memory_space<vmem>>) dst(%dma_wait3A_82 : memref<10240x64xf32, #tpu.memory_space<vmem_shared>>)
    %dma_wait3A_83 = arith.constant 124 : i32
    %dma_wait3A_84 = arith.constant 0 : i32
    %dma_wait3A_85 = tpu.memref_slice %arg13[%dma_wait3A_83, %dma_wait3A_84] : memref<125x80xi32, #tpu.memory_space<vmem>> -> memref<1x80xi32, #tpu.memory_space<vmem>>
    %dma_wait3A_86 = tpu.memref_squeeze %dma_wait3A_85 : memref<1x80xi32, #tpu.memory_space<vmem>> -> memref<80xi32, #tpu.memory_space<vmem>>
    %dma_wait3A_87 = arith.constant 0 : i32
    %dma_wait3A_88 = tpu.memref_slice %arg24[%dma_wait3A_87] : memref<10240xf32, #tpu.memory_space<vmem_shared>> -> memref<10240xf32, #tpu.memory_space<vmem_shared>>
    tpu.wait_indirect_dma semaphore(%arg33 : memref<!tpu.dma_semaphore, #tpu.memory_space<semaphore_mem>>) src(%arg20 : memref<80xf32, #tpu.memory_space<vmem>>) dst(%dma_wait3A_88 : memref<10240xf32, #tpu.memory_space<vmem_shared>>)
    %barrier3A_89 = arith.constant 0 : index
    tpu.barrier barrier_id(%barrier3A_89)
    %add3A_90 = arith.constant 0 : i32
    %add3A_91 = arith.addi %mul3A_2, %add3A_90 : i32
    "tpu.region"() ({
      %run_scoped3A = tpu.sem_alloc : memref<!tpu.dma_semaphore, #tpu.memory_space<semaphore_mem>>
      %dma_start3A_222 = arith.constant 0 : i32
      %dma_start3A_223 = tpu.memref_slice %arg23[%add3A_91, %dma_start3A_222] : memref<10240x64xf32, #tpu.memory_space<vmem_shared>> -> memref<128x64xf32, #tpu.memory_space<vmem_shared>>
      %dma_start3A_224 = arith.constant 0 : i32
      %dma_start3A_225 = tpu.memref_slice %arg23[%add3A_91, %dma_start3A_224] : memref<10240x64xf32, #tpu.memory_space<vmem_shared>> -> memref<128x64xf32, #tpu.memory_space<vmem_shared>>
      tpu.enqueue_dma source(%dma_start3A_225 : memref<128x64xf32, #tpu.memory_space<vmem_shared>>) target(%arg21 : memref<128x64xf32, #tpu.memory_space<vmem>>) target_semaphore(%run_scoped3A : memref<!tpu.dma_semaphore, #tpu.memory_space<semaphore_mem>>)
      %dma_wait3A_226 = arith.constant 0 : i32
      %dma_wait3A_227 = tpu.memref_slice %arg23[%add3A_91, %dma_wait3A_226] : memref<10240x64xf32, #tpu.memory_space<vmem_shared>> -> memref<128x64xf32, #tpu.memory_space<vmem_shared>>
      %dma_wait3A_228 = arith.constant 0 : i32
      %dma_wait3A_229 = tpu.memref_slice %arg23[%add3A_91, %dma_wait3A_228] : memref<10240x64xf32, #tpu.memory_space<vmem_shared>> -> memref<128x64xf32, #tpu.memory_space<vmem_shared>>
      tpu.wait_dma2 semaphore(%run_scoped3A : memref<!tpu.dma_semaphore, #tpu.memory_space<semaphore_mem>>) src(%dma_wait3A_229 : memref<128x64xf32, #tpu.memory_space<vmem_shared>>) dst(%arg21 : memref<128x64xf32, #tpu.memory_space<vmem>>)
      tpu.yield
    }) : () -> ()
    %mul3A_92 = arith.constant 10240 : i32
    %mul3A_93 = arith.muli %arg0, %mul3A_92 : i32
    %add3A_94 = arith.addi %mul3A_93, %add3A_91 : i32
    "tpu.region"() ({
      %run_scoped3A = tpu.sem_alloc : memref<!tpu.dma_semaphore, #tpu.memory_space<semaphore_mem>>
      %dma_start3A_222 = arith.constant 0 : i32
      %dma_start3A_223 = tpu.memref_slice %arg9[%add3A_94, %dma_start3A_222] : memref<20480x64xf32, #tpu.memory_space<hbm>> -> memref<128x64xf32, #tpu.memory_space<hbm>>
      %dma_start3A_224 = arith.constant 0 : i32
      %dma_start3A_225 = tpu.memref_slice %arg9[%add3A_94, %dma_start3A_224] : memref<20480x64xf32, #tpu.memory_space<hbm>> -> memref<128x64xf32, #tpu.memory_space<hbm>>
      tpu.enqueue_dma source(%arg21 : memref<128x64xf32, #tpu.memory_space<vmem>>) target(%dma_start3A_225 : memref<128x64xf32, #tpu.memory_space<hbm>>) target_semaphore(%run_scoped3A : memref<!tpu.dma_semaphore, #tpu.memory_space<semaphore_mem>>)
      %dma_wait3A_226 = arith.constant 0 : i32
      %dma_wait3A_227 = tpu.memref_slice %arg9[%add3A_94, %dma_wait3A_226] : memref<20480x64xf32, #tpu.memory_space<hbm>> -> memref<128x64xf32, #tpu.memory_space<hbm>>
      %dma_wait3A_228 = arith.constant 0 : i32
      %dma_wait3A_229 = tpu.memref_slice %arg9[%add3A_94, %dma_wait3A_228] : memref<20480x64xf32, #tpu.memory_space<hbm>> -> memref<128x64xf32, #tpu.memory_space<hbm>>
      tpu.wait_dma2 semaphore(%run_scoped3A : memref<!tpu.dma_semaphore, #tpu.memory_space<semaphore_mem>>) src(%arg21 : memref<128x64xf32, #tpu.memory_space<vmem>>) dst(%dma_wait3A_229 : memref<128x64xf32, #tpu.memory_space<hbm>>)
      tpu.yield
    }) : () -> ()
    %add3A_95 = arith.constant 128 : i32
    %add3A_96 = arith.addi %mul3A_2, %add3A_95 : i32
    "tpu.region"() ({
      %run_scoped3A = tpu.sem_alloc : memref<!tpu.dma_semaphore, #tpu.memory_space<semaphore_mem>>
      %dma_start3A_222 = arith.constant 0 : i32
      %dma_start3A_223 = tpu.memref_slice %arg23[%add3A_96, %dma_start3A_222] : memref<10240x64xf32, #tpu.memory_space<vmem_shared>> -> memref<128x64xf32, #tpu.memory_space<vmem_shared>>
      %dma_start3A_224 = arith.constant 0 : i32
      %dma_start3A_225 = tpu.memref_slice %arg23[%add3A_96, %dma_start3A_224] : memref<10240x64xf32, #tpu.memory_space<vmem_shared>> -> memref<128x64xf32, #tpu.memory_space<vmem_shared>>
      tpu.enqueue_dma source(%dma_start3A_225 : memref<128x64xf32, #tpu.memory_space<vmem_shared>>) target(%arg21 : memref<128x64xf32, #tpu.memory_space<vmem>>) target_semaphore(%run_scoped3A : memref<!tpu.dma_semaphore, #tpu.memory_space<semaphore_mem>>)
      %dma_wait3A_226 = arith.constant 0 : i32
      %dma_wait3A_227 = tpu.memref_slice %arg23[%add3A_96, %dma_wait3A_226] : memref<10240x64xf32, #tpu.memory_space<vmem_shared>> -> memref<128x64xf32, #tpu.memory_space<vmem_shared>>
      %dma_wait3A_228 = arith.constant 0 : i32
      %dma_wait3A_229 = tpu.memref_slice %arg23[%add3A_96, %dma_wait3A_228] : memref<10240x64xf32, #tpu.memory_space<vmem_shared>> -> memref<128x64xf32, #tpu.memory_space<vmem_shared>>
      tpu.wait_dma2 semaphore(%run_scoped3A : memref<!tpu.dma_semaphore, #tpu.memory_space<semaphore_mem>>) src(%dma_wait3A_229 : memref<128x64xf32, #tpu.memory_space<vmem_shared>>) dst(%arg21 : memref<128x64xf32, #tpu.memory_space<vmem>>)
      tpu.yield
    }) : () -> ()
    %mul3A_97 = arith.constant 10240 : i32
    %mul3A_98 = arith.muli %arg0, %mul3A_97 : i32
    %add3A_99 = arith.addi %mul3A_98, %add3A_96 : i32
    "tpu.region"() ({
      %run_scoped3A = tpu.sem_alloc : memref<!tpu.dma_semaphore, #tpu.memory_space<semaphore_mem>>
      %dma_start3A_222 = arith.constant 0 : i32
      %dma_start3A_223 = tpu.memref_slice %arg9[%add3A_99, %dma_start3A_222] : memref<20480x64xf32, #tpu.memory_space<hbm>> -> memref<128x64xf32, #tpu.memory_space<hbm>>
      %dma_start3A_224 = arith.constant 0 : i32
      %dma_start3A_225 = tpu.memref_slice %arg9[%add3A_99, %dma_start3A_224] : memref<20480x64xf32, #tpu.memory_space<hbm>> -> memref<128x64xf32, #tpu.memory_space<hbm>>
      tpu.enqueue_dma source(%arg21 : memref<128x64xf32, #tpu.memory_space<vmem>>) target(%dma_start3A_225 : memref<128x64xf32, #tpu.memory_space<hbm>>) target_semaphore(%run_scoped3A : memref<!tpu.dma_semaphore, #tpu.memory_space<semaphore_mem>>)
      %dma_wait3A_226 = arith.constant 0 : i32
      %dma_wait3A_227 = tpu.memref_slice %arg9[%add3A_99, %dma_wait3A_226] : memref<20480x64xf32, #tpu.memory_space<hbm>> -> memref<128x64xf32, #tpu.memory_space<hbm>>
      %dma_wait3A_228 = arith.constant 0 : i32
      %dma_wait3A_229 = tpu.memref_slice %arg9[%add3A_99, %dma_wait3A_228] : memref<20480x64xf32, #tpu.memory_space<hbm>> -> memref<128x64xf32, #tpu.memory_space<hbm>>
      tpu.wait_dma2 semaphore(%run_scoped3A : memref<!tpu.dma_semaphore, #tpu.memory_space<semaphore_mem>>) src(%arg21 : memref<128x64xf32, #tpu.memory_space<vmem>>) dst(%dma_wait3A_229 : memref<128x64xf32, #tpu.memory_space<hbm>>)
      tpu.yield
    }) : () -> ()
    %add3A_100 = arith.constant 256 : i32
    %add3A_101 = arith.addi %mul3A_2, %add3A_100 : i32
    "tpu.region"() ({
      %run_scoped3A = tpu.sem_alloc : memref<!tpu.dma_semaphore, #tpu.memory_space<semaphore_mem>>
      %dma_start3A_222 = arith.constant 0 : i32
      %dma_start3A_223 = tpu.memref_slice %arg23[%add3A_101, %dma_start3A_222] : memref<10240x64xf32, #tpu.memory_space<vmem_shared>> -> memref<128x64xf32, #tpu.memory_space<vmem_shared>>
      %dma_start3A_224 = arith.constant 0 : i32
      %dma_start3A_225 = tpu.memref_slice %arg23[%add3A_101, %dma_start3A_224] : memref<10240x64xf32, #tpu.memory_space<vmem_shared>> -> memref<128x64xf32, #tpu.memory_space<vmem_shared>>
      tpu.enqueue_dma source(%dma_start3A_225 : memref<128x64xf32, #tpu.memory_space<vmem_shared>>) target(%arg21 : memref<128x64xf32, #tpu.memory_space<vmem>>) target_semaphore(%run_scoped3A : memref<!tpu.dma_semaphore, #tpu.memory_space<semaphore_mem>>)
      %dma_wait3A_226 = arith.constant 0 : i32
      %dma_wait3A_227 = tpu.memref_slice %arg23[%add3A_101, %dma_wait3A_226] : memref<10240x64xf32, #tpu.memory_space<vmem_shared>> -> memref<128x64xf32, #tpu.memory_space<vmem_shared>>
      %dma_wait3A_228 = arith.constant 0 : i32
      %dma_wait3A_229 = tpu.memref_slice %arg23[%add3A_101, %dma_wait3A_228] : memref<10240x64xf32, #tpu.memory_space<vmem_shared>> -> memref<128x64xf32, #tpu.memory_space<vmem_shared>>
      tpu.wait_dma2 semaphore(%run_scoped3A : memref<!tpu.dma_semaphore, #tpu.memory_space<semaphore_mem>>) src(%dma_wait3A_229 : memref<128x64xf32, #tpu.memory_space<vmem_shared>>) dst(%arg21 : memref<128x64xf32, #tpu.memory_space<vmem>>)
      tpu.yield
    }) : () -> ()
    %mul3A_102 = arith.constant 10240 : i32
    %mul3A_103 = arith.muli %arg0, %mul3A_102 : i32
    %add3A_104 = arith.addi %mul3A_103, %add3A_101 : i32
    "tpu.region"() ({
      %run_scoped3A = tpu.sem_alloc : memref<!tpu.dma_semaphore, #tpu.memory_space<semaphore_mem>>
      %dma_start3A_222 = arith.constant 0 : i32
      %dma_start3A_223 = tpu.memref_slice %arg9[%add3A_104, %dma_start3A_222] : memref<20480x64xf32, #tpu.memory_space<hbm>> -> memref<128x64xf32, #tpu.memory_space<hbm>>
      %dma_start3A_224 = arith.constant 0 : i32
      %dma_start3A_225 = tpu.memref_slice %arg9[%add3A_104, %dma_start3A_224] : memref<20480x64xf32, #tpu.memory_space<hbm>> -> memref<128x64xf32, #tpu.memory_space<hbm>>
      tpu.enqueue_dma source(%arg21 : memref<128x64xf32, #tpu.memory_space<vmem>>) target(%dma_start3A_225 : memref<128x64xf32, #tpu.memory_space<hbm>>) target_semaphore(%run_scoped3A : memref<!tpu.dma_semaphore, #tpu.memory_space<semaphore_mem>>)
      %dma_wait3A_226 = arith.constant 0 : i32
      %dma_wait3A_227 = tpu.memref_slice %arg9[%add3A_104, %dma_wait3A_226] : memref<20480x64xf32, #tpu.memory_space<hbm>> -> memref<128x64xf32, #tpu.memory_space<hbm>>
      %dma_wait3A_228 = arith.constant 0 : i32
      %dma_wait3A_229 = tpu.memref_slice %arg9[%add3A_104, %dma_wait3A_228] : memref<20480x64xf32, #tpu.memory_space<hbm>> -> memref<128x64xf32, #tpu.memory_space<hbm>>
      tpu.wait_dma2 semaphore(%run_scoped3A : memref<!tpu.dma_semaphore, #tpu.memory_space<semaphore_mem>>) src(%arg21 : memref<128x64xf32, #tpu.memory_space<vmem>>) dst(%dma_wait3A_229 : memref<128x64xf32, #tpu.memory_space<hbm>>)
      tpu.yield
    }) : () -> ()
    %add3A_105 = arith.constant 384 : i32
    %add3A_106 = arith.addi %mul3A_2, %add3A_105 : i32
    "tpu.region"() ({
      %run_scoped3A = tpu.sem_alloc : memref<!tpu.dma_semaphore, #tpu.memory_space<semaphore_mem>>
      %dma_start3A_222 = arith.constant 0 : i32
      %dma_start3A_223 = tpu.memref_slice %arg23[%add3A_106, %dma_start3A_222] : memref<10240x64xf32, #tpu.memory_space<vmem_shared>> -> memref<128x64xf32, #tpu.memory_space<vmem_shared>>
      %dma_start3A_224 = arith.constant 0 : i32
      %dma_start3A_225 = tpu.memref_slice %arg23[%add3A_106, %dma_start3A_224] : memref<10240x64xf32, #tpu.memory_space<vmem_shared>> -> memref<128x64xf32, #tpu.memory_space<vmem_shared>>
      tpu.enqueue_dma source(%dma_start3A_225 : memref<128x64xf32, #tpu.memory_space<vmem_shared>>) target(%arg21 : memref<128x64xf32, #tpu.memory_space<vmem>>) target_semaphore(%run_scoped3A : memref<!tpu.dma_semaphore, #tpu.memory_space<semaphore_mem>>)
      %dma_wait3A_226 = arith.constant 0 : i32
      %dma_wait3A_227 = tpu.memref_slice %arg23[%add3A_106, %dma_wait3A_226] : memref<10240x64xf32, #tpu.memory_space<vmem_shared>> -> memref<128x64xf32, #tpu.memory_space<vmem_shared>>
      %dma_wait3A_228 = arith.constant 0 : i32
      %dma_wait3A_229 = tpu.memref_slice %arg23[%add3A_106, %dma_wait3A_228] : memref<10240x64xf32, #tpu.memory_space<vmem_shared>> -> memref<128x64xf32, #tpu.memory_space<vmem_shared>>
      tpu.wait_dma2 semaphore(%run_scoped3A : memref<!tpu.dma_semaphore, #tpu.memory_space<semaphore_mem>>) src(%dma_wait3A_229 : memref<128x64xf32, #tpu.memory_space<vmem_shared>>) dst(%arg21 : memref<128x64xf32, #tpu.memory_space<vmem>>)
      tpu.yield
    }) : () -> ()
    %mul3A_107 = arith.constant 10240 : i32
    %mul3A_108 = arith.muli %arg0, %mul3A_107 : i32
    %add3A_109 = arith.addi %mul3A_108, %add3A_106 : i32
    "tpu.region"() ({
      %run_scoped3A = tpu.sem_alloc : memref<!tpu.dma_semaphore, #tpu.memory_space<semaphore_mem>>
      %dma_start3A_222 = arith.constant 0 : i32
      %dma_start3A_223 = tpu.memref_slice %arg9[%add3A_109, %dma_start3A_222] : memref<20480x64xf32, #tpu.memory_space<hbm>> -> memref<128x64xf32, #tpu.memory_space<hbm>>
      %dma_start3A_224 = arith.constant 0 : i32
      %dma_start3A_225 = tpu.memref_slice %arg9[%add3A_109, %dma_start3A_224] : memref<20480x64xf32, #tpu.memory_space<hbm>> -> memref<128x64xf32, #tpu.memory_space<hbm>>
      tpu.enqueue_dma source(%arg21 : memref<128x64xf32, #tpu.memory_space<vmem>>) target(%dma_start3A_225 : memref<128x64xf32, #tpu.memory_space<hbm>>) target_semaphore(%run_scoped3A : memref<!tpu.dma_semaphore, #tpu.memory_space<semaphore_mem>>)
      %dma_wait3A_226 = arith.constant 0 : i32
      %dma_wait3A_227 = tpu.memref_slice %arg9[%add3A_109, %dma_wait3A_226] : memref<20480x64xf32, #tpu.memory_space<hbm>> -> memref<128x64xf32, #tpu.memory_space<hbm>>
      %dma_wait3A_228 = arith.constant 0 : i32
      %dma_wait3A_229 = tpu.memref_slice %arg9[%add3A_109, %dma_wait3A_228] : memref<20480x64xf32, #tpu.memory_space<hbm>> -> memref<128x64xf32, #tpu.memory_space<hbm>>
      tpu.wait_dma2 semaphore(%run_scoped3A : memref<!tpu.dma_semaphore, #tpu.memory_space<semaphore_mem>>) src(%arg21 : memref<128x64xf32, #tpu.memory_space<vmem>>) dst(%dma_wait3A_229 : memref<128x64xf32, #tpu.memory_space<hbm>>)
      tpu.yield
    }) : () -> ()
    %add3A_110 = arith.constant 512 : i32
    %add3A_111 = arith.addi %mul3A_2, %add3A_110 : i32
    "tpu.region"() ({
      %run_scoped3A = tpu.sem_alloc : memref<!tpu.dma_semaphore, #tpu.memory_space<semaphore_mem>>
      %dma_start3A_222 = arith.constant 0 : i32
      %dma_start3A_223 = tpu.memref_slice %arg23[%add3A_111, %dma_start3A_222] : memref<10240x64xf32, #tpu.memory_space<vmem_shared>> -> memref<128x64xf32, #tpu.memory_space<vmem_shared>>
      %dma_start3A_224 = arith.constant 0 : i32
      %dma_start3A_225 = tpu.memref_slice %arg23[%add3A_111, %dma_start3A_224] : memref<10240x64xf32, #tpu.memory_space<vmem_shared>> -> memref<128x64xf32, #tpu.memory_space<vmem_shared>>
      tpu.enqueue_dma source(%dma_start3A_225 : memref<128x64xf32, #tpu.memory_space<vmem_shared>>) target(%arg21 : memref<128x64xf32, #tpu.memory_space<vmem>>) target_semaphore(%run_scoped3A : memref<!tpu.dma_semaphore, #tpu.memory_space<semaphore_mem>>)
      %dma_wait3A_226 = arith.constant 0 : i32
      %dma_wait3A_227 = tpu.memref_slice %arg23[%add3A_111, %dma_wait3A_226] : memref<10240x64xf32, #tpu.memory_space<vmem_shared>> -> memref<128x64xf32, #tpu.memory_space<vmem_shared>>
      %dma_wait3A_228 = arith.constant 0 : i32
      %dma_wait3A_229 = tpu.memref_slice %arg23[%add3A_111, %dma_wait3A_228] : memref<10240x64xf32, #tpu.memory_space<vmem_shared>> -> memref<128x64xf32, #tpu.memory_space<vmem_shared>>
      tpu.wait_dma2 semaphore(%run_scoped3A : memref<!tpu.dma_semaphore, #tpu.memory_space<semaphore_mem>>) src(%dma_wait3A_229 : memref<128x64xf32, #tpu.memory_space<vmem_shared>>) dst(%arg21 : memref<128x64xf32, #tpu.memory_space<vmem>>)
      tpu.yield
    }) : () -> ()
    %mul3A_112 = arith.constant 10240 : i32
    %mul3A_113 = arith.muli %arg0, %mul3A_112 : i32
    %add3A_114 = arith.addi %mul3A_113, %add3A_111 : i32
    "tpu.region"() ({
      %run_scoped3A = tpu.sem_alloc : memref<!tpu.dma_semaphore, #tpu.memory_space<semaphore_mem>>
      %dma_start3A_222 = arith.constant 0 : i32
      %dma_start3A_223 = tpu.memref_slice %arg9[%add3A_114, %dma_start3A_222] : memref<20480x64xf32, #tpu.memory_space<hbm>> -> memref<128x64xf32, #tpu.memory_space<hbm>>
      %dma_start3A_224 = arith.constant 0 : i32
      %dma_start3A_225 = tpu.memref_slice %arg9[%add3A_114, %dma_start3A_224] : memref<20480x64xf32, #tpu.memory_space<hbm>> -> memref<128x64xf32, #tpu.memory_space<hbm>>
      tpu.enqueue_dma source(%arg21 : memref<128x64xf32, #tpu.memory_space<vmem>>) target(%dma_start3A_225 : memref<128x64xf32, #tpu.memory_space<hbm>>) target_semaphore(%run_scoped3A : memref<!tpu.dma_semaphore, #tpu.memory_space<semaphore_mem>>)
      %dma_wait3A_226 = arith.constant 0 : i32
      %dma_wait3A_227 = tpu.memref_slice %arg9[%add3A_114, %dma_wait3A_226] : memref<20480x64xf32, #tpu.memory_space<hbm>> -> memref<128x64xf32, #tpu.memory_space<hbm>>
      %dma_wait3A_228 = arith.constant 0 : i32
      %dma_wait3A_229 = tpu.memref_slice %arg9[%add3A_114, %dma_wait3A_228] : memref<20480x64xf32, #tpu.memory_space<hbm>> -> memref<128x64xf32, #tpu.memory_space<hbm>>
      tpu.wait_dma2 semaphore(%run_scoped3A : memref<!tpu.dma_semaphore, #tpu.memory_space<semaphore_mem>>) src(%arg21 : memref<128x64xf32, #tpu.memory_space<vmem>>) dst(%dma_wait3A_229 : memref<128x64xf32, #tpu.memory_space<hbm>>)
      tpu.yield
    }) : () -> ()
    %barrier3A_115 = arith.constant 0 : index
    tpu.barrier barrier_id(%barrier3A_115)
    %broadcast_in_dim3A_116 = arith.constant 0.000000e+00 : f32
    %broadcast_in_dim3A_117 = vector.broadcast %broadcast_in_dim3A_116 : f32 to vector<16xf32>
    %scan3A_118 = arith.constant 0 : i32
    %scan3A_119 = arith.constant 0 : i32
    %scan3A_120 = arith.constant 128 : i32
    %scan3A_121 = arith.addi %scan3A_119, %scan3A_120 : i32
    %scan3A_122 = arith.constant 1 : i32
    %scan3A_123 = scf.for %scan3A_222 = %scan3A_119 to %scan3A_121 step %scan3A_122 iter_args(%scan3A_223 = %scan3A_118) -> (i32)  : i32 {
      %swap3A = arith.index_cast %scan3A_222 : i32 to index
      %swap3A_224 = arith.constant 0 : index
      %swap3A_225 = tpu.vector_load %arg21[%swap3A, %swap3A_224] {strides = array<i32>} : memref<128x64xf32, #tpu.memory_space<vmem>>, vector<1x16xf32>,
      %swap3A_226 = vector.shape_cast %swap3A_225 : vector<1x16xf32> to vector<16xf32>
      %swap3A_227 = vector.shape_cast %broadcast_in_dim3A_117 : vector<16xf32> to vector<1x16xf32>
      tpu.vector_store %arg21[%swap3A, %swap3A_224], %swap3A_227 {strides = array<i32>} : memref<128x64xf32, #tpu.memory_space<vmem>>, vector<1x16xf32>,
      %swap3A_228 = arith.index_cast %scan3A_222 : i32 to index
      %swap3A_229 = arith.constant 16 : index
      %swap3A_230 = tpu.vector_load %arg21[%swap3A_228, %swap3A_229] {strides = array<i32>} : memref<128x64xf32, #tpu.memory_space<vmem>>, vector<1x16xf32>,
      %swap3A_231 = vector.shape_cast %swap3A_230 : vector<1x16xf32> to vector<16xf32>
      %swap3A_232 = vector.shape_cast %broadcast_in_dim3A_117 : vector<16xf32> to vector<1x16xf32>
      tpu.vector_store %arg21[%swap3A_228, %swap3A_229], %swap3A_232 {strides = array<i32>} : memref<128x64xf32, #tpu.memory_space<vmem>>, vector<1x16xf32>,
      %swap3A_233 = arith.index_cast %scan3A_222 : i32 to index
      %swap3A_234 = arith.constant 32 : index
      %swap3A_235 = tpu.vector_load %arg21[%swap3A_233, %swap3A_234] {strides = array<i32>} : memref<128x64xf32, #tpu.memory_space<vmem>>, vector<1x16xf32>,
      %swap3A_236 = vector.shape_cast %swap3A_235 : vector<1x16xf32> to vector<16xf32>
      %swap3A_237 = vector.shape_cast %broadcast_in_dim3A_117 : vector<16xf32> to vector<1x16xf32>
      tpu.vector_store %arg21[%swap3A_233, %swap3A_234], %swap3A_237 {strides = array<i32>} : memref<128x64xf32, #tpu.memory_space<vmem>>, vector<1x16xf32>,
      %swap3A_238 = arith.index_cast %scan3A_222 : i32 to index
      %swap3A_239 = arith.constant 48 : index
      %swap3A_240 = tpu.vector_load %arg21[%swap3A_238, %swap3A_239] {strides = array<i32>} : memref<128x64xf32, #tpu.memory_space<vmem>>, vector<1x16xf32>,
      %swap3A_241 = vector.shape_cast %swap3A_240 : vector<1x16xf32> to vector<16xf32>
      %swap3A_242 = vector.shape_cast %broadcast_in_dim3A_117 : vector<16xf32> to vector<1x16xf32>
      tpu.vector_store %arg21[%swap3A_238, %swap3A_239], %swap3A_242 {strides = array<i32>} : memref<128x64xf32, #tpu.memory_space<vmem>>, vector<1x16xf32>,
      %scan3A_243 = arith.constant 0 : i32
      scf.yield %scan3A_243 : i32
    }
    %scan3A_124 = arith.constant 128 : i32
    %add3A_125 = arith.constant 0 : i32
    %add3A_126 = arith.addi %mul3A_2, %add3A_125 : i32
    "tpu.region"() ({
      %run_scoped3A = tpu.sem_alloc : memref<!tpu.dma_semaphore, #tpu.memory_space<semaphore_mem>>
      %dma_start3A_222 = arith.constant 0 : i32
      %dma_start3A_223 = tpu.memref_slice %arg23[%add3A_126, %dma_start3A_222] : memref<10240x64xf32, #tpu.memory_space<vmem_shared>> -> memref<128x64xf32, #tpu.memory_space<vmem_shared>>
      %dma_start3A_224 = arith.constant 0 : i32
      %dma_start3A_225 = tpu.memref_slice %arg23[%add3A_126, %dma_start3A_224] : memref<10240x64xf32, #tpu.memory_space<vmem_shared>> -> memref<128x64xf32, #tpu.memory_space<vmem_shared>>
      tpu.enqueue_dma source(%arg21 : memref<128x64xf32, #tpu.memory_space<vmem>>) target(%dma_start3A_225 : memref<128x64xf32, #tpu.memory_space<vmem_shared>>) target_semaphore(%run_scoped3A : memref<!tpu.dma_semaphore, #tpu.memory_space<semaphore_mem>>)
      %dma_wait3A_226 = arith.constant 0 : i32
      %dma_wait3A_227 = tpu.memref_slice %arg23[%add3A_126, %dma_wait3A_226] : memref<10240x64xf32, #tpu.memory_space<vmem_shared>> -> memref<128x64xf32, #tpu.memory_space<vmem_shared>>
      %dma_wait3A_228 = arith.constant 0 : i32
      %dma_wait3A_229 = tpu.memref_slice %arg23[%add3A_126, %dma_wait3A_228] : memref<10240x64xf32, #tpu.memory_space<vmem_shared>> -> memref<128x64xf32, #tpu.memory_space<vmem_shared>>
      tpu.wait_dma2 semaphore(%run_scoped3A : memref<!tpu.dma_semaphore, #tpu.memory_space<semaphore_mem>>) src(%arg21 : memref<128x64xf32, #tpu.memory_space<vmem>>) dst(%dma_wait3A_229 : memref<128x64xf32, #tpu.memory_space<vmem_shared>>)
      tpu.yield
    }) : () -> ()
    %add3A_127 = arith.constant 128 : i32
    %add3A_128 = arith.addi %mul3A_2, %add3A_127 : i32
    "tpu.region"() ({
      %run_scoped3A = tpu.sem_alloc : memref<!tpu.dma_semaphore, #tpu.memory_space<semaphore_mem>>
      %dma_start3A_222 = arith.constant 0 : i32
      %dma_start3A_223 = tpu.memref_slice %arg23[%add3A_128, %dma_start3A_222] : memref<10240x64xf32, #tpu.memory_space<vmem_shared>> -> memref<128x64xf32, #tpu.memory_space<vmem_shared>>
      %dma_start3A_224 = arith.constant 0 : i32
      %dma_start3A_225 = tpu.memref_slice %arg23[%add3A_128, %dma_start3A_224] : memref<10240x64xf32, #tpu.memory_space<vmem_shared>> -> memref<128x64xf32, #tpu.memory_space<vmem_shared>>
      tpu.enqueue_dma source(%arg21 : memref<128x64xf32, #tpu.memory_space<vmem>>) target(%dma_start3A_225 : memref<128x64xf32, #tpu.memory_space<vmem_shared>>) target_semaphore(%run_scoped3A : memref<!tpu.dma_semaphore, #tpu.memory_space<semaphore_mem>>)
      %dma_wait3A_226 = arith.constant 0 : i32
      %dma_wait3A_227 = tpu.memref_slice %arg23[%add3A_128, %dma_wait3A_226] : memref<10240x64xf32, #tpu.memory_space<vmem_shared>> -> memref<128x64xf32, #tpu.memory_space<vmem_shared>>
      %dma_wait3A_228 = arith.constant 0 : i32
      %dma_wait3A_229 = tpu.memref_slice %arg23[%add3A_128, %dma_wait3A_228] : memref<10240x64xf32, #tpu.memory_space<vmem_shared>> -> memref<128x64xf32, #tpu.memory_space<vmem_shared>>
      tpu.wait_dma2 semaphore(%run_scoped3A : memref<!tpu.dma_semaphore, #tpu.memory_space<semaphore_mem>>) src(%arg21 : memref<128x64xf32, #tpu.memory_space<vmem>>) dst(%dma_wait3A_229 : memref<128x64xf32, #tpu.memory_space<vmem_shared>>)
      tpu.yield
    }) : () -> ()
    %add3A_129 = arith.constant 256 : i32
    %add3A_130 = arith.addi %mul3A_2, %add3A_129 : i32
    "tpu.region"() ({
      %run_scoped3A = tpu.sem_alloc : memref<!tpu.dma_semaphore, #tpu.memory_space<semaphore_mem>>
      %dma_start3A_222 = arith.constant 0 : i32
      %dma_start3A_223 = tpu.memref_slice %arg23[%add3A_130, %dma_start3A_222] : memref<10240x64xf32, #tpu.memory_space<vmem_shared>> -> memref<128x64xf32, #tpu.memory_space<vmem_shared>>
      %dma_start3A_224 = arith.constant 0 : i32
      %dma_start3A_225 = tpu.memref_slice %arg23[%add3A_130, %dma_start3A_224] : memref<10240x64xf32, #tpu.memory_space<vmem_shared>> -> memref<128x64xf32, #tpu.memory_space<vmem_shared>>
      tpu.enqueue_dma source(%arg21 : memref<128x64xf32, #tpu.memory_space<vmem>>) target(%dma_start3A_225 : memref<128x64xf32, #tpu.memory_space<vmem_shared>>) target_semaphore(%run_scoped3A : memref<!tpu.dma_semaphore, #tpu.memory_space<semaphore_mem>>)
      %dma_wait3A_226 = arith.constant 0 : i32
      %dma_wait3A_227 = tpu.memref_slice %arg23[%add3A_130, %dma_wait3A_226] : memref<10240x64xf32, #tpu.memory_space<vmem_shared>> -> memref<128x64xf32, #tpu.memory_space<vmem_shared>>
      %dma_wait3A_228 = arith.constant 0 : i32
      %dma_wait3A_229 = tpu.memref_slice %arg23[%add3A_130, %dma_wait3A_228] : memref<10240x64xf32, #tpu.memory_space<vmem_shared>> -> memref<128x64xf32, #tpu.memory_space<vmem_shared>>
      tpu.wait_dma2 semaphore(%run_scoped3A : memref<!tpu.dma_semaphore, #tpu.memory_space<semaphore_mem>>) src(%arg21 : memref<128x64xf32, #tpu.memory_space<vmem>>) dst(%dma_wait3A_229 : memref<128x64xf32, #tpu.memory_space<vmem_shared>>)
      tpu.yield
    }) : () -> ()
    %add3A_131 = arith.constant 384 : i32
    %add3A_132 = arith.addi %mul3A_2, %add3A_131 : i32
    "tpu.region"() ({
      %run_scoped3A = tpu.sem_alloc : memref<!tpu.dma_semaphore, #tpu.memory_space<semaphore_mem>>
      %dma_start3A_222 = arith.constant 0 : i32
      %dma_start3A_223 = tpu.memref_slice %arg23[%add3A_132, %dma_start3A_222] : memref<10240x64xf32, #tpu.memory_space<vmem_shared>> -> memref<128x64xf32, #tpu.memory_space<vmem_shared>>
      %dma_start3A_224 = arith.constant 0 : i32
      %dma_start3A_225 = tpu.memref_slice %arg23[%add3A_132, %dma_start3A_224] : memref<10240x64xf32, #tpu.memory_space<vmem_shared>> -> memref<128x64xf32, #tpu.memory_space<vmem_shared>>
      tpu.enqueue_dma source(%arg21 : memref<128x64xf32, #tpu.memory_space<vmem>>) target(%dma_start3A_225 : memref<128x64xf32, #tpu.memory_space<vmem_shared>>) target_semaphore(%run_scoped3A : memref<!tpu.dma_semaphore, #tpu.memory_space<semaphore_mem>>)
      %dma_wait3A_226 = arith.constant 0 : i32
      %dma_wait3A_227 = tpu.memref_slice %arg23[%add3A_132, %dma_wait3A_226] : memref<10240x64xf32, #tpu.memory_space<vmem_shared>> -> memref<128x64xf32, #tpu.memory_space<vmem_shared>>
      %dma_wait3A_228 = arith.constant 0 : i32
      %dma_wait3A_229 = tpu.memref_slice %arg23[%add3A_132, %dma_wait3A_228] : memref<10240x64xf32, #tpu.memory_space<vmem_shared>> -> memref<128x64xf32, #tpu.memory_space<vmem_shared>>
      tpu.wait_dma2 semaphore(%run_scoped3A : memref<!tpu.dma_semaphore, #tpu.memory_space<semaphore_mem>>) src(%arg21 : memref<128x64xf32, #tpu.memory_space<vmem>>) dst(%dma_wait3A_229 : memref<128x64xf32, #tpu.memory_space<vmem_shared>>)
      tpu.yield
    }) : () -> ()
    %add3A_133 = arith.constant 512 : i32
    %add3A_134 = arith.addi %mul3A_2, %add3A_133 : i32
    "tpu.region"() ({
      %run_scoped3A = tpu.sem_alloc : memref<!tpu.dma_semaphore, #tpu.memory_space<semaphore_mem>>
      %dma_start3A_222 = arith.constant 0 : i32
      %dma_start3A_223 = tpu.memref_slice %arg23[%add3A_134, %dma_start3A_222] : memref<10240x64xf32, #tpu.memory_space<vmem_shared>> -> memref<128x64xf32, #tpu.memory_space<vmem_shared>>
      %dma_start3A_224 = arith.constant 0 : i32
      %dma_start3A_225 = tpu.memref_slice %arg23[%add3A_134, %dma_start3A_224] : memref<10240x64xf32, #tpu.memory_space<vmem_shared>> -> memref<128x64xf32, #tpu.memory_space<vmem_shared>>
      tpu.enqueue_dma source(%arg21 : memref<128x64xf32, #tpu.memory_space<vmem>>) target(%dma_start3A_225 : memref<128x64xf32, #tpu.memory_space<vmem_shared>>) target_semaphore(%run_scoped3A : memref<!tpu.dma_semaphore, #tpu.memory_space<semaphore_mem>>)
      %dma_wait3A_226 = arith.constant 0 : i32
      %dma_wait3A_227 = tpu.memref_slice %arg23[%add3A_134, %dma_wait3A_226] : memref<10240x64xf32, #tpu.memory_space<vmem_shared>> -> memref<128x64xf32, #tpu.memory_space<vmem_shared>>
      %dma_wait3A_228 = arith.constant 0 : i32
      %dma_wait3A_229 = tpu.memref_slice %arg23[%add3A_134, %dma_wait3A_228] : memref<10240x64xf32, #tpu.memory_space<vmem_shared>> -> memref<128x64xf32, #tpu.memory_space<vmem_shared>>
      tpu.wait_dma2 semaphore(%run_scoped3A : memref<!tpu.dma_semaphore, #tpu.memory_space<semaphore_mem>>) src(%arg21 : memref<128x64xf32, #tpu.memory_space<vmem>>) dst(%dma_wait3A_229 : memref<128x64xf32, #tpu.memory_space<vmem_shared>>)
      tpu.yield
    }) : () -> ()
    "tpu.region"() ({
      %run_scoped3A = tpu.sem_alloc : memref<!tpu.dma_semaphore, #tpu.memory_space<semaphore_mem>>
      %dma_start3A_222 = arith.constant 0 : i32
      %dma_start3A_223 = arith.constant 0 : i32
      %dma_start3A_224 = tpu.memref_slice %arg6[%add3A, %dma_start3A_222, %dma_start3A_223] : memref<32x125x80xi32, #tpu.memory_space<hbm>> -> memref<1x125x80xi32, #tpu.memory_space<hbm>>
      %dma_start3A_225 = tpu.memref_squeeze %dma_start3A_224 : memref<1x125x80xi32, #tpu.memory_space<hbm>> -> memref<125x80xi32, #tpu.memory_space<hbm>>
      %dma_start3A_226 = arith.constant 0 : i32
      %dma_start3A_227 = arith.constant 0 : i32
      %dma_start3A_228 = tpu.memref_slice %arg6[%add3A, %dma_start3A_226, %dma_start3A_227] : memref<32x125x80xi32, #tpu.memory_space<hbm>> -> memref<1x125x80xi32, #tpu.memory_space<hbm>>
      %dma_start3A_229 = tpu.memref_squeeze %dma_start3A_228 : memref<1x125x80xi32, #tpu.memory_space<hbm>> -> memref<125x80xi32, #tpu.memory_space<hbm>>
      tpu.enqueue_dma source(%dma_start3A_229 : memref<125x80xi32, #tpu.memory_space<hbm>>) target(%arg12 : memref<125x80xi32, #tpu.memory_space<vmem>>) target_semaphore(%run_scoped3A : memref<!tpu.dma_semaphore, #tpu.memory_space<semaphore_mem>>)
      %dma_wait3A_230 = arith.constant 0 : i32
      %dma_wait3A_231 = arith.constant 0 : i32
      %dma_wait3A_232 = tpu.memref_slice %arg6[%add3A, %dma_wait3A_230, %dma_wait3A_231] : memref<32x125x80xi32, #tpu.memory_space<hbm>> -> memref<1x125x80xi32, #tpu.memory_space<hbm>>
      %dma_wait3A_233 = tpu.memref_squeeze %dma_wait3A_232 : memref<1x125x80xi32, #tpu.memory_space<hbm>> -> memref<125x80xi32, #tpu.memory_space<hbm>>
      %dma_wait3A_234 = arith.constant 0 : i32
      %dma_wait3A_235 = arith.constant 0 : i32
      %dma_wait3A_236 = tpu.memref_slice %arg6[%add3A, %dma_wait3A_234, %dma_wait3A_235] : memref<32x125x80xi32, #tpu.memory_space<hbm>> -> memref<1x125x80xi32, #tpu.memory_space<hbm>>
      %dma_wait3A_237 = tpu.memref_squeeze %dma_wait3A_236 : memref<1x125x80xi32, #tpu.memory_space<hbm>> -> memref<125x80xi32, #tpu.memory_space<hbm>>
      tpu.wait_dma2 semaphore(%run_scoped3A : memref<!tpu.dma_semaphore, #tpu.memory_space<semaphore_mem>>) src(%dma_wait3A_237 : memref<125x80xi32, #tpu.memory_space<hbm>>) dst(%arg12 : memref<125x80xi32, #tpu.memory_space<vmem>>)
      tpu.yield
    }) : () -> ()
    %eq3A_135 = arith.constant 0 : i32
    %eq3A_136 = arith.cmpi eq, %arg1, %eq3A_135 : i32
    %convert_element_type3A_137 = arith.extui %eq3A_136 : i1 to i32
    %cond3A_138 = arith.constant 0 : i32
    %cond3A_139 = arith.cmpi ne, %convert_element_type3A_137, %cond3A_138 : i32
    scf.if %cond3A_139 {
      "tpu.region"() ({
        %run_scoped3A = tpu.sem_alloc : memref<!tpu.dma_semaphore, #tpu.memory_space<semaphore_mem>>
        tpu.enqueue_dma source(%arg4 : memref<464x64xf32, #tpu.memory_space<hbm>>) target(%arg19 : memref<464x64xf32, #tpu.memory_space<vmem_shared>>) target_semaphore(%run_scoped3A : memref<!tpu.dma_semaphore, #tpu.memory_space<semaphore_mem>>)
        tpu.wait_dma2 semaphore(%run_scoped3A : memref<!tpu.dma_semaphore, #tpu.memory_space<semaphore_mem>>) src(%arg4 : memref<464x64xf32, #tpu.memory_space<hbm>>) dst(%arg19 : memref<464x64xf32, #tpu.memory_space<vmem_shared>>)
        tpu.yield
      }) : () -> ()
    } else {
    }
    %barrier3A_140 = arith.constant 0 : index
    tpu.barrier barrier_id(%barrier3A_140)
    %dma_start3A_141 = arith.constant 0 : i32
    %dma_start3A_142 = arith.constant 0 : i32
    %dma_start3A_143 = tpu.memref_slice %arg12[%dma_start3A_141, %dma_start3A_142] : memref<125x80xi32, #tpu.memory_space<vmem>> -> memref<1x80xi32, #tpu.memory_space<vmem>>
    %dma_start3A_144 = tpu.memref_squeeze %dma_start3A_143 : memref<1x80xi32, #tpu.memory_space<vmem>> -> memref<80xi32, #tpu.memory_space<vmem>>
    %dma_start3A_145 = arith.constant 0 : i32
    %dma_start3A_146 = arith.constant 0 : i32
    %dma_start3A_147 = tpu.memref_slice %arg2[%dma_start3A_145, %dma_start3A_146] : memref<20480x64xf32, #tpu.memory_space<hbm>> -> memref<20480x64xf32, #tpu.memory_space<hbm>>
    tpu.enqueue_indirect_dma source(%dma_start3A_147 : memref<20480x64xf32, #tpu.memory_space<hbm>>) target(%arg15 : memref<80x64xf32, #tpu.memory_space<vmem>>) offsets(%dma_start3A_144 : memref<80xi32, #tpu.memory_space<vmem>>) semaphore(%arg25 : memref<!tpu.dma_semaphore, #tpu.memory_space<semaphore_mem>>)
    %dma_start3A_148 = arith.constant 0 : i32
    %dma_start3A_149 = arith.constant 0 : i32
    %dma_start3A_150 = tpu.memref_slice %arg14[%dma_start3A_148, %dma_start3A_149] : memref<125x80xi32, #tpu.memory_space<vmem>> -> memref<1x80xi32, #tpu.memory_space<vmem>>
    %dma_start3A_151 = tpu.memref_squeeze %dma_start3A_150 : memref<1x80xi32, #tpu.memory_space<vmem>> -> memref<80xi32, #tpu.memory_space<vmem>>
    %dma_start3A_152 = arith.constant 0 : i32
    %dma_start3A_153 = arith.constant 0 : i32
    %dma_start3A_154 = tpu.memref_slice %arg19[%dma_start3A_152, %dma_start3A_153] : memref<464x64xf32, #tpu.memory_space<vmem_shared>> -> memref<464x64xf32, #tpu.memory_space<vmem_shared>>
    tpu.enqueue_indirect_dma source(%dma_start3A_154 : memref<464x64xf32, #tpu.memory_space<vmem_shared>>) target(%arg17 : memref<80x64xf32, #tpu.memory_space<vmem>>) offsets(%dma_start3A_151 : memref<80xi32, #tpu.memory_space<vmem>>) semaphore(%arg27 : memref<!tpu.dma_semaphore, #tpu.memory_space<semaphore_mem>>)
    %scan3A_155 = arith.constant 0 : i32
    %scan3A_156 = arith.constant 0 : i32
    %scan3A_157 = arith.constant 63 : i32
    %scan3A_158 = arith.addi %scan3A_156, %scan3A_157 : i32
    %scan3A_159 = arith.constant 1 : i32
    %scan3A_160 = scf.for %scan3A_222 = %scan3A_156 to %scan3A_158 step %scan3A_159 iter_args(%scan3A_223 = %scan3A_155) -> (i32)  : i32 {
      %mul3A_224 = arith.constant 2 : i32
      %mul3A_225 = arith.muli %mul3A_224, %scan3A_222 : i32
      %add3A_226 = arith.constant 1 : i32
      %add3A_227 = arith.addi %mul3A_225, %add3A_226 : i32
      %add3A_228 = arith.constant 1 : i32
      %add3A_229 = arith.addi %mul3A_225, %add3A_228 : i32
      %lt3A = arith.constant 125 : i32
      %lt3A_230 = arith.cmpi slt, %add3A_229, %lt3A : i32
      %convert_element_type3A_231 = arith.extui %lt3A_230 : i1 to i32
      %cond3A_232 = arith.constant 0 : i32
      %cond3A_233 = arith.cmpi ne, %convert_element_type3A_231, %cond3A_232 : i32
      scf.if %cond3A_233 {
        %add3A_252 = arith.constant 1 : i32
        %add3A_253 = arith.addi %mul3A_225, %add3A_252 : i32
        %ge3A = arith.constant 2 : i32
        %ge3A_254 = arith.cmpi sge, %add3A_253, %ge3A : i32
        %convert_element_type3A_255 = arith.extui %ge3A_254 : i1 to i32
        %cond3A_256 = arith.constant 0 : i32
        %cond3A_257 = arith.cmpi ne, %convert_element_type3A_255, %cond3A_256 : i32
        scf.if %cond3A_257 {
          %sub3A = arith.constant 2 : i32
          %sub3A_270 = arith.subi %add3A_253, %sub3A : i32
          %dma_wait3A_271 = arith.constant 0 : i32
          %dma_wait3A_272 = tpu.memref_slice %arg13[%sub3A_270, %dma_wait3A_271] : memref<125x80xi32, #tpu.memory_space<vmem>> -> memref<1x80xi32, #tpu.memory_space<vmem>>
          %dma_wait3A_273 = tpu.memref_squeeze %dma_wait3A_272 : memref<1x80xi32, #tpu.memory_space<vmem>> -> memref<80xi32, #tpu.memory_space<vmem>>
          %dma_wait3A_274 = arith.constant 0 : i32
          %dma_wait3A_275 = arith.constant 0 : i32
          %dma_wait3A_276 = tpu.memref_slice %arg23[%dma_wait3A_274, %dma_wait3A_275] : memref<10240x64xf32, #tpu.memory_space<vmem_shared>> -> memref<10240x64xf32, #tpu.memory_space<vmem_shared>>
          tpu.wait_indirect_dma semaphore(%arg30 : memref<!tpu.dma_semaphore, #tpu.memory_space<semaphore_mem>>) src(%arg16 : memref<80x64xf32, #tpu.memory_space<vmem>>) dst(%dma_wait3A_276 : memref<10240x64xf32, #tpu.memory_space<vmem_shared>>)
          %sub3A_277 = arith.constant 2 : i32
          %sub3A_278 = arith.subi %add3A_253, %sub3A_277 : i32
          %dma_wait3A_279 = arith.constant 0 : i32
          %dma_wait3A_280 = tpu.memref_slice %arg13[%sub3A_278, %dma_wait3A_279] : memref<125x80xi32, #tpu.memory_space<vmem>> -> memref<1x80xi32, #tpu.memory_space<vmem>>
          %dma_wait3A_281 = tpu.memref_squeeze %dma_wait3A_280 : memref<1x80xi32, #tpu.memory_space<vmem>> -> memref<80xi32, #tpu.memory_space<vmem>>
          %dma_wait3A_282 = arith.constant 0 : i32
          %dma_wait3A_283 = arith.constant 0 : i32
          %dma_wait3A_284 = tpu.memref_slice %arg23[%dma_wait3A_282, %dma_wait3A_283] : memref<10240x64xf32, #tpu.memory_space<vmem_shared>> -> memref<10240x64xf32, #tpu.memory_space<vmem_shared>>
          tpu.wait_indirect_dma semaphore(%arg32 : memref<!tpu.dma_semaphore, #tpu.memory_space<semaphore_mem>>) src(%arg18 : memref<80x64xf32, #tpu.memory_space<vmem>>) dst(%dma_wait3A_284 : memref<10240x64xf32, #tpu.memory_space<vmem_shared>>)
        } else {
        }
        %dma_start3A_258 = arith.constant 0 : i32
        %dma_start3A_259 = tpu.memref_slice %arg12[%add3A_253, %dma_start3A_258] : memref<125x80xi32, #tpu.memory_space<vmem>> -> memref<1x80xi32, #tpu.memory_space<vmem>>
        %dma_start3A_260 = tpu.memref_squeeze %dma_start3A_259 : memref<1x80xi32, #tpu.memory_space<vmem>> -> memref<80xi32, #tpu.memory_space<vmem>>
        %dma_start3A_261 = arith.constant 0 : i32
        %dma_start3A_262 = arith.constant 0 : i32
        %dma_start3A_263 = tpu.memref_slice %arg2[%dma_start3A_261, %dma_start3A_262] : memref<20480x64xf32, #tpu.memory_space<hbm>> -> memref<20480x64xf32, #tpu.memory_space<hbm>>
        tpu.enqueue_indirect_dma source(%dma_start3A_263 : memref<20480x64xf32, #tpu.memory_space<hbm>>) target(%arg16 : memref<80x64xf32, #tpu.memory_space<vmem>>) offsets(%dma_start3A_260 : memref<80xi32, #tpu.memory_space<vmem>>) semaphore(%arg26 : memref<!tpu.dma_semaphore, #tpu.memory_space<semaphore_mem>>)
        %dma_start3A_264 = arith.constant 0 : i32
        %dma_start3A_265 = tpu.memref_slice %arg14[%add3A_253, %dma_start3A_264] : memref<125x80xi32, #tpu.memory_space<vmem>> -> memref<1x80xi32, #tpu.memory_space<vmem>>
        %dma_start3A_266 = tpu.memref_squeeze %dma_start3A_265 : memref<1x80xi32, #tpu.memory_space<vmem>> -> memref<80xi32, #tpu.memory_space<vmem>>
        %dma_start3A_267 = arith.constant 0 : i32
        %dma_start3A_268 = arith.constant 0 : i32
        %dma_start3A_269 = tpu.memref_slice %arg19[%dma_start3A_267, %dma_start3A_268] : memref<464x64xf32, #tpu.memory_space<vmem_shared>> -> memref<464x64xf32, #tpu.memory_space<vmem_shared>>
        tpu.enqueue_indirect_dma source(%dma_start3A_269 : memref<464x64xf32, #tpu.memory_space<vmem_shared>>) target(%arg18 : memref<80x64xf32, #tpu.memory_space<vmem>>) offsets(%dma_start3A_266 : memref<80xi32, #tpu.memory_space<vmem>>) semaphore(%arg28 : memref<!tpu.dma_semaphore, #tpu.memory_space<semaphore_mem>>)
      } else {
      }
      %lt3A_234 = arith.constant 125 : i32
      %lt3A_235 = arith.cmpi slt, %mul3A_225, %lt3A_234 : i32
      %convert_element_type3A_236 = arith.extui %lt3A_235 : i1 to i32
      %cond3A_237 = arith.constant 0 : i32
      %cond3A_238 = arith.cmpi ne, %convert_element_type3A_236, %cond3A_237 : i32
      scf.if %cond3A_238 {
        %dma_wait3A_252 = arith.constant 0 : i32
        %dma_wait3A_253 = tpu.memref_slice %arg12[%mul3A_225, %dma_wait3A_252] : memref<125x80xi32, #tpu.memory_space<vmem>> -> memref<1x80xi32, #tpu.memory_space<vmem>>
        %dma_wait3A_254 = tpu.memref_squeeze %dma_wait3A_253 : memref<1x80xi32, #tpu.memory_space<vmem>> -> memref<80xi32, #tpu.memory_space<vmem>>
        %dma_wait3A_255 = arith.constant 0 : i32
        %dma_wait3A_256 = arith.constant 0 : i32
        %dma_wait3A_257 = tpu.memref_slice %arg2[%dma_wait3A_255, %dma_wait3A_256] : memref<20480x64xf32, #tpu.memory_space<hbm>> -> memref<20480x64xf32, #tpu.memory_space<hbm>>
        tpu.wait_indirect_dma semaphore(%arg25 : memref<!tpu.dma_semaphore, #tpu.memory_space<semaphore_mem>>) src(%dma_wait3A_257 : memref<20480x64xf32, #tpu.memory_space<hbm>>) dst(%arg15 : memref<80x64xf32, #tpu.memory_space<vmem>>)
        %dma_wait3A_258 = arith.constant 0 : i32
        %dma_wait3A_259 = tpu.memref_slice %arg14[%mul3A_225, %dma_wait3A_258] : memref<125x80xi32, #tpu.memory_space<vmem>> -> memref<1x80xi32, #tpu.memory_space<vmem>>
        %dma_wait3A_260 = tpu.memref_squeeze %dma_wait3A_259 : memref<1x80xi32, #tpu.memory_space<vmem>> -> memref<80xi32, #tpu.memory_space<vmem>>
        %dma_wait3A_261 = arith.constant 0 : i32
        %dma_wait3A_262 = arith.constant 0 : i32
        %dma_wait3A_263 = tpu.memref_slice %arg19[%dma_wait3A_261, %dma_wait3A_262] : memref<464x64xf32, #tpu.memory_space<vmem_shared>> -> memref<464x64xf32, #tpu.memory_space<vmem_shared>>
        tpu.wait_indirect_dma semaphore(%arg27 : memref<!tpu.dma_semaphore, #tpu.memory_space<semaphore_mem>>) src(%dma_wait3A_263 : memref<464x64xf32, #tpu.memory_space<vmem_shared>>) dst(%arg17 : memref<80x64xf32, #tpu.memory_space<vmem>>)
        %dma_start3A_264 = arith.constant 0 : i32
        %dma_start3A_265 = tpu.memref_slice %arg13[%mul3A_225, %dma_start3A_264] : memref<125x80xi32, #tpu.memory_space<vmem>> -> memref<1x80xi32, #tpu.memory_space<vmem>>
        %dma_start3A_266 = tpu.memref_squeeze %dma_start3A_265 : memref<1x80xi32, #tpu.memory_space<vmem>> -> memref<80xi32, #tpu.memory_space<vmem>>
        %dma_start3A_267 = arith.constant 0 : i32
        %dma_start3A_268 = arith.constant 0 : i32
        %dma_start3A_269 = tpu.memref_slice %arg23[%dma_start3A_267, %dma_start3A_268] : memref<10240x64xf32, #tpu.memory_space<vmem_shared>> -> memref<10240x64xf32, #tpu.memory_space<vmem_shared>>
        tpu.enqueue_indirect_dma source(%arg15 : memref<80x64xf32, #tpu.memory_space<vmem>>) target(%dma_start3A_269 : memref<10240x64xf32, #tpu.memory_space<vmem_shared>>) offsets(%dma_start3A_266 : memref<80xi32, #tpu.memory_space<vmem>>) semaphore(%arg29 : memref<!tpu.dma_semaphore, #tpu.memory_space<semaphore_mem>>) {add = true}
        %dma_start3A_270 = arith.constant 0 : i32
        %dma_start3A_271 = tpu.memref_slice %arg13[%mul3A_225, %dma_start3A_270] : memref<125x80xi32, #tpu.memory_space<vmem>> -> memref<1x80xi32, #tpu.memory_space<vmem>>
        %dma_start3A_272 = tpu.memref_squeeze %dma_start3A_271 : memref<1x80xi32, #tpu.memory_space<vmem>> -> memref<80xi32, #tpu.memory_space<vmem>>
        %dma_start3A_273 = arith.constant 0 : i32
        %dma_start3A_274 = arith.constant 0 : i32
        %dma_start3A_275 = tpu.memref_slice %arg23[%dma_start3A_273, %dma_start3A_274] : memref<10240x64xf32, #tpu.memory_space<vmem_shared>> -> memref<10240x64xf32, #tpu.memory_space<vmem_shared>>
        tpu.enqueue_indirect_dma source(%arg17 : memref<80x64xf32, #tpu.memory_space<vmem>>) target(%dma_start3A_275 : memref<10240x64xf32, #tpu.memory_space<vmem_shared>>) offsets(%dma_start3A_272 : memref<80xi32, #tpu.memory_space<vmem>>) semaphore(%arg31 : memref<!tpu.dma_semaphore, #tpu.memory_space<semaphore_mem>>) {add = true}
      } else {
      }
      %add3A_239 = arith.constant 1 : i32
      %add3A_240 = arith.addi %add3A_227, %add3A_239 : i32
      %lt3A_241 = arith.constant 125 : i32
      %lt3A_242 = arith.cmpi slt, %add3A_240, %lt3A_241 : i32
      %convert_element_type3A_243 = arith.extui %lt3A_242 : i1 to i32
      %cond3A_244 = arith.constant 0 : i32
      %cond3A_245 = arith.cmpi ne, %convert_element_type3A_243, %cond3A_244 : i32
      scf.if %cond3A_245 {
        %add3A_252 = arith.constant 1 : i32
        %add3A_253 = arith.addi %add3A_227, %add3A_252 : i32
        %ge3A = arith.constant 2 : i32
        %ge3A_254 = arith.cmpi sge, %add3A_253, %ge3A : i32
        %convert_element_type3A_255 = arith.extui %ge3A_254 : i1 to i32
        %cond3A_256 = arith.constant 0 : i32
        %cond3A_257 = arith.cmpi ne, %convert_element_type3A_255, %cond3A_256 : i32
        scf.if %cond3A_257 {
          %sub3A = arith.constant 2 : i32
          %sub3A_270 = arith.subi %add3A_253, %sub3A : i32
          %dma_wait3A_271 = arith.constant 0 : i32
          %dma_wait3A_272 = tpu.memref_slice %arg13[%sub3A_270, %dma_wait3A_271] : memref<125x80xi32, #tpu.memory_space<vmem>> -> memref<1x80xi32, #tpu.memory_space<vmem>>
          %dma_wait3A_273 = tpu.memref_squeeze %dma_wait3A_272 : memref<1x80xi32, #tpu.memory_space<vmem>> -> memref<80xi32, #tpu.memory_space<vmem>>
          %dma_wait3A_274 = arith.constant 0 : i32
          %dma_wait3A_275 = arith.constant 0 : i32
          %dma_wait3A_276 = tpu.memref_slice %arg23[%dma_wait3A_274, %dma_wait3A_275] : memref<10240x64xf32, #tpu.memory_space<vmem_shared>> -> memref<10240x64xf32, #tpu.memory_space<vmem_shared>>
          tpu.wait_indirect_dma semaphore(%arg29 : memref<!tpu.dma_semaphore, #tpu.memory_space<semaphore_mem>>) src(%arg15 : memref<80x64xf32, #tpu.memory_space<vmem>>) dst(%dma_wait3A_276 : memref<10240x64xf32, #tpu.memory_space<vmem_shared>>)
          %sub3A_277 = arith.constant 2 : i32
          %sub3A_278 = arith.subi %add3A_253, %sub3A_277 : i32
          %dma_wait3A_279 = arith.constant 0 : i32
          %dma_wait3A_280 = tpu.memref_slice %arg13[%sub3A_278, %dma_wait3A_279] : memref<125x80xi32, #tpu.memory_space<vmem>> -> memref<1x80xi32, #tpu.memory_space<vmem>>
          %dma_wait3A_281 = tpu.memref_squeeze %dma_wait3A_280 : memref<1x80xi32, #tpu.memory_space<vmem>> -> memref<80xi32, #tpu.memory_space<vmem>>
          %dma_wait3A_282 = arith.constant 0 : i32
          %dma_wait3A_283 = arith.constant 0 : i32
          %dma_wait3A_284 = tpu.memref_slice %arg23[%dma_wait3A_282, %dma_wait3A_283] : memref<10240x64xf32, #tpu.memory_space<vmem_shared>> -> memref<10240x64xf32, #tpu.memory_space<vmem_shared>>
          tpu.wait_indirect_dma semaphore(%arg31 : memref<!tpu.dma_semaphore, #tpu.memory_space<semaphore_mem>>) src(%arg17 : memref<80x64xf32, #tpu.memory_space<vmem>>) dst(%dma_wait3A_284 : memref<10240x64xf32, #tpu.memory_space<vmem_shared>>)
        } else {
        }
        %dma_start3A_258 = arith.constant 0 : i32
        %dma_start3A_259 = tpu.memref_slice %arg12[%add3A_253, %dma_start3A_258] : memref<125x80xi32, #tpu.memory_space<vmem>> -> memref<1x80xi32, #tpu.memory_space<vmem>>
        %dma_start3A_260 = tpu.memref_squeeze %dma_start3A_259 : memref<1x80xi32, #tpu.memory_space<vmem>> -> memref<80xi32, #tpu.memory_space<vmem>>
        %dma_start3A_261 = arith.constant 0 : i32
        %dma_start3A_262 = arith.constant 0 : i32
        %dma_start3A_263 = tpu.memref_slice %arg2[%dma_start3A_261, %dma_start3A_262] : memref<20480x64xf32, #tpu.memory_space<hbm>> -> memref<20480x64xf32, #tpu.memory_space<hbm>>
        tpu.enqueue_indirect_dma source(%dma_start3A_263 : memref<20480x64xf32, #tpu.memory_space<hbm>>) target(%arg15 : memref<80x64xf32, #tpu.memory_space<vmem>>) offsets(%dma_start3A_260 : memref<80xi32, #tpu.memory_space<vmem>>) semaphore(%arg25 : memref<!tpu.dma_semaphore, #tpu.memory_space<semaphore_mem>>)
        %dma_start3A_264 = arith.constant 0 : i32
        %dma_start3A_265 = tpu.memref_slice %arg14[%add3A_253, %dma_start3A_264] : memref<125x80xi32, #tpu.memory_space<vmem>> -> memref<1x80xi32, #tpu.memory_space<vmem>>
        %dma_start3A_266 = tpu.memref_squeeze %dma_start3A_265 : memref<1x80xi32, #tpu.memory_space<vmem>> -> memref<80xi32, #tpu.memory_space<vmem>>
        %dma_start3A_267 = arith.constant 0 : i32
        %dma_start3A_268 = arith.constant 0 : i32
        %dma_start3A_269 = tpu.memref_slice %arg19[%dma_start3A_267, %dma_start3A_268] : memref<464x64xf32, #tpu.memory_space<vmem_shared>> -> memref<464x64xf32, #tpu.memory_space<vmem_shared>>
        tpu.enqueue_indirect_dma source(%dma_start3A_269 : memref<464x64xf32, #tpu.memory_space<vmem_shared>>) target(%arg17 : memref<80x64xf32, #tpu.memory_space<vmem>>) offsets(%dma_start3A_266 : memref<80xi32, #tpu.memory_space<vmem>>) semaphore(%arg27 : memref<!tpu.dma_semaphore, #tpu.memory_space<semaphore_mem>>)
      } else {
      }
      %lt3A_246 = arith.constant 125 : i32
      %lt3A_247 = arith.cmpi slt, %add3A_227, %lt3A_246 : i32
      %convert_element_type3A_248 = arith.extui %lt3A_247 : i1 to i32
      %cond3A_249 = arith.constant 0 : i32
      %cond3A_250 = arith.cmpi ne, %convert_element_type3A_248, %cond3A_249 : i32
      scf.if %cond3A_250 {
        %dma_wait3A_252 = arith.constant 0 : i32
        %dma_wait3A_253 = tpu.memref_slice %arg12[%add3A_227, %dma_wait3A_252] : memref<125x80xi32, #tpu.memory_space<vmem>> -> memref<1x80xi32, #tpu.memory_space<vmem>>
        %dma_wait3A_254 = tpu.memref_squeeze %dma_wait3A_253 : memref<1x80xi32, #tpu.memory_space<vmem>> -> memref<80xi32, #tpu.memory_space<vmem>>
        %dma_wait3A_255 = arith.constant 0 : i32
        %dma_wait3A_256 = arith.constant 0 : i32
        %dma_wait3A_257 = tpu.memref_slice %arg2[%dma_wait3A_255, %dma_wait3A_256] : memref<20480x64xf32, #tpu.memory_space<hbm>> -> memref<20480x64xf32, #tpu.memory_space<hbm>>
        tpu.wait_indirect_dma semaphore(%arg26 : memref<!tpu.dma_semaphore, #tpu.memory_space<semaphore_mem>>) src(%dma_wait3A_257 : memref<20480x64xf32, #tpu.memory_space<hbm>>) dst(%arg16 : memref<80x64xf32, #tpu.memory_space<vmem>>)
        %dma_wait3A_258 = arith.constant 0 : i32
        %dma_wait3A_259 = tpu.memref_slice %arg14[%add3A_227, %dma_wait3A_258] : memref<125x80xi32, #tpu.memory_space<vmem>> -> memref<1x80xi32, #tpu.memory_space<vmem>>
        %dma_wait3A_260 = tpu.memref_squeeze %dma_wait3A_259 : memref<1x80xi32, #tpu.memory_space<vmem>> -> memref<80xi32, #tpu.memory_space<vmem>>
        %dma_wait3A_261 = arith.constant 0 : i32
        %dma_wait3A_262 = arith.constant 0 : i32
        %dma_wait3A_263 = tpu.memref_slice %arg19[%dma_wait3A_261, %dma_wait3A_262] : memref<464x64xf32, #tpu.memory_space<vmem_shared>> -> memref<464x64xf32, #tpu.memory_space<vmem_shared>>
        tpu.wait_indirect_dma semaphore(%arg28 : memref<!tpu.dma_semaphore, #tpu.memory_space<semaphore_mem>>) src(%dma_wait3A_263 : memref<464x64xf32, #tpu.memory_space<vmem_shared>>) dst(%arg18 : memref<80x64xf32, #tpu.memory_space<vmem>>)
        %dma_start3A_264 = arith.constant 0 : i32
        %dma_start3A_265 = tpu.memref_slice %arg13[%add3A_227, %dma_start3A_264] : memref<125x80xi32, #tpu.memory_space<vmem>> -> memref<1x80xi32, #tpu.memory_space<vmem>>
        %dma_start3A_266 = tpu.memref_squeeze %dma_start3A_265 : memref<1x80xi32, #tpu.memory_space<vmem>> -> memref<80xi32, #tpu.memory_space<vmem>>
        %dma_start3A_267 = arith.constant 0 : i32
        %dma_start3A_268 = arith.constant 0 : i32
        %dma_start3A_269 = tpu.memref_slice %arg23[%dma_start3A_267, %dma_start3A_268] : memref<10240x64xf32, #tpu.memory_space<vmem_shared>> -> memref<10240x64xf32, #tpu.memory_space<vmem_shared>>
        tpu.enqueue_indirect_dma source(%arg16 : memref<80x64xf32, #tpu.memory_space<vmem>>) target(%dma_start3A_269 : memref<10240x64xf32, #tpu.memory_space<vmem_shared>>) offsets(%dma_start3A_266 : memref<80xi32, #tpu.memory_space<vmem>>) semaphore(%arg30 : memref<!tpu.dma_semaphore, #tpu.memory_space<semaphore_mem>>) {add = true}
        %dma_start3A_270 = arith.constant 0 : i32
        %dma_start3A_271 = tpu.memref_slice %arg13[%add3A_227, %dma_start3A_270] : memref<125x80xi32, #tpu.memory_space<vmem>> -> memref<1x80xi32, #tpu.memory_space<vmem>>
        %dma_start3A_272 = tpu.memref_squeeze %dma_start3A_271 : memref<1x80xi32, #tpu.memory_space<vmem>> -> memref<80xi32, #tpu.memory_space<vmem>>
        %dma_start3A_273 = arith.constant 0 : i32
        %dma_start3A_274 = arith.constant 0 : i32
        %dma_start3A_275 = tpu.memref_slice %arg23[%dma_start3A_273, %dma_start3A_274] : memref<10240x64xf32, #tpu.memory_space<vmem_shared>> -> memref<10240x64xf32, #tpu.memory_space<vmem_shared>>
        tpu.enqueue_indirect_dma source(%arg18 : memref<80x64xf32, #tpu.memory_space<vmem>>) target(%dma_start3A_275 : memref<10240x64xf32, #tpu.memory_space<vmem_shared>>) offsets(%dma_start3A_272 : memref<80xi32, #tpu.memory_space<vmem>>) semaphore(%arg32 : memref<!tpu.dma_semaphore, #tpu.memory_space<semaphore_mem>>) {add = true}
      } else {
      }
      %scan3A_251 = arith.constant 0 : i32
      scf.yield %scan3A_251 : i32
    }
    %scan3A_161 = arith.constant 63 : i32
    %dma_wait3A_162 = arith.constant 123 : i32
    %dma_wait3A_163 = arith.constant 0 : i32
    %dma_wait3A_164 = tpu.memref_slice %arg13[%dma_wait3A_162, %dma_wait3A_163] : memref<125x80xi32, #tpu.memory_space<vmem>> -> memref<1x80xi32, #tpu.memory_space<vmem>>
    %dma_wait3A_165 = tpu.memref_squeeze %dma_wait3A_164 : memref<1x80xi32, #tpu.memory_space<vmem>> -> memref<80xi32, #tpu.memory_space<vmem>>
    %dma_wait3A_166 = arith.constant 0 : i32
    %dma_wait3A_167 = arith.constant 0 : i32
    %dma_wait3A_168 = tpu.memref_slice %arg23[%dma_wait3A_166, %dma_wait3A_167] : memref<10240x64xf32, #tpu.memory_space<vmem_shared>> -> memref<10240x64xf32, #tpu.memory_space<vmem_shared>>
    tpu.wait_indirect_dma semaphore(%arg30 : memref<!tpu.dma_semaphore, #tpu.memory_space<semaphore_mem>>) src(%arg16 : memref<80x64xf32, #tpu.memory_space<vmem>>) dst(%dma_wait3A_168 : memref<10240x64xf32, #tpu.memory_space<vmem_shared>>)
    %dma_wait3A_169 = arith.constant 123 : i32
    %dma_wait3A_170 = arith.constant 0 : i32
    %dma_wait3A_171 = tpu.memref_slice %arg13[%dma_wait3A_169, %dma_wait3A_170] : memref<125x80xi32, #tpu.memory_space<vmem>> -> memref<1x80xi32, #tpu.memory_space<vmem>>
    %dma_wait3A_172 = tpu.memref_squeeze %dma_wait3A_171 : memref<1x80xi32, #tpu.memory_space<vmem>> -> memref<80xi32, #tpu.memory_space<vmem>>
    %dma_wait3A_173 = arith.constant 0 : i32
    %dma_wait3A_174 = arith.constant 0 : i32
    %dma_wait3A_175 = tpu.memref_slice %arg23[%dma_wait3A_173, %dma_wait3A_174] : memref<10240x64xf32, #tpu.memory_space<vmem_shared>> -> memref<10240x64xf32, #tpu.memory_space<vmem_shared>>
    tpu.wait_indirect_dma semaphore(%arg32 : memref<!tpu.dma_semaphore, #tpu.memory_space<semaphore_mem>>) src(%arg18 : memref<80x64xf32, #tpu.memory_space<vmem>>) dst(%dma_wait3A_175 : memref<10240x64xf32, #tpu.memory_space<vmem_shared>>)
    %dma_wait3A_176 = arith.constant 124 : i32
    %dma_wait3A_177 = arith.constant 0 : i32
    %dma_wait3A_178 = tpu.memref_slice %arg13[%dma_wait3A_176, %dma_wait3A_177] : memref<125x80xi32, #tpu.memory_space<vmem>> -> memref<1x80xi32, #tpu.memory_space<vmem>>
    %dma_wait3A_179 = tpu.memref_squeeze %dma_wait3A_178 : memref<1x80xi32, #tpu.memory_space<vmem>> -> memref<80xi32, #tpu.memory_space<vmem>>
    %dma_wait3A_180 = arith.constant 0 : i32
    %dma_wait3A_181 = arith.constant 0 : i32
    %dma_wait3A_182 = tpu.memref_slice %arg23[%dma_wait3A_180, %dma_wait3A_181] : memref<10240x64xf32, #tpu.memory_space<vmem_shared>> -> memref<10240x64xf32, #tpu.memory_space<vmem_shared>>
    tpu.wait_indirect_dma semaphore(%arg29 : memref<!tpu.dma_semaphore, #tpu.memory_space<semaphore_mem>>) src(%arg15 : memref<80x64xf32, #tpu.memory_space<vmem>>) dst(%dma_wait3A_182 : memref<10240x64xf32, #tpu.memory_space<vmem_shared>>)
    %dma_wait3A_183 = arith.constant 124 : i32
    %dma_wait3A_184 = arith.constant 0 : i32
    %dma_wait3A_185 = tpu.memref_slice %arg13[%dma_wait3A_183, %dma_wait3A_184] : memref<125x80xi32, #tpu.memory_space<vmem>> -> memref<1x80xi32, #tpu.memory_space<vmem>>
    %dma_wait3A_186 = tpu.memref_squeeze %dma_wait3A_185 : memref<1x80xi32, #tpu.memory_space<vmem>> -> memref<80xi32, #tpu.memory_space<vmem>>
    %dma_wait3A_187 = arith.constant 0 : i32
    %dma_wait3A_188 = arith.constant 0 : i32
    %dma_wait3A_189 = tpu.memref_slice %arg23[%dma_wait3A_187, %dma_wait3A_188] : memref<10240x64xf32, #tpu.memory_space<vmem_shared>> -> memref<10240x64xf32, #tpu.memory_space<vmem_shared>>
    tpu.wait_indirect_dma semaphore(%arg31 : memref<!tpu.dma_semaphore, #tpu.memory_space<semaphore_mem>>) src(%arg17 : memref<80x64xf32, #tpu.memory_space<vmem>>) dst(%dma_wait3A_189 : memref<10240x64xf32, #tpu.memory_space<vmem_shared>>)
    %barrier3A_190 = arith.constant 0 : index
    tpu.barrier barrier_id(%barrier3A_190)
    %add3A_191 = arith.constant 0 : i32
    %add3A_192 = arith.addi %mul3A_2, %add3A_191 : i32
    "tpu.region"() ({
      %run_scoped3A = tpu.sem_alloc : memref<!tpu.dma_semaphore, #tpu.memory_space<semaphore_mem>>
      %dma_start3A_222 = arith.constant 0 : i32
      %dma_start3A_223 = tpu.memref_slice %arg23[%add3A_192, %dma_start3A_222] : memref<10240x64xf32, #tpu.memory_space<vmem_shared>> -> memref<128x64xf32, #tpu.memory_space<vmem_shared>>
      %dma_start3A_224 = arith.constant 0 : i32
      %dma_start3A_225 = tpu.memref_slice %arg23[%add3A_192, %dma_start3A_224] : memref<10240x64xf32, #tpu.memory_space<vmem_shared>> -> memref<128x64xf32, #tpu.memory_space<vmem_shared>>
      tpu.enqueue_dma source(%dma_start3A_225 : memref<128x64xf32, #tpu.memory_space<vmem_shared>>) target(%arg21 : memref<128x64xf32, #tpu.memory_space<vmem>>) target_semaphore(%run_scoped3A : memref<!tpu.dma_semaphore, #tpu.memory_space<semaphore_mem>>)
      %dma_wait3A_226 = arith.constant 0 : i32
      %dma_wait3A_227 = tpu.memref_slice %arg23[%add3A_192, %dma_wait3A_226] : memref<10240x64xf32, #tpu.memory_space<vmem_shared>> -> memref<128x64xf32, #tpu.memory_space<vmem_shared>>
      %dma_wait3A_228 = arith.constant 0 : i32
      %dma_wait3A_229 = tpu.memref_slice %arg23[%add3A_192, %dma_wait3A_228] : memref<10240x64xf32, #tpu.memory_space<vmem_shared>> -> memref<128x64xf32, #tpu.memory_space<vmem_shared>>
      tpu.wait_dma2 semaphore(%run_scoped3A : memref<!tpu.dma_semaphore, #tpu.memory_space<semaphore_mem>>) src(%dma_wait3A_229 : memref<128x64xf32, #tpu.memory_space<vmem_shared>>) dst(%arg21 : memref<128x64xf32, #tpu.memory_space<vmem>>)
      tpu.yield
    }) : () -> ()
    %mul3A_193 = arith.constant 10240 : i32
    %mul3A_194 = arith.muli %arg0, %mul3A_193 : i32
    %add3A_195 = arith.addi %mul3A_194, %add3A_192 : i32
    "tpu.region"() ({
      %run_scoped3A = tpu.sem_alloc : memref<!tpu.dma_semaphore, #tpu.memory_space<semaphore_mem>>
      %dma_start3A_222 = arith.constant 0 : i32
      %dma_start3A_223 = tpu.memref_slice %arg10[%add3A_195, %dma_start3A_222] : memref<20480x64xf32, #tpu.memory_space<hbm>> -> memref<128x64xf32, #tpu.memory_space<hbm>>
      %dma_start3A_224 = arith.constant 0 : i32
      %dma_start3A_225 = tpu.memref_slice %arg10[%add3A_195, %dma_start3A_224] : memref<20480x64xf32, #tpu.memory_space<hbm>> -> memref<128x64xf32, #tpu.memory_space<hbm>>
      tpu.enqueue_dma source(%arg21 : memref<128x64xf32, #tpu.memory_space<vmem>>) target(%dma_start3A_225 : memref<128x64xf32, #tpu.memory_space<hbm>>) target_semaphore(%run_scoped3A : memref<!tpu.dma_semaphore, #tpu.memory_space<semaphore_mem>>)
      %dma_wait3A_226 = arith.constant 0 : i32
      %dma_wait3A_227 = tpu.memref_slice %arg10[%add3A_195, %dma_wait3A_226] : memref<20480x64xf32, #tpu.memory_space<hbm>> -> memref<128x64xf32, #tpu.memory_space<hbm>>
      %dma_wait3A_228 = arith.constant 0 : i32
      %dma_wait3A_229 = tpu.memref_slice %arg10[%add3A_195, %dma_wait3A_228] : memref<20480x64xf32, #tpu.memory_space<hbm>> -> memref<128x64xf32, #tpu.memory_space<hbm>>
      tpu.wait_dma2 semaphore(%run_scoped3A : memref<!tpu.dma_semaphore, #tpu.memory_space<semaphore_mem>>) src(%arg21 : memref<128x64xf32, #tpu.memory_space<vmem>>) dst(%dma_wait3A_229 : memref<128x64xf32, #tpu.memory_space<hbm>>)
      tpu.yield
    }) : () -> ()
    %add3A_196 = arith.constant 128 : i32
    %add3A_197 = arith.addi %mul3A_2, %add3A_196 : i32
    "tpu.region"() ({
      %run_scoped3A = tpu.sem_alloc : memref<!tpu.dma_semaphore, #tpu.memory_space<semaphore_mem>>
      %dma_start3A_222 = arith.constant 0 : i32
      %dma_start3A_223 = tpu.memref_slice %arg23[%add3A_197, %dma_start3A_222] : memref<10240x64xf32, #tpu.memory_space<vmem_shared>> -> memref<128x64xf32, #tpu.memory_space<vmem_shared>>
      %dma_start3A_224 = arith.constant 0 : i32
      %dma_start3A_225 = tpu.memref_slice %arg23[%add3A_197, %dma_start3A_224] : memref<10240x64xf32, #tpu.memory_space<vmem_shared>> -> memref<128x64xf32, #tpu.memory_space<vmem_shared>>
      tpu.enqueue_dma source(%dma_start3A_225 : memref<128x64xf32, #tpu.memory_space<vmem_shared>>) target(%arg21 : memref<128x64xf32, #tpu.memory_space<vmem>>) target_semaphore(%run_scoped3A : memref<!tpu.dma_semaphore, #tpu.memory_space<semaphore_mem>>)
      %dma_wait3A_226 = arith.constant 0 : i32
      %dma_wait3A_227 = tpu.memref_slice %arg23[%add3A_197, %dma_wait3A_226] : memref<10240x64xf32, #tpu.memory_space<vmem_shared>> -> memref<128x64xf32, #tpu.memory_space<vmem_shared>>
      %dma_wait3A_228 = arith.constant 0 : i32
      %dma_wait3A_229 = tpu.memref_slice %arg23[%add3A_197, %dma_wait3A_228] : memref<10240x64xf32, #tpu.memory_space<vmem_shared>> -> memref<128x64xf32, #tpu.memory_space<vmem_shared>>
      tpu.wait_dma2 semaphore(%run_scoped3A : memref<!tpu.dma_semaphore, #tpu.memory_space<semaphore_mem>>) src(%dma_wait3A_229 : memref<128x64xf32, #tpu.memory_space<vmem_shared>>) dst(%arg21 : memref<128x64xf32, #tpu.memory_space<vmem>>)
      tpu.yield
    }) : () -> ()
    %mul3A_198 = arith.constant 10240 : i32
    %mul3A_199 = arith.muli %arg0, %mul3A_198 : i32
    %add3A_200 = arith.addi %mul3A_199, %add3A_197 : i32
    "tpu.region"() ({
      %run_scoped3A = tpu.sem_alloc : memref<!tpu.dma_semaphore, #tpu.memory_space<semaphore_mem>>
      %dma_start3A_222 = arith.constant 0 : i32
      %dma_start3A_223 = tpu.memref_slice %arg10[%add3A_200, %dma_start3A_222] : memref<20480x64xf32, #tpu.memory_space<hbm>> -> memref<128x64xf32, #tpu.memory_space<hbm>>
      %dma_start3A_224 = arith.constant 0 : i32
      %dma_start3A_225 = tpu.memref_slice %arg10[%add3A_200, %dma_start3A_224] : memref<20480x64xf32, #tpu.memory_space<hbm>> -> memref<128x64xf32, #tpu.memory_space<hbm>>
      tpu.enqueue_dma source(%arg21 : memref<128x64xf32, #tpu.memory_space<vmem>>) target(%dma_start3A_225 : memref<128x64xf32, #tpu.memory_space<hbm>>) target_semaphore(%run_scoped3A : memref<!tpu.dma_semaphore, #tpu.memory_space<semaphore_mem>>)
      %dma_wait3A_226 = arith.constant 0 : i32
      %dma_wait3A_227 = tpu.memref_slice %arg10[%add3A_200, %dma_wait3A_226] : memref<20480x64xf32, #tpu.memory_space<hbm>> -> memref<128x64xf32, #tpu.memory_space<hbm>>
      %dma_wait3A_228 = arith.constant 0 : i32
      %dma_wait3A_229 = tpu.memref_slice %arg10[%add3A_200, %dma_wait3A_228] : memref<20480x64xf32, #tpu.memory_space<hbm>> -> memref<128x64xf32, #tpu.memory_space<hbm>>
      tpu.wait_dma2 semaphore(%run_scoped3A : memref<!tpu.dma_semaphore, #tpu.memory_space<semaphore_mem>>) src(%arg21 : memref<128x64xf32, #tpu.memory_space<vmem>>) dst(%dma_wait3A_229 : memref<128x64xf32, #tpu.memory_space<hbm>>)
      tpu.yield
    }) : () -> ()
    %add3A_201 = arith.constant 256 : i32
    %add3A_202 = arith.addi %mul3A_2, %add3A_201 : i32
    "tpu.region"() ({
      %run_scoped3A = tpu.sem_alloc : memref<!tpu.dma_semaphore, #tpu.memory_space<semaphore_mem>>
      %dma_start3A_222 = arith.constant 0 : i32
      %dma_start3A_223 = tpu.memref_slice %arg23[%add3A_202, %dma_start3A_222] : memref<10240x64xf32, #tpu.memory_space<vmem_shared>> -> memref<128x64xf32, #tpu.memory_space<vmem_shared>>
      %dma_start3A_224 = arith.constant 0 : i32
      %dma_start3A_225 = tpu.memref_slice %arg23[%add3A_202, %dma_start3A_224] : memref<10240x64xf32, #tpu.memory_space<vmem_shared>> -> memref<128x64xf32, #tpu.memory_space<vmem_shared>>
      tpu.enqueue_dma source(%dma_start3A_225 : memref<128x64xf32, #tpu.memory_space<vmem_shared>>) target(%arg21 : memref<128x64xf32, #tpu.memory_space<vmem>>) target_semaphore(%run_scoped3A : memref<!tpu.dma_semaphore, #tpu.memory_space<semaphore_mem>>)
      %dma_wait3A_226 = arith.constant 0 : i32
      %dma_wait3A_227 = tpu.memref_slice %arg23[%add3A_202, %dma_wait3A_226] : memref<10240x64xf32, #tpu.memory_space<vmem_shared>> -> memref<128x64xf32, #tpu.memory_space<vmem_shared>>
      %dma_wait3A_228 = arith.constant 0 : i32
      %dma_wait3A_229 = tpu.memref_slice %arg23[%add3A_202, %dma_wait3A_228] : memref<10240x64xf32, #tpu.memory_space<vmem_shared>> -> memref<128x64xf32, #tpu.memory_space<vmem_shared>>
      tpu.wait_dma2 semaphore(%run_scoped3A : memref<!tpu.dma_semaphore, #tpu.memory_space<semaphore_mem>>) src(%dma_wait3A_229 : memref<128x64xf32, #tpu.memory_space<vmem_shared>>) dst(%arg21 : memref<128x64xf32, #tpu.memory_space<vmem>>)
      tpu.yield
    }) : () -> ()
    %mul3A_203 = arith.constant 10240 : i32
    %mul3A_204 = arith.muli %arg0, %mul3A_203 : i32
    %add3A_205 = arith.addi %mul3A_204, %add3A_202 : i32
    "tpu.region"() ({
      %run_scoped3A = tpu.sem_alloc : memref<!tpu.dma_semaphore, #tpu.memory_space<semaphore_mem>>
      %dma_start3A_222 = arith.constant 0 : i32
      %dma_start3A_223 = tpu.memref_slice %arg10[%add3A_205, %dma_start3A_222] : memref<20480x64xf32, #tpu.memory_space<hbm>> -> memref<128x64xf32, #tpu.memory_space<hbm>>
      %dma_start3A_224 = arith.constant 0 : i32
      %dma_start3A_225 = tpu.memref_slice %arg10[%add3A_205, %dma_start3A_224] : memref<20480x64xf32, #tpu.memory_space<hbm>> -> memref<128x64xf32, #tpu.memory_space<hbm>>
      tpu.enqueue_dma source(%arg21 : memref<128x64xf32, #tpu.memory_space<vmem>>) target(%dma_start3A_225 : memref<128x64xf32, #tpu.memory_space<hbm>>) target_semaphore(%run_scoped3A : memref<!tpu.dma_semaphore, #tpu.memory_space<semaphore_mem>>)
      %dma_wait3A_226 = arith.constant 0 : i32
      %dma_wait3A_227 = tpu.memref_slice %arg10[%add3A_205, %dma_wait3A_226] : memref<20480x64xf32, #tpu.memory_space<hbm>> -> memref<128x64xf32, #tpu.memory_space<hbm>>
      %dma_wait3A_228 = arith.constant 0 : i32
      %dma_wait3A_229 = tpu.memref_slice %arg10[%add3A_205, %dma_wait3A_228] : memref<20480x64xf32, #tpu.memory_space<hbm>> -> memref<128x64xf32, #tpu.memory_space<hbm>>
      tpu.wait_dma2 semaphore(%run_scoped3A : memref<!tpu.dma_semaphore, #tpu.memory_space<semaphore_mem>>) src(%arg21 : memref<128x64xf32, #tpu.memory_space<vmem>>) dst(%dma_wait3A_229 : memref<128x64xf32, #tpu.memory_space<hbm>>)
      tpu.yield
    }) : () -> ()
    %add3A_206 = arith.constant 384 : i32
    %add3A_207 = arith.addi %mul3A_2, %add3A_206 : i32
    "tpu.region"() ({
      %run_scoped3A = tpu.sem_alloc : memref<!tpu.dma_semaphore, #tpu.memory_space<semaphore_mem>>
      %dma_start3A_222 = arith.constant 0 : i32
      %dma_start3A_223 = tpu.memref_slice %arg23[%add3A_207, %dma_start3A_222] : memref<10240x64xf32, #tpu.memory_space<vmem_shared>> -> memref<128x64xf32, #tpu.memory_space<vmem_shared>>
      %dma_start3A_224 = arith.constant 0 : i32
      %dma_start3A_225 = tpu.memref_slice %arg23[%add3A_207, %dma_start3A_224] : memref<10240x64xf32, #tpu.memory_space<vmem_shared>> -> memref<128x64xf32, #tpu.memory_space<vmem_shared>>
      tpu.enqueue_dma source(%dma_start3A_225 : memref<128x64xf32, #tpu.memory_space<vmem_shared>>) target(%arg21 : memref<128x64xf32, #tpu.memory_space<vmem>>) target_semaphore(%run_scoped3A : memref<!tpu.dma_semaphore, #tpu.memory_space<semaphore_mem>>)
      %dma_wait3A_226 = arith.constant 0 : i32
      %dma_wait3A_227 = tpu.memref_slice %arg23[%add3A_207, %dma_wait3A_226] : memref<10240x64xf32, #tpu.memory_space<vmem_shared>> -> memref<128x64xf32, #tpu.memory_space<vmem_shared>>
      %dma_wait3A_228 = arith.constant 0 : i32
      %dma_wait3A_229 = tpu.memref_slice %arg23[%add3A_207, %dma_wait3A_228] : memref<10240x64xf32, #tpu.memory_space<vmem_shared>> -> memref<128x64xf32, #tpu.memory_space<vmem_shared>>
      tpu.wait_dma2 semaphore(%run_scoped3A : memref<!tpu.dma_semaphore, #tpu.memory_space<semaphore_mem>>) src(%dma_wait3A_229 : memref<128x64xf32, #tpu.memory_space<vmem_shared>>) dst(%arg21 : memref<128x64xf32, #tpu.memory_space<vmem>>)
      tpu.yield
    }) : () -> ()
    %mul3A_208 = arith.constant 10240 : i32
    %mul3A_209 = arith.muli %arg0, %mul3A_208 : i32
    %add3A_210 = arith.addi %mul3A_209, %add3A_207 : i32
    "tpu.region"() ({
      %run_scoped3A = tpu.sem_alloc : memref<!tpu.dma_semaphore, #tpu.memory_space<semaphore_mem>>
      %dma_start3A_222 = arith.constant 0 : i32
      %dma_start3A_223 = tpu.memref_slice %arg10[%add3A_210, %dma_start3A_222] : memref<20480x64xf32, #tpu.memory_space<hbm>> -> memref<128x64xf32, #tpu.memory_space<hbm>>
      %dma_start3A_224 = arith.constant 0 : i32
      %dma_start3A_225 = tpu.memref_slice %arg10[%add3A_210, %dma_start3A_224] : memref<20480x64xf32, #tpu.memory_space<hbm>> -> memref<128x64xf32, #tpu.memory_space<hbm>>
      tpu.enqueue_dma source(%arg21 : memref<128x64xf32, #tpu.memory_space<vmem>>) target(%dma_start3A_225 : memref<128x64xf32, #tpu.memory_space<hbm>>) target_semaphore(%run_scoped3A : memref<!tpu.dma_semaphore, #tpu.memory_space<semaphore_mem>>)
      %dma_wait3A_226 = arith.constant 0 : i32
      %dma_wait3A_227 = tpu.memref_slice %arg10[%add3A_210, %dma_wait3A_226] : memref<20480x64xf32, #tpu.memory_space<hbm>> -> memref<128x64xf32, #tpu.memory_space<hbm>>
      %dma_wait3A_228 = arith.constant 0 : i32
      %dma_wait3A_229 = tpu.memref_slice %arg10[%add3A_210, %dma_wait3A_228] : memref<20480x64xf32, #tpu.memory_space<hbm>> -> memref<128x64xf32, #tpu.memory_space<hbm>>
      tpu.wait_dma2 semaphore(%run_scoped3A : memref<!tpu.dma_semaphore, #tpu.memory_space<semaphore_mem>>) src(%arg21 : memref<128x64xf32, #tpu.memory_space<vmem>>) dst(%dma_wait3A_229 : memref<128x64xf32, #tpu.memory_space<hbm>>)
      tpu.yield
    }) : () -> ()
    %add3A_211 = arith.constant 512 : i32
    %add3A_212 = arith.addi %mul3A_2, %add3A_211 : i32
    "tpu.region"() ({
      %run_scoped3A = tpu.sem_alloc : memref<!tpu.dma_semaphore, #tpu.memory_space<semaphore_mem>>
      %dma_start3A_222 = arith.constant 0 : i32
      %dma_start3A_223 = tpu.memref_slice %arg23[%add3A_212, %dma_start3A_222] : memref<10240x64xf32, #tpu.memory_space<vmem_shared>> -> memref<128x64xf32, #tpu.memory_space<vmem_shared>>
      %dma_start3A_224 = arith.constant 0 : i32
      %dma_start3A_225 = tpu.memref_slice %arg23[%add3A_212, %dma_start3A_224] : memref<10240x64xf32, #tpu.memory_space<vmem_shared>> -> memref<128x64xf32, #tpu.memory_space<vmem_shared>>
      tpu.enqueue_dma source(%dma_start3A_225 : memref<128x64xf32, #tpu.memory_space<vmem_shared>>) target(%arg21 : memref<128x64xf32, #tpu.memory_space<vmem>>) target_semaphore(%run_scoped3A : memref<!tpu.dma_semaphore, #tpu.memory_space<semaphore_mem>>)
      %dma_wait3A_226 = arith.constant 0 : i32
      %dma_wait3A_227 = tpu.memref_slice %arg23[%add3A_212, %dma_wait3A_226] : memref<10240x64xf32, #tpu.memory_space<vmem_shared>> -> memref<128x64xf32, #tpu.memory_space<vmem_shared>>
      %dma_wait3A_228 = arith.constant 0 : i32
      %dma_wait3A_229 = tpu.memref_slice %arg23[%add3A_212, %dma_wait3A_228] : memref<10240x64xf32, #tpu.memory_space<vmem_shared>> -> memref<128x64xf32, #tpu.memory_space<vmem_shared>>
      tpu.wait_dma2 semaphore(%run_scoped3A : memref<!tpu.dma_semaphore, #tpu.memory_space<semaphore_mem>>) src(%dma_wait3A_229 : memref<128x64xf32, #tpu.memory_space<vmem_shared>>) dst(%arg21 : memref<128x64xf32, #tpu.memory_space<vmem>>)
      tpu.yield
    }) : () -> ()
    %mul3A_213 = arith.constant 10240 : i32
    %mul3A_214 = arith.muli %arg0, %mul3A_213 : i32
    %add3A_215 = arith.addi %mul3A_214, %add3A_212 : i32
    "tpu.region"() ({
      %run_scoped3A = tpu.sem_alloc : memref<!tpu.dma_semaphore, #tpu.memory_space<semaphore_mem>>
      %dma_start3A_222 = arith.constant 0 : i32
      %dma_start3A_223 = tpu.memref_slice %arg10[%add3A_215, %dma_start3A_222] : memref<20480x64xf32, #tpu.memory_space<hbm>> -> memref<128x64xf32, #tpu.memory_space<hbm>>
      %dma_start3A_224 = arith.constant 0 : i32
      %dma_start3A_225 = tpu.memref_slice %arg10[%add3A_215, %dma_start3A_224] : memref<20480x64xf32, #tpu.memory_space<hbm>> -> memref<128x64xf32, #tpu.memory_space<hbm>>
      tpu.enqueue_dma source(%arg21 : memref<128x64xf32, #tpu.memory_space<vmem>>) target(%dma_start3A_225 : memref<128x64xf32, #tpu.memory_space<hbm>>) target_semaphore(%run_scoped3A : memref<!tpu.dma_semaphore, #tpu.memory_space<semaphore_mem>>)
      %dma_wait3A_226 = arith.constant 0 : i32
      %dma_wait3A_227 = tpu.memref_slice %arg10[%add3A_215, %dma_wait3A_226] : memref<20480x64xf32, #tpu.memory_space<hbm>> -> memref<128x64xf32, #tpu.memory_space<hbm>>
      %dma_wait3A_228 = arith.constant 0 : i32
      %dma_wait3A_229 = tpu.memref_slice %arg10[%add3A_215, %dma_wait3A_228] : memref<20480x64xf32, #tpu.memory_space<hbm>> -> memref<128x64xf32, #tpu.memory_space<hbm>>
      tpu.wait_dma2 semaphore(%run_scoped3A : memref<!tpu.dma_semaphore, #tpu.memory_space<semaphore_mem>>) src(%arg21 : memref<128x64xf32, #tpu.memory_space<vmem>>) dst(%dma_wait3A_229 : memref<128x64xf32, #tpu.memory_space<hbm>>)
      tpu.yield
    }) : () -> ()
    %barrier3A_216 = arith.constant 0 : index
    tpu.barrier barrier_id(%barrier3A_216)
    %eq3A_217 = arith.constant 0 : i32
    %eq3A_218 = arith.cmpi eq, %arg1, %eq3A_217 : i32
    %convert_element_type3A_219 = arith.extui %eq3A_218 : i1 to i32
    %cond3A_220 = arith.constant 0 : i32
    %cond3A_221 = arith.cmpi ne, %convert_element_type3A_219, %cond3A_220 : i32
    scf.if %cond3A_221 {
      "tpu.region"() ({
        %run_scoped3A = tpu.sem_alloc : memref<!tpu.dma_semaphore, #tpu.memory_space<semaphore_mem>>
        tpu.enqueue_dma source(%arg24 : memref<10240xf32, #tpu.memory_space<vmem_shared>>) target(%arg22 : memref<10240xf32, #tpu.memory_space<vmem>>) target_semaphore(%run_scoped3A : memref<!tpu.dma_semaphore, #tpu.memory_space<semaphore_mem>>)
        tpu.wait_dma2 semaphore(%run_scoped3A : memref<!tpu.dma_semaphore, #tpu.memory_space<semaphore_mem>>) src(%arg24 : memref<10240xf32, #tpu.memory_space<vmem_shared>>) dst(%arg22 : memref<10240xf32, #tpu.memory_space<vmem>>)
        tpu.yield
      }) : () -> ()
      "tpu.region"() ({
        %run_scoped3A = tpu.sem_alloc : memref<!tpu.dma_semaphore, #tpu.memory_space<semaphore_mem>>
        %dma_start3A_222 = arith.constant 0 : i32
        %dma_start3A_223 = tpu.memref_slice %arg11[%arg0, %dma_start3A_222] : memref<2x10240xf32, #tpu.memory_space<hbm>> -> memref<1x10240xf32, #tpu.memory_space<hbm>>
        %dma_start3A_224 = tpu.memref_squeeze %dma_start3A_223 : memref<1x10240xf32, #tpu.memory_space<hbm>> -> memref<10240xf32, #tpu.memory_space<hbm>>
        %dma_start3A_225 = arith.constant 0 : i32
        %dma_start3A_226 = tpu.memref_slice %arg11[%arg0, %dma_start3A_225] : memref<2x10240xf32, #tpu.memory_space<hbm>> -> memref<1x10240xf32, #tpu.memory_space<hbm>>
        %dma_start3A_227 = tpu.memref_squeeze %dma_start3A_226 : memref<1x10240xf32, #tpu.memory_space<hbm>> -> memref<10240xf32, #tpu.memory_space<hbm>>
        tpu.enqueue_dma source(%arg22 : memref<10240xf32, #tpu.memory_space<vmem>>) target(%dma_start3A_227 : memref<10240xf32, #tpu.memory_space<hbm>>) target_semaphore(%run_scoped3A : memref<!tpu.dma_semaphore, #tpu.memory_space<semaphore_mem>>)
        %dma_wait3A_228 = arith.constant 0 : i32
        %dma_wait3A_229 = tpu.memref_slice %arg11[%arg0, %dma_wait3A_228] : memref<2x10240xf32, #tpu.memory_space<hbm>> -> memref<1x10240xf32, #tpu.memory_space<hbm>>
        %dma_wait3A_230 = tpu.memref_squeeze %dma_wait3A_229 : memref<1x10240xf32, #tpu.memory_space<hbm>> -> memref<10240xf32, #tpu.memory_space<hbm>>
        %dma_wait3A_231 = arith.constant 0 : i32
        %dma_wait3A_232 = tpu.memref_slice %arg11[%arg0, %dma_wait3A_231] : memref<2x10240xf32, #tpu.memory_space<hbm>> -> memref<1x10240xf32, #tpu.memory_space<hbm>>
        %dma_wait3A_233 = tpu.memref_squeeze %dma_wait3A_232 : memref<1x10240xf32, #tpu.memory_space<hbm>> -> memref<10240xf32, #tpu.memory_space<hbm>>
        tpu.wait_dma2 semaphore(%run_scoped3A : memref<!tpu.dma_semaphore, #tpu.memory_space<semaphore_mem>>) src(%arg22 : memref<10240xf32, #tpu.memory_space<vmem>>) dst(%dma_wait3A_233 : memref<10240xf32, #tpu.memory_space<hbm>>)
        tpu.yield
      }) : () -> ()
    } else {
    }
    return
  }
}

module attributes {stable_mosaic.version = 14 : i64} {
  func.func @_mm2_kernel(%arg0: i32, %arg1: memref<464x128xf32, #tpu.memory_space<vmem>>, %arg2: memref<128x128xf32, #tpu.memory_space<vmem>>, %arg3: memref<128x128xf32, #tpu.memory_space<vmem>>, %arg4: memref<464x128xf32, #tpu.memory_space<vmem>>, %arg5: memref<464x128xf32, #tpu.memory_space<vmem>>) attributes {dimension_semantics = [#tpu.dimension_semantics<arbitrary>], iteration_bounds = array<i64: 1>, scalar_prefetch = 0 : i64, scratch_operands = 0 : i64, tpu.core_type = #tpu.core_type<tc>, window_params = [{transform_indices = @transform_0, window_bounds = array<i64: 464, 128>}, {pipeline_mode = #tpu.pipeline_mode<synchronous>, transform_indices = @transform_1, window_bounds = array<i64: 128, 128>}, {pipeline_mode = #tpu.pipeline_mode<synchronous>, transform_indices = @transform_2, window_bounds = array<i64: 128, 128>}, {transform_indices = @transform_3, window_bounds = array<i64: 464, 128>}, {transform_indices = @transform_4, window_bounds = array<i64: 464, 128>}]} {
    %get3A = arith.constant 0 : index
    %get3A_0 = arith.constant 0 : index
    %get3A_1 = vector.load %arg1[%get3A, %get3A_0] : memref<464x128xf32, #tpu.memory_space<vmem>>, vector<464x128xf32>
    %get3A_2 = arith.constant 0 : index
    %get3A_3 = arith.constant 0 : index
    %get3A_4 = vector.load %arg2[%get3A_2, %get3A_3] : memref<128x128xf32, #tpu.memory_space<vmem>>, vector<128x128xf32>
    %dot_general3A = arith.constant dense<0.000000e+00> : vector<464x128xf32>
    %dot_general3A_5 = tpu.matmul %get3A_1, %get3A_4, %dot_general3A {dimension_numbers = #tpu.dot_dimension_numbers<[1], [0], [0], [1], [0, 0, 1, 1], [], []>, transpose_lhs_hint = false} : vector<464x128xf32>, vector<128x128xf32>, vector<464x128xf32> -> vector<464x128xf32>
    %swap3A = arith.constant 0 : index
    %swap3A_6 = arith.constant 0 : index
    %swap3A_7 = vector.load %arg4[%swap3A, %swap3A_6] : memref<464x128xf32, #tpu.memory_space<vmem>>, vector<464x128xf32>
    tpu.vector_store %arg4[%swap3A, %swap3A_6], %dot_general3A_5 {strides = array<i32>} : memref<464x128xf32, #tpu.memory_space<vmem>>, vector<464x128xf32>,
    %get3A_8 = arith.constant 0 : index
    %get3A_9 = arith.constant 0 : index
    %get3A_10 = vector.load %arg3[%get3A_8, %get3A_9] : memref<128x128xf32, #tpu.memory_space<vmem>>, vector<128x128xf32>
    %dot_general3A_11 = arith.constant dense<0.000000e+00> : vector<464x128xf32>
    %dot_general3A_12 = tpu.matmul %get3A_1, %get3A_10, %dot_general3A_11 {dimension_numbers = #tpu.dot_dimension_numbers<[1], [0], [0], [1], [0, 0, 1, 1], [], []>, transpose_lhs_hint = false} : vector<464x128xf32>, vector<128x128xf32>, vector<464x128xf32> -> vector<464x128xf32>
    %swap3A_13 = arith.constant 0 : index
    %swap3A_14 = arith.constant 0 : index
    %swap3A_15 = vector.load %arg5[%swap3A_13, %swap3A_14] : memref<464x128xf32, #tpu.memory_space<vmem>>, vector<464x128xf32>
    tpu.vector_store %arg5[%swap3A_13, %swap3A_14], %dot_general3A_12 {strides = array<i32>} : memref<464x128xf32, #tpu.memory_space<vmem>>, vector<464x128xf32>,
    return
  }
  func.func @transform_0(%arg0: i32) -> (i32, i32) {
    %c0_i32 = arith.constant 0 : i32
    %c0_i32_0 = arith.constant 0 : i32
    return %arg0, %c0_i32 : i32, i32
  }
  func.func @transform_1(%arg0: i32) -> (i32, i32) {
    %c0_i32 = arith.constant 0 : i32
    %c0_i32_0 = arith.constant 0 : i32
    %c0_i32_1 = arith.constant 0 : i32
    return %c0_i32, %c0_i32_0 : i32, i32
  }
  func.func @transform_2(%arg0: i32) -> (i32, i32) {
    %c0_i32 = arith.constant 0 : i32
    %c0_i32_0 = arith.constant 0 : i32
    %c0_i32_1 = arith.constant 0 : i32
    return %c0_i32, %c0_i32_0 : i32, i32
  }
  func.func @transform_3(%arg0: i32) -> (i32, i32) {
    %c0_i32 = arith.constant 0 : i32
    %c0_i32_0 = arith.constant 0 : i32
    return %arg0, %c0_i32 : i32, i32
  }
  func.func @transform_4(%arg0: i32) -> (i32, i32) {
    %c0_i32 = arith.constant 0 : i32
    %c0_i32_0 = arith.constant 0 : i32
    return %arg0, %c0_i32 : i32, i32
  }
}

module attributes {stable_mosaic.version = 14 : i64} {
  func.func @_mm2_kernel(%arg0: i32, %arg1: memref<1280x128xf32, #tpu.memory_space<vmem>>, %arg2: memref<128x128xf32, #tpu.memory_space<vmem>>, %arg3: memref<128x128xf32, #tpu.memory_space<vmem>>, %arg4: memref<1280x128xf32, #tpu.memory_space<vmem>>, %arg5: memref<1280x128xf32, #tpu.memory_space<vmem>>) attributes {dimension_semantics = [#tpu.dimension_semantics<arbitrary>], iteration_bounds = array<i64: 8>, scalar_prefetch = 0 : i64, scratch_operands = 0 : i64, tpu.core_type = #tpu.core_type<tc>, window_params = [{transform_indices = @transform_0, window_bounds = array<i64: 1280, 128>}, {pipeline_mode = #tpu.pipeline_mode<synchronous>, transform_indices = @transform_1, window_bounds = array<i64: 128, 128>}, {pipeline_mode = #tpu.pipeline_mode<synchronous>, transform_indices = @transform_2, window_bounds = array<i64: 128, 128>}, {transform_indices = @transform_3, window_bounds = array<i64: 1280, 128>}, {transform_indices = @transform_4, window_bounds = array<i64: 1280, 128>}]} {
    %get3A = arith.constant 0 : index
    %get3A_0 = arith.constant 0 : index
    %get3A_1 = vector.load %arg1[%get3A, %get3A_0] : memref<1280x128xf32, #tpu.memory_space<vmem>>, vector<1280x128xf32>
    %get3A_2 = arith.constant 0 : index
    %get3A_3 = arith.constant 0 : index
    %get3A_4 = vector.load %arg2[%get3A_2, %get3A_3] : memref<128x128xf32, #tpu.memory_space<vmem>>, vector<128x128xf32>
    %dot_general3A = arith.constant dense<0.000000e+00> : vector<1280x128xf32>
    %dot_general3A_5 = tpu.matmul %get3A_1, %get3A_4, %dot_general3A {dimension_numbers = #tpu.dot_dimension_numbers<[1], [0], [0], [1], [0, 0, 1, 1], [], []>, transpose_lhs_hint = false} : vector<1280x128xf32>, vector<128x128xf32>, vector<1280x128xf32> -> vector<1280x128xf32>
    %swap3A = arith.constant 0 : index
    %swap3A_6 = arith.constant 0 : index
    %swap3A_7 = vector.load %arg4[%swap3A, %swap3A_6] : memref<1280x128xf32, #tpu.memory_space<vmem>>, vector<1280x128xf32>
    tpu.vector_store %arg4[%swap3A, %swap3A_6], %dot_general3A_5 {strides = array<i32>} : memref<1280x128xf32, #tpu.memory_space<vmem>>, vector<1280x128xf32>,
    %get3A_8 = arith.constant 0 : index
    %get3A_9 = arith.constant 0 : index
    %get3A_10 = vector.load %arg3[%get3A_8, %get3A_9] : memref<128x128xf32, #tpu.memory_space<vmem>>, vector<128x128xf32>
    %dot_general3A_11 = arith.constant dense<0.000000e+00> : vector<1280x128xf32>
    %dot_general3A_12 = tpu.matmul %get3A_1, %get3A_10, %dot_general3A_11 {dimension_numbers = #tpu.dot_dimension_numbers<[1], [0], [0], [1], [0, 0, 1, 1], [], []>, transpose_lhs_hint = false} : vector<1280x128xf32>, vector<128x128xf32>, vector<1280x128xf32> -> vector<1280x128xf32>
    %swap3A_13 = arith.constant 0 : index
    %swap3A_14 = arith.constant 0 : index
    %swap3A_15 = vector.load %arg5[%swap3A_13, %swap3A_14] : memref<1280x128xf32, #tpu.memory_space<vmem>>, vector<1280x128xf32>
    tpu.vector_store %arg5[%swap3A_13, %swap3A_14], %dot_general3A_12 {strides = array<i32>} : memref<1280x128xf32, #tpu.memory_space<vmem>>, vector<1280x128xf32>,
    return
  }
  func.func @transform_0(%arg0: i32) -> (i32, i32) {
    %c0_i32 = arith.constant 0 : i32
    %c0_i32_0 = arith.constant 0 : i32
    return %arg0, %c0_i32 : i32, i32
  }
  func.func @transform_1(%arg0: i32) -> (i32, i32) {
    %c0_i32 = arith.constant 0 : i32
    %c0_i32_0 = arith.constant 0 : i32
    %c0_i32_1 = arith.constant 0 : i32
    return %c0_i32, %c0_i32_0 : i32, i32
  }
  func.func @transform_2(%arg0: i32) -> (i32, i32) {
    %c0_i32 = arith.constant 0 : i32
    %c0_i32_0 = arith.constant 0 : i32
    %c0_i32_1 = arith.constant 0 : i32
    return %c0_i32, %c0_i32_0 : i32, i32
  }
  func.func @transform_3(%arg0: i32) -> (i32, i32) {
    %c0_i32 = arith.constant 0 : i32
    %c0_i32_0 = arith.constant 0 : i32
    return %arg0, %c0_i32 : i32, i32
  }
  func.func @transform_4(%arg0: i32) -> (i32, i32) {
    %c0_i32 = arith.constant 0 : i32
    %c0_i32_0 = arith.constant 0 : i32
    return %arg0, %c0_i32 : i32, i32
  }
}

module attributes {stable_mosaic.version = 14 : i64} {
  func.func @_combine_mm_kernel(%arg0: i32, %arg1: memref<1280x64xf32, #tpu.memory_space<vmem>>, %arg2: memref<1280x64xf32, #tpu.memory_space<vmem>>, %arg3: memref<1280x64xf32, #tpu.memory_space<vmem>>, %arg4: memref<1280x64xf32, #tpu.memory_space<vmem>>, %arg5: memref<1280x1xf32, #tpu.memory_space<vmem>>, %arg6: memref<1280x1xf32, #tpu.memory_space<vmem>>, %arg7: memref<1280x64xf32, #tpu.memory_space<vmem>>, %arg8: memref<1280x64xf32, #tpu.memory_space<vmem>>, %arg9: memref<128x128xf32, #tpu.memory_space<vmem>>, %arg10: memref<128x128xf32, #tpu.memory_space<vmem>>, %arg11: memref<1280x128xf32, #tpu.memory_space<vmem>>, %arg12: memref<1280x128xf32, #tpu.memory_space<vmem>>) attributes {dimension_semantics = [#tpu.dimension_semantics<arbitrary>], iteration_bounds = array<i64: 8>, scalar_prefetch = 0 : i64, scratch_operands = 0 : i64, tpu.core_type = #tpu.core_type<tc>, window_params = [{transform_indices = @transform_0, window_bounds = array<i64: 1280, 64>}, {transform_indices = @transform_1, window_bounds = array<i64: 1280, 64>}, {transform_indices = @transform_2, window_bounds = array<i64: 1280, 64>}, {transform_indices = @transform_3, window_bounds = array<i64: 1280, 64>}, {transform_indices = @transform_4, window_bounds = array<i64: 1280, 1>}, {transform_indices = @transform_5, window_bounds = array<i64: 1280, 1>}, {transform_indices = @transform_6, window_bounds = array<i64: 1280, 64>}, {transform_indices = @transform_7, window_bounds = array<i64: 1280, 64>}, {pipeline_mode = #tpu.pipeline_mode<synchronous>, transform_indices = @transform_8, window_bounds = array<i64: 128, 128>}, {pipeline_mode = #tpu.pipeline_mode<synchronous>, transform_indices = @transform_9, window_bounds = array<i64: 128, 128>}, {transform_indices = @transform_10, window_bounds = array<i64: 1280, 128>}, {transform_indices = @transform_11, window_bounds = array<i64: 1280, 128>}]} {
    %get3A = arith.constant 0 : index
    %get3A_0 = arith.constant 0 : index
    %get3A_1 = vector.load %arg5[%get3A, %get3A_0] : memref<1280x1xf32, #tpu.memory_space<vmem>>, vector<1280x1xf32>
    %get3A_2 = arith.constant 0 : index
    %get3A_3 = arith.constant 0 : index
    %get3A_4 = vector.load %arg6[%get3A_2, %get3A_3] : memref<1280x1xf32, #tpu.memory_space<vmem>>, vector<1280x1xf32>
    %add3A = arith.addf %get3A_1, %get3A_4 : vector<1280x1xf32>
    %max3A = arith.constant 1.000000e+00 : f32
    %max3A_5 = vector.broadcast %max3A : f32 to vector<1280x1xf32>
    %max3A_6 = arith.maximumf %add3A, %max3A_5 : vector<1280x1xf32>
    %div3A = arith.constant 1.000000e+00 : f32
    %div3A_7 = vector.broadcast %div3A : f32 to vector<1280x1xf32>
    %div3A_8 = arith.divf %div3A_7, %max3A_6 : vector<1280x1xf32>
    %get3A_9 = arith.constant 0 : index
    %get3A_10 = arith.constant 0 : index
    %get3A_11 = vector.load %arg1[%get3A_9, %get3A_10] : memref<1280x64xf32, #tpu.memory_space<vmem>>, vector<1280x64xf32>
    %get3A_12 = arith.constant 0 : index
    %get3A_13 = arith.constant 0 : index
    %get3A_14 = vector.load %arg2[%get3A_12, %get3A_13] : memref<1280x64xf32, #tpu.memory_space<vmem>>, vector<1280x64xf32>
    %add3A_15 = arith.addf %get3A_11, %get3A_14 : vector<1280x64xf32>
    %mul3A = vector.broadcast %div3A_8 : vector<1280x1xf32> to vector<1280x64xf32>
    %mul3A_16 = arith.mulf %add3A_15, %mul3A : vector<1280x64xf32>
    %get3A_17 = arith.constant 0 : index
    %get3A_18 = arith.constant 0 : index
    %get3A_19 = vector.load %arg7[%get3A_17, %get3A_18] : memref<1280x64xf32, #tpu.memory_space<vmem>>, vector<1280x64xf32>
    %add3A_20 = arith.addf %mul3A_16, %get3A_19 : vector<1280x64xf32>
    %ge3A = arith.constant 0.000000e+00 : f32
    %ge3A_21 = vector.broadcast %ge3A : f32 to vector<1280x64xf32>
    %ge3A_22 = arith.cmpf oge, %add3A_20, %ge3A_21 : vector<1280x64xf32>
    %mul3A_23 = arith.constant 0.229166672 : f32
    %mul3A_24 = vector.broadcast %mul3A_23 : f32 to vector<1280x64xf32>
    %mul3A_25 = arith.mulf %mul3A_24, %add3A_20 : vector<1280x64xf32>
    %select_n3A = arith.select %ge3A_22, %add3A_20, %mul3A_25 : vector<1280x64xi1>, vector<1280x64xf32>
    %get3A_26 = arith.constant 0 : index
    %get3A_27 = arith.constant 0 : index
    %get3A_28 = vector.load %arg3[%get3A_26, %get3A_27] : memref<1280x64xf32, #tpu.memory_space<vmem>>, vector<1280x64xf32>
    %get3A_29 = arith.constant 0 : index
    %get3A_30 = arith.constant 0 : index
    %get3A_31 = vector.load %arg4[%get3A_29, %get3A_30] : memref<1280x64xf32, #tpu.memory_space<vmem>>, vector<1280x64xf32>
    %add3A_32 = arith.addf %get3A_28, %get3A_31 : vector<1280x64xf32>
    %mul3A_33 = vector.broadcast %div3A_8 : vector<1280x1xf32> to vector<1280x64xf32>
    %mul3A_34 = arith.mulf %add3A_32, %mul3A_33 : vector<1280x64xf32>
    %get3A_35 = arith.constant 0 : index
    %get3A_36 = arith.constant 0 : index
    %get3A_37 = vector.load %arg8[%get3A_35, %get3A_36] : memref<1280x64xf32, #tpu.memory_space<vmem>>, vector<1280x64xf32>
    %add3A_38 = arith.addf %mul3A_34, %get3A_37 : vector<1280x64xf32>
    %ge3A_39 = arith.constant 0.000000e+00 : f32
    %ge3A_40 = vector.broadcast %ge3A_39 : f32 to vector<1280x64xf32>
    %ge3A_41 = arith.cmpf oge, %add3A_38, %ge3A_40 : vector<1280x64xf32>
    %mul3A_42 = arith.constant 0.229166672 : f32
    %mul3A_43 = vector.broadcast %mul3A_42 : f32 to vector<1280x64xf32>
    %mul3A_44 = arith.mulf %mul3A_43, %add3A_38 : vector<1280x64xf32>
    %select_n3A_45 = arith.select %ge3A_41, %add3A_38, %mul3A_44 : vector<1280x64xi1>, vector<1280x64xf32>
    %get3A_46 = arith.constant 0 : index
    %get3A_47 = arith.constant 0 : index
    %get3A_48 = vector.load %arg9[%get3A_46, %get3A_47] : memref<128x128xf32, #tpu.memory_space<vmem>>, vector<128x128xf32>
    %get3A_49 = arith.constant 0 : index
    %get3A_50 = arith.constant 0 : index
    %get3A_51 = vector.load %arg10[%get3A_49, %get3A_50] : memref<128x128xf32, #tpu.memory_space<vmem>>, vector<128x128xf32>
    %slice3A = vector.extract_strided_slice %get3A_48 {offsets = [0, 0], sizes = [64, 128], strides = [1, 1]} : vector<128x128xf32> to vector<64x128xf32>
    %dot_general3A = arith.constant dense<0.000000e+00> : vector<1280x128xf32>
    %dot_general3A_52 = tpu.matmul %select_n3A, %slice3A, %dot_general3A {dimension_numbers = #tpu.dot_dimension_numbers<[1], [0], [0], [1], [0, 0, 1, 1], [], []>, transpose_lhs_hint = false} : vector<1280x64xf32>, vector<64x128xf32>, vector<1280x128xf32> -> vector<1280x128xf32>
    %slice3A_53 = vector.extract_strided_slice %get3A_48 {offsets = [64, 0], sizes = [64, 128], strides = [1, 1]} : vector<128x128xf32> to vector<64x128xf32>
    %dot_general3A_54 = arith.constant dense<0.000000e+00> : vector<1280x128xf32>
    %dot_general3A_55 = tpu.matmul %select_n3A_45, %slice3A_53, %dot_general3A_54 {dimension_numbers = #tpu.dot_dimension_numbers<[1], [0], [0], [1], [0, 0, 1, 1], [], []>, transpose_lhs_hint = false} : vector<1280x64xf32>, vector<64x128xf32>, vector<1280x128xf32> -> vector<1280x128xf32>
    %add3A_56 = arith.addf %dot_general3A_52, %dot_general3A_55 : vector<1280x128xf32>
    %swap3A = arith.constant 0 : index
    %swap3A_57 = arith.constant 0 : index
    %swap3A_58 = vector.load %arg11[%swap3A, %swap3A_57] : memref<1280x128xf32, #tpu.memory_space<vmem>>, vector<1280x128xf32>
    tpu.vector_store %arg11[%swap3A, %swap3A_57], %add3A_56 {strides = array<i32>} : memref<1280x128xf32, #tpu.memory_space<vmem>>, vector<1280x128xf32>,
    %slice3A_59 = vector.extract_strided_slice %get3A_51 {offsets = [0, 0], sizes = [64, 128], strides = [1, 1]} : vector<128x128xf32> to vector<64x128xf32>
    %dot_general3A_60 = arith.constant dense<0.000000e+00> : vector<1280x128xf32>
    %dot_general3A_61 = tpu.matmul %select_n3A, %slice3A_59, %dot_general3A_60 {dimension_numbers = #tpu.dot_dimension_numbers<[1], [0], [0], [1], [0, 0, 1, 1], [], []>, transpose_lhs_hint = false} : vector<1280x64xf32>, vector<64x128xf32>, vector<1280x128xf32> -> vector<1280x128xf32>
    %slice3A_62 = vector.extract_strided_slice %get3A_51 {offsets = [64, 0], sizes = [64, 128], strides = [1, 1]} : vector<128x128xf32> to vector<64x128xf32>
    %dot_general3A_63 = arith.constant dense<0.000000e+00> : vector<1280x128xf32>
    %dot_general3A_64 = tpu.matmul %select_n3A_45, %slice3A_62, %dot_general3A_63 {dimension_numbers = #tpu.dot_dimension_numbers<[1], [0], [0], [1], [0, 0, 1, 1], [], []>, transpose_lhs_hint = false} : vector<1280x64xf32>, vector<64x128xf32>, vector<1280x128xf32> -> vector<1280x128xf32>
    %add3A_65 = arith.addf %dot_general3A_61, %dot_general3A_64 : vector<1280x128xf32>
    %swap3A_66 = arith.constant 0 : index
    %swap3A_67 = arith.constant 0 : index
    %swap3A_68 = vector.load %arg12[%swap3A_66, %swap3A_67] : memref<1280x128xf32, #tpu.memory_space<vmem>>, vector<1280x128xf32>
    tpu.vector_store %arg12[%swap3A_66, %swap3A_67], %add3A_65 {strides = array<i32>} : memref<1280x128xf32, #tpu.memory_space<vmem>>, vector<1280x128xf32>,
    return
  }
  func.func @transform_0(%arg0: i32) -> (i32, i32) {
    %c0_i32 = arith.constant 0 : i32
    %c0_i32_0 = arith.constant 0 : i32
    return %arg0, %c0_i32 : i32, i32
  }
  func.func @transform_1(%arg0: i32) -> (i32, i32) {
    %add3A = arith.constant 8 : i32
    %add3A_0 = arith.addi %arg0, %add3A : i32
    %c0_i32 = arith.constant 0 : i32
    %c0_i32_1 = arith.constant 0 : i32
    return %add3A_0, %c0_i32 : i32, i32
  }
  func.func @transform_2(%arg0: i32) -> (i32, i32) {
    %c0_i32 = arith.constant 0 : i32
    %c0_i32_0 = arith.constant 0 : i32
    return %arg0, %c0_i32 : i32, i32
  }
  func.func @transform_3(%arg0: i32) -> (i32, i32) {
    %add3A = arith.constant 8 : i32
    %add3A_0 = arith.addi %arg0, %add3A : i32
    %c0_i32 = arith.constant 0 : i32
    %c0_i32_1 = arith.constant 0 : i32
    return %add3A_0, %c0_i32 : i32, i32
  }
  func.func @transform_4(%arg0: i32) -> (i32, i32) {
    %c0_i32 = arith.constant 0 : i32
    %c0_i32_0 = arith.constant 0 : i32
    return %arg0, %c0_i32 : i32, i32
  }
  func.func @transform_5(%arg0: i32) -> (i32, i32) {
    %add3A = arith.constant 8 : i32
    %add3A_0 = arith.addi %arg0, %add3A : i32
    %c0_i32 = arith.constant 0 : i32
    %c0_i32_1 = arith.constant 0 : i32
    return %add3A_0, %c0_i32 : i32, i32
  }
  func.func @transform_6(%arg0: i32) -> (i32, i32) {
    %c0_i32 = arith.constant 0 : i32
    %c0_i32_0 = arith.constant 0 : i32
    return %arg0, %c0_i32 : i32, i32
  }
  func.func @transform_7(%arg0: i32) -> (i32, i32) {
    %c0_i32 = arith.constant 0 : i32
    %c0_i32_0 = arith.constant 0 : i32
    return %arg0, %c0_i32 : i32, i32
  }
  func.func @transform_8(%arg0: i32) -> (i32, i32) {
    %c0_i32 = arith.constant 0 : i32
    %c0_i32_0 = arith.constant 0 : i32
    %c0_i32_1 = arith.constant 0 : i32
    return %c0_i32, %c0_i32_0 : i32, i32
  }
  func.func @transform_9(%arg0: i32) -> (i32, i32) {
    %c0_i32 = arith.constant 0 : i32
    %c0_i32_0 = arith.constant 0 : i32
    %c0_i32_1 = arith.constant 0 : i32
    return %c0_i32, %c0_i32_0 : i32, i32
  }
  func.func @transform_10(%arg0: i32) -> (i32, i32) {
    %c0_i32 = arith.constant 0 : i32
    %c0_i32_0 = arith.constant 0 : i32
    return %arg0, %c0_i32 : i32, i32
  }
  func.func @transform_11(%arg0: i32) -> (i32, i32) {
    %c0_i32 = arith.constant 0 : i32
    %c0_i32_0 = arith.constant 0 : i32
    return %arg0, %c0_i32 : i32, i32
  }
}

module attributes {stable_mosaic.version = 14 : i64} {
  func.func @_combine_final_kernel(%arg0: i32, %arg1: memref<1280x64xf32, #tpu.memory_space<vmem>>, %arg2: memref<1280x64xf32, #tpu.memory_space<vmem>>, %arg3: memref<1280x64xf32, #tpu.memory_space<vmem>>, %arg4: memref<1280x64xf32, #tpu.memory_space<vmem>>, %arg5: memref<1280x1xf32, #tpu.memory_space<vmem>>, %arg6: memref<1280x1xf32, #tpu.memory_space<vmem>>, %arg7: memref<1280x64xf32, #tpu.memory_space<vmem>>, %arg8: memref<1280x64xf32, #tpu.memory_space<vmem>>, %arg9: memref<1280x64xf32, #tpu.memory_space<vmem>>, %arg10: memref<1280x64xf32, #tpu.memory_space<vmem>>) attributes {dimension_semantics = [#tpu.dimension_semantics<arbitrary>], iteration_bounds = array<i64: 8>, scalar_prefetch = 0 : i64, scratch_operands = 0 : i64, tpu.core_type = #tpu.core_type<tc>, window_params = [{transform_indices = @transform_0, window_bounds = array<i64: 1280, 64>}, {transform_indices = @transform_1, window_bounds = array<i64: 1280, 64>}, {transform_indices = @transform_2, window_bounds = array<i64: 1280, 64>}, {transform_indices = @transform_3, window_bounds = array<i64: 1280, 64>}, {transform_indices = @transform_4, window_bounds = array<i64: 1280, 1>}, {transform_indices = @transform_5, window_bounds = array<i64: 1280, 1>}, {transform_indices = @transform_6, window_bounds = array<i64: 1280, 64>}, {transform_indices = @transform_7, window_bounds = array<i64: 1280, 64>}, {transform_indices = @transform_8, window_bounds = array<i64: 1280, 64>}, {transform_indices = @transform_9, window_bounds = array<i64: 1280, 64>}]} {
    %get3A = arith.constant 0 : index
    %get3A_0 = arith.constant 0 : index
    %get3A_1 = vector.load %arg5[%get3A, %get3A_0] : memref<1280x1xf32, #tpu.memory_space<vmem>>, vector<1280x1xf32>
    %get3A_2 = arith.constant 0 : index
    %get3A_3 = arith.constant 0 : index
    %get3A_4 = vector.load %arg6[%get3A_2, %get3A_3] : memref<1280x1xf32, #tpu.memory_space<vmem>>, vector<1280x1xf32>
    %add3A = arith.addf %get3A_1, %get3A_4 : vector<1280x1xf32>
    %max3A = arith.constant 1.000000e+00 : f32
    %max3A_5 = vector.broadcast %max3A : f32 to vector<1280x1xf32>
    %max3A_6 = arith.maximumf %add3A, %max3A_5 : vector<1280x1xf32>
    %div3A = arith.constant 1.000000e+00 : f32
    %div3A_7 = vector.broadcast %div3A : f32 to vector<1280x1xf32>
    %div3A_8 = arith.divf %div3A_7, %max3A_6 : vector<1280x1xf32>
    %get3A_9 = arith.constant 0 : index
    %get3A_10 = arith.constant 0 : index
    %get3A_11 = vector.load %arg1[%get3A_9, %get3A_10] : memref<1280x64xf32, #tpu.memory_space<vmem>>, vector<1280x64xf32>
    %get3A_12 = arith.constant 0 : index
    %get3A_13 = arith.constant 0 : index
    %get3A_14 = vector.load %arg2[%get3A_12, %get3A_13] : memref<1280x64xf32, #tpu.memory_space<vmem>>, vector<1280x64xf32>
    %add3A_15 = arith.addf %get3A_11, %get3A_14 : vector<1280x64xf32>
    %mul3A = vector.broadcast %div3A_8 : vector<1280x1xf32> to vector<1280x64xf32>
    %mul3A_16 = arith.mulf %add3A_15, %mul3A : vector<1280x64xf32>
    %get3A_17 = arith.constant 0 : index
    %get3A_18 = arith.constant 0 : index
    %get3A_19 = vector.load %arg7[%get3A_17, %get3A_18] : memref<1280x64xf32, #tpu.memory_space<vmem>>, vector<1280x64xf32>
    %add3A_20 = arith.addf %mul3A_16, %get3A_19 : vector<1280x64xf32>
    %ge3A = arith.constant 0.000000e+00 : f32
    %ge3A_21 = vector.broadcast %ge3A : f32 to vector<1280x64xf32>
    %ge3A_22 = arith.cmpf oge, %add3A_20, %ge3A_21 : vector<1280x64xf32>
    %mul3A_23 = arith.constant 0.229166672 : f32
    %mul3A_24 = vector.broadcast %mul3A_23 : f32 to vector<1280x64xf32>
    %mul3A_25 = arith.mulf %mul3A_24, %add3A_20 : vector<1280x64xf32>
    %select_n3A = arith.select %ge3A_22, %add3A_20, %mul3A_25 : vector<1280x64xi1>, vector<1280x64xf32>
    %get3A_26 = arith.constant 0 : index
    %get3A_27 = arith.constant 0 : index
    %get3A_28 = vector.load %arg3[%get3A_26, %get3A_27] : memref<1280x64xf32, #tpu.memory_space<vmem>>, vector<1280x64xf32>
    %get3A_29 = arith.constant 0 : index
    %get3A_30 = arith.constant 0 : index
    %get3A_31 = vector.load %arg4[%get3A_29, %get3A_30] : memref<1280x64xf32, #tpu.memory_space<vmem>>, vector<1280x64xf32>
    %add3A_32 = arith.addf %get3A_28, %get3A_31 : vector<1280x64xf32>
    %mul3A_33 = vector.broadcast %div3A_8 : vector<1280x1xf32> to vector<1280x64xf32>
    %mul3A_34 = arith.mulf %add3A_32, %mul3A_33 : vector<1280x64xf32>
    %get3A_35 = arith.constant 0 : index
    %get3A_36 = arith.constant 0 : index
    %get3A_37 = vector.load %arg8[%get3A_35, %get3A_36] : memref<1280x64xf32, #tpu.memory_space<vmem>>, vector<1280x64xf32>
    %add3A_38 = arith.addf %mul3A_34, %get3A_37 : vector<1280x64xf32>
    %ge3A_39 = arith.constant 0.000000e+00 : f32
    %ge3A_40 = vector.broadcast %ge3A_39 : f32 to vector<1280x64xf32>
    %ge3A_41 = arith.cmpf oge, %add3A_38, %ge3A_40 : vector<1280x64xf32>
    %mul3A_42 = arith.constant 0.229166672 : f32
    %mul3A_43 = vector.broadcast %mul3A_42 : f32 to vector<1280x64xf32>
    %mul3A_44 = arith.mulf %mul3A_43, %add3A_38 : vector<1280x64xf32>
    %select_n3A_45 = arith.select %ge3A_41, %add3A_38, %mul3A_44 : vector<1280x64xi1>, vector<1280x64xf32>
    %swap3A = arith.constant 0 : index
    %swap3A_46 = arith.constant 0 : index
    %swap3A_47 = vector.load %arg9[%swap3A, %swap3A_46] : memref<1280x64xf32, #tpu.memory_space<vmem>>, vector<1280x64xf32>
    tpu.vector_store %arg9[%swap3A, %swap3A_46], %select_n3A {strides = array<i32>} : memref<1280x64xf32, #tpu.memory_space<vmem>>, vector<1280x64xf32>,
    %swap3A_48 = arith.constant 0 : index
    %swap3A_49 = arith.constant 0 : index
    %swap3A_50 = vector.load %arg10[%swap3A_48, %swap3A_49] : memref<1280x64xf32, #tpu.memory_space<vmem>>, vector<1280x64xf32>
    tpu.vector_store %arg10[%swap3A_48, %swap3A_49], %select_n3A_45 {strides = array<i32>} : memref<1280x64xf32, #tpu.memory_space<vmem>>, vector<1280x64xf32>,
    return
  }
  func.func @transform_0(%arg0: i32) -> (i32, i32) {
    %c0_i32 = arith.constant 0 : i32
    %c0_i32_0 = arith.constant 0 : i32
    return %arg0, %c0_i32 : i32, i32
  }
  func.func @transform_1(%arg0: i32) -> (i32, i32) {
    %add3A = arith.constant 8 : i32
    %add3A_0 = arith.addi %arg0, %add3A : i32
    %c0_i32 = arith.constant 0 : i32
    %c0_i32_1 = arith.constant 0 : i32
    return %add3A_0, %c0_i32 : i32, i32
  }
  func.func @transform_2(%arg0: i32) -> (i32, i32) {
    %c0_i32 = arith.constant 0 : i32
    %c0_i32_0 = arith.constant 0 : i32
    return %arg0, %c0_i32 : i32, i32
  }
  func.func @transform_3(%arg0: i32) -> (i32, i32) {
    %add3A = arith.constant 8 : i32
    %add3A_0 = arith.addi %arg0, %add3A : i32
    %c0_i32 = arith.constant 0 : i32
    %c0_i32_1 = arith.constant 0 : i32
    return %add3A_0, %c0_i32 : i32, i32
  }
  func.func @transform_4(%arg0: i32) -> (i32, i32) {
    %c0_i32 = arith.constant 0 : i32
    %c0_i32_0 = arith.constant 0 : i32
    return %arg0, %c0_i32 : i32, i32
  }
  func.func @transform_5(%arg0: i32) -> (i32, i32) {
    %add3A = arith.constant 8 : i32
    %add3A_0 = arith.addi %arg0, %add3A : i32
    %c0_i32 = arith.constant 0 : i32
    %c0_i32_1 = arith.constant 0 : i32
    return %add3A_0, %c0_i32 : i32, i32
  }
  func.func @transform_6(%arg0: i32) -> (i32, i32) {
    %c0_i32 = arith.constant 0 : i32
    %c0_i32_0 = arith.constant 0 : i32
    return %arg0, %c0_i32 : i32, i32
  }
  func.func @transform_7(%arg0: i32) -> (i32, i32) {
    %c0_i32 = arith.constant 0 : i32
    %c0_i32_0 = arith.constant 0 : i32
    return %arg0, %c0_i32 : i32, i32
  }
  func.func @transform_8(%arg0: i32) -> (i32, i32) {
    %c0_i32 = arith.constant 0 : i32
    %c0_i32_0 = arith.constant 0 : i32
    return %arg0, %c0_i32 : i32, i32
  }
  func.func @transform_9(%arg0: i32) -> (i32, i32) {
    %c0_i32 = arith.constant 0 : i32
    %c0_i32_0 = arith.constant 0 : i32
    return %arg0, %c0_i32 : i32, i32
  }
}

</mosaic_0001>

<sc_bundles>
// kernel: kernel.11.cloned.1.call-start
scs
__scs_entry_jumppad:
0x0: {  	(pc) =	sbr.rel $0x88, $3  }
0x1: {  	(tag) =	ssettag $0x0;
	lr =	simm.s32 $0x1  }
0x2: {  	[smem:$0x3F99] =	sst lr;
	_ =	strace $0xD0000000  }
0x3: {  	_ = 	snop  }
0x4: {  	_ = 	snop  }
0x5: {  	_ = 	snop  }
0x6: {  	_ = 	snop  }
0x7: {  	_ = 	snop  }
__scs_overlays_trampoline_lowered:
0x8: {  	[smem:$0x3FA8] =	sst s0  }
0x9: {  	[smem:$0x3FA9] =	sst s1  }
0xa: {  	[smem:$0x3FAA] =	sst s2  }
0xb: {  	[smem:$0x3FAB] =	sst s3  }
0xc: {  	[smem:$0x3FAC] =	sst s4  }
0xd: {  	[smem:$0x3FAD] =	sst s5  }
0xe: {  	[smem:$0x3FAE] =	sst s6  }
0xf: {  	[smem:$0x3FAF] =	sst s7  }
0x10: {  	[smem:$0x3FB0] =	sst s8  }
0x11: {  	[smem:$0x3FB1] =	sst s9;
	s0 =	simm.s32 @!p0 $0x0  }
0x12: {  	s1 =	sld [smem:$0x3F97];
	s0 =	simm.s32 @p0 $0x1  }
0x13: {  	[smem:$0x3FB2] =	sst s0;
	s0 =	simm.s32 @!p1 $0x0  }
0x14: {  	s2 =	sld [smem:$0x3F96];
	s0 =	simm.s32 @p1 $0x1  }
0x15: {  	[smem:$0x3FB3] =	sst s0;
	s0 =	simm.s32 @!p2 $0x0  }
0x16: {  	s3 =	sld [smem:$0x3FDB];
	s0 =	simm.s32 @p2 $0x1  }
0x17: {  	s4 =	simm.s32 $0x1BF5;
	[smem:$0x3FB5] =	sst s0  }
0x18: {  	s0 =	sld [smem:$0x3F98];
	_ =	swait.ge [sflag:s4], $0x0  }
0x19: {  	s7 =	sld [smem:$0x3F99]  }
0x1a: {  	s8 =	sadd.s32 $0xFFFFE003, lr  }
0x1b: {  	s9 =	sadd.s32 $0xFFFFFEF7, lr;
	s5 =	simm.s32 $0xFFFFFFFF;
	p2 =	slt.u32 s8, $0xFFFFF086  }
0x1c: {  	p1 =	slt.u32 s9, $0xF7A;
	s5 =	simm.s32 @!p2 $0x0  }
0x1d: {  	s5 =	simm.s32 @p1 $0x1;
	p0 =	seq.s32 s7, s2  }
0x1e: {  	s7 =	smul.u32 @!p0 $0xF7A, s2;
	p2 =	seq.s32 @!p0 s5, $0x0  }
0x1f: {  	s9 =	smul.u32 $0xF7A, s1;
	s8 =	simm.s32 @!p0 $0x1BF5;
	p2 =	por !p2, p0  }
0x20: {  	[sflag:s8] =	ssyncset.s32 @!p0 $0xFFFFF086;
	s6 =	sadd.s32 @!p0 s3, s7;
	s7 =	simm.s32 @!p0 $0x108  }
0x21: {  	s3 =	sadd.s32 s3, s9;
	s6 =	sadd.s32 @!p0 $0x88, s6;
	s7 =	simm.s32 @p2 $0x1082  }
0x22: {  	[simem:s7], [sflag:s8] =	dma.local @!p0 [hbm:s6], $0xF7A  }
0x23: {  	s9 =	sor.u32 $0xD0000000, s2;
	s6 =	simm.s32 $0x108;
	_ =	swait.ge @!p0 [sflag:s8], $0x0  }
0x24: {  	s3 =	sadd.s32 $0x88, s3;
	s6 =	simm.s32 @!p1 $0x1082;
	[sflag:s4] =	ssyncset.s32 $0xFFFFF086  }
0x25: {  	[simem:s6], [sflag:s4] =	dma.local [hbm:s3], $0xF7A  }
0x26: {  	[smem:$0x3F99] =	sst s1;
	(tag) =	ssettag s2;
	_ =	strace s9  }
0x27: {  	s1 =	sld [smem:$0x3FA9]  }
0x28: {  	s2 =	sld [smem:$0x3FAA]  }
0x29: {  	s4 =	sld [smem:$0x3FAC]  }
0x2a: {  	p0 =	seq.s32 s5, $0x0;
	s5 =	sld [smem:$0x3FAD]  }
0x2b: {  	s6 =	sld [smem:$0x3FAE]  }
0x2c: {  	s7 =	sld [smem:$0x3FAF]  }
0x2d: {  	s3 =	simm.s32 $0x108;
	s8 =	sld [smem:$0x3FB0]  }
0x2e: {  	s3 =	simm.s32 @!p0 $0x1082;
	s9 =	sld [smem:$0x3FB1]  }
0x2f: {  	lr =	sadd.s32 s0, s3;
	s0 =	sld [smem:$0x3FA8]  }
0x30: {  	s3 =	sld [smem:$0x3FAB]  }
0x31: {  	[smem:$0x3FB4] =	sst s10  }
0x32: {  	s10 =	sld [smem:$0x3FB2];
	_ =	sdelay $0x3  }
0x33: {  	p0 =	seq.s32 s10, $0x1;
	s10 =	sld [smem:$0x3FB4];
	_ =	sdelay $0x3  }
0x34: {  	[smem:$0x3FB4] =	sst s10  }
0x35: {  	s10 =	sld [smem:$0x3FB3];
	_ =	sdelay $0x3  }
0x36: {  	p1 =	seq.s32 s10, $0x1;
	s10 =	sld [smem:$0x3FB4];
	_ =	sdelay $0x3  }
0x37: {  	[smem:$0x3FB4] =	sst s10  }
0x38: {  	s10 =	sld [smem:$0x3FB5]  }
0x39: {  	_ = 	snop;
	(pc) =	sbr.ind lr, $3  }
0x3a: {  	_ = 	snop  }
0x3b: {  	_ = 	snop  }
0x3c: {  	p2 =	seq.s32 s10, $0x1;
	s10 =	sld [smem:$0x3FB4]  }
0x3d: {  	_ =	shalt  }
0x3e: {  	_ =	shalt  }
0x3f: {  	_ =	shalt  }
0x40: {  	_ =	shalt  }
0x41: {  	_ =	shalt  }
0x42: {  	_ =	shalt  }
0x43: {  	_ =	shalt  }
0x44: {  	_ =	shalt  }
0x45: {  	_ =	shalt  }
0x46: {  	_ =	shalt  }
0x47: {  	_ =	shalt  }
0x48: {  	_ =	shalt  }
0x49: {  	_ =	shalt  }
0x4a: {  	_ =	shalt  }
0x4b: {  	_ =	shalt  }
0x4c: {  	_ =	shalt  }
0x4d: {  	_ =	shalt  }
0x4e: {  	_ =	shalt  }
0x4f: {  	_ =	shalt  }
0x50: {  	_ =	shalt  }
0x51: {  	_ =	shalt  }
0x52: {  	_ =	shalt  }
0x53: {  	_ =	shalt  }
0x54: {  	_ =	shalt  }
0x55: {  	_ =	shalt  }
0x56: {  	_ =	shalt  }
0x57: {  	_ =	shalt  }
0x58: {  	_ =	shalt  }
0x59: {  	_ =	shalt  }
0x5a: {  	_ =	shalt  }
0x5b: {  	_ =	shalt  }
0x5c: {  	_ =	shalt  }
0x5d: {  	_ =	shalt  }
0x5e: {  	_ =	shalt  }
0x5f: {  	_ =	shalt  }
0x60: {  	_ =	shalt  }
0x61: {  	_ =	shalt  }
0x62: {  	_ =	shalt  }
0x63: {  	_ =	shalt  }
0x64: {  	_ =	shalt  }
0x65: {  	_ =	shalt  }
0x66: {  	_ =	shalt  }
0x67: {  	_ =	shalt  }
0x68: {  	_ =	shalt  }
0x69: {  	_ =	shalt  }
0x6a: {  	_ =	shalt  }
0x6b: {  	_ =	shalt  }
0x6c: {  	_ =	shalt  }
0x6d: {  	_ =	shalt  }
0x6e: {  	_ =	shalt  }
0x6f: {  	_ =	shalt  }
0x70: {  	_ =	shalt  }
0x71: {  	_ =	shalt  }
0x72: {  	_ =	shalt  }
0x73: {  	_ =	shalt  }
0x74: {  	_ =	shalt  }
0x75: {  	_ =	shalt  }
0x76: {  	_ =	shalt  }
0x77: {  	_ =	shalt  }
0x78: {  	_ =	shalt  }
0x79: {  	_ =	shalt  }
0x7a: {  	_ =	shalt  }
0x7b: {  	_ =	shalt  }
0x7c: {  	_ =	shalt  }
0x7d: {  	_ =	shalt  }
0x7e: {  	_ =	shalt  }
0x7f: {  	_ =	shalt  }
0x80: {  	_ =	shalt  }
0x81: {  	_ =	shalt  }
0x82: {  	_ =	shalt  }
0x83: {  	_ =	shalt  }
0x84: {  	_ =	shalt  }
0x85: {  	_ =	shalt  }
0x86: {  	_ =	shalt  }
0x87: {  	_ =	shalt  }
.Lfunc_end0:
.L_simem_size_0:
called_computation.1_lowered:
.L_overlay_start_0:
0x88: {  	s2 =	sld [smem:$0x3FD9]  }
0x89: {  	s3 =	sld [smem:$0x3FFE];
	_ =	sdelay $0x1  }
0x8a: {  	s1 =	srdreg.scid  }
0x8b: {  	s0 =	sand.u32 $0x1, s1  }
0x8c: {  	s17 =	sshll.u32 s0, $0xA;
	s2 =	sadd.s32 s3, s2  }
0x8d: {  	s2 =	sadd.s32 s2, s17  }
0x8e: {  	[smem:$0x3FC0] =	sst s2  }
0x8f: {  	_ = 	snop  }
0x90: {  	s2 =	sld [smem:$0x3FC2]  }
0x91: {  	s18 =	sld [smem:$0x3FD0];
	(tm) =	ssettm $0x1  }
0x92: {  	s4 =	sld [smem:$0x3FFB];
	_ =	sdelay $0x3  }
0x93: {  	_ =	strace s4  }
0x94: {  	s4 =	sld [smem:$0x3FFC];
	_ =	sdelay $0x3  }
0x95: {  	_ =	strace s4  }
0x96: {  	s4 =	sld [smem:$0x3FFD];
	_ =	sdelay $0x3  }
0x97: {  	_ =	strace s4  }
0x98: {  	_ =	strace $0x8FFFFFFF  }
0x99: {  	s19 =	sld [smem:$0x3FDB];
	_ =	sdelay $0x1  }
0x9a: {  	s5 =	simm.s32 $_scs_section_size  }
0x9b: {  	s6 =	simm.s32 $_size__tile_overlayer_lowered;
	s7 =	simm.s32 $_tile_overlayer_lowered  }
0x9c: {  	s22 =	simm.s32 $0x1BFF;
	s21 =	sshll.u32 s7, $0x1;
	s4 =	sadd.s32 s5, s19  }
0x9d: {  	s8 =	simm.s32 $0x0;
	s20 =	sshll.u32 s6, $0x1;
	s6 =	sadd.s32 s21, s4  }
0x9e: {  	[timem:s8], [sflag:s22] =	dma.local [hbm:s6], s20  }
0x9f: {  	_ =	swait.ge [sflag:s22], s20  }
0xa0: {  	s5 =	ssub.s32 $0x0, s20;
	[sflag:s22] =	ssyncset.done $0x0  }
0xa1: {  	[sflag:s22] =	ssyncadd.s32 s5;
	_ =	sdelay $0x1  }
0xa2: {  	s23 =	simm.s32 $0x1B8B  }
0xa3: {  	_ =	swait.ge [sflag:s23], $0x1  }
0xa4: {  	[sflag:s23] =	ssyncset.done $0x0  }
0xa5: {  	s25 =	simm.s32 $0x1B8E;
	s24 =	sld [smem:$0x3FFE];
	[sflag:s23] =	ssyncadd.s32 $0xFFFFFFFF  }
0xa6: {  	s26 =	simm.s32 $execute0_lowered;
	[smem:$0x3FD2] =	sst s25  }
0xa7: {  	s6 =	sshll.u32 s26, $0x1;
	_ =	strace $0x80000049;
	[dreg:$0x1] =	wrdreg $0xFFFFFFFF  }
0xa8: {  	s28 =	simm.s32 $_size_execute0_lowered;
	s4 =	sadd.s32 s4, s6;
	[dreg:$0x0] =	wrdreg $0x0  }
0xa9: {  	s6 =	sshll.u32 s28, $0x1;
	[dreg:$0x2] =	wrdreg s4  }
0xaa: {  	[dreg:$0x3] =	wrdreg s6  }
0xab: {  	[dreg:$0x4] =	wrdreg $0xC0  }
0xac: {  	_ =	task [dreg:s8], $0x5FFFF  }
0xad: {  	[dreg:$0x1] =	wrdreg $0xFFFFFFFF  }
0xae: {  	[dreg:$0x0] =	wrdreg $0x60  }
0xaf: {  	[dreg:$0x2] =	wrdreg s24  }
0xb0: {  	[dreg:$0x3] =	wrdreg s2  }
0xb1: {  	[dreg:$0x4] =	wrdreg s18  }
0xb2: {  	[dreg:$0x5] =	wrdreg $0x1B4C00  }
0xb3: {  	[dreg:$0x6] =	wrdreg $0x114C00  }
0xb4: {  	[dreg:$0x7] =	wrdreg $0xC5300  }
0xb5: {  	[dreg:$0x8] =	wrdreg $0x9  }
0xb6: {  	_ =	task.clear_ibuf [dreg:s8], $0x9FFFF;
	_ =	strace $0x90000049  }
0xb7: {  	s29 =	simm.s32 $0x9;
	_ =	strace $0x8000004B  }
0xb8: {  	_ =	swait.ge [sflag:s29], $0x1  }
0xb9: {  	[sflag:s29] =	ssyncadd.s32 $0xFFFFFFFF  }
0xba: {  	_ =	strace $0x9000004B  }
0xbb: {  	_ =	sfence  }
0xbc: {  	s30 =	sld [smem:$0x0];
	_ =	sdelay $0x2  }
0xbd: {  	s31 =	sshll.u32 s1, $0xD;
	s1 =	sshrl.u32 s1, $0x2  }
0xbe: {  	s3 =	sand.u32 $0x4000, s31;
	s1 =	sadd.s32 s1, s30  }
0xbf: {  	s0 =	sor.u32 s3, s0;
	s1 =	sshll.u32 s1, $0x11  }
0xc0: {  	s0 =	sor.u32 s1, s0  }
0xc1: {  	s0 =	sadd.s32 $0x8F2B, s0  }
0xc2: {  	[sflag:s0] =	ssyncadd.remote.s32 $0x1  }
0xc3: {  	_ =	sfence.sel $0xFFFF  }
0xc4: {  	[dreg:$0x0] =	wrdreg $0xFFFFFFFF;
	(pc) =	sbr.abs _section_cstart, $3  }
0xc5: {  	[dreg:$0x1] =	wrdreg $0xFFFFFFFF  }
0xc6: {  	_ =	task.clear_ibuf [dreg:s8], $0x2FFFF;
	_ =	strace $0x9FFFFFFF  }
0xc7: {  	(tm) =	ssettm $0x7FFFFFFF  }
tec
execute0_lowered:
.L_overlay_start_1:
0x0: {  	(tag) =	ssettag $0x1  }
0x1: {  	s4 =	rddreg [dreg:$0x0]  }
0x2: {  	s5 =	rddreg [dreg:$0x1]  }
0x3: {  	s6 =	rddreg [dreg:$0x2];
	s1 =	srdreg.scid  }
0x4: {  	s7 =	stileid.u32;
	s0 =	rddreg [dreg:$0x3];
	s31 =	simm.s32 $0xA  }
0x5: {  	s29 =	simm.s32 $0x6;
	s8 =	sand.u32 $0x1, s1;
	s2 =	sshll.u32 s7, $0x1  }
0x6: {  	s1 =	rddreg [dreg:$0x4];
	s12 =	smul.u32 $0x280, s7;
	s13 =	sadd.s32 $0xBBC00, s4  }
0x7: {  	s14 =	sadd.s32 $0x19200, s4;
	p0 =	sne.s32 s7, $0x0;
	s3 =	sor.u32 s8, s2  }
0x8: {  	s2 =	rddreg [dreg:$0x5];
	s10 =	smul.u32 $0x2800, s8;
	s8 =	ssub.s32 $0x2, s8  }
0x9: {  	s9 =	smul.u32 $0x4E2, s3;
	s3 =	simm.s32 $0x0;
	s11 =	sshrl.u32 s8, $0x1  }
0xa: {  	s15 =	sadd.s32 $0x100, s12;
	s18 =	sadd.s32 $0x180, s12;
	[smem:$0x7FF] =	sst s3  }
0xb: {  	s8 =	ssub.s32 s8, s11;
	s11 =	sadd.s32 $0x80, s12;
	s16 =	sadd.s32 s12, s10  }
0xc: {  	s12 =	sadd.s32 $0x200, s12;
	s22 =	sadd.s32 s10, s15;
	s20 =	sadd.s32 s10, s18  }
0xd: {  	s16 =	sshll.u32 s16, $0x3;
	s17 =	sadd.s32 s10, s11;
	s20 =	sshll.u32 s20, $0x3  }
0xe: {  	s6 =	sadd.s32 s6, s9;
	s5 =	sadd.s32 s5, s9;
	s19 =	sadd.s32 s13, s16  }
0xf: {  	s17 =	sshll.u32 s17, $0x3;
	s23 =	sadd.s32 s13, s20;
	[dreg:$0x7] =	wrdreg s19  }
0x10: {  	s24 =	sadd.s32 s14, s16;
	s28 =	sadd.s32 s14, s20;
	[dreg:$0xa] =	wrdreg s23  }
0x11: {  	s21 =	sadd.s32 s13, s17;
	s19 =	sshll.u32 s22, $0x3;
	[dreg:$0xc] =	wrdreg s24  }
0x12: {  	s25 =	sadd.s32 s14, s17;
	[dreg:$0xf] =	wrdreg s28;
	s17 =	sadd.s32 $0x93C00, s4  }
0x13: {  	s23 =	sshll.u32 s18, $0x6;
	s24 =	sshll.u32 s12, $0x6;
	s18 =	simm.s32 $0x8  }
0x14: {  	[dreg:$0x8] =	wrdreg s21;
	s21 =	sadd.s32 s10, s12;
	s22 =	sadd.s32 s13, s19  }
0x15: {  	[dreg:$0xd] =	wrdreg s25;
	s26 =	sadd.s32 s14, s19;
	s10 =	sshrl.u32 s10, $0x3  }
0x16: {  	s19 =	sadd.s32 $0x92C00, s4;
	s23 =	sadd.s32 s23, s1;
	s24 =	sadd.s32 s24, s1  }
0x17: {  	s12 =	simm.s32 $0x1;
	[dreg:$0x9] =	wrdreg s22;
	s21 =	sshll.u32 s21, $0x3  }
0x18: {  	[dreg:$0xe] =	wrdreg s26;
	s16 =	sadd.s32 s10, s4;
	s13 =	sadd.s32 s13, s21  }
0x19: {  	s22 =	sshll.u32 s15, $0x6;
	s30 =	sadd.s32 s14, s21;
	[dreg:$0xb] =	wrdreg s13  }
0x1a: {  	s15 =	simm.s32 $0x5;
	s10 =	simm.s32 $0x9;
	[dreg:$0x10] =	wrdreg s30  }
0x1b: {  	s14 =	sadd.s32 s9, s4;
	_ =	strace $0x8000004A;
	[dreg:$0x11] =	wrdreg s6  }
0x1c: {  	s4 =	sadd.s32 $0x91C00, s4;
	s21 =	sshll.u32 s11, $0x6;
	[dreg:$0x12] =	wrdreg s5  }
0x1d: {  	s22 =	sadd.s32 s22, s1;
	s28 =	sadd.s32 $0x3600, s16;
	[dreg:$0x13] =	wrdreg s19  }
0x1e: {  	s9 =	simm.s32 $0x8930;
	s25 =	sadd.s32 $0x5600, s14;
	[dreg:$0x14] =	wrdreg s4  }
0x1f: {  	s11 =	simm.s32 $0xB130;
	s26 =	sadd.s32 $0xF400, s14;
	[dreg:$0x16] =	wrdreg s25  }
0x20: {  	s16 =	simm.s32 $0x7;
	s13 =	smul.u32 $0x28000, s7;
	[dreg:$0x17] =	wrdreg s26  }
0x21: {  	s30 =	smax.u32 s8, $0x1;
	s7 =	simm.s32 $0x9D30;
	[dreg:$0x18] =	wrdreg s28  }
0x22: {  	s14 =	simm.s32 $0xCC70;
	s4 =	sadd.s32 s21, s1;
	[dreg:$0x19] =	wrdreg s30  }
0x23: {  	s21 =	simm.s32 $0x2710;
	s5 =	simm.s32 $0x50;
	s25 =	simm.s32 $0x2  }
0x24: {  	s26 =	simm.s32 $0x4;
	s19 =	simm.s32 $0x0;
	s6 =	sshrl.u32 s13, $0x2  }
0x25: {  	[dreg:$0x1a] =	wrdreg s4;
	s4 =	simm.s32 $0xCCC0;
	s20 =	sadd.s32 s6, s1  }
0x26: {  	v0 =	vimm.f32 $1.000000000e+00;
	v1 =	vimm.f32 $0.0e+00;
	s13 =	simm.s32 $0x3;
	s6 =	simm.s32 $0x7530;
	[dreg:$0x15] =	wrdreg s20  }
.LBB2_1:
0x27: {  	[tilespmem:$0xCC70] =	vst v0  }
0x28: {  	[tilespmem:$0xCC80] =	vst v0  }
0x29: {  	[tilespmem:$0xCC90] =	vst v0  }
0x2a: {  	[tilespmem:$0xCCA0] =	vst v0  }
0x2b: {  	[tilespmem:$0xCCB0] =	vst v0;
	s8 =	rddreg [dreg:$0x11]  }
0x2c: {  	[tilespmem:s21], [sflag:$0xA] =	stream.linear.gather [hbm4b:s8+s3], $0x2710, $0x38;
	[tilespmem:$0x1B740] =	vst v63  }
0x2d: {  	_ =	swait.ge [sflag:s31], $0x2710  }
0x2e: {  	s20 =	simm.s32 $0x4E20;
	[sflag:s31] =	ssyncset.done $0x0  }
.Ltmp0:
0x2f: {  	s30 =	rddreg [dreg:$0x12];
	[sflag:s31] =	ssyncadd.s32 $0xFFFFD8F0;
	(pc) =	sbr.rel @p0 .LBB2_5-.Ltmp0, $4  }
0x30: {  	[tilespmem:s20], [sflag:$0xA] =	stream.linear.gather [hbm4b:s30+s3], $0x2710, $0x38;
	[tilespmem:$0x1B740] =	vst v63  }
0x31: {  	_ =	swait.ge [sflag:s31], $0x2710  }
0x32: {  	[sflag:s31] =	ssyncset.done $0x0  }
0x33: {  	[sflag:s31] =	ssyncadd.s32 $0xFFFFD8F0  }
0x34: {  	s8 =	simm.s32 $0x40;
	s28 =	simm.s32 $0x0  }
.LBB2_3:
0x35: {  	p1 =	sne.s32 s8, $0x9FC0;
	[tilespmem:s28+$0xECC0] =	vst v1;
	s28 =	smov.u32 s8;
	s8 =	sadd.s32 $0x40, s8  }
.Ltmp1:
0x36: {  	(pc) =	sbr.rel @p1 .LBB2_3-.Ltmp1, $2  }
0x37: {  	_ =	sdelay $0x2  }
0x38: {  	s28 =	sshra.s32 s28, $0x2  }
0x39: {  	[tilespmem:s28+$0xECC0] =	vst v1;
	s8 =	simm.s32 $0xECC0  }
0x3a: {  	[spmem:s0] =	stream.linear.scatter [tilespmem:s8], [sflag:$0xA], $0x2800, $0x38;
	[tilespmem:$0x1B740] =	vst v63  }
0x3b: {  	_ =	swait.ge [sflag:s31], $0x2800  }
0x3c: {  	[sflag:s31] =	ssyncset.done $0x0  }
0x3d: {  	[sflag:s31] =	ssyncadd.s32 $0xFFFFD800  }
.LBB2_5:
0x3e: {  	s28 =	simm.s32 $0x100;
	s8 =	simm.s32 $0x0  }
.LBB2_6:
0x3f: {  	p1 =	sne.s32 s28, $0x7F00;
	[tilespmem:s8+$0xCCF0] =	vst v1;
	s30 =	smov.u32 s28;
	s28 =	sadd.s32 $0x100, s28  }
.Ltmp2:
0x40: {  	[tilespmem:s8+$0xCCE0] =	vst v1;
	(pc) =	sbr.rel @p1 .LBB2_6-.Ltmp2, $3  }
0x41: {  	[tilespmem:s8+$0xCCC0] =	vst v1  }
0x42: {  	[tilespmem:s8+$0xCCD0] =	vst v1;
	_ =	sdelay $0x1  }
0x43: {  	s8 =	sshra.s32 s30, $0x2  }
0x44: {  	[tilespmem:s8+$0xCCF0] =	vst v1  }
0x45: {  	[tilespmem:s8+$0xCCE0] =	vst v1  }
0x46: {  	[tilespmem:s8+$0xCCC0] =	vst v1  }
0x47: {  	[tilespmem:s8+$0xCCD0] =	vst v1;
	s20 =	rddreg [dreg:$0x15]  }
0x48: {  	[spmem:s20] =	stream.linear.scatter [tilespmem:s4], [sflag:$0xA], $0x2000, $0x38;
	[tilespmem:$0x1B740] =	vst v63  }
0x49: {  	_ =	swait.ge [sflag:s31], $0x2000  }
0x4a: {  	[sflag:s31] =	ssyncset.done $0x0  }
0x4b: {  	s21 =	rddreg [dreg:$0x1a];
	[sflag:s31] =	ssyncadd.s32 $0xFFFFE000  }
0x4c: {  	[spmem:s21] =	stream.linear.scatter [tilespmem:s4], [sflag:$0xA], $0x2000, $0x38;
	[tilespmem:$0x1B740] =	vst v63  }
0x4d: {  	_ =	swait.ge [sflag:s31], $0x2000  }
0x4e: {  	[sflag:s31] =	ssyncset.done $0x0  }
0x4f: {  	[sflag:s31] =	ssyncadd.s32 $0xFFFFE000  }
0x50: {  	[spmem:s22] =	stream.linear.scatter [tilespmem:s4], [sflag:$0xA], $0x2000, $0x38;
	[tilespmem:$0x1B740] =	vst v63  }
0x51: {  	_ =	swait.ge [sflag:s31], $0x2000  }
0x52: {  	[sflag:s31] =	ssyncset.done $0x0  }
0x53: {  	[sflag:s31] =	ssyncadd.s32 $0xFFFFE000  }
0x54: {  	[spmem:s23] =	stream.linear.scatter [tilespmem:s4], [sflag:$0xA], $0x2000, $0x38;
	[tilespmem:$0x1B740] =	vst v63  }
0x55: {  	_ =	swait.ge [sflag:s31], $0x2000  }
0x56: {  	[sflag:s31] =	ssyncset.done $0x0  }
0x57: {  	[sflag:s31] =	ssyncadd.s32 $0xFFFFE000  }
0x58: {  	[spmem:s24] =	stream.linear.scatter [tilespmem:s4], [sflag:$0xA], $0x2000, $0x38;
	[tilespmem:$0x1B740] =	vst v63  }
0x59: {  	_ =	swait.ge [sflag:s31], $0x2000  }
0x5a: {  	[sflag:s31] =	ssyncset.done $0x0  }
0x5b: {  	s20 =	rddreg [dreg:$0x16];
	[sflag:s31] =	ssyncadd.s32 $0xFFFFE000  }
0x5c: {  	[tilespmem:s3], [sflag:$0xA] =	stream.linear.gather [hbm4b:s20+s3], $0x2710, $0x38;
	[tilespmem:$0x1B740] =	vst v63  }
0x5d: {  	_ =	swait.ge [sflag:s31], $0x2710  }
0x5e: {  	s8 =	sshrl.u32 @!p0 s2, $0x3;
	[sflag:s31] =	ssyncset.done $0x0  }
0x5f: {  	s28 =	simm.s32 @!p0 $0x1C0A;
	s20 =	rddreg [dreg:$0x13];
	[sflag:s31] =	ssyncadd.s32 $0xFFFFD8F0  }
0x60: {  	[spmem:s8], [sflag:s28] =	dma.local @!p0 [hbm:s20], $0xE80  }
0x61: {  	s28 =	simm.s32 @!p0 $0xA  }
0x62: {  	_ =	swait.ge @!p0 [sflag:s28], $0xE80  }
0x63: {  	[sflag:s28] =	ssyncset.done @!p0 $0x0  }
0x64: {  	[sflag:s28] =	ssyncadd.s32 @!p0 $0xFFFFF180  }
0x65: {  	s28 =	simm.s32 $0x0;
	[bflag:$0x0] =	sbarrier.arrive $0xFFFF  }
0x66: {  	[tilespmem:s6], [sflag:$0x1] =	stream.indirect.gather [hbm4b:s17+s5], $0x40, s28, s5, $0xb8;
	[tilespmem:$0x1B740] =	vst v63  }
0x67: {  	s21 =	simm.s32 $0x4E20  }
0x68: {  	[tilespmem:s7], [sflag:$0x3] =	stream.indirect.gather [spmem:s2], $0x40, s21, s5, $0xb8;
	[tilespmem:$0x1B740] =	vst v63  }
0x69: {  	_ = 	snop  }
0x6a: {  	[tilespmem:s9], [sflag:$0x2] =	stream.indirect.gather [hbm4b:s17+s5], $0x40, s5, s5, $0xb8;
	[tilespmem:$0x1B740] =	vst v63  }
0x6b: {  	s21 =	simm.s32 $0x4E70  }
0x6c: {  	[tilespmem:s11], [sflag:$0x4] =	stream.indirect.gather [spmem:s2], $0x40, s21, s5, $0xb8;
	[tilespmem:$0x1B740] =	vst v63  }
0x6d: {  	_ =	swait.ge [sflag:s12], $0x1400  }
0x6e: {  	[sflag:s12] =	ssyncset.done $0x0  }
0x6f: {  	[sflag:s12] =	ssyncadd.s32 $0xFFFFEC00  }
0x70: {  	_ =	swait.ge [sflag:s13], $0x1400  }
0x71: {  	[sflag:s13] =	ssyncset.done $0x0  }
0x72: {  	s21 =	simm.s32 $0x2710;
	[sflag:s13] =	ssyncadd.s32 $0xFFFFEC00  }
0x73: {  	[spmem:s1] =	stream.indirect.scatter.add.f32 [tilespmem:s6], [sflag:$0x5], $0x40, s21, s5, $0xb8;
	[tilespmem:$0x1B740] =	vst v63  }
0x74: {  	_ = 	snop  }
0x75: {  	[spmem:s1] =	stream.indirect.scatter.add.f32 [tilespmem:s7], [sflag:$0x7], $0x40, s21, s5, $0xb8;
	[tilespmem:$0x1B740] =	vst v63  }
0x76: {  	_ = 	snop  }
0x77: {  	[spmem:s0] =	stream.indirect.scatter.add.f32 [tilespmem:s14], [sflag:$0x9], $0x1, s21, s5, $0xb8;
	[tilespmem:$0x1B740] =	vst v63  }
0x78: {  	_ =	swait.ge [sflag:s15], $0x1400  }
0x79: {  	[sflag:s15] =	ssyncset.done $0x0  }
0x7a: {  	[sflag:s15] =	ssyncadd.s32 $0xFFFFEC00  }
0x7b: {  	_ =	swait.ge [sflag:s16], $0x1400  }
0x7c: {  	[sflag:s16] =	ssyncset.done $0x0  }
0x7d: {  	s21 =	simm.s32 $0xA0;
	[sflag:s16] =	ssyncadd.s32 $0xFFFFEC00  }
0x7e: {  	[tilespmem:s6], [sflag:$0x1] =	stream.indirect.gather [hbm4b:s17+s5], $0x40, s21, s5, $0xb8;
	[tilespmem:$0x1B740] =	vst v63  }
0x7f: {  	s21 =	simm.s32 $0x4EC0  }
0x80: {  	[tilespmem:s7], [sflag:$0x3] =	stream.indirect.gather [spmem:s2], $0x40, s21, s5, $0xb8;
	[tilespmem:$0x1B740] =	vst v63  }
0x81: {  	_ =	swait.ge [sflag:s25], $0x1400  }
0x82: {  	[sflag:s25] =	ssyncset.done $0x0  }
0x83: {  	[sflag:s25] =	ssyncadd.s32 $0xFFFFEC00  }
0x84: {  	_ =	swait.ge [sflag:s26], $0x1400  }
0x85: {  	[sflag:s26] =	ssyncset.done $0x0  }
0x86: {  	s21 =	simm.s32 $0x2760;
	[sflag:s26] =	ssyncadd.s32 $0xFFFFEC00  }
0x87: {  	[spmem:s1] =	stream.indirect.scatter.add.f32 [tilespmem:s9], [sflag:$0x6], $0x40, s21, s5, $0xb8;
	[tilespmem:$0x1B740] =	vst v63  }
0x88: {  	_ = 	snop  }
0x89: {  	[spmem:s1] =	stream.indirect.scatter.add.f32 [tilespmem:s11], [sflag:$0x8], $0x40, s21, s5, $0xb8;
	[tilespmem:$0x1B740] =	vst v63  }
0x8a: {  	_ =	swait.ge [sflag:s10], $0x50  }
0x8b: {  	[sflag:s10] =	ssyncset.done $0x0  }
0x8c: {  	[sflag:s10] =	ssyncadd.s32 $0xFFFFFFB0  }
0x8d: {  	[spmem:s0] =	stream.indirect.scatter.add.f32 [tilespmem:s14], [sflag:$0x9], $0x1, s21, s5, $0xb8;
	[tilespmem:$0x1B740] =	vst v63  }
0x8e: {  	_ =	swait.ge [sflag:s29], $0x1400  }
0x8f: {  	[sflag:s29] =	ssyncset.done $0x0  }
0x90: {  	[sflag:s29] =	ssyncadd.s32 $0xFFFFEC00  }
0x91: {  	_ =	swait.ge [sflag:s18], $0x1400  }
0x92: {  	[sflag:s18] =	ssyncset.done $0x0  }
0x93: {  	s28 =	simm.s32 $0xF0;
	[sflag:s18] =	ssyncadd.s32 $0xFFFFEC00  }
0x94: {  	[tilespmem:s9], [sflag:$0x2] =	stream.indirect.gather [hbm4b:s17+s5], $0x40, s28, s5, $0xb8;
	[tilespmem:$0x1B740] =	vst v63  }
0x95: {  	s28 =	simm.s32 $0x4F10  }
0x96: {  	[tilespmem:s11], [sflag:$0x4] =	stream.indirect.gather [spmem:s2], $0x40, s28, s5, $0xb8;
	[tilespmem:$0x1B740] =	vst v63  }
0x97: {  	_ =	swait.ge [sflag:s12], $0x1400  }
0x98: {  	[sflag:s12] =	ssyncset.done $0x0  }
0x99: {  	[sflag:s12] =	ssyncadd.s32 $0xFFFFEC00  }
0x9a: {  	_ =	swait.ge [sflag:s13], $0x1400  }
0x9b: {  	[sflag:s13] =	ssyncset.done $0x0  }
0x9c: {  	s28 =	simm.s32 $0x27B0;
	[sflag:s13] =	ssyncadd.s32 $0xFFFFEC00  }
0x9d: {  	[spmem:s1] =	stream.indirect.scatter.add.f32 [tilespmem:s6], [sflag:$0x5], $0x40, s28, s5, $0xb8;
	[tilespmem:$0x1B740] =	vst v63  }
0x9e: {  	_ = 	snop  }
0x9f: {  	[spmem:s1] =	stream.indirect.scatter.add.f32 [tilespmem:s7], [sflag:$0x7], $0x40, s28, s5, $0xb8;
	[tilespmem:$0x1B740] =	vst v63  }
0xa0: {  	_ =	swait.ge [sflag:s10], $0x50  }
0xa1: {  	[sflag:s10] =	ssyncset.done $0x0  }
0xa2: {  	[sflag:s10] =	ssyncadd.s32 $0xFFFFFFB0  }
0xa3: {  	[spmem:s0] =	stream.indirect.scatter.add.f32 [tilespmem:s14], [sflag:$0x9], $0x1, s28, s5, $0xb8;
	[tilespmem:$0x1B740] =	vst v63  }
0xa4: {  	_ =	swait.ge [sflag:s15], $0x1400  }
0xa5: {  	[sflag:s15] =	ssyncset.done $0x0  }
0xa6: {  	[sflag:s15] =	ssyncadd.s32 $0xFFFFEC00  }
0xa7: {  	_ =	swait.ge [sflag:s16], $0x1400  }
0xa8: {  	[sflag:s16] =	ssyncset.done $0x0  }
0xa9: {  	s28 =	simm.s32 $0x140;
	[sflag:s16] =	ssyncadd.s32 $0xFFFFEC00  }
0xaa: {  	[tilespmem:s6], [sflag:$0x1] =	stream.indirect.gather [hbm4b:s17+s5], $0x40, s28, s5, $0xb8;
	[tilespmem:$0x1B740] =	vst v63  }
0xab: {  	s28 =	simm.s32 $0x4F60  }
0xac: {  	[tilespmem:s7], [sflag:$0x3] =	stream.indirect.gather [spmem:s2], $0x40, s28, s5, $0xb8;
	[tilespmem:$0x1B740] =	vst v63  }
0xad: {  	_ =	swait.ge [sflag:s25], $0x1400  }
0xae: {  	[sflag:s25] =	ssyncset.done $0x0  }
0xaf: {  	[sflag:s25] =	ssyncadd.s32 $0xFFFFEC00  }
0xb0: {  	_ =	swait.ge [sflag:s26], $0x1400  }
0xb1: {  	[sflag:s26] =	ssyncset.done $0x0  }
0xb2: {  	s30 =	simm.s32 $0x2800;
	[sflag:s26] =	ssyncadd.s32 $0xFFFFEC00  }
0xb3: {  	[spmem:s1] =	stream.indirect.scatter.add.f32 [tilespmem:s9], [sflag:$0x6], $0x40, s30, s5, $0xb8;
	[tilespmem:$0x1B740] =	vst v63  }
0xb4: {  	_ = 	snop  }
0xb5: {  	[spmem:s1] =	stream.indirect.scatter.add.f32 [tilespmem:s11], [sflag:$0x8], $0x40, s30, s5, $0xb8;
	[tilespmem:$0x1B740] =	vst v63  }
0xb6: {  	_ =	swait.ge [sflag:s10], $0x50  }
0xb7: {  	[sflag:s10] =	ssyncset.done $0x0  }
0xb8: {  	s28 =	simm.s32 $0x280;
	[sflag:s10] =	ssyncadd.s32 $0xFFFFFFB0  }
.LBB2_8:
0xb9: {  	[spmem:s0] =	stream.indirect.scatter.add.f32 [tilespmem:s14], [sflag:$0x9], $0x1, s30, s5, $0xb8;
	[tilespmem:$0x1B740] =	vst v63  }
0xba: {  	s30 =	smov.u32 s28;
	s28 =	sadd.s32 $0x280, s28;
	_ =	swait.ge [sflag:s29], $0x1400  }
0xbb: {  	p1 =	sne.s32 s28, $0x9880;
	[sflag:s29] =	ssyncset.done $0x0  }
0xbc: {  	[sflag:s29] =	ssyncadd.s32 $0xFFFFEC00  }
0xbd: {  	_ =	swait.ge [sflag:s18], $0x1400  }
0xbe: {  	s30 =	sshra.s32 s30, $0x2;
	[sflag:s18] =	ssyncset.done $0x0  }
0xbf: {  	s20 =	sadd.s32 $0xF0, s30;
	[sflag:s18] =	ssyncadd.s32 $0xFFFFEC00  }
0xc0: {  	[tilespmem:s9], [sflag:$0x2] =	stream.indirect.gather [hbm4b:s17+s5], $0x40, s20, s5, $0xb8;
	[tilespmem:$0x1B740] =	vst v63  }
0xc1: {  	s20 =	sadd.s32 $0x4F10, s30  }
0xc2: {  	[tilespmem:s11], [sflag:$0x4] =	stream.indirect.gather [spmem:s2], $0x40, s20, s5, $0xb8;
	[tilespmem:$0x1B740] =	vst v63  }
0xc3: {  	_ =	swait.ge [sflag:s12], $0x1400  }
0xc4: {  	[sflag:s12] =	ssyncset.done $0x0  }
0xc5: {  	[sflag:s12] =	ssyncadd.s32 $0xFFFFEC00  }
0xc6: {  	_ =	swait.ge [sflag:s13], $0x1400  }
0xc7: {  	[sflag:s13] =	ssyncset.done $0x0  }
0xc8: {  	s20 =	sadd.s32 $0x27B0, s30;
	[sflag:s13] =	ssyncadd.s32 $0xFFFFEC00  }
0xc9: {  	[spmem:s1] =	stream.indirect.scatter.add.f32 [tilespmem:s6], [sflag:$0x5], $0x40, s20, s5, $0xb8;
	[tilespmem:$0x1B740] =	vst v63  }
0xca: {  	_ = 	snop  }
0xcb: {  	[spmem:s1] =	stream.indirect.scatter.add.f32 [tilespmem:s7], [sflag:$0x7], $0x40, s20, s5, $0xb8;
	[tilespmem:$0x1B740] =	vst v63  }
0xcc: {  	_ =	swait.ge [sflag:s10], $0x50  }
0xcd: {  	[sflag:s10] =	ssyncset.done $0x0  }
0xce: {  	[sflag:s10] =	ssyncadd.s32 $0xFFFFFFB0  }
0xcf: {  	[spmem:s0] =	stream.indirect.scatter.add.f32 [tilespmem:s14], [sflag:$0x9], $0x1, s20, s5, $0xb8;
	[tilespmem:$0x1B740] =	vst v63  }
0xd0: {  	_ =	swait.ge [sflag:s15], $0x1400  }
0xd1: {  	[sflag:s15] =	ssyncset.done $0x0  }
0xd2: {  	[sflag:s15] =	ssyncadd.s32 $0xFFFFEC00  }
0xd3: {  	_ =	swait.ge [sflag:s16], $0x1400  }
0xd4: {  	[sflag:s16] =	ssyncset.done $0x0  }
0xd5: {  	s20 =	sadd.s32 $0x140, s30;
	[sflag:s16] =	ssyncadd.s32 $0xFFFFEC00  }
0xd6: {  	[tilespmem:s6], [sflag:$0x1] =	stream.indirect.gather [hbm4b:s17+s5], $0x40, s20, s5, $0xb8;
	[tilespmem:$0x1B740] =	vst v63  }
0xd7: {  	s20 =	sadd.s32 $0x4F60, s30  }
0xd8: {  	[tilespmem:s7], [sflag:$0x3] =	stream.indirect.gather [spmem:s2], $0x40, s20, s5, $0xb8;
	[tilespmem:$0x1B740] =	vst v63  }
0xd9: {  	_ =	swait.ge [sflag:s25], $0x1400  }
0xda: {  	[sflag:s25] =	ssyncset.done $0x0  }
0xdb: {  	[sflag:s25] =	ssyncadd.s32 $0xFFFFEC00  }
0xdc: {  	_ =	swait.ge [sflag:s26], $0x1400  }
0xdd: {  	[sflag:s26] =	ssyncset.done $0x0  }
0xde: {  	s30 =	sadd.s32 $0x2800, s30;
	[sflag:s26] =	ssyncadd.s32 $0xFFFFEC00  }
0xdf: {  	[spmem:s1] =	stream.indirect.scatter.add.f32 [tilespmem:s9], [sflag:$0x6], $0x40, s30, s5, $0xb8;
	[tilespmem:$0x1B740] =	vst v63  }
.Ltmp3:
0xe0: {  	(pc) =	sbr.rel @p1 .LBB2_8-.Ltmp3, $4  }
0xe1: {  	[spmem:s1] =	stream.indirect.scatter.add.f32 [tilespmem:s11], [sflag:$0x8], $0x40, s30, s5, $0xb8;
	[tilespmem:$0x1B740] =	vst v63  }
0xe2: {  	_ =	swait.ge [sflag:s10], $0x50  }
0xe3: {  	[sflag:s10] =	ssyncset.done $0x0  }
0xe4: {  	[sflag:s10] =	ssyncadd.s32 $0xFFFFFFB0  }
0xe5: {  	[spmem:s0] =	stream.indirect.scatter.add.f32 [tilespmem:s14], [sflag:$0x9], $0x1, s30, s5, $0xb8;
	[tilespmem:$0x1B740] =	vst v63  }
0xe6: {  	_ =	swait.ge [sflag:s12], $0x1400  }
0xe7: {  	[sflag:s12] =	ssyncset.done $0x0  }
0xe8: {  	[sflag:s12] =	ssyncadd.s32 $0xFFFFEC00  }
0xe9: {  	_ =	swait.ge [sflag:s13], $0x1400  }
0xea: {  	s20 =	sshra.s32 s28, $0x2;
	[sflag:s13] =	ssyncset.done $0x0  }
0xeb: {  	s20 =	sadd.s32 $0x27B0, s20;
	[sflag:s13] =	ssyncadd.s32 $0xFFFFEC00  }
0xec: {  	[spmem:s1] =	stream.indirect.scatter.add.f32 [tilespmem:s6], [sflag:$0x5], $0x40, s20, s5, $0xb8;
	[tilespmem:$0x1B740] =	vst v63  }
0xed: {  	_ = 	snop  }
0xee: {  	[spmem:s1] =	stream.indirect.scatter.add.f32 [tilespmem:s7], [sflag:$0x7], $0x40, s20, s5, $0xb8;
	[tilespmem:$0x1B740] =	vst v63  }
0xef: {  	_ =	swait.ge [sflag:s10], $0x50  }
0xf0: {  	[sflag:s10] =	ssyncset.done $0x0  }
0xf1: {  	[sflag:s10] =	ssyncadd.s32 $0xFFFFFFB0  }
0xf2: {  	[spmem:s0] =	stream.indirect.scatter.add.f32 [tilespmem:s14], [sflag:$0x9], $0x1, s20, s5, $0xb8;
	[tilespmem:$0x1B740] =	vst v63  }
0xf3: {  	_ =	swait.ge [sflag:s29], $0x1400  }
0xf4: {  	[sflag:s29] =	ssyncset.done $0x0  }
0xf5: {  	[sflag:s29] =	ssyncadd.s32 $0xFFFFEC00  }
0xf6: {  	_ =	swait.ge [sflag:s18], $0x1400  }
0xf7: {  	[sflag:s18] =	ssyncset.done $0x0  }
0xf8: {  	[sflag:s18] =	ssyncadd.s32 $0xFFFFEC00  }
0xf9: {  	_ =	swait.ge [sflag:s15], $0x1400  }
0xfa: {  	[sflag:s15] =	ssyncset.done $0x0  }
0xfb: {  	[sflag:s15] =	ssyncadd.s32 $0xFFFFEC00  }
0xfc: {  	_ =	swait.ge [sflag:s16], $0x1400  }
0xfd: {  	[sflag:s16] =	ssyncset.done $0x0  }
0xfe: {  	[sflag:s16] =	ssyncadd.s32 $0xFFFFEC00  }
0xff: {  	_ =	swait.ge [sflag:s10], $0x50  }
0x100: {  	[sflag:s10] =	ssyncset.done $0x0  }
0x101: {  	[sflag:s10] =	ssyncadd.s32 $0xFFFFFFB0  }
0x102: {  	[bflag:$0x0] =	sbarrier.arrive $0xFFFF  }
0x103: {  	s21 =	rddreg [dreg:$0x15]  }
0x104: {  	[tilespmem:s4], [sflag:$0xA] =	stream.linear.gather [spmem:s21], $0x2000, $0x38;
	[tilespmem:$0x1B740] =	vst v63  }
0x105: {  	_ =	swait.ge [sflag:s31], $0x2000  }
0x106: {  	[sflag:s31] =	ssyncset.done $0x0  }
0x107: {  	s20 =	simm.s32 $0x0;
	s28 =	rddreg [dreg:$0x7];
	[sflag:s31] =	ssyncadd.s32 $0xFFFFE000  }
0x108: {  	[hbm4b:s28+s20] =	stream.linear.scatter [tilespmem:s4], [sflag:$0xA], $0x2000, $0x38;
	[tilespmem:$0x1B740] =	vst v63  }
0x109: {  	_ =	swait.ge [sflag:s31], $0x2000  }
0x10a: {  	[sflag:s31] =	ssyncset.done $0x0  }
0x10b: {  	s21 =	rddreg [dreg:$0x1a];
	[sflag:s31] =	ssyncadd.s32 $0xFFFFE000  }
0x10c: {  	[tilespmem:s4], [sflag:$0xA] =	stream.linear.gather [spmem:s21], $0x2000, $0x38;
	[tilespmem:$0x1B740] =	vst v63  }
0x10d: {  	_ =	swait.ge [sflag:s31], $0x2000  }
0x10e: {  	[sflag:s31] =	ssyncset.done $0x0  }
0x10f: {  	s28 =	rddreg [dreg:$0x8];
	[sflag:s31] =	ssyncadd.s32 $0xFFFFE000  }
0x110: {  	[hbm4b:s28+s20] =	stream.linear.scatter [tilespmem:s4], [sflag:$0xA], $0x2000, $0x38;
	[tilespmem:$0x1B740] =	vst v63  }
0x111: {  	_ =	swait.ge [sflag:s31], $0x2000  }
0x112: {  	[sflag:s31] =	ssyncset.done $0x0  }
0x113: {  	[sflag:s31] =	ssyncadd.s32 $0xFFFFE000  }
0x114: {  	[tilespmem:s4], [sflag:$0xA] =	stream.linear.gather [spmem:s22], $0x2000, $0x38;
	[tilespmem:$0x1B740] =	vst v63  }
0x115: {  	_ =	swait.ge [sflag:s31], $0x2000  }
0x116: {  	[sflag:s31] =	ssyncset.done $0x0  }
0x117: {  	s28 =	rddreg [dreg:$0x9];
	[sflag:s31] =	ssyncadd.s32 $0xFFFFE000  }
0x118: {  	[hbm4b:s28+s20] =	stream.linear.scatter [tilespmem:s4], [sflag:$0xA], $0x2000, $0x38;
	[tilespmem:$0x1B740] =	vst v63  }
0x119: {  	_ =	swait.ge [sflag:s31], $0x2000  }
0x11a: {  	[sflag:s31] =	ssyncset.done $0x0  }
0x11b: {  	[sflag:s31] =	ssyncadd.s32 $0xFFFFE000  }
0x11c: {  	[tilespmem:s4], [sflag:$0xA] =	stream.linear.gather [spmem:s23], $0x2000, $0x38;
	[tilespmem:$0x1B740] =	vst v63  }
0x11d: {  	_ =	swait.ge [sflag:s31], $0x2000  }
0x11e: {  	[sflag:s31] =	ssyncset.done $0x0  }
0x11f: {  	s28 =	rddreg [dreg:$0xa];
	[sflag:s31] =	ssyncadd.s32 $0xFFFFE000  }
0x120: {  	[hbm4b:s28+s20] =	stream.linear.scatter [tilespmem:s4], [sflag:$0xA], $0x2000, $0x38;
	[tilespmem:$0x1B740] =	vst v63  }
0x121: {  	_ =	swait.ge [sflag:s31], $0x2000  }
0x122: {  	[sflag:s31] =	ssyncset.done $0x0  }
0x123: {  	[sflag:s31] =	ssyncadd.s32 $0xFFFFE000  }
0x124: {  	[tilespmem:s4], [sflag:$0xA] =	stream.linear.gather [spmem:s24], $0x2000, $0x38;
	[tilespmem:$0x1B740] =	vst v63  }
0x125: {  	_ =	swait.ge [sflag:s31], $0x2000  }
0x126: {  	[sflag:s31] =	ssyncset.done $0x0  }
0x127: {  	s28 =	rddreg [dreg:$0xb];
	[sflag:s31] =	ssyncadd.s32 $0xFFFFE000  }
0x128: {  	[hbm4b:s28+s20] =	stream.linear.scatter [tilespmem:s4], [sflag:$0xA], $0x2000, $0x38;
	[tilespmem:$0x1B740] =	vst v63  }
0x129: {  	_ =	swait.ge [sflag:s31], $0x2000  }
0x12a: {  	[sflag:s31] =	ssyncset.done $0x0  }
0x12b: {  	[sflag:s31] =	ssyncadd.s32 $0xFFFFE000  }
0x12c: {  	s30 =	simm.s32 $0x100;
	s28 =	simm.s32 $0x0;
	[bflag:$0x0] =	sbarrier.arrive $0xFFFF  }
.LBB2_10:
0x12d: {  	p1 =	sne.s32 s30, $0x7F00;
	[tilespmem:s28+$0xCCF0] =	vst v1;
	s20 =	smov.u32 s30;
	s30 =	sadd.s32 $0x100, s30  }
.Ltmp4:
0x12e: {  	[tilespmem:s28+$0xCCE0] =	vst v1;
	(pc) =	sbr.rel @p1 .LBB2_10-.Ltmp4, $3  }
0x12f: {  	[tilespmem:s28+$0xCCC0] =	vst v1  }
0x130: {  	[tilespmem:s28+$0xCCD0] =	vst v1;
	_ =	sdelay $0x1  }
0x131: {  	s28 =	sshra.s32 s20, $0x2  }
0x132: {  	[tilespmem:s28+$0xCCF0] =	vst v1  }
0x133: {  	[tilespmem:s28+$0xCCE0] =	vst v1  }
0x134: {  	[tilespmem:s28+$0xCCC0] =	vst v1  }
0x135: {  	[tilespmem:s28+$0xCCD0] =	vst v1;
	s20 =	rddreg [dreg:$0x15]  }
0x136: {  	[spmem:s20] =	stream.linear.scatter [tilespmem:s4], [sflag:$0xA], $0x2000, $0x38;
	[tilespmem:$0x1B740] =	vst v63  }
0x137: {  	_ =	swait.ge [sflag:s31], $0x2000  }
0x138: {  	[sflag:s31] =	ssyncset.done $0x0  }
0x139: {  	s30 =	rddreg [dreg:$0x1a];
	[sflag:s31] =	ssyncadd.s32 $0xFFFFE000  }
0x13a: {  	[spmem:s30] =	stream.linear.scatter [tilespmem:s4], [sflag:$0xA], $0x2000, $0x38;
	[tilespmem:$0x1B740] =	vst v63  }
0x13b: {  	_ =	swait.ge [sflag:s31], $0x2000  }
0x13c: {  	[sflag:s31] =	ssyncset.done $0x0  }
0x13d: {  	[sflag:s31] =	ssyncadd.s32 $0xFFFFE000  }
0x13e: {  	[spmem:s22] =	stream.linear.scatter [tilespmem:s4], [sflag:$0xA], $0x2000, $0x38;
	[tilespmem:$0x1B740] =	vst v63  }
0x13f: {  	_ =	swait.ge [sflag:s31], $0x2000  }
0x140: {  	[sflag:s31] =	ssyncset.done $0x0  }
0x141: {  	[sflag:s31] =	ssyncadd.s32 $0xFFFFE000  }
0x142: {  	[spmem:s23] =	stream.linear.scatter [tilespmem:s4], [sflag:$0xA], $0x2000, $0x38;
	[tilespmem:$0x1B740] =	vst v63  }
0x143: {  	_ =	swait.ge [sflag:s31], $0x2000  }
0x144: {  	[sflag:s31] =	ssyncset.done $0x0  }
0x145: {  	[sflag:s31] =	ssyncadd.s32 $0xFFFFE000  }
0x146: {  	[spmem:s24] =	stream.linear.scatter [tilespmem:s4], [sflag:$0xA], $0x2000, $0x38;
	[tilespmem:$0x1B740] =	vst v63  }
0x147: {  	_ =	swait.ge [sflag:s31], $0x2000  }
0x148: {  	[sflag:s31] =	ssyncset.done $0x0  }
0x149: {  	s21 =	rddreg [dreg:$0x17];
	[sflag:s31] =	ssyncadd.s32 $0xFFFFE000  }
0x14a: {  	[tilespmem:s3], [sflag:$0xA] =	stream.linear.gather [hbm4b:s21+s3], $0x2710, $0x38;
	[tilespmem:$0x1B740] =	vst v63  }
0x14b: {  	_ =	swait.ge [sflag:s31], $0x2710  }
0x14c: {  	[sflag:s31] =	ssyncset.done $0x0  }
0x14d: {  	s20 =	simm.s32 @!p0 $0x1C0A;
	s28 =	rddreg [dreg:$0x14];
	[sflag:s31] =	ssyncadd.s32 $0xFFFFD8F0  }
0x14e: {  	[spmem:s8], [sflag:s20] =	dma.local @!p0 [hbm:s28], $0xE80  }
0x14f: {  	s8 =	simm.s32 @!p0 $0xA  }
0x150: {  	_ =	swait.ge @!p0 [sflag:s8], $0xE80  }
0x151: {  	[sflag:s8] =	ssyncset.done @!p0 $0x0  }
0x152: {  	[sflag:s8] =	ssyncadd.s32 @!p0 $0xFFFFF180  }
0x153: {  	s30 =	simm.s32 $0x0;
	[bflag:$0x0] =	sbarrier.arrive $0xFFFF  }
0x154: {  	[tilespmem:s6], [sflag:$0x1] =	stream.indirect.gather [hbm4b:s17+s5], $0x40, s30, s5, $0xb8;
	[tilespmem:$0x1B740] =	vst v63  }
0x155: {  	s20 =	simm.s32 $0x4E20  }
0x156: {  	[tilespmem:s7], [sflag:$0x3] =	stream.indirect.gather [spmem:s2], $0x40, s20, s5, $0xb8;
	[tilespmem:$0x1B740] =	vst v63  }
0x157: {  	_ = 	snop  }
0x158: {  	[tilespmem:s9], [sflag:$0x2] =	stream.indirect.gather [hbm4b:s17+s5], $0x40, s5, s5, $0xb8;
	[tilespmem:$0x1B740] =	vst v63  }
0x159: {  	s21 =	simm.s32 $0x4E70  }
0x15a: {  	[tilespmem:s11], [sflag:$0x4] =	stream.indirect.gather [spmem:s2], $0x40, s21, s5, $0xb8;
	[tilespmem:$0x1B740] =	vst v63  }
0x15b: {  	_ =	swait.ge [sflag:s12], $0x1400  }
0x15c: {  	[sflag:s12] =	ssyncset.done $0x0  }
0x15d: {  	[sflag:s12] =	ssyncadd.s32 $0xFFFFEC00  }
0x15e: {  	_ =	swait.ge [sflag:s13], $0x1400  }
0x15f: {  	[sflag:s13] =	ssyncset.done $0x0  }
0x160: {  	s30 =	simm.s32 $0x2710;
	[sflag:s13] =	ssyncadd.s32 $0xFFFFEC00  }
0x161: {  	[spmem:s1] =	stream.indirect.scatter.add.f32 [tilespmem:s6], [sflag:$0x5], $0x40, s30, s5, $0xb8;
	[tilespmem:$0x1B740] =	vst v63  }
0x162: {  	_ = 	snop  }
0x163: {  	[spmem:s1] =	stream.indirect.scatter.add.f32 [tilespmem:s7], [sflag:$0x7], $0x40, s30, s5, $0xb8;
	[tilespmem:$0x1B740] =	vst v63  }
0x164: {  	_ =	swait.ge [sflag:s15], $0x1400  }
0x165: {  	[sflag:s15] =	ssyncset.done $0x0  }
0x166: {  	[sflag:s15] =	ssyncadd.s32 $0xFFFFEC00  }
0x167: {  	_ =	swait.ge [sflag:s16], $0x1400  }
0x168: {  	[sflag:s16] =	ssyncset.done $0x0  }
0x169: {  	s20 =	simm.s32 $0xA0;
	[sflag:s16] =	ssyncadd.s32 $0xFFFFEC00  }
0x16a: {  	[tilespmem:s6], [sflag:$0x1] =	stream.indirect.gather [hbm4b:s17+s5], $0x40, s20, s5, $0xb8;
	[tilespmem:$0x1B740] =	vst v63  }
0x16b: {  	s30 =	simm.s32 $0x4EC0  }
0x16c: {  	[tilespmem:s7], [sflag:$0x3] =	stream.indirect.gather [spmem:s2], $0x40, s30, s5, $0xb8;
	[tilespmem:$0x1B740] =	vst v63  }
0x16d: {  	_ =	swait.ge [sflag:s25], $0x1400  }
0x16e: {  	[sflag:s25] =	ssyncset.done $0x0  }
0x16f: {  	[sflag:s25] =	ssyncadd.s32 $0xFFFFEC00  }
0x170: {  	_ =	swait.ge [sflag:s26], $0x1400  }
0x171: {  	[sflag:s26] =	ssyncset.done $0x0  }
0x172: {  	s20 =	simm.s32 $0x2760;
	[sflag:s26] =	ssyncadd.s32 $0xFFFFEC00  }
0x173: {  	[spmem:s1] =	stream.indirect.scatter.add.f32 [tilespmem:s9], [sflag:$0x6], $0x40, s20, s5, $0xb8;
	[tilespmem:$0x1B740] =	vst v63  }
0x174: {  	_ = 	snop  }
0x175: {  	[spmem:s1] =	stream.indirect.scatter.add.f32 [tilespmem:s11], [sflag:$0x8], $0x40, s20, s5, $0xb8;
	[tilespmem:$0x1B740] =	vst v63  }
0x176: {  	_ =	swait.ge [sflag:s29], $0x1400  }
0x177: {  	[sflag:s29] =	ssyncset.done $0x0  }
0x178: {  	[sflag:s29] =	ssyncadd.s32 $0xFFFFEC00  }
0x179: {  	_ =	swait.ge [sflag:s18], $0x1400  }
0x17a: {  	[sflag:s18] =	ssyncset.done $0x0  }
0x17b: {  	s30 =	simm.s32 $0xF0;
	[sflag:s18] =	ssyncadd.s32 $0xFFFFEC00  }
0x17c: {  	[tilespmem:s9], [sflag:$0x2] =	stream.indirect.gather [hbm4b:s17+s5], $0x40, s30, s5, $0xb8;
	[tilespmem:$0x1B740] =	vst v63  }
0x17d: {  	s20 =	simm.s32 $0x4F10  }
0x17e: {  	[tilespmem:s11], [sflag:$0x4] =	stream.indirect.gather [spmem:s2], $0x40, s20, s5, $0xb8;
	[tilespmem:$0x1B740] =	vst v63  }
0x17f: {  	_ =	swait.ge [sflag:s12], $0x1400  }
0x180: {  	[sflag:s12] =	ssyncset.done $0x0  }
0x181: {  	[sflag:s12] =	ssyncadd.s32 $0xFFFFEC00  }
0x182: {  	_ =	swait.ge [sflag:s13], $0x1400  }
0x183: {  	[sflag:s13] =	ssyncset.done $0x0  }
0x184: {  	s30 =	simm.s32 $0x27B0;
	[sflag:s13] =	ssyncadd.s32 $0xFFFFEC00  }
0x185: {  	[spmem:s1] =	stream.indirect.scatter.add.f32 [tilespmem:s6], [sflag:$0x5], $0x40, s30, s5, $0xb8;
	[tilespmem:$0x1B740] =	vst v63  }
0x186: {  	_ = 	snop  }
0x187: {  	[spmem:s1] =	stream.indirect.scatter.add.f32 [tilespmem:s7], [sflag:$0x7], $0x40, s30, s5, $0xb8;
	[tilespmem:$0x1B740] =	vst v63  }
0x188: {  	_ =	swait.ge [sflag:s15], $0x1400  }
0x189: {  	[sflag:s15] =	ssyncset.done $0x0  }
0x18a: {  	[sflag:s15] =	ssyncadd.s32 $0xFFFFEC00  }
0x18b: {  	_ =	swait.ge [sflag:s16], $0x1400  }
0x18c: {  	[sflag:s16] =	ssyncset.done $0x0  }
0x18d: {  	s20 =	simm.s32 $0x140;
	[sflag:s16] =	ssyncadd.s32 $0xFFFFEC00  }
0x18e: {  	[tilespmem:s6], [sflag:$0x1] =	stream.indirect.gather [hbm4b:s17+s5], $0x40, s20, s5, $0xb8;
	[tilespmem:$0x1B740] =	vst v63  }
0x18f: {  	s30 =	simm.s32 $0x4F60  }
0x190: {  	[tilespmem:s7], [sflag:$0x3] =	stream.indirect.gather [spmem:s2], $0x40, s30, s5, $0xb8;
	[tilespmem:$0x1B740] =	vst v63  }
0x191: {  	_ =	swait.ge [sflag:s25], $0x1400  }
0x192: {  	[sflag:s25] =	ssyncset.done $0x0  }
0x193: {  	[sflag:s25] =	ssyncadd.s32 $0xFFFFEC00  }
0x194: {  	_ =	swait.ge [sflag:s26], $0x1400  }
0x195: {  	s28 =	simm.s32 $0x2800;
	[sflag:s26] =	ssyncset.done $0x0  }
0x196: {  	s8 =	simm.s32 $0x280;
	s21 =	simm.s32 $0x2710;
	[sflag:s26] =	ssyncadd.s32 $0xFFFFEC00  }
0x197: {  	[spmem:s1] =	stream.indirect.scatter.add.f32 [tilespmem:s9], [sflag:$0x6], $0x40, s28, s5, $0xb8;
	[tilespmem:$0x1B740] =	vst v63  }
.LBB2_12:
0x198: {  	[spmem:s1] =	stream.indirect.scatter.add.f32 [tilespmem:s11], [sflag:$0x8], $0x40, s28, s5, $0xb8;
	[tilespmem:$0x1B740] =	vst v63  }
0x199: {  	s20 =	smov.u32 s8;
	s8 =	sadd.s32 $0x280, s8;
	_ =	swait.ge [sflag:s29], $0x1400  }
0x19a: {  	p1 =	sne.s32 s8, $0x9880;
	[sflag:s29] =	ssyncset.done $0x0  }
0x19b: {  	[sflag:s29] =	ssyncadd.s32 $0xFFFFEC00  }
0x19c: {  	_ =	swait.ge [sflag:s18], $0x1400  }
0x19d: {  	s20 =	sshra.s32 s20, $0x2;
	[sflag:s18] =	ssyncset.done $0x0  }
0x19e: {  	s28 =	sadd.s32 $0xF0, s20;
	[sflag:s18] =	ssyncadd.s32 $0xFFFFEC00  }
0x19f: {  	[tilespmem:s9], [sflag:$0x2] =	stream.indirect.gather [hbm4b:s17+s5], $0x40, s28, s5, $0xb8;
	[tilespmem:$0x1B740] =	vst v63  }
0x1a0: {  	s28 =	sadd.s32 $0x4F10, s20  }
0x1a1: {  	[tilespmem:s11], [sflag:$0x4] =	stream.indirect.gather [spmem:s2], $0x40, s28, s5, $0xb8;
	[tilespmem:$0x1B740] =	vst v63  }
0x1a2: {  	_ =	swait.ge [sflag:s12], $0x1400  }
0x1a3: {  	[sflag:s12] =	ssyncset.done $0x0  }
0x1a4: {  	[sflag:s12] =	ssyncadd.s32 $0xFFFFEC00  }
0x1a5: {  	_ =	swait.ge [sflag:s13], $0x1400  }
0x1a6: {  	[sflag:s13] =	ssyncset.done $0x0  }
0x1a7: {  	s28 =	sadd.s32 $0x27B0, s20;
	[sflag:s13] =	ssyncadd.s32 $0xFFFFEC00  }
0x1a8: {  	[spmem:s1] =	stream.indirect.scatter.add.f32 [tilespmem:s6], [sflag:$0x5], $0x40, s28, s5, $0xb8;
	[tilespmem:$0x1B740] =	vst v63  }
0x1a9: {  	_ = 	snop  }
0x1aa: {  	[spmem:s1] =	stream.indirect.scatter.add.f32 [tilespmem:s7], [sflag:$0x7], $0x40, s28, s5, $0xb8;
	[tilespmem:$0x1B740] =	vst v63  }
0x1ab: {  	_ =	swait.ge [sflag:s15], $0x1400  }
0x1ac: {  	[sflag:s15] =	ssyncset.done $0x0  }
0x1ad: {  	[sflag:s15] =	ssyncadd.s32 $0xFFFFEC00  }
0x1ae: {  	_ =	swait.ge [sflag:s16], $0x1400  }
0x1af: {  	[sflag:s16] =	ssyncset.done $0x0  }
0x1b0: {  	s28 =	sadd.s32 $0x140, s20;
	[sflag:s16] =	ssyncadd.s32 $0xFFFFEC00  }
0x1b1: {  	[tilespmem:s6], [sflag:$0x1] =	stream.indirect.gather [hbm4b:s17+s5], $0x40, s28, s5, $0xb8;
	[tilespmem:$0x1B740] =	vst v63  }
0x1b2: {  	s28 =	sadd.s32 $0x4F60, s20  }
0x1b3: {  	[tilespmem:s7], [sflag:$0x3] =	stream.indirect.gather [spmem:s2], $0x40, s28, s5, $0xb8;
	[tilespmem:$0x1B740] =	vst v63  }
0x1b4: {  	_ =	swait.ge [sflag:s25], $0x1400  }
0x1b5: {  	[sflag:s25] =	ssyncset.done $0x0  }
.Ltmp5:
0x1b6: {  	[sflag:s25] =	ssyncadd.s32 $0xFFFFEC00;
	(pc) =	sbr.rel @p1 .LBB2_12-.Ltmp5, $4  }
0x1b7: {  	_ =	swait.ge [sflag:s26], $0x1400  }
0x1b8: {  	[sflag:s26] =	ssyncset.done $0x0  }
0x1b9: {  	s28 =	sadd.s32 $0x2800, s20;
	[sflag:s26] =	ssyncadd.s32 $0xFFFFEC00  }
0x1ba: {  	[spmem:s1] =	stream.indirect.scatter.add.f32 [tilespmem:s9], [sflag:$0x6], $0x40, s28, s5, $0xb8;
	[tilespmem:$0x1B740] =	vst v63  }
0x1bb: {  	[spmem:s1] =	stream.indirect.scatter.add.f32 [tilespmem:s11], [sflag:$0x8], $0x40, s28, s5, $0xb8;
	[tilespmem:$0x1B740] =	vst v63  }
0x1bc: {  	_ =	swait.ge [sflag:s12], $0x1400  }
0x1bd: {  	[sflag:s12] =	ssyncset.done $0x0  }
0x1be: {  	[sflag:s12] =	ssyncadd.s32 $0xFFFFEC00  }
0x1bf: {  	_ =	swait.ge [sflag:s13], $0x1400  }
0x1c0: {  	s8 =	sshra.s32 s8, $0x2;
	[sflag:s13] =	ssyncset.done $0x0  }
0x1c1: {  	s8 =	sadd.s32 $0x27B0, s8;
	[sflag:s13] =	ssyncadd.s32 $0xFFFFEC00  }
0x1c2: {  	[spmem:s1] =	stream.indirect.scatter.add.f32 [tilespmem:s6], [sflag:$0x5], $0x40, s8, s5, $0xb8;
	[tilespmem:$0x1B740] =	vst v63  }
0x1c3: {  	_ = 	snop  }
0x1c4: {  	[spmem:s1] =	stream.indirect.scatter.add.f32 [tilespmem:s7], [sflag:$0x7], $0x40, s8, s5, $0xb8;
	[tilespmem:$0x1B740] =	vst v63  }
0x1c5: {  	_ =	swait.ge [sflag:s29], $0x1400  }
0x1c6: {  	[sflag:s29] =	ssyncset.done $0x0  }
0x1c7: {  	[sflag:s29] =	ssyncadd.s32 $0xFFFFEC00  }
0x1c8: {  	_ =	swait.ge [sflag:s18], $0x1400  }
0x1c9: {  	[sflag:s18] =	ssyncset.done $0x0  }
0x1ca: {  	[sflag:s18] =	ssyncadd.s32 $0xFFFFEC00  }
0x1cb: {  	_ =	swait.ge [sflag:s15], $0x1400  }
0x1cc: {  	[sflag:s15] =	ssyncset.done $0x0  }
0x1cd: {  	[sflag:s15] =	ssyncadd.s32 $0xFFFFEC00  }
0x1ce: {  	_ =	swait.ge [sflag:s16], $0x1400  }
0x1cf: {  	[sflag:s16] =	ssyncset.done $0x0  }
0x1d0: {  	[sflag:s16] =	ssyncadd.s32 $0xFFFFEC00  }
0x1d1: {  	[bflag:$0x0] =	sbarrier.arrive $0xFFFF  }
0x1d2: {  	s28 =	rddreg [dreg:$0x15]  }
0x1d3: {  	[tilespmem:s4], [sflag:$0xA] =	stream.linear.gather [spmem:s28], $0x2000, $0x38;
	[tilespmem:$0x1B740] =	vst v63  }
0x1d4: {  	_ =	swait.ge [sflag:s31], $0x2000  }
0x1d5: {  	[sflag:s31] =	ssyncset.done $0x0  }
0x1d6: {  	s30 =	rddreg [dreg:$0xc];
	[sflag:s31] =	ssyncadd.s32 $0xFFFFE000  }
0x1d7: {  	[hbm4b:s30+s3] =	stream.linear.scatter [tilespmem:s4], [sflag:$0xA], $0x2000, $0x38;
	[tilespmem:$0x1B740] =	vst v63  }
0x1d8: {  	_ =	swait.ge [sflag:s31], $0x2000  }
0x1d9: {  	[sflag:s31] =	ssyncset.done $0x0  }
0x1da: {  	s20 =	rddreg [dreg:$0x1a];
	[sflag:s31] =	ssyncadd.s32 $0xFFFFE000  }
0x1db: {  	[tilespmem:s4], [sflag:$0xA] =	stream.linear.gather [spmem:s20], $0x2000, $0x38;
	[tilespmem:$0x1B740] =	vst v63  }
0x1dc: {  	_ =	swait.ge [sflag:s31], $0x2000  }
0x1dd: {  	[sflag:s31] =	ssyncset.done $0x0  }
0x1de: {  	s28 =	rddreg [dreg:$0xd];
	[sflag:s31] =	ssyncadd.s32 $0xFFFFE000  }
0x1df: {  	[hbm4b:s28+s3] =	stream.linear.scatter [tilespmem:s4], [sflag:$0xA], $0x2000, $0x38;
	[tilespmem:$0x1B740] =	vst v63  }
0x1e0: {  	_ =	swait.ge [sflag:s31], $0x2000  }
0x1e1: {  	[sflag:s31] =	ssyncset.done $0x0  }
0x1e2: {  	[sflag:s31] =	ssyncadd.s32 $0xFFFFE000  }
0x1e3: {  	[tilespmem:s4], [sflag:$0xA] =	stream.linear.gather [spmem:s22], $0x2000, $0x38;
	[tilespmem:$0x1B740] =	vst v63  }
0x1e4: {  	_ =	swait.ge [sflag:s31], $0x2000  }
0x1e5: {  	[sflag:s31] =	ssyncset.done $0x0  }
0x1e6: {  	s30 =	rddreg [dreg:$0xe];
	[sflag:s31] =	ssyncadd.s32 $0xFFFFE000  }
0x1e7: {  	[hbm4b:s30+s3] =	stream.linear.scatter [tilespmem:s4], [sflag:$0xA], $0x2000, $0x38;
	[tilespmem:$0x1B740] =	vst v63  }
0x1e8: {  	_ =	swait.ge [sflag:s31], $0x2000  }
0x1e9: {  	[sflag:s31] =	ssyncset.done $0x0  }
0x1ea: {  	[sflag:s31] =	ssyncadd.s32 $0xFFFFE000  }
0x1eb: {  	[tilespmem:s4], [sflag:$0xA] =	stream.linear.gather [spmem:s23], $0x2000, $0x38;
	[tilespmem:$0x1B740] =	vst v63  }
0x1ec: {  	_ =	swait.ge [sflag:s31], $0x2000  }
0x1ed: {  	[sflag:s31] =	ssyncset.done $0x0  }
0x1ee: {  	s20 =	rddreg [dreg:$0xf];
	[sflag:s31] =	ssyncadd.s32 $0xFFFFE000  }
0x1ef: {  	[hbm4b:s20+s3] =	stream.linear.scatter [tilespmem:s4], [sflag:$0xA], $0x2000, $0x38;
	[tilespmem:$0x1B740] =	vst v63  }
0x1f0: {  	_ =	swait.ge [sflag:s31], $0x2000  }
0x1f1: {  	[sflag:s31] =	ssyncset.done $0x0  }
0x1f2: {  	[sflag:s31] =	ssyncadd.s32 $0xFFFFE000  }
0x1f3: {  	[tilespmem:s4], [sflag:$0xA] =	stream.linear.gather [spmem:s24], $0x2000, $0x38;
	[tilespmem:$0x1B740] =	vst v63  }
0x1f4: {  	_ =	swait.ge [sflag:s31], $0x2000  }
0x1f5: {  	[sflag:s31] =	ssyncset.done $0x0  }
0x1f6: {  	s28 =	rddreg [dreg:$0x10];
	[sflag:s31] =	ssyncadd.s32 $0xFFFFE000  }
0x1f7: {  	[hbm4b:s28+s3] =	stream.linear.scatter [tilespmem:s4], [sflag:$0xA], $0x2000, $0x38;
	[tilespmem:$0x1B740] =	vst v63  }
0x1f8: {  	_ =	swait.ge [sflag:s31], $0x2000  }
0x1f9: {  	[sflag:s31] =	ssyncset.done $0x0  }
0x1fa: {  	[sflag:s31] =	ssyncadd.s32 $0xFFFFE000  }
0x1fb: {  	s8 =	simm.s32 @!p0 $0xECC0;
	s20 =	simm.s32 @!p0 $0xA;
	[bflag:$0x0] =	sbarrier.arrive $0xFFFF  }
0x1fc: {  	[tilespmem:s8], [sflag:$0xA] =	stream.linear.gather @!p0 [spmem:s0], $0x2800, $0x38;
	[tilespmem:$0x1B740] =	vst v63  }
0x1fd: {  	_ =	swait.ge @!p0 [sflag:s20], $0x2800  }
0x1fe: {  	[sflag:s20] =	ssyncset.done @!p0 $0x0  }
0x1ff: {  	s28 =	simm.s32 @!p0 $0x0;
	s30 =	rddreg [dreg:$0x18];
	[sflag:s20] =	ssyncadd.s32 @!p0 $0xFFFFD800  }
0x200: {  	[hbm4b:s30+s28] =	stream.linear.scatter @!p0 [tilespmem:s8], [sflag:$0xA], $0x2800, $0x38;
	[tilespmem:$0x1B740] =	vst v63  }
0x201: {  	_ =	swait.ge @!p0 [sflag:s20], $0x2800  }
0x202: {  	s19 =	sadd.s32 $0x1, s19;
	s30 =	rddreg [dreg:$0x19]  }
0x203: {  	p1 =	sne.s32 s19, s30  }
.Ltmp6:
0x204: {  	_ = 	snop;
	(pc) =	sbr.rel @p1 .LBB2_1-.Ltmp6, $3  }
0x205: {  	_ =	sdelay $0x1  }
0x206: {  	[sflag:s20] =	ssyncset.done @!p0 $0x0  }
0x207: {  	[sflag:s20] =	ssyncadd.s32 @!p0 $0xFFFFD800  }
0x208: {  	_ =	sfence.sel $0x180000  }
0x209: {  	[bflag:$0x0] =	sbarrier.arrive $0xFFFF  }
0x20a: {  	_ =	strace $0x9000004A  }
0x20b: {  	[bflag:$0x2] =	sbarrier.arrive $0xFFFF  }
0x20c: {  	s0 =	rddreg [dreg:$0x6]  }
0x20d: {  	s0 =	sadd.s32 @!p0 $0x100000, s0  }
0x20e: {  	[sflag:s0] =	ssyncadd.tile.s32 @!p0 $0x1;
	_ =	shalt  }
.Lfunc_end2:
_tile_overlayer_lowered:
.L_overlay_start_2:
0x20f: {  	(tag) =	ssettag $0x2  }
0x210: {  	s0 =	rddreg [dreg:$0x0];
	s2 =	stileid.u32  }
0x211: {  	s1 =	rddreg [dreg:$0x1];
	p0 =	sne.s32 s2, $0x0  }
0x212: {  	s3 =	rddreg [dreg:$0x2];
	[bflag:$0x3] =	sbarrier.arrive $0xFFFF;
	s2 =	simm.s32 @!p0 $0x1C0A  }
0x213: {  	[timem:s3], [sflag:s2] =	dma.local @!p0 [hbm:s0], s1  }
0x214: {  	s0 =	simm.s32 @!p0 $0xA  }
0x215: {  	_ =	swait.ge @!p0 [sflag:s0], s1  }
0x216: {  	s1 =	ssub.s32 @!p0 $0x0, s1;
	[sflag:s0] =	ssyncset.done @!p0 $0x0  }
0x217: {  	[sflag:s0] =	ssyncadd.s32 @!p0 s1  }
0x218: {  	[bflag:$0x3] =	sbarrier.arrive $0xFFFF  }
0x219: {  	_ =	shalt  }

// kernel: kernel.8.cloned.1.call-start
scs
__scs_entry_jumppad:
0x0: {  	(pc) =	sbr.rel $0x88, $3  }
0x1: {  	(tag) =	ssettag $0x0;
	lr =	simm.s32 $0x1  }
0x2: {  	[smem:$0x3F99] =	sst lr;
	_ =	strace $0xD0000000  }
0x3: {  	_ = 	snop  }
0x4: {  	_ = 	snop  }
0x5: {  	_ = 	snop  }
0x6: {  	_ = 	snop  }
0x7: {  	_ = 	snop  }
__scs_overlays_trampoline_lowered:
0x8: {  	[smem:$0x3FA8] =	sst s0  }
0x9: {  	[smem:$0x3FA9] =	sst s1  }
0xa: {  	[smem:$0x3FAA] =	sst s2  }
0xb: {  	[smem:$0x3FAB] =	sst s3  }
0xc: {  	[smem:$0x3FAC] =	sst s4  }
0xd: {  	[smem:$0x3FAD] =	sst s5  }
0xe: {  	[smem:$0x3FAE] =	sst s6  }
0xf: {  	[smem:$0x3FAF] =	sst s7  }
0x10: {  	[smem:$0x3FB0] =	sst s8  }
0x11: {  	[smem:$0x3FB1] =	sst s9;
	s0 =	simm.s32 @!p0 $0x0  }
0x12: {  	s1 =	sld [smem:$0x3F97];
	s0 =	simm.s32 @p0 $0x1  }
0x13: {  	[smem:$0x3FB2] =	sst s0;
	s0 =	simm.s32 @!p1 $0x0  }
0x14: {  	s2 =	sld [smem:$0x3F96];
	s0 =	simm.s32 @p1 $0x1  }
0x15: {  	[smem:$0x3FB3] =	sst s0;
	s0 =	simm.s32 @!p2 $0x0  }
0x16: {  	s3 =	sld [smem:$0x3FDB];
	s0 =	simm.s32 @p2 $0x1  }
0x17: {  	s4 =	simm.s32 $0x1BF5;
	[smem:$0x3FB5] =	sst s0  }
0x18: {  	s0 =	sld [smem:$0x3F98];
	_ =	swait.ge [sflag:s4], $0x0  }
0x19: {  	s7 =	sld [smem:$0x3F99]  }
0x1a: {  	s8 =	sadd.s32 $0xFFFFE003, lr  }
0x1b: {  	s9 =	sadd.s32 $0xFFFFFEF7, lr;
	s5 =	simm.s32 $0xFFFFFFFF;
	p2 =	slt.u32 s8, $0xFFFFF086  }
0x1c: {  	p1 =	slt.u32 s9, $0xF7A;
	s5 =	simm.s32 @!p2 $0x0  }
0x1d: {  	s5 =	simm.s32 @p1 $0x1;
	p0 =	seq.s32 s7, s2  }
0x1e: {  	s7 =	smul.u32 @!p0 $0xF7A, s2;
	p2 =	seq.s32 @!p0 s5, $0x0  }
0x1f: {  	s9 =	smul.u32 $0xF7A, s1;
	s8 =	simm.s32 @!p0 $0x1BF5;
	p2 =	por !p2, p0  }
0x20: {  	[sflag:s8] =	ssyncset.s32 @!p0 $0xFFFFF086;
	s6 =	sadd.s32 @!p0 s3, s7;
	s7 =	simm.s32 @!p0 $0x108  }
0x21: {  	s3 =	sadd.s32 s3, s9;
	s6 =	sadd.s32 @!p0 $0x88, s6;
	s7 =	simm.s32 @p2 $0x1082  }
0x22: {  	[simem:s7], [sflag:s8] =	dma.local @!p0 [hbm:s6], $0xF7A  }
0x23: {  	s9 =	sor.u32 $0xD0000000, s2;
	s6 =	simm.s32 $0x108;
	_ =	swait.ge @!p0 [sflag:s8], $0x0  }
0x24: {  	s3 =	sadd.s32 $0x88, s3;
	s6 =	simm.s32 @!p1 $0x1082;
	[sflag:s4] =	ssyncset.s32 $0xFFFFF086  }
0x25: {  	[simem:s6], [sflag:s4] =	dma.local [hbm:s3], $0xF7A  }
0x26: {  	[smem:$0x3F99] =	sst s1;
	(tag) =	ssettag s2;
	_ =	strace s9  }
0x27: {  	s1 =	sld [smem:$0x3FA9]  }
0x28: {  	s2 =	sld [smem:$0x3FAA]  }
0x29: {  	s4 =	sld [smem:$0x3FAC]  }
0x2a: {  	p0 =	seq.s32 s5, $0x0;
	s5 =	sld [smem:$0x3FAD]  }
0x2b: {  	s6 =	sld [smem:$0x3FAE]  }
0x2c: {  	s7 =	sld [smem:$0x3FAF]  }
0x2d: {  	s3 =	simm.s32 $0x108;
	s8 =	sld [smem:$0x3FB0]  }
0x2e: {  	s3 =	simm.s32 @!p0 $0x1082;
	s9 =	sld [smem:$0x3FB1]  }
0x2f: {  	lr =	sadd.s32 s0, s3;
	s0 =	sld [smem:$0x3FA8]  }
0x30: {  	s3 =	sld [smem:$0x3FAB]  }
0x31: {  	[smem:$0x3FB4] =	sst s10  }
0x32: {  	s10 =	sld [smem:$0x3FB2];
	_ =	sdelay $0x3  }
0x33: {  	p0 =	seq.s32 s10, $0x1;
	s10 =	sld [smem:$0x3FB4];
	_ =	sdelay $0x3  }
0x34: {  	[smem:$0x3FB4] =	sst s10  }
0x35: {  	s10 =	sld [smem:$0x3FB3];
	_ =	sdelay $0x3  }
0x36: {  	p1 =	seq.s32 s10, $0x1;
	s10 =	sld [smem:$0x3FB4];
	_ =	sdelay $0x3  }
0x37: {  	[smem:$0x3FB4] =	sst s10  }
0x38: {  	s10 =	sld [smem:$0x3FB5]  }
0x39: {  	_ = 	snop;
	(pc) =	sbr.ind lr, $3  }
0x3a: {  	_ = 	snop  }
0x3b: {  	_ = 	snop  }
0x3c: {  	p2 =	seq.s32 s10, $0x1;
	s10 =	sld [smem:$0x3FB4]  }
0x3d: {  	_ =	shalt  }
0x3e: {  	_ =	shalt  }
0x3f: {  	_ =	shalt  }
0x40: {  	_ =	shalt  }
0x41: {  	_ =	shalt  }
0x42: {  	_ =	shalt  }
0x43: {  	_ =	shalt  }
0x44: {  	_ =	shalt  }
0x45: {  	_ =	shalt  }
0x46: {  	_ =	shalt  }
0x47: {  	_ =	shalt  }
0x48: {  	_ =	shalt  }
0x49: {  	_ =	shalt  }
0x4a: {  	_ =	shalt  }
0x4b: {  	_ =	shalt  }
0x4c: {  	_ =	shalt  }
0x4d: {  	_ =	shalt  }
0x4e: {  	_ =	shalt  }
0x4f: {  	_ =	shalt  }
0x50: {  	_ =	shalt  }
0x51: {  	_ =	shalt  }
0x52: {  	_ =	shalt  }
0x53: {  	_ =	shalt  }
0x54: {  	_ =	shalt  }
0x55: {  	_ =	shalt  }
0x56: {  	_ =	shalt  }
0x57: {  	_ =	shalt  }
0x58: {  	_ =	shalt  }
0x59: {  	_ =	shalt  }
0x5a: {  	_ =	shalt  }
0x5b: {  	_ =	shalt  }
0x5c: {  	_ =	shalt  }
0x5d: {  	_ =	shalt  }
0x5e: {  	_ =	shalt  }
0x5f: {  	_ =	shalt  }
0x60: {  	_ =	shalt  }
0x61: {  	_ =	shalt  }
0x62: {  	_ =	shalt  }
0x63: {  	_ =	shalt  }
0x64: {  	_ =	shalt  }
0x65: {  	_ =	shalt  }
0x66: {  	_ =	shalt  }
0x67: {  	_ =	shalt  }
0x68: {  	_ =	shalt  }
0x69: {  	_ =	shalt  }
0x6a: {  	_ =	shalt  }
0x6b: {  	_ =	shalt  }
0x6c: {  	_ =	shalt  }
0x6d: {  	_ =	shalt  }
0x6e: {  	_ =	shalt  }
0x6f: {  	_ =	shalt  }
0x70: {  	_ =	shalt  }
0x71: {  	_ =	shalt  }
0x72: {  	_ =	shalt  }
0x73: {  	_ =	shalt  }
0x74: {  	_ =	shalt  }
0x75: {  	_ =	shalt  }
0x76: {  	_ =	shalt  }
0x77: {  	_ =	shalt  }
0x78: {  	_ =	shalt  }
0x79: {  	_ =	shalt  }
0x7a: {  	_ =	shalt  }
0x7b: {  	_ =	shalt  }
0x7c: {  	_ =	shalt  }
0x7d: {  	_ =	shalt  }
0x7e: {  	_ =	shalt  }
0x7f: {  	_ =	shalt  }
0x80: {  	_ =	shalt  }
0x81: {  	_ =	shalt  }
0x82: {  	_ =	shalt  }
0x83: {  	_ =	shalt  }
0x84: {  	_ =	shalt  }
0x85: {  	_ =	shalt  }
0x86: {  	_ =	shalt  }
0x87: {  	_ =	shalt  }
.Lfunc_end0:
.L_simem_size_0:
called_computation_lowered:
.L_overlay_start_0:
0x88: {  	s2 =	sld [smem:$0x3FD9]  }
0x89: {  	s3 =	sld [smem:$0x3FFE];
	_ =	sdelay $0x1  }
0x8a: {  	s1 =	srdreg.scid  }
0x8b: {  	s0 =	sand.u32 $0x1, s1  }
0x8c: {  	s17 =	sshll.u32 s0, $0xA;
	s2 =	sadd.s32 s3, s2  }
0x8d: {  	s2 =	sadd.s32 s2, s17  }
0x8e: {  	[smem:$0x3FC0] =	sst s2  }
0x8f: {  	_ = 	snop  }
0x90: {  	s2 =	sld [smem:$0x3FC2]  }
0x91: {  	s18 =	sld [smem:$0x3FD0];
	(tm) =	ssettm $0x1  }
0x92: {  	s4 =	sld [smem:$0x3FFB];
	_ =	sdelay $0x3  }
0x93: {  	_ =	strace s4  }
0x94: {  	s4 =	sld [smem:$0x3FFC];
	_ =	sdelay $0x3  }
0x95: {  	_ =	strace s4  }
0x96: {  	s4 =	sld [smem:$0x3FFD];
	_ =	sdelay $0x3  }
0x97: {  	_ =	strace s4  }
0x98: {  	_ =	strace $0x8FFFFFFF  }
0x99: {  	s19 =	sld [smem:$0x3FDB];
	_ =	sdelay $0x1  }
0x9a: {  	s5 =	simm.s32 $_scs_section_size  }
0x9b: {  	s6 =	simm.s32 $_size__tile_overlayer_lowered;
	s7 =	simm.s32 $_tile_overlayer_lowered  }
0x9c: {  	s22 =	simm.s32 $0x1BFF;
	s21 =	sshll.u32 s7, $0x1;
	s4 =	sadd.s32 s5, s19  }
0x9d: {  	s8 =	simm.s32 $0x0;
	s20 =	sshll.u32 s6, $0x1;
	s6 =	sadd.s32 s21, s4  }
0x9e: {  	[timem:s8], [sflag:s22] =	dma.local [hbm:s6], s20  }
0x9f: {  	_ =	swait.ge [sflag:s22], s20  }
0xa0: {  	s5 =	ssub.s32 $0x0, s20;
	[sflag:s22] =	ssyncset.done $0x0  }
0xa1: {  	[sflag:s22] =	ssyncadd.s32 s5;
	_ =	sdelay $0x1  }
0xa2: {  	s23 =	simm.s32 $0x1B8B  }
0xa3: {  	_ =	swait.ge [sflag:s23], $0x1  }
0xa4: {  	[sflag:s23] =	ssyncset.done $0x0  }
0xa5: {  	s25 =	simm.s32 $0x1B8E;
	s24 =	sld [smem:$0x3FFE];
	[sflag:s23] =	ssyncadd.s32 $0xFFFFFFFF  }
0xa6: {  	s26 =	simm.s32 $execute0_lowered;
	[smem:$0x3FD2] =	sst s25  }
0xa7: {  	s6 =	sshll.u32 s26, $0x1;
	_ =	strace $0x80000046;
	[dreg:$0x1] =	wrdreg $0xFFFFFFFF  }
0xa8: {  	s28 =	simm.s32 $_size_execute0_lowered;
	s4 =	sadd.s32 s4, s6;
	[dreg:$0x0] =	wrdreg $0x0  }
0xa9: {  	s6 =	sshll.u32 s28, $0x1;
	[dreg:$0x2] =	wrdreg s4  }
0xaa: {  	[dreg:$0x3] =	wrdreg s6  }
0xab: {  	[dreg:$0x4] =	wrdreg $0xC0  }
0xac: {  	_ =	task [dreg:s8], $0x5FFFF  }
0xad: {  	[dreg:$0x1] =	wrdreg $0xFFFFFFFF  }
0xae: {  	[dreg:$0x0] =	wrdreg $0x60  }
0xaf: {  	[dreg:$0x2] =	wrdreg s24  }
0xb0: {  	[dreg:$0x3] =	wrdreg s2  }
0xb1: {  	[dreg:$0x4] =	wrdreg s18  }
0xb2: {  	[dreg:$0x5] =	wrdreg $0x1B4C00  }
0xb3: {  	[dreg:$0x6] =	wrdreg $0x114C00  }
0xb4: {  	[dreg:$0x7] =	wrdreg $0xC5300  }
0xb5: {  	[dreg:$0x8] =	wrdreg $0x9  }
0xb6: {  	_ =	task.clear_ibuf [dreg:s8], $0x9FFFF;
	_ =	strace $0x90000046  }
0xb7: {  	s29 =	simm.s32 $0x9;
	_ =	strace $0x80000048  }
0xb8: {  	_ =	swait.ge [sflag:s29], $0x1  }
0xb9: {  	[sflag:s29] =	ssyncadd.s32 $0xFFFFFFFF  }
0xba: {  	_ =	strace $0x90000048  }
0xbb: {  	_ =	sfence  }
0xbc: {  	s30 =	sld [smem:$0x0];
	_ =	sdelay $0x2  }
0xbd: {  	s31 =	sshll.u32 s1, $0xD;
	s1 =	sshrl.u32 s1, $0x2  }
0xbe: {  	s3 =	sand.u32 $0x4000, s31;
	s1 =	sadd.s32 s1, s30  }
0xbf: {  	s0 =	sor.u32 s3, s0;
	s1 =	sshll.u32 s1, $0x11  }
0xc0: {  	s0 =	sor.u32 s1, s0  }
0xc1: {  	s0 =	sadd.s32 $0x8F2B, s0  }
0xc2: {  	[sflag:s0] =	ssyncadd.remote.s32 $0x1  }
0xc3: {  	_ =	sfence.sel $0xFFFF  }
0xc4: {  	[dreg:$0x0] =	wrdreg $0xFFFFFFFF;
	(pc) =	sbr.abs _section_cstart, $3  }
0xc5: {  	[dreg:$0x1] =	wrdreg $0xFFFFFFFF  }
0xc6: {  	_ =	task.clear_ibuf [dreg:s8], $0x2FFFF;
	_ =	strace $0x9FFFFFFF  }
0xc7: {  	(tm) =	ssettm $0x7FFFFFFF  }
tec
execute0_lowered:
.L_overlay_start_1:
0x0: {  	(tag) =	ssettag $0x1  }
0x1: {  	s4 =	rddreg [dreg:$0x0]  }
0x2: {  	s5 =	rddreg [dreg:$0x1]  }
0x3: {  	s6 =	rddreg [dreg:$0x2];
	s1 =	srdreg.scid  }
0x4: {  	s7 =	stileid.u32;
	s0 =	rddreg [dreg:$0x3];
	s31 =	simm.s32 $0xA  }
0x5: {  	s29 =	simm.s32 $0x6;
	s8 =	sand.u32 $0x1, s1;
	s2 =	sshll.u32 s7, $0x1  }
0x6: {  	s1 =	rddreg [dreg:$0x4];
	s12 =	smul.u32 $0x280, s7;
	s13 =	sadd.s32 $0x69200, s4  }
0x7: {  	s14 =	sadd.s32 $0x41200, s4;
	p0 =	sne.s32 s7, $0x0;
	s3 =	sor.u32 s8, s2  }
0x8: {  	s2 =	rddreg [dreg:$0x5];
	s10 =	smul.u32 $0x2800, s8;
	s8 =	ssub.s32 $0x2, s8  }
0x9: {  	s9 =	smul.u32 $0x4E2, s3;
	s3 =	simm.s32 $0x0;
	s11 =	sshrl.u32 s8, $0x1  }
0xa: {  	s15 =	sadd.s32 $0x100, s12;
	s18 =	sadd.s32 $0x180, s12;
	[smem:$0x7FF] =	sst s3  }
0xb: {  	s8 =	ssub.s32 s8, s11;
	s11 =	sadd.s32 $0x80, s12;
	s16 =	sadd.s32 s12, s10  }
0xc: {  	s12 =	sadd.s32 $0x200, s12;
	s22 =	sadd.s32 s10, s15;
	s20 =	sadd.s32 s10, s18  }
0xd: {  	s16 =	sshll.u32 s16, $0x3;
	s17 =	sadd.s32 s10, s11;
	s20 =	sshll.u32 s20, $0x3  }
0xe: {  	s6 =	sadd.s32 s6, s9;
	s5 =	sadd.s32 s5, s9;
	s19 =	sadd.s32 s13, s16  }
0xf: {  	s17 =	sshll.u32 s17, $0x3;
	s23 =	sadd.s32 s13, s20;
	[dreg:$0x7] =	wrdreg s19  }
0x10: {  	s24 =	sadd.s32 s14, s16;
	s28 =	sadd.s32 s14, s20;
	[dreg:$0xa] =	wrdreg s23  }
0x11: {  	s21 =	sadd.s32 s13, s17;
	s19 =	sshll.u32 s22, $0x3;
	[dreg:$0xc] =	wrdreg s24  }
0x12: {  	s25 =	sadd.s32 s14, s17;
	[dreg:$0xf] =	wrdreg s28;
	s17 =	sadd.s32 $0x19200, s4  }
0x13: {  	s23 =	sshll.u32 s18, $0x6;
	s24 =	sshll.u32 s12, $0x6;
	s18 =	simm.s32 $0x8  }
0x14: {  	[dreg:$0x8] =	wrdreg s21;
	s21 =	sadd.s32 s10, s12;
	s22 =	sadd.s32 s13, s19  }
0x15: {  	[dreg:$0xd] =	wrdreg s25;
	s26 =	sadd.s32 s14, s19;
	s10 =	sshrl.u32 s10, $0x3  }
0x16: {  	s19 =	sadd.s32 $0x3600, s4;
	s23 =	sadd.s32 s23, s1;
	s24 =	sadd.s32 s24, s1  }
0x17: {  	s12 =	simm.s32 $0x1;
	[dreg:$0x9] =	wrdreg s22;
	s21 =	sshll.u32 s21, $0x3  }
0x18: {  	[dreg:$0xe] =	wrdreg s26;
	s16 =	sadd.s32 s10, s4;
	s13 =	sadd.s32 s13, s21  }
0x19: {  	s22 =	sshll.u32 s15, $0x6;
	s30 =	sadd.s32 s14, s21;
	[dreg:$0xb] =	wrdreg s13  }
0x1a: {  	s15 =	simm.s32 $0x5;
	s10 =	simm.s32 $0x9;
	[dreg:$0x10] =	wrdreg s30  }
0x1b: {  	s14 =	sadd.s32 s9, s4;
	_ =	strace $0x80000047;
	[dreg:$0x11] =	wrdreg s6  }
0x1c: {  	s4 =	sadd.s32 $0x4600, s4;
	s21 =	sshll.u32 s11, $0x6;
	[dreg:$0x12] =	wrdreg s5  }
0x1d: {  	s22 =	sadd.s32 s22, s1;
	s28 =	sadd.s32 $0x91200, s16;
	[dreg:$0x13] =	wrdreg s19  }
0x1e: {  	s9 =	simm.s32 $0x8930;
	s25 =	sadd.s32 $0x5600, s14;
	[dreg:$0x14] =	wrdreg s4  }
0x1f: {  	s11 =	simm.s32 $0xB130;
	s26 =	sadd.s32 $0xF400, s14;
	[dreg:$0x16] =	wrdreg s25  }
0x20: {  	s16 =	simm.s32 $0x7;
	s13 =	smul.u32 $0x28000, s7;
	[dreg:$0x17] =	wrdreg s26  }
0x21: {  	s30 =	smax.u32 s8, $0x1;
	s7 =	simm.s32 $0x9D30;
	[dreg:$0x18] =	wrdreg s28  }
0x22: {  	s14 =	simm.s32 $0xCC70;
	s4 =	sadd.s32 s21, s1;
	[dreg:$0x19] =	wrdreg s30  }
0x23: {  	s21 =	simm.s32 $0x2710;
	s5 =	simm.s32 $0x50;
	s25 =	simm.s32 $0x2  }
0x24: {  	s26 =	simm.s32 $0x4;
	s19 =	simm.s32 $0x0;
	s6 =	sshrl.u32 s13, $0x2  }
0x25: {  	[dreg:$0x1a] =	wrdreg s4;
	s4 =	simm.s32 $0xCCC0;
	s20 =	sadd.s32 s6, s1  }
0x26: {  	v0 =	vimm.f32 $1.000000000e+00;
	v1 =	vimm.f32 $0.0e+00;
	s13 =	simm.s32 $0x3;
	s6 =	simm.s32 $0x7530;
	[dreg:$0x15] =	wrdreg s20  }
.LBB2_1:
0x27: {  	[tilespmem:$0xCC70] =	vst v0  }
0x28: {  	[tilespmem:$0xCC80] =	vst v0  }
0x29: {  	[tilespmem:$0xCC90] =	vst v0  }
0x2a: {  	[tilespmem:$0xCCA0] =	vst v0  }
0x2b: {  	[tilespmem:$0xCCB0] =	vst v0;
	s8 =	rddreg [dreg:$0x11]  }
0x2c: {  	[tilespmem:s21], [sflag:$0xA] =	stream.linear.gather [hbm4b:s8+s3], $0x2710, $0x38;
	[tilespmem:$0x1B740] =	vst v63  }
0x2d: {  	_ =	swait.ge [sflag:s31], $0x2710  }
0x2e: {  	s20 =	simm.s32 $0x4E20;
	[sflag:s31] =	ssyncset.done $0x0  }
.Ltmp0:
0x2f: {  	s30 =	rddreg [dreg:$0x12];
	[sflag:s31] =	ssyncadd.s32 $0xFFFFD8F0;
	(pc) =	sbr.rel @p0 .LBB2_5-.Ltmp0, $4  }
0x30: {  	[tilespmem:s20], [sflag:$0xA] =	stream.linear.gather [hbm4b:s30+s3], $0x2710, $0x38;
	[tilespmem:$0x1B740] =	vst v63  }
0x31: {  	_ =	swait.ge [sflag:s31], $0x2710  }
0x32: {  	[sflag:s31] =	ssyncset.done $0x0  }
0x33: {  	[sflag:s31] =	ssyncadd.s32 $0xFFFFD8F0  }
0x34: {  	s8 =	simm.s32 $0x40;
	s28 =	simm.s32 $0x0  }
.LBB2_3:
0x35: {  	p1 =	sne.s32 s8, $0x9FC0;
	[tilespmem:s28+$0xECC0] =	vst v1;
	s28 =	smov.u32 s8;
	s8 =	sadd.s32 $0x40, s8  }
.Ltmp1:
0x36: {  	(pc) =	sbr.rel @p1 .LBB2_3-.Ltmp1, $2  }
0x37: {  	_ =	sdelay $0x2  }
0x38: {  	s28 =	sshra.s32 s28, $0x2  }
0x39: {  	[tilespmem:s28+$0xECC0] =	vst v1;
	s8 =	simm.s32 $0xECC0  }
0x3a: {  	[spmem:s0] =	stream.linear.scatter [tilespmem:s8], [sflag:$0xA], $0x2800, $0x38;
	[tilespmem:$0x1B740] =	vst v63  }
0x3b: {  	_ =	swait.ge [sflag:s31], $0x2800  }
0x3c: {  	[sflag:s31] =	ssyncset.done $0x0  }
0x3d: {  	[sflag:s31] =	ssyncadd.s32 $0xFFFFD800  }
.LBB2_5:
0x3e: {  	s28 =	simm.s32 $0x100;
	s8 =	simm.s32 $0x0  }
.LBB2_6:
0x3f: {  	p1 =	sne.s32 s28, $0x7F00;
	[tilespmem:s8+$0xCCF0] =	vst v1;
	s30 =	smov.u32 s28;
	s28 =	sadd.s32 $0x100, s28  }
.Ltmp2:
0x40: {  	[tilespmem:s8+$0xCCE0] =	vst v1;
	(pc) =	sbr.rel @p1 .LBB2_6-.Ltmp2, $3  }
0x41: {  	[tilespmem:s8+$0xCCC0] =	vst v1  }
0x42: {  	[tilespmem:s8+$0xCCD0] =	vst v1;
	_ =	sdelay $0x1  }
0x43: {  	s8 =	sshra.s32 s30, $0x2  }
0x44: {  	[tilespmem:s8+$0xCCF0] =	vst v1  }
0x45: {  	[tilespmem:s8+$0xCCE0] =	vst v1  }
0x46: {  	[tilespmem:s8+$0xCCC0] =	vst v1  }
0x47: {  	[tilespmem:s8+$0xCCD0] =	vst v1;
	s20 =	rddreg [dreg:$0x15]  }
0x48: {  	[spmem:s20] =	stream.linear.scatter [tilespmem:s4], [sflag:$0xA], $0x2000, $0x38;
	[tilespmem:$0x1B740] =	vst v63  }
0x49: {  	_ =	swait.ge [sflag:s31], $0x2000  }
0x4a: {  	[sflag:s31] =	ssyncset.done $0x0  }
0x4b: {  	s21 =	rddreg [dreg:$0x1a];
	[sflag:s31] =	ssyncadd.s32 $0xFFFFE000  }
0x4c: {  	[spmem:s21] =	stream.linear.scatter [tilespmem:s4], [sflag:$0xA], $0x2000, $0x38;
	[tilespmem:$0x1B740] =	vst v63  }
0x4d: {  	_ =	swait.ge [sflag:s31], $0x2000  }
0x4e: {  	[sflag:s31] =	ssyncset.done $0x0  }
0x4f: {  	[sflag:s31] =	ssyncadd.s32 $0xFFFFE000  }
0x50: {  	[spmem:s22] =	stream.linear.scatter [tilespmem:s4], [sflag:$0xA], $0x2000, $0x38;
	[tilespmem:$0x1B740] =	vst v63  }
0x51: {  	_ =	swait.ge [sflag:s31], $0x2000  }
0x52: {  	[sflag:s31] =	ssyncset.done $0x0  }
0x53: {  	[sflag:s31] =	ssyncadd.s32 $0xFFFFE000  }
0x54: {  	[spmem:s23] =	stream.linear.scatter [tilespmem:s4], [sflag:$0xA], $0x2000, $0x38;
	[tilespmem:$0x1B740] =	vst v63  }
0x55: {  	_ =	swait.ge [sflag:s31], $0x2000  }
0x56: {  	[sflag:s31] =	ssyncset.done $0x0  }
0x57: {  	[sflag:s31] =	ssyncadd.s32 $0xFFFFE000  }
0x58: {  	[spmem:s24] =	stream.linear.scatter [tilespmem:s4], [sflag:$0xA], $0x2000, $0x38;
	[tilespmem:$0x1B740] =	vst v63  }
0x59: {  	_ =	swait.ge [sflag:s31], $0x2000  }
0x5a: {  	[sflag:s31] =	ssyncset.done $0x0  }
0x5b: {  	s20 =	rddreg [dreg:$0x16];
	[sflag:s31] =	ssyncadd.s32 $0xFFFFE000  }
0x5c: {  	[tilespmem:s3], [sflag:$0xA] =	stream.linear.gather [hbm4b:s20+s3], $0x2710, $0x38;
	[tilespmem:$0x1B740] =	vst v63  }
0x5d: {  	_ =	swait.ge [sflag:s31], $0x2710  }
0x5e: {  	s8 =	sshrl.u32 @!p0 s2, $0x3;
	[sflag:s31] =	ssyncset.done $0x0  }
0x5f: {  	s28 =	simm.s32 @!p0 $0x1C0A;
	s20 =	rddreg [dreg:$0x13];
	[sflag:s31] =	ssyncadd.s32 $0xFFFFD8F0  }
0x60: {  	[spmem:s8], [sflag:s28] =	dma.local @!p0 [hbm:s20], $0xE80  }
0x61: {  	s28 =	simm.s32 @!p0 $0xA  }
0x62: {  	_ =	swait.ge @!p0 [sflag:s28], $0xE80  }
0x63: {  	[sflag:s28] =	ssyncset.done @!p0 $0x0  }
0x64: {  	[sflag:s28] =	ssyncadd.s32 @!p0 $0xFFFFF180  }
0x65: {  	s28 =	simm.s32 $0x0;
	[bflag:$0x0] =	sbarrier.arrive $0xFFFF  }
0x66: {  	[tilespmem:s6], [sflag:$0x1] =	stream.indirect.gather [hbm4b:s17+s5], $0x40, s28, s5, $0xb8;
	[tilespmem:$0x1B740] =	vst v63  }
0x67: {  	s21 =	simm.s32 $0x4E20  }
0x68: {  	[tilespmem:s7], [sflag:$0x3] =	stream.indirect.gather [spmem:s2], $0x40, s21, s5, $0xb8;
	[tilespmem:$0x1B740] =	vst v63  }
0x69: {  	_ = 	snop  }
0x6a: {  	[tilespmem:s9], [sflag:$0x2] =	stream.indirect.gather [hbm4b:s17+s5], $0x40, s5, s5, $0xb8;
	[tilespmem:$0x1B740] =	vst v63  }
0x6b: {  	s21 =	simm.s32 $0x4E70  }
0x6c: {  	[tilespmem:s11], [sflag:$0x4] =	stream.indirect.gather [spmem:s2], $0x40, s21, s5, $0xb8;
	[tilespmem:$0x1B740] =	vst v63  }
0x6d: {  	_ =	swait.ge [sflag:s12], $0x1400  }
0x6e: {  	[sflag:s12] =	ssyncset.done $0x0  }
0x6f: {  	[sflag:s12] =	ssyncadd.s32 $0xFFFFEC00  }
0x70: {  	_ =	swait.ge [sflag:s13], $0x1400  }
0x71: {  	[sflag:s13] =	ssyncset.done $0x0  }
0x72: {  	s21 =	simm.s32 $0x2710;
	[sflag:s13] =	ssyncadd.s32 $0xFFFFEC00  }
0x73: {  	[spmem:s1] =	stream.indirect.scatter.add.f32 [tilespmem:s6], [sflag:$0x5], $0x40, s21, s5, $0xb8;
	[tilespmem:$0x1B740] =	vst v63  }
0x74: {  	_ = 	snop  }
0x75: {  	[spmem:s1] =	stream.indirect.scatter.add.f32 [tilespmem:s7], [sflag:$0x7], $0x40, s21, s5, $0xb8;
	[tilespmem:$0x1B740] =	vst v63  }
0x76: {  	_ = 	snop  }
0x77: {  	[spmem:s0] =	stream.indirect.scatter.add.f32 [tilespmem:s14], [sflag:$0x9], $0x1, s21, s5, $0xb8;
	[tilespmem:$0x1B740] =	vst v63  }
0x78: {  	_ =	swait.ge [sflag:s15], $0x1400  }
0x79: {  	[sflag:s15] =	ssyncset.done $0x0  }
0x7a: {  	[sflag:s15] =	ssyncadd.s32 $0xFFFFEC00  }
0x7b: {  	_ =	swait.ge [sflag:s16], $0x1400  }
0x7c: {  	[sflag:s16] =	ssyncset.done $0x0  }
0x7d: {  	s21 =	simm.s32 $0xA0;
	[sflag:s16] =	ssyncadd.s32 $0xFFFFEC00  }
0x7e: {  	[tilespmem:s6], [sflag:$0x1] =	stream.indirect.gather [hbm4b:s17+s5], $0x40, s21, s5, $0xb8;
	[tilespmem:$0x1B740] =	vst v63  }
0x7f: {  	s21 =	simm.s32 $0x4EC0  }
0x80: {  	[tilespmem:s7], [sflag:$0x3] =	stream.indirect.gather [spmem:s2], $0x40, s21, s5, $0xb8;
	[tilespmem:$0x1B740] =	vst v63  }
0x81: {  	_ =	swait.ge [sflag:s25], $0x1400  }
0x82: {  	[sflag:s25] =	ssyncset.done $0x0  }
0x83: {  	[sflag:s25] =	ssyncadd.s32 $0xFFFFEC00  }
0x84: {  	_ =	swait.ge [sflag:s26], $0x1400  }
0x85: {  	[sflag:s26] =	ssyncset.done $0x0  }
0x86: {  	s21 =	simm.s32 $0x2760;
	[sflag:s26] =	ssyncadd.s32 $0xFFFFEC00  }
0x87: {  	[spmem:s1] =	stream.indirect.scatter.add.f32 [tilespmem:s9], [sflag:$0x6], $0x40, s21, s5, $0xb8;
	[tilespmem:$0x1B740] =	vst v63  }
0x88: {  	_ = 	snop  }
0x89: {  	[spmem:s1] =	stream.indirect.scatter.add.f32 [tilespmem:s11], [sflag:$0x8], $0x40, s21, s5, $0xb8;
	[tilespmem:$0x1B740] =	vst v63  }
0x8a: {  	_ =	swait.ge [sflag:s10], $0x50  }
0x8b: {  	[sflag:s10] =	ssyncset.done $0x0  }
0x8c: {  	[sflag:s10] =	ssyncadd.s32 $0xFFFFFFB0  }
0x8d: {  	[spmem:s0] =	stream.indirect.scatter.add.f32 [tilespmem:s14], [sflag:$0x9], $0x1, s21, s5, $0xb8;
	[tilespmem:$0x1B740] =	vst v63  }
0x8e: {  	_ =	swait.ge [sflag:s29], $0x1400  }
0x8f: {  	[sflag:s29] =	ssyncset.done $0x0  }
0x90: {  	[sflag:s29] =	ssyncadd.s32 $0xFFFFEC00  }
0x91: {  	_ =	swait.ge [sflag:s18], $0x1400  }
0x92: {  	[sflag:s18] =	ssyncset.done $0x0  }
0x93: {  	s28 =	simm.s32 $0xF0;
	[sflag:s18] =	ssyncadd.s32 $0xFFFFEC00  }
0x94: {  	[tilespmem:s9], [sflag:$0x2] =	stream.indirect.gather [hbm4b:s17+s5], $0x40, s28, s5, $0xb8;
	[tilespmem:$0x1B740] =	vst v63  }
0x95: {  	s28 =	simm.s32 $0x4F10  }
0x96: {  	[tilespmem:s11], [sflag:$0x4] =	stream.indirect.gather [spmem:s2], $0x40, s28, s5, $0xb8;
	[tilespmem:$0x1B740] =	vst v63  }
0x97: {  	_ =	swait.ge [sflag:s12], $0x1400  }
0x98: {  	[sflag:s12] =	ssyncset.done $0x0  }
0x99: {  	[sflag:s12] =	ssyncadd.s32 $0xFFFFEC00  }
0x9a: {  	_ =	swait.ge [sflag:s13], $0x1400  }
0x9b: {  	[sflag:s13] =	ssyncset.done $0x0  }
0x9c: {  	s28 =	simm.s32 $0x27B0;
	[sflag:s13] =	ssyncadd.s32 $0xFFFFEC00  }
0x9d: {  	[spmem:s1] =	stream.indirect.scatter.add.f32 [tilespmem:s6], [sflag:$0x5], $0x40, s28, s5, $0xb8;
	[tilespmem:$0x1B740] =	vst v63  }
0x9e: {  	_ = 	snop  }
0x9f: {  	[spmem:s1] =	stream.indirect.scatter.add.f32 [tilespmem:s7], [sflag:$0x7], $0x40, s28, s5, $0xb8;
	[tilespmem:$0x1B740] =	vst v63  }
0xa0: {  	_ =	swait.ge [sflag:s10], $0x50  }
0xa1: {  	[sflag:s10] =	ssyncset.done $0x0  }
0xa2: {  	[sflag:s10] =	ssyncadd.s32 $0xFFFFFFB0  }
0xa3: {  	[spmem:s0] =	stream.indirect.scatter.add.f32 [tilespmem:s14], [sflag:$0x9], $0x1, s28, s5, $0xb8;
	[tilespmem:$0x1B740] =	vst v63  }
0xa4: {  	_ =	swait.ge [sflag:s15], $0x1400  }
0xa5: {  	[sflag:s15] =	ssyncset.done $0x0  }
0xa6: {  	[sflag:s15] =	ssyncadd.s32 $0xFFFFEC00  }
0xa7: {  	_ =	swait.ge [sflag:s16], $0x1400  }
0xa8: {  	[sflag:s16] =	ssyncset.done $0x0  }
0xa9: {  	s28 =	simm.s32 $0x140;
	[sflag:s16] =	ssyncadd.s32 $0xFFFFEC00  }
0xaa: {  	[tilespmem:s6], [sflag:$0x1] =	stream.indirect.gather [hbm4b:s17+s5], $0x40, s28, s5, $0xb8;
	[tilespmem:$0x1B740] =	vst v63  }
0xab: {  	s28 =	simm.s32 $0x4F60  }
0xac: {  	[tilespmem:s7], [sflag:$0x3] =	stream.indirect.gather [spmem:s2], $0x40, s28, s5, $0xb8;
	[tilespmem:$0x1B740] =	vst v63  }
0xad: {  	_ =	swait.ge [sflag:s25], $0x1400  }
0xae: {  	[sflag:s25] =	ssyncset.done $0x0  }
0xaf: {  	[sflag:s25] =	ssyncadd.s32 $0xFFFFEC00  }
0xb0: {  	_ =	swait.ge [sflag:s26], $0x1400  }
0xb1: {  	[sflag:s26] =	ssyncset.done $0x0  }
0xb2: {  	s30 =	simm.s32 $0x2800;
	[sflag:s26] =	ssyncadd.s32 $0xFFFFEC00  }
0xb3: {  	[spmem:s1] =	stream.indirect.scatter.add.f32 [tilespmem:s9], [sflag:$0x6], $0x40, s30, s5, $0xb8;
	[tilespmem:$0x1B740] =	vst v63  }
0xb4: {  	_ = 	snop  }
0xb5: {  	[spmem:s1] =	stream.indirect.scatter.add.f32 [tilespmem:s11], [sflag:$0x8], $0x40, s30, s5, $0xb8;
	[tilespmem:$0x1B740] =	vst v63  }
0xb6: {  	_ =	swait.ge [sflag:s10], $0x50  }
0xb7: {  	[sflag:s10] =	ssyncset.done $0x0  }
0xb8: {  	s28 =	simm.s32 $0x280;
	[sflag:s10] =	ssyncadd.s32 $0xFFFFFFB0  }
.LBB2_8:
0xb9: {  	[spmem:s0] =	stream.indirect.scatter.add.f32 [tilespmem:s14], [sflag:$0x9], $0x1, s30, s5, $0xb8;
	[tilespmem:$0x1B740] =	vst v63  }
0xba: {  	s30 =	smov.u32 s28;
	s28 =	sadd.s32 $0x280, s28;
	_ =	swait.ge [sflag:s29], $0x1400  }
0xbb: {  	p1 =	sne.s32 s28, $0x9880;
	[sflag:s29] =	ssyncset.done $0x0  }
0xbc: {  	[sflag:s29] =	ssyncadd.s32 $0xFFFFEC00  }
0xbd: {  	_ =	swait.ge [sflag:s18], $0x1400  }
0xbe: {  	s30 =	sshra.s32 s30, $0x2;
	[sflag:s18] =	ssyncset.done $0x0  }
0xbf: {  	s20 =	sadd.s32 $0xF0, s30;
	[sflag:s18] =	ssyncadd.s32 $0xFFFFEC00  }
0xc0: {  	[tilespmem:s9], [sflag:$0x2] =	stream.indirect.gather [hbm4b:s17+s5], $0x40, s20, s5, $0xb8;
	[tilespmem:$0x1B740] =	vst v63  }
0xc1: {  	s20 =	sadd.s32 $0x4F10, s30  }
0xc2: {  	[tilespmem:s11], [sflag:$0x4] =	stream.indirect.gather [spmem:s2], $0x40, s20, s5, $0xb8;
	[tilespmem:$0x1B740] =	vst v63  }
0xc3: {  	_ =	swait.ge [sflag:s12], $0x1400  }
0xc4: {  	[sflag:s12] =	ssyncset.done $0x0  }
0xc5: {  	[sflag:s12] =	ssyncadd.s32 $0xFFFFEC00  }
0xc6: {  	_ =	swait.ge [sflag:s13], $0x1400  }
0xc7: {  	[sflag:s13] =	ssyncset.done $0x0  }
0xc8: {  	s20 =	sadd.s32 $0x27B0, s30;
	[sflag:s13] =	ssyncadd.s32 $0xFFFFEC00  }
0xc9: {  	[spmem:s1] =	stream.indirect.scatter.add.f32 [tilespmem:s6], [sflag:$0x5], $0x40, s20, s5, $0xb8;
	[tilespmem:$0x1B740] =	vst v63  }
0xca: {  	_ = 	snop  }
0xcb: {  	[spmem:s1] =	stream.indirect.scatter.add.f32 [tilespmem:s7], [sflag:$0x7], $0x40, s20, s5, $0xb8;
	[tilespmem:$0x1B740] =	vst v63  }
0xcc: {  	_ =	swait.ge [sflag:s10], $0x50  }
0xcd: {  	[sflag:s10] =	ssyncset.done $0x0  }
0xce: {  	[sflag:s10] =	ssyncadd.s32 $0xFFFFFFB0  }
0xcf: {  	[spmem:s0] =	stream.indirect.scatter.add.f32 [tilespmem:s14], [sflag:$0x9], $0x1, s20, s5, $0xb8;
	[tilespmem:$0x1B740] =	vst v63  }
0xd0: {  	_ =	swait.ge [sflag:s15], $0x1400  }
0xd1: {  	[sflag:s15] =	ssyncset.done $0x0  }
0xd2: {  	[sflag:s15] =	ssyncadd.s32 $0xFFFFEC00  }
0xd3: {  	_ =	swait.ge [sflag:s16], $0x1400  }
0xd4: {  	[sflag:s16] =	ssyncset.done $0x0  }
0xd5: {  	s20 =	sadd.s32 $0x140, s30;
	[sflag:s16] =	ssyncadd.s32 $0xFFFFEC00  }
0xd6: {  	[tilespmem:s6], [sflag:$0x1] =	stream.indirect.gather [hbm4b:s17+s5], $0x40, s20, s5, $0xb8;
	[tilespmem:$0x1B740] =	vst v63  }
0xd7: {  	s20 =	sadd.s32 $0x4F60, s30  }
0xd8: {  	[tilespmem:s7], [sflag:$0x3] =	stream.indirect.gather [spmem:s2], $0x40, s20, s5, $0xb8;
	[tilespmem:$0x1B740] =	vst v63  }
0xd9: {  	_ =	swait.ge [sflag:s25], $0x1400  }
0xda: {  	[sflag:s25] =	ssyncset.done $0x0  }
0xdb: {  	[sflag:s25] =	ssyncadd.s32 $0xFFFFEC00  }
0xdc: {  	_ =	swait.ge [sflag:s26], $0x1400  }
0xdd: {  	[sflag:s26] =	ssyncset.done $0x0  }
0xde: {  	s30 =	sadd.s32 $0x2800, s30;
	[sflag:s26] =	ssyncadd.s32 $0xFFFFEC00  }
0xdf: {  	[spmem:s1] =	stream.indirect.scatter.add.f32 [tilespmem:s9], [sflag:$0x6], $0x40, s30, s5, $0xb8;
	[tilespmem:$0x1B740] =	vst v63  }
.Ltmp3:
0xe0: {  	(pc) =	sbr.rel @p1 .LBB2_8-.Ltmp3, $4  }
0xe1: {  	[spmem:s1] =	stream.indirect.scatter.add.f32 [tilespmem:s11], [sflag:$0x8], $0x40, s30, s5, $0xb8;
	[tilespmem:$0x1B740] =	vst v63  }
0xe2: {  	_ =	swait.ge [sflag:s10], $0x50  }
0xe3: {  	[sflag:s10] =	ssyncset.done $0x0  }
0xe4: {  	[sflag:s10] =	ssyncadd.s32 $0xFFFFFFB0  }
0xe5: {  	[spmem:s0] =	stream.indirect.scatter.add.f32 [tilespmem:s14], [sflag:$0x9], $0x1, s30, s5, $0xb8;
	[tilespmem:$0x1B740] =	vst v63  }
0xe6: {  	_ =	swait.ge [sflag:s12], $0x1400  }
0xe7: {  	[sflag:s12] =	ssyncset.done $0x0  }
0xe8: {  	[sflag:s12] =	ssyncadd.s32 $0xFFFFEC00  }
0xe9: {  	_ =	swait.ge [sflag:s13], $0x1400  }
0xea: {  	s20 =	sshra.s32 s28, $0x2;
	[sflag:s13] =	ssyncset.done $0x0  }
0xeb: {  	s20 =	sadd.s32 $0x27B0, s20;
	[sflag:s13] =	ssyncadd.s32 $0xFFFFEC00  }
0xec: {  	[spmem:s1] =	stream.indirect.scatter.add.f32 [tilespmem:s6], [sflag:$0x5], $0x40, s20, s5, $0xb8;
	[tilespmem:$0x1B740] =	vst v63  }
0xed: {  	_ = 	snop  }
0xee: {  	[spmem:s1] =	stream.indirect.scatter.add.f32 [tilespmem:s7], [sflag:$0x7], $0x40, s20, s5, $0xb8;
	[tilespmem:$0x1B740] =	vst v63  }
0xef: {  	_ =	swait.ge [sflag:s10], $0x50  }
0xf0: {  	[sflag:s10] =	ssyncset.done $0x0  }
0xf1: {  	[sflag:s10] =	ssyncadd.s32 $0xFFFFFFB0  }
0xf2: {  	[spmem:s0] =	stream.indirect.scatter.add.f32 [tilespmem:s14], [sflag:$0x9], $0x1, s20, s5, $0xb8;
	[tilespmem:$0x1B740] =	vst v63  }
0xf3: {  	_ =	swait.ge [sflag:s29], $0x1400  }
0xf4: {  	[sflag:s29] =	ssyncset.done $0x0  }
0xf5: {  	[sflag:s29] =	ssyncadd.s32 $0xFFFFEC00  }
0xf6: {  	_ =	swait.ge [sflag:s18], $0x1400  }
0xf7: {  	[sflag:s18] =	ssyncset.done $0x0  }
0xf8: {  	[sflag:s18] =	ssyncadd.s32 $0xFFFFEC00  }
0xf9: {  	_ =	swait.ge [sflag:s15], $0x1400  }
0xfa: {  	[sflag:s15] =	ssyncset.done $0x0  }
0xfb: {  	[sflag:s15] =	ssyncadd.s32 $0xFFFFEC00  }
0xfc: {  	_ =	swait.ge [sflag:s16], $0x1400  }
0xfd: {  	[sflag:s16] =	ssyncset.done $0x0  }
0xfe: {  	[sflag:s16] =	ssyncadd.s32 $0xFFFFEC00  }
0xff: {  	_ =	swait.ge [sflag:s10], $0x50  }
0x100: {  	[sflag:s10] =	ssyncset.done $0x0  }
0x101: {  	[sflag:s10] =	ssyncadd.s32 $0xFFFFFFB0  }
0x102: {  	[bflag:$0x0] =	sbarrier.arrive $0xFFFF  }
0x103: {  	s21 =	rddreg [dreg:$0x15]  }
0x104: {  	[tilespmem:s4], [sflag:$0xA] =	stream.linear.gather [spmem:s21], $0x2000, $0x38;
	[tilespmem:$0x1B740] =	vst v63  }
0x105: {  	_ =	swait.ge [sflag:s31], $0x2000  }
0x106: {  	[sflag:s31] =	ssyncset.done $0x0  }
0x107: {  	s20 =	simm.s32 $0x0;
	s28 =	rddreg [dreg:$0x7];
	[sflag:s31] =	ssyncadd.s32 $0xFFFFE000  }
0x108: {  	[hbm4b:s28+s20] =	stream.linear.scatter [tilespmem:s4], [sflag:$0xA], $0x2000, $0x38;
	[tilespmem:$0x1B740] =	vst v63  }
0x109: {  	_ =	swait.ge [sflag:s31], $0x2000  }
0x10a: {  	[sflag:s31] =	ssyncset.done $0x0  }
0x10b: {  	s21 =	rddreg [dreg:$0x1a];
	[sflag:s31] =	ssyncadd.s32 $0xFFFFE000  }
0x10c: {  	[tilespmem:s4], [sflag:$0xA] =	stream.linear.gather [spmem:s21], $0x2000, $0x38;
	[tilespmem:$0x1B740] =	vst v63  }
0x10d: {  	_ =	swait.ge [sflag:s31], $0x2000  }
0x10e: {  	[sflag:s31] =	ssyncset.done $0x0  }
0x10f: {  	s28 =	rddreg [dreg:$0x8];
	[sflag:s31] =	ssyncadd.s32 $0xFFFFE000  }
0x110: {  	[hbm4b:s28+s20] =	stream.linear.scatter [tilespmem:s4], [sflag:$0xA], $0x2000, $0x38;
	[tilespmem:$0x1B740] =	vst v63  }
0x111: {  	_ =	swait.ge [sflag:s31], $0x2000  }
0x112: {  	[sflag:s31] =	ssyncset.done $0x0  }
0x113: {  	[sflag:s31] =	ssyncadd.s32 $0xFFFFE000  }
0x114: {  	[tilespmem:s4], [sflag:$0xA] =	stream.linear.gather [spmem:s22], $0x2000, $0x38;
	[tilespmem:$0x1B740] =	vst v63  }
0x115: {  	_ =	swait.ge [sflag:s31], $0x2000  }
0x116: {  	[sflag:s31] =	ssyncset.done $0x0  }
0x117: {  	s28 =	rddreg [dreg:$0x9];
	[sflag:s31] =	ssyncadd.s32 $0xFFFFE000  }
0x118: {  	[hbm4b:s28+s20] =	stream.linear.scatter [tilespmem:s4], [sflag:$0xA], $0x2000, $0x38;
	[tilespmem:$0x1B740] =	vst v63  }
0x119: {  	_ =	swait.ge [sflag:s31], $0x2000  }
0x11a: {  	[sflag:s31] =	ssyncset.done $0x0  }
0x11b: {  	[sflag:s31] =	ssyncadd.s32 $0xFFFFE000  }
0x11c: {  	[tilespmem:s4], [sflag:$0xA] =	stream.linear.gather [spmem:s23], $0x2000, $0x38;
	[tilespmem:$0x1B740] =	vst v63  }
0x11d: {  	_ =	swait.ge [sflag:s31], $0x2000  }
0x11e: {  	[sflag:s31] =	ssyncset.done $0x0  }
0x11f: {  	s28 =	rddreg [dreg:$0xa];
	[sflag:s31] =	ssyncadd.s32 $0xFFFFE000  }
0x120: {  	[hbm4b:s28+s20] =	stream.linear.scatter [tilespmem:s4], [sflag:$0xA], $0x2000, $0x38;
	[tilespmem:$0x1B740] =	vst v63  }
0x121: {  	_ =	swait.ge [sflag:s31], $0x2000  }
0x122: {  	[sflag:s31] =	ssyncset.done $0x0  }
0x123: {  	[sflag:s31] =	ssyncadd.s32 $0xFFFFE000  }
0x124: {  	[tilespmem:s4], [sflag:$0xA] =	stream.linear.gather [spmem:s24], $0x2000, $0x38;
	[tilespmem:$0x1B740] =	vst v63  }
0x125: {  	_ =	swait.ge [sflag:s31], $0x2000  }
0x126: {  	[sflag:s31] =	ssyncset.done $0x0  }
0x127: {  	s28 =	rddreg [dreg:$0xb];
	[sflag:s31] =	ssyncadd.s32 $0xFFFFE000  }
0x128: {  	[hbm4b:s28+s20] =	stream.linear.scatter [tilespmem:s4], [sflag:$0xA], $0x2000, $0x38;
	[tilespmem:$0x1B740] =	vst v63  }
0x129: {  	_ =	swait.ge [sflag:s31], $0x2000  }
0x12a: {  	[sflag:s31] =	ssyncset.done $0x0  }
0x12b: {  	[sflag:s31] =	ssyncadd.s32 $0xFFFFE000  }
0x12c: {  	s30 =	simm.s32 $0x100;
	s28 =	simm.s32 $0x0;
	[bflag:$0x0] =	sbarrier.arrive $0xFFFF  }
.LBB2_10:
0x12d: {  	p1 =	sne.s32 s30, $0x7F00;
	[tilespmem:s28+$0xCCF0] =	vst v1;
	s20 =	smov.u32 s30;
	s30 =	sadd.s32 $0x100, s30  }
.Ltmp4:
0x12e: {  	[tilespmem:s28+$0xCCE0] =	vst v1;
	(pc) =	sbr.rel @p1 .LBB2_10-.Ltmp4, $3  }
0x12f: {  	[tilespmem:s28+$0xCCC0] =	vst v1  }
0x130: {  	[tilespmem:s28+$0xCCD0] =	vst v1;
	_ =	sdelay $0x1  }
0x131: {  	s28 =	sshra.s32 s20, $0x2  }
0x132: {  	[tilespmem:s28+$0xCCF0] =	vst v1  }
0x133: {  	[tilespmem:s28+$0xCCE0] =	vst v1  }
0x134: {  	[tilespmem:s28+$0xCCC0] =	vst v1  }
0x135: {  	[tilespmem:s28+$0xCCD0] =	vst v1;
	s20 =	rddreg [dreg:$0x15]  }
0x136: {  	[spmem:s20] =	stream.linear.scatter [tilespmem:s4], [sflag:$0xA], $0x2000, $0x38;
	[tilespmem:$0x1B740] =	vst v63  }
0x137: {  	_ =	swait.ge [sflag:s31], $0x2000  }
0x138: {  	[sflag:s31] =	ssyncset.done $0x0  }
0x139: {  	s30 =	rddreg [dreg:$0x1a];
	[sflag:s31] =	ssyncadd.s32 $0xFFFFE000  }
0x13a: {  	[spmem:s30] =	stream.linear.scatter [tilespmem:s4], [sflag:$0xA], $0x2000, $0x38;
	[tilespmem:$0x1B740] =	vst v63  }
0x13b: {  	_ =	swait.ge [sflag:s31], $0x2000  }
0x13c: {  	[sflag:s31] =	ssyncset.done $0x0  }
0x13d: {  	[sflag:s31] =	ssyncadd.s32 $0xFFFFE000  }
0x13e: {  	[spmem:s22] =	stream.linear.scatter [tilespmem:s4], [sflag:$0xA], $0x2000, $0x38;
	[tilespmem:$0x1B740] =	vst v63  }
0x13f: {  	_ =	swait.ge [sflag:s31], $0x2000  }
0x140: {  	[sflag:s31] =	ssyncset.done $0x0  }
0x141: {  	[sflag:s31] =	ssyncadd.s32 $0xFFFFE000  }
0x142: {  	[spmem:s23] =	stream.linear.scatter [tilespmem:s4], [sflag:$0xA], $0x2000, $0x38;
	[tilespmem:$0x1B740] =	vst v63  }
0x143: {  	_ =	swait.ge [sflag:s31], $0x2000  }
0x144: {  	[sflag:s31] =	ssyncset.done $0x0  }
0x145: {  	[sflag:s31] =	ssyncadd.s32 $0xFFFFE000  }
0x146: {  	[spmem:s24] =	stream.linear.scatter [tilespmem:s4], [sflag:$0xA], $0x2000, $0x38;
	[tilespmem:$0x1B740] =	vst v63  }
0x147: {  	_ =	swait.ge [sflag:s31], $0x2000  }
0x148: {  	[sflag:s31] =	ssyncset.done $0x0  }
0x149: {  	s21 =	rddreg [dreg:$0x17];
	[sflag:s31] =	ssyncadd.s32 $0xFFFFE000  }
0x14a: {  	[tilespmem:s3], [sflag:$0xA] =	stream.linear.gather [hbm4b:s21+s3], $0x2710, $0x38;
	[tilespmem:$0x1B740] =	vst v63  }
0x14b: {  	_ =	swait.ge [sflag:s31], $0x2710  }
0x14c: {  	[sflag:s31] =	ssyncset.done $0x0  }
0x14d: {  	s20 =	simm.s32 @!p0 $0x1C0A;
	s28 =	rddreg [dreg:$0x14];
	[sflag:s31] =	ssyncadd.s32 $0xFFFFD8F0  }
0x14e: {  	[spmem:s8], [sflag:s20] =	dma.local @!p0 [hbm:s28], $0xE80  }
0x14f: {  	s8 =	simm.s32 @!p0 $0xA  }
0x150: {  	_ =	swait.ge @!p0 [sflag:s8], $0xE80  }
0x151: {  	[sflag:s8] =	ssyncset.done @!p0 $0x0  }
0x152: {  	[sflag:s8] =	ssyncadd.s32 @!p0 $0xFFFFF180  }
0x153: {  	s30 =	simm.s32 $0x0;
	[bflag:$0x0] =	sbarrier.arrive $0xFFFF  }
0x154: {  	[tilespmem:s6], [sflag:$0x1] =	stream.indirect.gather [hbm4b:s17+s5], $0x40, s30, s5, $0xb8;
	[tilespmem:$0x1B740] =	vst v63  }
0x155: {  	s20 =	simm.s32 $0x4E20  }
0x156: {  	[tilespmem:s7], [sflag:$0x3] =	stream.indirect.gather [spmem:s2], $0x40, s20, s5, $0xb8;
	[tilespmem:$0x1B740] =	vst v63  }
0x157: {  	_ = 	snop  }
0x158: {  	[tilespmem:s9], [sflag:$0x2] =	stream.indirect.gather [hbm4b:s17+s5], $0x40, s5, s5, $0xb8;
	[tilespmem:$0x1B740] =	vst v63  }
0x159: {  	s21 =	simm.s32 $0x4E70  }
0x15a: {  	[tilespmem:s11], [sflag:$0x4] =	stream.indirect.gather [spmem:s2], $0x40, s21, s5, $0xb8;
	[tilespmem:$0x1B740] =	vst v63  }
0x15b: {  	_ =	swait.ge [sflag:s12], $0x1400  }
0x15c: {  	[sflag:s12] =	ssyncset.done $0x0  }
0x15d: {  	[sflag:s12] =	ssyncadd.s32 $0xFFFFEC00  }
0x15e: {  	_ =	swait.ge [sflag:s13], $0x1400  }
0x15f: {  	[sflag:s13] =	ssyncset.done $0x0  }
0x160: {  	s30 =	simm.s32 $0x2710;
	[sflag:s13] =	ssyncadd.s32 $0xFFFFEC00  }
0x161: {  	[spmem:s1] =	stream.indirect.scatter.add.f32 [tilespmem:s6], [sflag:$0x5], $0x40, s30, s5, $0xb8;
	[tilespmem:$0x1B740] =	vst v63  }
0x162: {  	_ = 	snop  }
0x163: {  	[spmem:s1] =	stream.indirect.scatter.add.f32 [tilespmem:s7], [sflag:$0x7], $0x40, s30, s5, $0xb8;
	[tilespmem:$0x1B740] =	vst v63  }
0x164: {  	_ =	swait.ge [sflag:s15], $0x1400  }
0x165: {  	[sflag:s15] =	ssyncset.done $0x0  }
0x166: {  	[sflag:s15] =	ssyncadd.s32 $0xFFFFEC00  }
0x167: {  	_ =	swait.ge [sflag:s16], $0x1400  }
0x168: {  	[sflag:s16] =	ssyncset.done $0x0  }
0x169: {  	s20 =	simm.s32 $0xA0;
	[sflag:s16] =	ssyncadd.s32 $0xFFFFEC00  }
0x16a: {  	[tilespmem:s6], [sflag:$0x1] =	stream.indirect.gather [hbm4b:s17+s5], $0x40, s20, s5, $0xb8;
	[tilespmem:$0x1B740] =	vst v63  }
0x16b: {  	s30 =	simm.s32 $0x4EC0  }
0x16c: {  	[tilespmem:s7], [sflag:$0x3] =	stream.indirect.gather [spmem:s2], $0x40, s30, s5, $0xb8;
	[tilespmem:$0x1B740] =	vst v63  }
0x16d: {  	_ =	swait.ge [sflag:s25], $0x1400  }
0x16e: {  	[sflag:s25] =	ssyncset.done $0x0  }
0x16f: {  	[sflag:s25] =	ssyncadd.s32 $0xFFFFEC00  }
0x170: {  	_ =	swait.ge [sflag:s26], $0x1400  }
0x171: {  	[sflag:s26] =	ssyncset.done $0x0  }
0x172: {  	s20 =	simm.s32 $0x2760;
	[sflag:s26] =	ssyncadd.s32 $0xFFFFEC00  }
0x173: {  	[spmem:s1] =	stream.indirect.scatter.add.f32 [tilespmem:s9], [sflag:$0x6], $0x40, s20, s5, $0xb8;
	[tilespmem:$0x1B740] =	vst v63  }
0x174: {  	_ = 	snop  }
0x175: {  	[spmem:s1] =	stream.indirect.scatter.add.f32 [tilespmem:s11], [sflag:$0x8], $0x40, s20, s5, $0xb8;
	[tilespmem:$0x1B740] =	vst v63  }
0x176: {  	_ =	swait.ge [sflag:s29], $0x1400  }
0x177: {  	[sflag:s29] =	ssyncset.done $0x0  }
0x178: {  	[sflag:s29] =	ssyncadd.s32 $0xFFFFEC00  }
0x179: {  	_ =	swait.ge [sflag:s18], $0x1400  }
0x17a: {  	[sflag:s18] =	ssyncset.done $0x0  }
0x17b: {  	s30 =	simm.s32 $0xF0;
	[sflag:s18] =	ssyncadd.s32 $0xFFFFEC00  }
0x17c: {  	[tilespmem:s9], [sflag:$0x2] =	stream.indirect.gather [hbm4b:s17+s5], $0x40, s30, s5, $0xb8;
	[tilespmem:$0x1B740] =	vst v63  }
0x17d: {  	s20 =	simm.s32 $0x4F10  }
0x17e: {  	[tilespmem:s11], [sflag:$0x4] =	stream.indirect.gather [spmem:s2], $0x40, s20, s5, $0xb8;
	[tilespmem:$0x1B740] =	vst v63  }
0x17f: {  	_ =	swait.ge [sflag:s12], $0x1400  }
0x180: {  	[sflag:s12] =	ssyncset.done $0x0  }
0x181: {  	[sflag:s12] =	ssyncadd.s32 $0xFFFFEC00  }
0x182: {  	_ =	swait.ge [sflag:s13], $0x1400  }
0x183: {  	[sflag:s13] =	ssyncset.done $0x0  }
0x184: {  	s30 =	simm.s32 $0x27B0;
	[sflag:s13] =	ssyncadd.s32 $0xFFFFEC00  }
0x185: {  	[spmem:s1] =	stream.indirect.scatter.add.f32 [tilespmem:s6], [sflag:$0x5], $0x40, s30, s5, $0xb8;
	[tilespmem:$0x1B740] =	vst v63  }
0x186: {  	_ = 	snop  }
0x187: {  	[spmem:s1] =	stream.indirect.scatter.add.f32 [tilespmem:s7], [sflag:$0x7], $0x40, s30, s5, $0xb8;
	[tilespmem:$0x1B740] =	vst v63  }
0x188: {  	_ =	swait.ge [sflag:s15], $0x1400  }
0x189: {  	[sflag:s15] =	ssyncset.done $0x0  }
0x18a: {  	[sflag:s15] =	ssyncadd.s32 $0xFFFFEC00  }
0x18b: {  	_ =	swait.ge [sflag:s16], $0x1400  }
0x18c: {  	[sflag:s16] =	ssyncset.done $0x0  }
0x18d: {  	s20 =	simm.s32 $0x140;
	[sflag:s16] =	ssyncadd.s32 $0xFFFFEC00  }
0x18e: {  	[tilespmem:s6], [sflag:$0x1] =	stream.indirect.gather [hbm4b:s17+s5], $0x40, s20, s5, $0xb8;
	[tilespmem:$0x1B740] =	vst v63  }
0x18f: {  	s30 =	simm.s32 $0x4F60  }
0x190: {  	[tilespmem:s7], [sflag:$0x3] =	stream.indirect.gather [spmem:s2], $0x40, s30, s5, $0xb8;
	[tilespmem:$0x1B740] =	vst v63  }
0x191: {  	_ =	swait.ge [sflag:s25], $0x1400  }
0x192: {  	[sflag:s25] =	ssyncset.done $0x0  }
0x193: {  	[sflag:s25] =	ssyncadd.s32 $0xFFFFEC00  }
0x194: {  	_ =	swait.ge [sflag:s26], $0x1400  }
0x195: {  	s28 =	simm.s32 $0x2800;
	[sflag:s26] =	ssyncset.done $0x0  }
0x196: {  	s8 =	simm.s32 $0x280;
	s21 =	simm.s32 $0x2710;
	[sflag:s26] =	ssyncadd.s32 $0xFFFFEC00  }
0x197: {  	[spmem:s1] =	stream.indirect.scatter.add.f32 [tilespmem:s9], [sflag:$0x6], $0x40, s28, s5, $0xb8;
	[tilespmem:$0x1B740] =	vst v63  }
.LBB2_12:
0x198: {  	[spmem:s1] =	stream.indirect.scatter.add.f32 [tilespmem:s11], [sflag:$0x8], $0x40, s28, s5, $0xb8;
	[tilespmem:$0x1B740] =	vst v63  }
0x199: {  	s20 =	smov.u32 s8;
	s8 =	sadd.s32 $0x280, s8;
	_ =	swait.ge [sflag:s29], $0x1400  }
0x19a: {  	p1 =	sne.s32 s8, $0x9880;
	[sflag:s29] =	ssyncset.done $0x0  }
0x19b: {  	[sflag:s29] =	ssyncadd.s32 $0xFFFFEC00  }
0x19c: {  	_ =	swait.ge [sflag:s18], $0x1400  }
0x19d: {  	s20 =	sshra.s32 s20, $0x2;
	[sflag:s18] =	ssyncset.done $0x0  }
0x19e: {  	s28 =	sadd.s32 $0xF0, s20;
	[sflag:s18] =	ssyncadd.s32 $0xFFFFEC00  }
0x19f: {  	[tilespmem:s9], [sflag:$0x2] =	stream.indirect.gather [hbm4b:s17+s5], $0x40, s28, s5, $0xb8;
	[tilespmem:$0x1B740] =	vst v63  }
0x1a0: {  	s28 =	sadd.s32 $0x4F10, s20  }
0x1a1: {  	[tilespmem:s11], [sflag:$0x4] =	stream.indirect.gather [spmem:s2], $0x40, s28, s5, $0xb8;
	[tilespmem:$0x1B740] =	vst v63  }
0x1a2: {  	_ =	swait.ge [sflag:s12], $0x1400  }
0x1a3: {  	[sflag:s12] =	ssyncset.done $0x0  }
0x1a4: {  	[sflag:s12] =	ssyncadd.s32 $0xFFFFEC00  }
0x1a5: {  	_ =	swait.ge [sflag:s13], $0x1400  }
0x1a6: {  	[sflag:s13] =	ssyncset.done $0x0  }
0x1a7: {  	s28 =	sadd.s32 $0x27B0, s20;
	[sflag:s13] =	ssyncadd.s32 $0xFFFFEC00  }
0x1a8: {  	[spmem:s1] =	stream.indirect.scatter.add.f32 [tilespmem:s6], [sflag:$0x5], $0x40, s28, s5, $0xb8;
	[tilespmem:$0x1B740] =	vst v63  }
0x1a9: {  	_ = 	snop  }
0x1aa: {  	[spmem:s1] =	stream.indirect.scatter.add.f32 [tilespmem:s7], [sflag:$0x7], $0x40, s28, s5, $0xb8;
	[tilespmem:$0x1B740] =	vst v63  }
0x1ab: {  	_ =	swait.ge [sflag:s15], $0x1400  }
0x1ac: {  	[sflag:s15] =	ssyncset.done $0x0  }
0x1ad: {  	[sflag:s15] =	ssyncadd.s32 $0xFFFFEC00  }
0x1ae: {  	_ =	swait.ge [sflag:s16], $0x1400  }
0x1af: {  	[sflag:s16] =	ssyncset.done $0x0  }
0x1b0: {  	s28 =	sadd.s32 $0x140, s20;
	[sflag:s16] =	ssyncadd.s32 $0xFFFFEC00  }
0x1b1: {  	[tilespmem:s6], [sflag:$0x1] =	stream.indirect.gather [hbm4b:s17+s5], $0x40, s28, s5, $0xb8;
	[tilespmem:$0x1B740] =	vst v63  }
0x1b2: {  	s28 =	sadd.s32 $0x4F60, s20  }
0x1b3: {  	[tilespmem:s7], [sflag:$0x3] =	stream.indirect.gather [spmem:s2], $0x40, s28, s5, $0xb8;
	[tilespmem:$0x1B740] =	vst v63  }
0x1b4: {  	_ =	swait.ge [sflag:s25], $0x1400  }
0x1b5: {  	[sflag:s25] =	ssyncset.done $0x0  }
.Ltmp5:
0x1b6: {  	[sflag:s25] =	ssyncadd.s32 $0xFFFFEC00;
	(pc) =	sbr.rel @p1 .LBB2_12-.Ltmp5, $4  }
0x1b7: {  	_ =	swait.ge [sflag:s26], $0x1400  }
0x1b8: {  	[sflag:s26] =	ssyncset.done $0x0  }
0x1b9: {  	s28 =	sadd.s32 $0x2800, s20;
	[sflag:s26] =	ssyncadd.s32 $0xFFFFEC00  }
0x1ba: {  	[spmem:s1] =	stream.indirect.scatter.add.f32 [tilespmem:s9], [sflag:$0x6], $0x40, s28, s5, $0xb8;
	[tilespmem:$0x1B740] =	vst v63  }
0x1bb: {  	[spmem:s1] =	stream.indirect.scatter.add.f32 [tilespmem:s11], [sflag:$0x8], $0x40, s28, s5, $0xb8;
	[tilespmem:$0x1B740] =	vst v63  }
0x1bc: {  	_ =	swait.ge [sflag:s12], $0x1400  }
0x1bd: {  	[sflag:s12] =	ssyncset.done $0x0  }
0x1be: {  	[sflag:s12] =	ssyncadd.s32 $0xFFFFEC00  }
0x1bf: {  	_ =	swait.ge [sflag:s13], $0x1400  }
0x1c0: {  	s8 =	sshra.s32 s8, $0x2;
	[sflag:s13] =	ssyncset.done $0x0  }
0x1c1: {  	s8 =	sadd.s32 $0x27B0, s8;
	[sflag:s13] =	ssyncadd.s32 $0xFFFFEC00  }
0x1c2: {  	[spmem:s1] =	stream.indirect.scatter.add.f32 [tilespmem:s6], [sflag:$0x5], $0x40, s8, s5, $0xb8;
	[tilespmem:$0x1B740] =	vst v63  }
0x1c3: {  	_ = 	snop  }
0x1c4: {  	[spmem:s1] =	stream.indirect.scatter.add.f32 [tilespmem:s7], [sflag:$0x7], $0x40, s8, s5, $0xb8;
	[tilespmem:$0x1B740] =	vst v63  }
0x1c5: {  	_ =	swait.ge [sflag:s29], $0x1400  }
0x1c6: {  	[sflag:s29] =	ssyncset.done $0x0  }
0x1c7: {  	[sflag:s29] =	ssyncadd.s32 $0xFFFFEC00  }
0x1c8: {  	_ =	swait.ge [sflag:s18], $0x1400  }
0x1c9: {  	[sflag:s18] =	ssyncset.done $0x0  }
0x1ca: {  	[sflag:s18] =	ssyncadd.s32 $0xFFFFEC00  }
0x1cb: {  	_ =	swait.ge [sflag:s15], $0x1400  }
0x1cc: {  	[sflag:s15] =	ssyncset.done $0x0  }
0x1cd: {  	[sflag:s15] =	ssyncadd.s32 $0xFFFFEC00  }
0x1ce: {  	_ =	swait.ge [sflag:s16], $0x1400  }
0x1cf: {  	[sflag:s16] =	ssyncset.done $0x0  }
0x1d0: {  	[sflag:s16] =	ssyncadd.s32 $0xFFFFEC00  }
0x1d1: {  	[bflag:$0x0] =	sbarrier.arrive $0xFFFF  }
0x1d2: {  	s28 =	rddreg [dreg:$0x15]  }
0x1d3: {  	[tilespmem:s4], [sflag:$0xA] =	stream.linear.gather [spmem:s28], $0x2000, $0x38;
	[tilespmem:$0x1B740] =	vst v63  }
0x1d4: {  	_ =	swait.ge [sflag:s31], $0x2000  }
0x1d5: {  	[sflag:s31] =	ssyncset.done $0x0  }
0x1d6: {  	s30 =	rddreg [dreg:$0xc];
	[sflag:s31] =	ssyncadd.s32 $0xFFFFE000  }
0x1d7: {  	[hbm4b:s30+s3] =	stream.linear.scatter [tilespmem:s4], [sflag:$0xA], $0x2000, $0x38;
	[tilespmem:$0x1B740] =	vst v63  }
0x1d8: {  	_ =	swait.ge [sflag:s31], $0x2000  }
0x1d9: {  	[sflag:s31] =	ssyncset.done $0x0  }
0x1da: {  	s20 =	rddreg [dreg:$0x1a];
	[sflag:s31] =	ssyncadd.s32 $0xFFFFE000  }
0x1db: {  	[tilespmem:s4], [sflag:$0xA] =	stream.linear.gather [spmem:s20], $0x2000, $0x38;
	[tilespmem:$0x1B740] =	vst v63  }
0x1dc: {  	_ =	swait.ge [sflag:s31], $0x2000  }
0x1dd: {  	[sflag:s31] =	ssyncset.done $0x0  }
0x1de: {  	s28 =	rddreg [dreg:$0xd];
	[sflag:s31] =	ssyncadd.s32 $0xFFFFE000  }
0x1df: {  	[hbm4b:s28+s3] =	stream.linear.scatter [tilespmem:s4], [sflag:$0xA], $0x2000, $0x38;
	[tilespmem:$0x1B740] =	vst v63  }
0x1e0: {  	_ =	swait.ge [sflag:s31], $0x2000  }
0x1e1: {  	[sflag:s31] =	ssyncset.done $0x0  }
0x1e2: {  	[sflag:s31] =	ssyncadd.s32 $0xFFFFE000  }
0x1e3: {  	[tilespmem:s4], [sflag:$0xA] =	stream.linear.gather [spmem:s22], $0x2000, $0x38;
	[tilespmem:$0x1B740] =	vst v63  }
0x1e4: {  	_ =	swait.ge [sflag:s31], $0x2000  }
0x1e5: {  	[sflag:s31] =	ssyncset.done $0x0  }
0x1e6: {  	s30 =	rddreg [dreg:$0xe];
	[sflag:s31] =	ssyncadd.s32 $0xFFFFE000  }
0x1e7: {  	[hbm4b:s30+s3] =	stream.linear.scatter [tilespmem:s4], [sflag:$0xA], $0x2000, $0x38;
	[tilespmem:$0x1B740] =	vst v63  }
0x1e8: {  	_ =	swait.ge [sflag:s31], $0x2000  }
0x1e9: {  	[sflag:s31] =	ssyncset.done $0x0  }
0x1ea: {  	[sflag:s31] =	ssyncadd.s32 $0xFFFFE000  }
0x1eb: {  	[tilespmem:s4], [sflag:$0xA] =	stream.linear.gather [spmem:s23], $0x2000, $0x38;
	[tilespmem:$0x1B740] =	vst v63  }
0x1ec: {  	_ =	swait.ge [sflag:s31], $0x2000  }
0x1ed: {  	[sflag:s31] =	ssyncset.done $0x0  }
0x1ee: {  	s20 =	rddreg [dreg:$0xf];
	[sflag:s31] =	ssyncadd.s32 $0xFFFFE000  }
0x1ef: {  	[hbm4b:s20+s3] =	stream.linear.scatter [tilespmem:s4], [sflag:$0xA], $0x2000, $0x38;
	[tilespmem:$0x1B740] =	vst v63  }
0x1f0: {  	_ =	swait.ge [sflag:s31], $0x2000  }
0x1f1: {  	[sflag:s31] =	ssyncset.done $0x0  }
0x1f2: {  	[sflag:s31] =	ssyncadd.s32 $0xFFFFE000  }
0x1f3: {  	[tilespmem:s4], [sflag:$0xA] =	stream.linear.gather [spmem:s24], $0x2000, $0x38;
	[tilespmem:$0x1B740] =	vst v63  }
0x1f4: {  	_ =	swait.ge [sflag:s31], $0x2000  }
0x1f5: {  	[sflag:s31] =	ssyncset.done $0x0  }
0x1f6: {  	s28 =	rddreg [dreg:$0x10];
	[sflag:s31] =	ssyncadd.s32 $0xFFFFE000  }
0x1f7: {  	[hbm4b:s28+s3] =	stream.linear.scatter [tilespmem:s4], [sflag:$0xA], $0x2000, $0x38;
	[tilespmem:$0x1B740] =	vst v63  }
0x1f8: {  	_ =	swait.ge [sflag:s31], $0x2000  }
0x1f9: {  	[sflag:s31] =	ssyncset.done $0x0  }
0x1fa: {  	[sflag:s31] =	ssyncadd.s32 $0xFFFFE000  }
0x1fb: {  	s8 =	simm.s32 @!p0 $0xECC0;
	s20 =	simm.s32 @!p0 $0xA;
	[bflag:$0x0] =	sbarrier.arrive $0xFFFF  }
0x1fc: {  	[tilespmem:s8], [sflag:$0xA] =	stream.linear.gather @!p0 [spmem:s0], $0x2800, $0x38;
	[tilespmem:$0x1B740] =	vst v63  }
0x1fd: {  	_ =	swait.ge @!p0 [sflag:s20], $0x2800  }
0x1fe: {  	[sflag:s20] =	ssyncset.done @!p0 $0x0  }
0x1ff: {  	s28 =	simm.s32 @!p0 $0x0;
	s30 =	rddreg [dreg:$0x18];
	[sflag:s20] =	ssyncadd.s32 @!p0 $0xFFFFD800  }
0x200: {  	[hbm4b:s30+s28] =	stream.linear.scatter @!p0 [tilespmem:s8], [sflag:$0xA], $0x2800, $0x38;
	[tilespmem:$0x1B740] =	vst v63  }
0x201: {  	_ =	swait.ge @!p0 [sflag:s20], $0x2800  }
0x202: {  	s19 =	sadd.s32 $0x1, s19;
	s30 =	rddreg [dreg:$0x19]  }
0x203: {  	p1 =	sne.s32 s19, s30  }
.Ltmp6:
0x204: {  	_ = 	snop;
	(pc) =	sbr.rel @p1 .LBB2_1-.Ltmp6, $3  }
0x205: {  	_ =	sdelay $0x1  }
0x206: {  	[sflag:s20] =	ssyncset.done @!p0 $0x0  }
0x207: {  	[sflag:s20] =	ssyncadd.s32 @!p0 $0xFFFFD800  }
0x208: {  	_ =	sfence.sel $0x180000  }
0x209: {  	[bflag:$0x0] =	sbarrier.arrive $0xFFFF  }
0x20a: {  	_ =	strace $0x90000047  }
0x20b: {  	[bflag:$0x2] =	sbarrier.arrive $0xFFFF  }
0x20c: {  	s0 =	rddreg [dreg:$0x6]  }
0x20d: {  	s0 =	sadd.s32 @!p0 $0x100000, s0  }
0x20e: {  	[sflag:s0] =	ssyncadd.tile.s32 @!p0 $0x1;
	_ =	shalt  }
.Lfunc_end2:
_tile_overlayer_lowered:
.L_overlay_start_2:
0x20f: {  	(tag) =	ssettag $0x2  }
0x210: {  	s0 =	rddreg [dreg:$0x0];
	s2 =	stileid.u32  }
0x211: {  	s1 =	rddreg [dreg:$0x1];
	p0 =	sne.s32 s2, $0x0  }
0x212: {  	s3 =	rddreg [dreg:$0x2];
	[bflag:$0x3] =	sbarrier.arrive $0xFFFF;
	s2 =	simm.s32 @!p0 $0x1C0A  }
0x213: {  	[timem:s3], [sflag:s2] =	dma.local @!p0 [hbm:s0], s1  }
0x214: {  	s0 =	simm.s32 @!p0 $0xA  }
0x215: {  	_ =	swait.ge @!p0 [sflag:s0], s1  }
0x216: {  	s1 =	ssub.s32 @!p0 $0x0, s1;
	[sflag:s0] =	ssyncset.done @!p0 $0x0  }
0x217: {  	[sflag:s0] =	ssyncadd.s32 @!p0 s1  }
0x218: {  	[bflag:$0x3] =	sbarrier.arrive $0xFFFF  }
0x219: {  	_ =	shalt  }

</sc_bundles>
